<compile_context>
chip_gen: v7x
topology: tpu7x:2x2x1
jax: 0.10.2.dev20260603
libtpu: 0.0.44.dev20260713+nightly
codegen_flags: <defaults>
</compile_context>

<pallas_src>
import functools

import jax
import jax.numpy as jnp
from jax import lax
from jax.experimental import pallas as pl
from jax.experimental.pallas import tpu as pltpu
from jax.experimental.pallas import tpu_sc as plsc

_EMBED = 64
_PAD = 128
_SEQ = 200
_NC = 2
_NS = 16
_NW = _NC * _NS
_C0 = 128
_C1 = _SEQ - _C0
_LANE = 16


def _emb_body(seqs_per_worker, x_ref, pos_ref, tab_ref, out_ref,
              idx_v, pos_v, gbuf_v, abuf_v, sem_io, gsem, ssem):
    wid = lax.axis_index("s") * _NC + lax.axis_index("c")
    half = seqs_per_worker // 2 * _SEQ
    wbase = wid * seqs_per_worker

    def stage_idx(h):
        off = pl.multiple_of(wbase * _SEQ + h * half, 8)
        pltpu.async_copy(x_ref.at[pl.ds(off, half)], idx_v, sem_io).wait()

    stage_idx(0)
    pltpu.async_copy(pos_ref, pos_v, sem_io).wait()

    def gathers(si, b):
        loc = lax.rem(si, seqs_per_worker // 2)
        base = pl.multiple_of(loc * _SEQ, 8)
        i0 = idx_v.at[pl.ds(base, _C0)]
        i1 = idx_v.at[pl.ds(base + _C0, _C1)]
        c0 = pltpu.make_async_copy(
            tab_ref.at[i0], gbuf_v.at[b, pl.ds(0, _C0)], gsem.at[b])
        c1 = pltpu.make_async_copy(
            tab_ref.at[i1], gbuf_v.at[b, pl.ds(_C0, _C1)], gsem.at[b])
        return c0, c1

    def scatter(si, b):
        bb = wbase + si
        return pltpu.make_async_copy(abuf_v.at[b], out_ref.at[bb], ssem.at[b])

    def add_pos(b):
        @plsc.parallel_loop(0, _SEQ, step=2)
        def _(r):
            for u in range(2):
                row = r + u
                for k in range(_EMBED // _LANE):
                    sl = pl.ds(k * _LANE, _LANE)
                    abuf_v[b, row, sl] = (
                        gbuf_v[b, row, sl]
                        + pos_v[pl.ds(row * _EMBED + k * _LANE, _LANE)]
                    )

    def issue_gathers(si, b):
        c0, c1 = gathers(si, b)
        c0.start()
        c1.start()

    def wait_gathers(si, b):
        c0, c1 = gathers(si, b)
        c0.wait()
        c1.wait()

    def do_seq(si, b, wait_prev_scatter, issue_next):
        if issue_next:
            issue_gathers(si + 1, 1 - b)
        wait_gathers(si, b)
        if wait_prev_scatter:
            scatter(si - 2, b).wait()
        add_pos(b)
        scatter(si, b).start()

    nsw = seqs_per_worker

    def group_body(g, carry):
        si = g * 2
        do_seq(si, 0, wait_prev_scatter=True, issue_next=True)
        do_seq(si + 1, 1, wait_prev_scatter=True, issue_next=True)
        return carry

    issue_gathers(0, 0)
    do_seq(0, 0, wait_prev_scatter=False, issue_next=True)
    do_seq(1, 1, wait_prev_scatter=False, issue_next=True)
    lax.fori_loop(1, nsw // 4 - 1, group_body, 0)
    do_seq(nsw // 2 - 2, 0, wait_prev_scatter=True, issue_next=True)
    do_seq(nsw // 2 - 1, 1, wait_prev_scatter=True, issue_next=False)

    stage_idx(1)
    issue_gathers(nsw // 2, 0)
    do_seq(nsw // 2, 0, wait_prev_scatter=True, issue_next=True)
    do_seq(nsw // 2 + 1, 1, wait_prev_scatter=True, issue_next=True)
    lax.fori_loop(nsw // 4 + 1, nsw // 2 - 1, group_body, 0)
    do_seq(nsw - 2, 0, wait_prev_scatter=True, issue_next=True)
    do_seq(nsw - 1, 1, wait_prev_scatter=True, issue_next=False)
    scatter(nsw - 2, 0).wait()
    scatter(nsw - 1, 1).wait()


@jax.jit
def _run(x_flat, pos_flat, tab_pad):
    rows = x_flat.shape[0]
    nseq = rows // _SEQ
    seqs_per_worker = nseq // _NW
    mesh = plsc.VectorSubcoreMesh(core_axis_name="c", subcore_axis_name="s")
    body = functools.partial(_emb_body, seqs_per_worker)
    fn = pl.kernel(
        body,
        mesh=mesh,
        out_type=jax.ShapeDtypeStruct((nseq, _SEQ, _EMBED), jnp.float32),
        scratch_types=[
            pltpu.VMEM((seqs_per_worker // 2 * _SEQ,), jnp.int32),
            pltpu.VMEM((_SEQ * _EMBED,), jnp.float32),
            pltpu.VMEM((2, _SEQ, _PAD), jnp.float32),
            pltpu.VMEM((2, _SEQ, _EMBED), jnp.float32),
            pltpu.SemaphoreType.DMA,
            pltpu.SemaphoreType.DMA((2,)),
            pltpu.SemaphoreType.DMA((2,)),
        ],
        compiler_params=pltpu.CompilerParams(use_tc_tiling_on_sc=True),
    )
    return fn(x_flat, pos_flat, tab_pad)


def kernel(x, token_table, pos_table):
    b, l = x.shape
    e = token_table.shape[1]
    x_flat = x.reshape(b * l).astype(jnp.int32)
    pos_flat = pos_table[:l].reshape(-1)
    tab_pad = jnp.pad(token_table, ((0, 0), (0, _PAD - e)))
    return _run(x_flat, pos_flat, tab_pad)

# --- scband reference (transcript-rebuilt; emitter-appended) ---
"""Pipeline reference for scband-embedding-layer-11450382811725 (READ-ONLY COPY).

The authoritative reference and input builder live on the scoring server;
editing this copy changes nothing except your own understanding.
"""

import jax, jax.numpy as jnp
import numpy as np

VOCAB = 100000
EMBED = 64
MAX_LEN = 512
BATCH = 4096
SEQ = 200


def setup_inputs(seed: int = 0) -> dict:
    key = jax.random.key(seed)
    k1, k2, k3 = jax.random.split(key, 3)
    x = jax.random.randint(k1, (BATCH, SEQ), 0, VOCAB, dtype=jnp.int64 if jax.config.jax_enable_x64 else jnp.int32)
    token_table = jax.random.normal(k2, (VOCAB, EMBED), dtype=jnp.float32)
    # padding_idx=0: torch zeroes that row of the embedding table
    token_table = token_table.at[0].set(0.0)
    pos_table = jax.random.normal(k3, (MAX_LEN, EMBED), dtype=jnp.float32)
    return {"x": x, "token_table": token_table, "pos_table": pos_table}


def reference(x, token_table, pos_table):
    # TokenEmbedding: gather rows of token_table
    tok = jnp.take(token_table, x, axis=0)  # [B, L, E]
    # PositionalEncoding: lookup positions 0..L-1 in pos_table, broadcast over batch
    seq_len = x.shape[1]
    positions = jnp.arange(seq_len)
    pos = jnp.take(pos_table, positions, axis=0)  # [L, E]
    return tok + pos[None, :, :]

if __name__ == "__main__":
    import jax
    _d = setup_inputs()
    print(jax.jit(kernel)(*tuple(_d.values())))

</pallas_src>

<mosaic_0001>
#map = affine_map<(d0, d1) -> (0)>
#map1 = affine_map<(d0, d1) -> (0, 0)>
#map2 = affine_map<(d0, d1) -> (0, 0, 0)>
module attributes {stable_mosaic.version = 14 : i64} {
  func.func @_emb_body(%arg0: i32, %arg1: i32, %arg2: memref<819200xi32, #tpu.memory_space<hbm>>, %arg3: memref<12800xf32, #tpu.memory_space<hbm>>, %arg4: memref<100000x128xf32, #tpu.memory_space<hbm>>, %arg5: memref<4096x200x64xf32, #tpu.memory_space<hbm>>, %arg6: memref<12800xi32, #tpu.memory_space<vmem>>, %arg7: memref<12800xf32, #tpu.memory_space<vmem>>, %arg8: memref<2x200x128xf32, #tpu.memory_space<vmem>>, %arg9: memref<2x200x64xf32, #tpu.memory_space<vmem>>, %arg10: memref<!tpu.dma_semaphore, #tpu.memory_space<semaphore_mem>>, %arg11: memref<2x!tpu.dma_semaphore, #tpu.memory_space<semaphore_mem>>, %arg12: memref<2x!tpu.dma_semaphore, #tpu.memory_space<semaphore_mem>>) attributes {dimension_semantics = [#tpu.dimension_semantics<core_parallel>, #tpu.dimension_semantics<subcore_parallel>], iteration_bounds = array<i64: 2, 16>, scalar_prefetch = 0 : i64, scratch_operands = 7 : i64, tpu.core_type = #tpu.core_type<sc_vector_subcore>, window_params = [{transform_indices = #map}, {transform_indices = #map}, {transform_indices = #map1}, {transform_indices = #map2}]} {
    %mul3A = arith.constant 2 : i32
    %mul3A_0 = arith.muli %arg1, %mul3A : i32
    %add3A = arith.addi %mul3A_0, %arg0 : i32
    %mul3A_1 = arith.constant 128 : i32
    %mul3A_2 = arith.muli %add3A, %mul3A_1 : i32
    %mul3A_3 = arith.constant 200 : i32
    %mul3A_4 = arith.muli %mul3A_2, %mul3A_3 : i32
    %add3A_5 = arith.constant 0 : i32
    %add3A_6 = arith.addi %mul3A_4, %add3A_5 : i32
    %multiple_of3A = tpu.assume_multiple %add3A_6, 8 : i32
    %dma_start3A = tpu.memref_slice %arg2[%multiple_of3A] : memref<819200xi32, #tpu.memory_space<hbm>> -> memref<12800xi32, #tpu.memory_space<hbm>>
    %dma_start3A_7 = tpu.memref_slice %arg2[%multiple_of3A] : memref<819200xi32, #tpu.memory_space<hbm>> -> memref<12800xi32, #tpu.memory_space<hbm>>
    tpu.enqueue_dma source(%dma_start3A_7 : memref<12800xi32, #tpu.memory_space<hbm>>) target(%arg6 : memref<12800xi32, #tpu.memory_space<vmem>>) target_semaphore(%arg10 : memref<!tpu.dma_semaphore, #tpu.memory_space<semaphore_mem>>)
    %dma_wait3A = tpu.memref_slice %arg2[%multiple_of3A] : memref<819200xi32, #tpu.memory_space<hbm>> -> memref<12800xi32, #tpu.memory_space<hbm>>
    %dma_wait3A_8 = tpu.memref_slice %arg2[%multiple_of3A] : memref<819200xi32, #tpu.memory_space<hbm>> -> memref<12800xi32, #tpu.memory_space<hbm>>
    tpu.wait_dma2 semaphore(%arg10 : memref<!tpu.dma_semaphore, #tpu.memory_space<semaphore_mem>>) src(%dma_wait3A_8 : memref<12800xi32, #tpu.memory_space<hbm>>) dst(%arg6 : memref<12800xi32, #tpu.memory_space<vmem>>)
    tpu.enqueue_dma source(%arg3 : memref<12800xf32, #tpu.memory_space<hbm>>) target(%arg7 : memref<12800xf32, #tpu.memory_space<vmem>>) target_semaphore(%arg10 : memref<!tpu.dma_semaphore, #tpu.memory_space<semaphore_mem>>)
    tpu.wait_dma2 semaphore(%arg10 : memref<!tpu.dma_semaphore, #tpu.memory_space<semaphore_mem>>) src(%arg3 : memref<12800xf32, #tpu.memory_space<hbm>>) dst(%arg7 : memref<12800xf32, #tpu.memory_space<vmem>>)
    %rem3A = arith.constant 0 : i32
    %rem3A_9 = arith.constant 64 : i32
    %rem3A_10 = arith.remsi %rem3A, %rem3A_9 : i32
    %mul3A_11 = arith.constant 200 : i32
    %mul3A_12 = arith.muli %rem3A_10, %mul3A_11 : i32
    %multiple_of3A_13 = tpu.assume_multiple %mul3A_12, 8 : i32
    %add3A_14 = arith.constant 128 : i32
    %add3A_15 = arith.addi %multiple_of3A_13, %add3A_14 : i32
    %dma_start3A_16 = arith.constant 0 : i32
    %dma_start3A_17 = arith.constant 0 : i32
    %dma_start3A_18 = arith.constant 0 : i32
    %dma_start3A_19 = arith.constant 0 : i32
    %dma_start3A_20 = tpu.memref_slice %arg8[%dma_start3A_16, %dma_start3A_18, %dma_start3A_19] : memref<2x200x128xf32, #tpu.memory_space<vmem>> -> memref<1x128x128xf32, #tpu.memory_space<vmem>>
    %dma_start3A_21 = tpu.memref_squeeze %dma_start3A_20 : memref<1x128x128xf32, #tpu.memory_space<vmem>> -> memref<128x128xf32, #tpu.memory_space<vmem>>
    %dma_start3A_22 = tpu.memref_slice %arg6[%multiple_of3A_13] : memref<12800xi32, #tpu.memory_space<vmem>> -> memref<128xi32, #tpu.memory_space<vmem>>
    %dma_start3A_23 = arith.constant 0 : i32
    %dma_start3A_24 = arith.constant 0 : i32
    %dma_start3A_25 = tpu.memref_slice %arg4[%dma_start3A_23, %dma_start3A_24] : memref<100000x128xf32, #tpu.memory_space<hbm>> -> memref<100000x128xf32, #tpu.memory_space<hbm>>
    %dma_start3A_26 = tpu.memref_slice %arg11[%dma_start3A_17] : memref<2x!tpu.dma_semaphore, #tpu.memory_space<semaphore_mem>> -> memref<1x!tpu.dma_semaphore, #tpu.memory_space<semaphore_mem>>
    %dma_start3A_27 = tpu.memref_squeeze %dma_start3A_26 : memref<1x!tpu.dma_semaphore, #tpu.memory_space<semaphore_mem>> -> memref<!tpu.dma_semaphore, #tpu.memory_space<semaphore_mem>>
    tpu.enqueue_indirect_dma source(%dma_start3A_25 : memref<100000x128xf32, #tpu.memory_space<hbm>>) target(%dma_start3A_21 : memref<128x128xf32, #tpu.memory_space<vmem>>) offsets(%dma_start3A_22 : memref<128xi32, #tpu.memory_space<vmem>>) semaphore(%dma_start3A_27 : memref<!tpu.dma_semaphore, #tpu.memory_space<semaphore_mem>>)
    %dma_start3A_28 = arith.constant 0 : i32
    %dma_start3A_29 = arith.constant 0 : i32
    %dma_start3A_30 = arith.constant 128 : i32
    %dma_start3A_31 = arith.constant 0 : i32
    %dma_start3A_32 = tpu.memref_slice %arg8[%dma_start3A_28, %dma_start3A_30, %dma_start3A_31] : memref<2x200x128xf32, #tpu.memory_space<vmem>> -> memref<1x72x128xf32, #tpu.memory_space<vmem>>
    %dma_start3A_33 = tpu.memref_squeeze %dma_start3A_32 : memref<1x72x128xf32, #tpu.memory_space<vmem>> -> memref<72x128xf32, #tpu.memory_space<vmem>>
    %dma_start3A_34 = tpu.memref_slice %arg6[%add3A_15] : memref<12800xi32, #tpu.memory_space<vmem>> -> memref<72xi32, #tpu.memory_space<vmem>>
    %dma_start3A_35 = arith.constant 0 : i32
    %dma_start3A_36 = arith.constant 0 : i32
    %dma_start3A_37 = tpu.memref_slice %arg4[%dma_start3A_35, %dma_start3A_36] : memref<100000x128xf32, #tpu.memory_space<hbm>> -> memref<100000x128xf32, #tpu.memory_space<hbm>>
    %dma_start3A_38 = tpu.memref_slice %arg11[%dma_start3A_29] : memref<2x!tpu.dma_semaphore, #tpu.memory_space<semaphore_mem>> -> memref<1x!tpu.dma_semaphore, #tpu.memory_space<semaphore_mem>>
    %dma_start3A_39 = tpu.memref_squeeze %dma_start3A_38 : memref<1x!tpu.dma_semaphore, #tpu.memory_space<semaphore_mem>> -> memref<!tpu.dma_semaphore, #tpu.memory_space<semaphore_mem>>
    tpu.enqueue_indirect_dma source(%dma_start3A_37 : memref<100000x128xf32, #tpu.memory_space<hbm>>) target(%dma_start3A_33 : memref<72x128xf32, #tpu.memory_space<vmem>>) offsets(%dma_start3A_34 : memref<72xi32, #tpu.memory_space<vmem>>) semaphore(%dma_start3A_39 : memref<!tpu.dma_semaphore, #tpu.memory_space<semaphore_mem>>)
    %rem3A_40 = arith.constant 1 : i32
    %rem3A_41 = arith.constant 64 : i32
    %rem3A_42 = arith.remsi %rem3A_40, %rem3A_41 : i32
    %mul3A_43 = arith.constant 200 : i32
    %mul3A_44 = arith.muli %rem3A_42, %mul3A_43 : i32
    %multiple_of3A_45 = tpu.assume_multiple %mul3A_44, 8 : i32
    %add3A_46 = arith.constant 128 : i32
    %add3A_47 = arith.addi %multiple_of3A_45, %add3A_46 : i32
    %dma_start3A_48 = arith.constant 1 : i32
    %dma_start3A_49 = arith.constant 1 : i32
    %dma_start3A_50 = arith.constant 0 : i32
    %dma_start3A_51 = arith.constant 0 : i32
    %dma_start3A_52 = tpu.memref_slice %arg8[%dma_start3A_48, %dma_start3A_50, %dma_start3A_51] : memref<2x200x128xf32, #tpu.memory_space<vmem>> -> memref<1x128x128xf32, #tpu.memory_space<vmem>>
    %dma_start3A_53 = tpu.memref_squeeze %dma_start3A_52 : memref<1x128x128xf32, #tpu.memory_space<vmem>> -> memref<128x128xf32, #tpu.memory_space<vmem>>
    %dma_start3A_54 = tpu.memref_slice %arg6[%multiple_of3A_45] : memref<12800xi32, #tpu.memory_space<vmem>> -> memref<128xi32, #tpu.memory_space<vmem>>
    %dma_start3A_55 = arith.constant 0 : i32
    %dma_start3A_56 = arith.constant 0 : i32
    %dma_start3A_57 = tpu.memref_slice %arg4[%dma_start3A_55, %dma_start3A_56] : memref<100000x128xf32, #tpu.memory_space<hbm>> -> memref<100000x128xf32, #tpu.memory_space<hbm>>
    %dma_start3A_58 = tpu.memref_slice %arg11[%dma_start3A_49] : memref<2x!tpu.dma_semaphore, #tpu.memory_space<semaphore_mem>> -> memref<1x!tpu.dma_semaphore, #tpu.memory_space<semaphore_mem>>
    %dma_start3A_59 = tpu.memref_squeeze %dma_start3A_58 : memref<1x!tpu.dma_semaphore, #tpu.memory_space<semaphore_mem>> -> memref<!tpu.dma_semaphore, #tpu.memory_space<semaphore_mem>>
    tpu.enqueue_indirect_dma source(%dma_start3A_57 : memref<100000x128xf32, #tpu.memory_space<hbm>>) target(%dma_start3A_53 : memref<128x128xf32, #tpu.memory_space<vmem>>) offsets(%dma_start3A_54 : memref<128xi32, #tpu.memory_space<vmem>>) semaphore(%dma_start3A_59 : memref<!tpu.dma_semaphore, #tpu.memory_space<semaphore_mem>>)
    %dma_start3A_60 = arith.constant 1 : i32
    %dma_start3A_61 = arith.constant 1 : i32
    %dma_start3A_62 = arith.constant 128 : i32
    %dma_start3A_63 = arith.constant 0 : i32
    %dma_start3A_64 = tpu.memref_slice %arg8[%dma_start3A_60, %dma_start3A_62, %dma_start3A_63] : memref<2x200x128xf32, #tpu.memory_space<vmem>> -> memref<1x72x128xf32, #tpu.memory_space<vmem>>
    %dma_start3A_65 = tpu.memref_squeeze %dma_start3A_64 : memref<1x72x128xf32, #tpu.memory_space<vmem>> -> memref<72x128xf32, #tpu.memory_space<vmem>>
    %dma_start3A_66 = tpu.memref_slice %arg6[%add3A_47] : memref<12800xi32, #tpu.memory_space<vmem>> -> memref<72xi32, #tpu.memory_space<vmem>>
    %dma_start3A_67 = arith.constant 0 : i32
    %dma_start3A_68 = arith.constant 0 : i32
    %dma_start3A_69 = tpu.memref_slice %arg4[%dma_start3A_67, %dma_start3A_68] : memref<100000x128xf32, #tpu.memory_space<hbm>> -> memref<100000x128xf32, #tpu.memory_space<hbm>>
    %dma_start3A_70 = tpu.memref_slice %arg11[%dma_start3A_61] : memref<2x!tpu.dma_semaphore, #tpu.memory_space<semaphore_mem>> -> memref<1x!tpu.dma_semaphore, #tpu.memory_space<semaphore_mem>>
    %dma_start3A_71 = tpu.memref_squeeze %dma_start3A_70 : memref<1x!tpu.dma_semaphore, #tpu.memory_space<semaphore_mem>> -> memref<!tpu.dma_semaphore, #tpu.memory_space<semaphore_mem>>
    tpu.enqueue_indirect_dma source(%dma_start3A_69 : memref<100000x128xf32, #tpu.memory_space<hbm>>) target(%dma_start3A_65 : memref<72x128xf32, #tpu.memory_space<vmem>>) offsets(%dma_start3A_66 : memref<72xi32, #tpu.memory_space<vmem>>) semaphore(%dma_start3A_71 : memref<!tpu.dma_semaphore, #tpu.memory_space<semaphore_mem>>)
    %rem3A_72 = arith.constant 0 : i32
    %rem3A_73 = arith.constant 64 : i32
    %rem3A_74 = arith.remsi %rem3A_72, %rem3A_73 : i32
    %mul3A_75 = arith.constant 200 : i32
    %mul3A_76 = arith.muli %rem3A_74, %mul3A_75 : i32
    %multiple_of3A_77 = tpu.assume_multiple %mul3A_76, 8 : i32
    %add3A_78 = arith.constant 128 : i32
    %add3A_79 = arith.addi %multiple_of3A_77, %add3A_78 : i32
    %dma_wait3A_80 = arith.constant 0 : i32
    %dma_wait3A_81 = arith.constant 0 : i32
    %dma_wait3A_82 = arith.constant 0 : i32
    %dma_wait3A_83 = arith.constant 0 : i32
    %dma_wait3A_84 = tpu.memref_slice %arg8[%dma_wait3A_80, %dma_wait3A_82, %dma_wait3A_83] : memref<2x200x128xf32, #tpu.memory_space<vmem>> -> memref<1x128x128xf32, #tpu.memory_space<vmem>>
    %dma_wait3A_85 = tpu.memref_squeeze %dma_wait3A_84 : memref<1x128x128xf32, #tpu.memory_space<vmem>> -> memref<128x128xf32, #tpu.memory_space<vmem>>
    %dma_wait3A_86 = tpu.memref_slice %arg6[%multiple_of3A_77] : memref<12800xi32, #tpu.memory_space<vmem>> -> memref<128xi32, #tpu.memory_space<vmem>>
    %dma_wait3A_87 = arith.constant 0 : i32
    %dma_wait3A_88 = arith.constant 0 : i32
    %dma_wait3A_89 = tpu.memref_slice %arg4[%dma_wait3A_87, %dma_wait3A_88] : memref<100000x128xf32, #tpu.memory_space<hbm>> -> memref<100000x128xf32, #tpu.memory_space<hbm>>
    %dma_wait3A_90 = tpu.memref_slice %arg11[%dma_wait3A_81] : memref<2x!tpu.dma_semaphore, #tpu.memory_space<semaphore_mem>> -> memref<1x!tpu.dma_semaphore, #tpu.memory_space<semaphore_mem>>
    %dma_wait3A_91 = tpu.memref_squeeze %dma_wait3A_90 : memref<1x!tpu.dma_semaphore, #tpu.memory_space<semaphore_mem>> -> memref<!tpu.dma_semaphore, #tpu.memory_space<semaphore_mem>>
    tpu.wait_indirect_dma semaphore(%dma_wait3A_91 : memref<!tpu.dma_semaphore, #tpu.memory_space<semaphore_mem>>) src(%dma_wait3A_89 : memref<100000x128xf32, #tpu.memory_space<hbm>>) dst(%dma_wait3A_85 : memref<128x128xf32, #tpu.memory_space<vmem>>)
    %dma_wait3A_92 = arith.constant 0 : i32
    %dma_wait3A_93 = arith.constant 0 : i32
    %dma_wait3A_94 = arith.constant 128 : i32
    %dma_wait3A_95 = arith.constant 0 : i32
    %dma_wait3A_96 = tpu.memref_slice %arg8[%dma_wait3A_92, %dma_wait3A_94, %dma_wait3A_95] : memref<2x200x128xf32, #tpu.memory_space<vmem>> -> memref<1x72x128xf32, #tpu.memory_space<vmem>>
    %dma_wait3A_97 = tpu.memref_squeeze %dma_wait3A_96 : memref<1x72x128xf32, #tpu.memory_space<vmem>> -> memref<72x128xf32, #tpu.memory_space<vmem>>
    %dma_wait3A_98 = tpu.memref_slice %arg6[%add3A_79] : memref<12800xi32, #tpu.memory_space<vmem>> -> memref<72xi32, #tpu.memory_space<vmem>>
    %dma_wait3A_99 = arith.constant 0 : i32
    %dma_wait3A_100 = arith.constant 0 : i32
    %dma_wait3A_101 = tpu.memref_slice %arg4[%dma_wait3A_99, %dma_wait3A_100] : memref<100000x128xf32, #tpu.memory_space<hbm>> -> memref<100000x128xf32, #tpu.memory_space<hbm>>
    %dma_wait3A_102 = tpu.memref_slice %arg11[%dma_wait3A_93] : memref<2x!tpu.dma_semaphore, #tpu.memory_space<semaphore_mem>> -> memref<1x!tpu.dma_semaphore, #tpu.memory_space<semaphore_mem>>
    %dma_wait3A_103 = tpu.memref_squeeze %dma_wait3A_102 : memref<1x!tpu.dma_semaphore, #tpu.memory_space<semaphore_mem>> -> memref<!tpu.dma_semaphore, #tpu.memory_space<semaphore_mem>>
    tpu.wait_indirect_dma semaphore(%dma_wait3A_103 : memref<!tpu.dma_semaphore, #tpu.memory_space<semaphore_mem>>) src(%dma_wait3A_101 : memref<100000x128xf32, #tpu.memory_space<hbm>>) dst(%dma_wait3A_97 : memref<72x128xf32, #tpu.memory_space<vmem>>)
    %parallel_loop3A = arith.constant 0 : i32
    %parallel_loop3A_104 = arith.constant 200 : i32
    %parallel_loop3A_105 = arith.constant 2 : i32
    scf.for %parallel_loop3A_915 = %parallel_loop3A to %parallel_loop3A_104 step %parallel_loop3A_105  : i32 {
      %parallel_loop3A_916 = arith.constant 0 : i32
      %parallel_loop3A_917 = arith.addi %parallel_loop3A_915, %parallel_loop3A_916 : i32
      %parallel_loop3A_918 = arith.constant 0 : i32
      %parallel_loop3A_919 = arith.index_cast %parallel_loop3A_918 : i32 to index
      %parallel_loop3A_920 = arith.index_cast %parallel_loop3A_917 : i32 to index
      %parallel_loop3A_921 = arith.constant 0 : index
      %parallel_loop3A_922 = tpu.vector_load %arg8[%parallel_loop3A_919, %parallel_loop3A_920, %parallel_loop3A_921] {strides = array<i32>} : memref<2x200x128xf32, #tpu.memory_space<vmem>>, vector<1x1x16xf32>,
      %parallel_loop3A_923 = vector.shape_cast %parallel_loop3A_922 : vector<1x1x16xf32> to vector<16xf32>
      %parallel_loop3A_924 = arith.constant 64 : i32
      %parallel_loop3A_925 = arith.muli %parallel_loop3A_917, %parallel_loop3A_924 : i32
      %parallel_loop3A_926 = arith.constant 0 : i32
      %parallel_loop3A_927 = arith.addi %parallel_loop3A_925, %parallel_loop3A_926 : i32
      %parallel_loop3A_928 = arith.index_cast %parallel_loop3A_927 : i32 to index
      %parallel_loop3A_929 = tpu.vector_load %arg7[%parallel_loop3A_928] {strides = array<i32>} : memref<12800xf32, #tpu.memory_space<vmem>>, vector<16xf32>,
      %parallel_loop3A_930 = vector.shape_cast %parallel_loop3A_929 : vector<16xf32> to vector<16xf32>
      %parallel_loop3A_931 = arith.addf %parallel_loop3A_923, %parallel_loop3A_930 : vector<16xf32>
      %parallel_loop3A_932 = arith.constant 0 : i32
      %parallel_loop3A_933 = arith.index_cast %parallel_loop3A_932 : i32 to index
      %parallel_loop3A_934 = arith.index_cast %parallel_loop3A_917 : i32 to index
      %parallel_loop3A_935 = arith.constant 0 : index
      %parallel_loop3A_936 = tpu.vector_load %arg9[%parallel_loop3A_933, %parallel_loop3A_934, %parallel_loop3A_935] {strides = array<i32>} : memref<2x200x64xf32, #tpu.memory_space<vmem>>, vector<1x1x16xf32>,
      %parallel_loop3A_937 = vector.shape_cast %parallel_loop3A_936 : vector<1x1x16xf32> to vector<16xf32>
      %parallel_loop3A_938 = vector.shape_cast %parallel_loop3A_931 : vector<16xf32> to vector<1x1x16xf32>
      tpu.vector_store %arg9[%parallel_loop3A_933, %parallel_loop3A_934, %parallel_loop3A_935], %parallel_loop3A_938 {strides = array<i32>} : memref<2x200x64xf32, #tpu.memory_space<vmem>>, vector<1x1x16xf32>,
      %parallel_loop3A_939 = arith.constant 0 : i32
      %parallel_loop3A_940 = arith.index_cast %parallel_loop3A_939 : i32 to index
      %parallel_loop3A_941 = arith.index_cast %parallel_loop3A_917 : i32 to index
      %parallel_loop3A_942 = arith.constant 16 : index
      %parallel_loop3A_943 = tpu.vector_load %arg8[%parallel_loop3A_940, %parallel_loop3A_941, %parallel_loop3A_942] {strides = array<i32>} : memref<2x200x128xf32, #tpu.memory_space<vmem>>, vector<1x1x16xf32>,
      %parallel_loop3A_944 = vector.shape_cast %parallel_loop3A_943 : vector<1x1x16xf32> to vector<16xf32>
      %parallel_loop3A_945 = arith.constant 64 : i32
      %parallel_loop3A_946 = arith.muli %parallel_loop3A_917, %parallel_loop3A_945 : i32
      %parallel_loop3A_947 = arith.constant 16 : i32
      %parallel_loop3A_948 = arith.addi %parallel_loop3A_946, %parallel_loop3A_947 : i32
      %parallel_loop3A_949 = arith.index_cast %parallel_loop3A_948 : i32 to index
      %parallel_loop3A_950 = tpu.vector_load %arg7[%parallel_loop3A_949] {strides = array<i32>} : memref<12800xf32, #tpu.memory_space<vmem>>, vector<16xf32>,
      %parallel_loop3A_951 = vector.shape_cast %parallel_loop3A_950 : vector<16xf32> to vector<16xf32>
      %parallel_loop3A_952 = arith.addf %parallel_loop3A_944, %parallel_loop3A_951 : vector<16xf32>
      %parallel_loop3A_953 = arith.constant 0 : i32
      %parallel_loop3A_954 = arith.index_cast %parallel_loop3A_953 : i32 to index
      %parallel_loop3A_955 = arith.index_cast %parallel_loop3A_917 : i32 to index
      %parallel_loop3A_956 = arith.constant 16 : index
      %parallel_loop3A_957 = tpu.vector_load %arg9[%parallel_loop3A_954, %parallel_loop3A_955, %parallel_loop3A_956] {strides = array<i32>} : memref<2x200x64xf32, #tpu.memory_space<vmem>>, vector<1x1x16xf32>,
      %parallel_loop3A_958 = vector.shape_cast %parallel_loop3A_957 : vector<1x1x16xf32> to vector<16xf32>
      %parallel_loop3A_959 = vector.shape_cast %parallel_loop3A_952 : vector<16xf32> to vector<1x1x16xf32>
      tpu.vector_store %arg9[%parallel_loop3A_954, %parallel_loop3A_955, %parallel_loop3A_956], %parallel_loop3A_959 {strides = array<i32>} : memref<2x200x64xf32, #tpu.memory_space<vmem>>, vector<1x1x16xf32>,
      %parallel_loop3A_960 = arith.constant 0 : i32
      %parallel_loop3A_961 = arith.index_cast %parallel_loop3A_960 : i32 to index
      %parallel_loop3A_962 = arith.index_cast %parallel_loop3A_917 : i32 to index
      %parallel_loop3A_963 = arith.constant 32 : index
      %parallel_loop3A_964 = tpu.vector_load %arg8[%parallel_loop3A_961, %parallel_loop3A_962, %parallel_loop3A_963] {strides = array<i32>} : memref<2x200x128xf32, #tpu.memory_space<vmem>>, vector<1x1x16xf32>,
      %parallel_loop3A_965 = vector.shape_cast %parallel_loop3A_964 : vector<1x1x16xf32> to vector<16xf32>
      %parallel_loop3A_966 = arith.constant 64 : i32
      %parallel_loop3A_967 = arith.muli %parallel_loop3A_917, %parallel_loop3A_966 : i32
      %parallel_loop3A_968 = arith.constant 32 : i32
      %parallel_loop3A_969 = arith.addi %parallel_loop3A_967, %parallel_loop3A_968 : i32
      %parallel_loop3A_970 = arith.index_cast %parallel_loop3A_969 : i32 to index
      %parallel_loop3A_971 = tpu.vector_load %arg7[%parallel_loop3A_970] {strides = array<i32>} : memref<12800xf32, #tpu.memory_space<vmem>>, vector<16xf32>,
      %parallel_loop3A_972 = vector.shape_cast %parallel_loop3A_971 : vector<16xf32> to vector<16xf32>
      %parallel_loop3A_973 = arith.addf %parallel_loop3A_965, %parallel_loop3A_972 : vector<16xf32>
      %parallel_loop3A_974 = arith.constant 0 : i32
      %parallel_loop3A_975 = arith.index_cast %parallel_loop3A_974 : i32 to index
      %parallel_loop3A_976 = arith.index_cast %parallel_loop3A_917 : i32 to index
      %parallel_loop3A_977 = arith.constant 32 : index
      %parallel_loop3A_978 = tpu.vector_load %arg9[%parallel_loop3A_975, %parallel_loop3A_976, %parallel_loop3A_977] {strides = array<i32>} : memref<2x200x64xf32, #tpu.memory_space<vmem>>, vector<1x1x16xf32>,
      %parallel_loop3A_979 = vector.shape_cast %parallel_loop3A_978 : vector<1x1x16xf32> to vector<16xf32>
      %parallel_loop3A_980 = vector.shape_cast %parallel_loop3A_973 : vector<16xf32> to vector<1x1x16xf32>
      tpu.vector_store %arg9[%parallel_loop3A_975, %parallel_loop3A_976, %parallel_loop3A_977], %parallel_loop3A_980 {strides = array<i32>} : memref<2x200x64xf32, #tpu.memory_space<vmem>>, vector<1x1x16xf32>,
      %parallel_loop3A_981 = arith.constant 0 : i32
      %parallel_loop3A_982 = arith.index_cast %parallel_loop3A_981 : i32 to index
      %parallel_loop3A_983 = arith.index_cast %parallel_loop3A_917 : i32 to index
      %parallel_loop3A_984 = arith.constant 48 : index
      %parallel_loop3A_985 = tpu.vector_load %arg8[%parallel_loop3A_982, %parallel_loop3A_983, %parallel_loop3A_984] {strides = array<i32>} : memref<2x200x128xf32, #tpu.memory_space<vmem>>, vector<1x1x16xf32>,
      %parallel_loop3A_986 = vector.shape_cast %parallel_loop3A_985 : vector<1x1x16xf32> to vector<16xf32>
      %parallel_loop3A_987 = arith.constant 64 : i32
      %parallel_loop3A_988 = arith.muli %parallel_loop3A_917, %parallel_loop3A_987 : i32
      %parallel_loop3A_989 = arith.constant 48 : i32
      %parallel_loop3A_990 = arith.addi %parallel_loop3A_988, %parallel_loop3A_989 : i32
      %parallel_loop3A_991 = arith.index_cast %parallel_loop3A_990 : i32 to index
      %parallel_loop3A_992 = tpu.vector_load %arg7[%parallel_loop3A_991] {strides = array<i32>} : memref<12800xf32, #tpu.memory_space<vmem>>, vector<16xf32>,
      %parallel_loop3A_993 = vector.shape_cast %parallel_loop3A_992 : vector<16xf32> to vector<16xf32>
      %parallel_loop3A_994 = arith.addf %parallel_loop3A_986, %parallel_loop3A_993 : vector<16xf32>
      %parallel_loop3A_995 = arith.constant 0 : i32
      %parallel_loop3A_996 = arith.index_cast %parallel_loop3A_995 : i32 to index
      %parallel_loop3A_997 = arith.index_cast %parallel_loop3A_917 : i32 to index
      %parallel_loop3A_998 = arith.constant 48 : index
      %parallel_loop3A_999 = tpu.vector_load %arg9[%parallel_loop3A_996, %parallel_loop3A_997, %parallel_loop3A_998] {strides = array<i32>} : memref<2x200x64xf32, #tpu.memory_space<vmem>>, vector<1x1x16xf32>,
      %parallel_loop3A_1000 = vector.shape_cast %parallel_loop3A_999 : vector<1x1x16xf32> to vector<16xf32>
      %parallel_loop3A_1001 = vector.shape_cast %parallel_loop3A_994 : vector<16xf32> to vector<1x1x16xf32>
      tpu.vector_store %arg9[%parallel_loop3A_996, %parallel_loop3A_997, %parallel_loop3A_998], %parallel_loop3A_1001 {strides = array<i32>} : memref<2x200x64xf32, #tpu.memory_space<vmem>>, vector<1x1x16xf32>,
      %parallel_loop3A_1002 = arith.constant 1 : i32
      %parallel_loop3A_1003 = arith.addi %parallel_loop3A_915, %parallel_loop3A_1002 : i32
      %parallel_loop3A_1004 = arith.constant 0 : i32
      %parallel_loop3A_1005 = arith.index_cast %parallel_loop3A_1004 : i32 to index
      %parallel_loop3A_1006 = arith.index_cast %parallel_loop3A_1003 : i32 to index
      %parallel_loop3A_1007 = arith.constant 0 : index
      %parallel_loop3A_1008 = tpu.vector_load %arg8[%parallel_loop3A_1005, %parallel_loop3A_1006, %parallel_loop3A_1007] {strides = array<i32>} : memref<2x200x128xf32, #tpu.memory_space<vmem>>, vector<1x1x16xf32>,
      %parallel_loop3A_1009 = vector.shape_cast %parallel_loop3A_1008 : vector<1x1x16xf32> to vector<16xf32>
      %parallel_loop3A_1010 = arith.constant 64 : i32
      %parallel_loop3A_1011 = arith.muli %parallel_loop3A_1003, %parallel_loop3A_1010 : i32
      %parallel_loop3A_1012 = arith.constant 0 : i32
      %parallel_loop3A_1013 = arith.addi %parallel_loop3A_1011, %parallel_loop3A_1012 : i32
      %parallel_loop3A_1014 = arith.index_cast %parallel_loop3A_1013 : i32 to index
      %parallel_loop3A_1015 = tpu.vector_load %arg7[%parallel_loop3A_1014] {strides = array<i32>} : memref<12800xf32, #tpu.memory_space<vmem>>, vector<16xf32>,
      %parallel_loop3A_1016 = vector.shape_cast %parallel_loop3A_1015 : vector<16xf32> to vector<16xf32>
      %parallel_loop3A_1017 = arith.addf %parallel_loop3A_1009, %parallel_loop3A_1016 : vector<16xf32>
      %parallel_loop3A_1018 = arith.constant 0 : i32
      %parallel_loop3A_1019 = arith.index_cast %parallel_loop3A_1018 : i32 to index
      %parallel_loop3A_1020 = arith.index_cast %parallel_loop3A_1003 : i32 to index
      %parallel_loop3A_1021 = arith.constant 0 : index
      %parallel_loop3A_1022 = tpu.vector_load %arg9[%parallel_loop3A_1019, %parallel_loop3A_1020, %parallel_loop3A_1021] {strides = array<i32>} : memref<2x200x64xf32, #tpu.memory_space<vmem>>, vector<1x1x16xf32>,
      %parallel_loop3A_1023 = vector.shape_cast %parallel_loop3A_1022 : vector<1x1x16xf32> to vector<16xf32>
      %parallel_loop3A_1024 = vector.shape_cast %parallel_loop3A_1017 : vector<16xf32> to vector<1x1x16xf32>
      tpu.vector_store %arg9[%parallel_loop3A_1019, %parallel_loop3A_1020, %parallel_loop3A_1021], %parallel_loop3A_1024 {strides = array<i32>} : memref<2x200x64xf32, #tpu.memory_space<vmem>>, vector<1x1x16xf32>,
      %parallel_loop3A_1025 = arith.constant 0 : i32
      %parallel_loop3A_1026 = arith.index_cast %parallel_loop3A_1025 : i32 to index
      %parallel_loop3A_1027 = arith.index_cast %parallel_loop3A_1003 : i32 to index
      %parallel_loop3A_1028 = arith.constant 16 : index
      %parallel_loop3A_1029 = tpu.vector_load %arg8[%parallel_loop3A_1026, %parallel_loop3A_1027, %parallel_loop3A_1028] {strides = array<i32>} : memref<2x200x128xf32, #tpu.memory_space<vmem>>, vector<1x1x16xf32>,
      %parallel_loop3A_1030 = vector.shape_cast %parallel_loop3A_1029 : vector<1x1x16xf32> to vector<16xf32>
      %parallel_loop3A_1031 = arith.constant 64 : i32
      %parallel_loop3A_1032 = arith.muli %parallel_loop3A_1003, %parallel_loop3A_1031 : i32
      %parallel_loop3A_1033 = arith.constant 16 : i32
      %parallel_loop3A_1034 = arith.addi %parallel_loop3A_1032, %parallel_loop3A_1033 : i32
      %parallel_loop3A_1035 = arith.index_cast %parallel_loop3A_1034 : i32 to index
      %parallel_loop3A_1036 = tpu.vector_load %arg7[%parallel_loop3A_1035] {strides = array<i32>} : memref<12800xf32, #tpu.memory_space<vmem>>, vector<16xf32>,
      %parallel_loop3A_1037 = vector.shape_cast %parallel_loop3A_1036 : vector<16xf32> to vector<16xf32>
      %parallel_loop3A_1038 = arith.addf %parallel_loop3A_1030, %parallel_loop3A_1037 : vector<16xf32>
      %parallel_loop3A_1039 = arith.constant 0 : i32
      %parallel_loop3A_1040 = arith.index_cast %parallel_loop3A_1039 : i32 to index
      %parallel_loop3A_1041 = arith.index_cast %parallel_loop3A_1003 : i32 to index
      %parallel_loop3A_1042 = arith.constant 16 : index
      %parallel_loop3A_1043 = tpu.vector_load %arg9[%parallel_loop3A_1040, %parallel_loop3A_1041, %parallel_loop3A_1042] {strides = array<i32>} : memref<2x200x64xf32, #tpu.memory_space<vmem>>, vector<1x1x16xf32>,
      %parallel_loop3A_1044 = vector.shape_cast %parallel_loop3A_1043 : vector<1x1x16xf32> to vector<16xf32>
      %parallel_loop3A_1045 = vector.shape_cast %parallel_loop3A_1038 : vector<16xf32> to vector<1x1x16xf32>
      tpu.vector_store %arg9[%parallel_loop3A_1040, %parallel_loop3A_1041, %parallel_loop3A_1042], %parallel_loop3A_1045 {strides = array<i32>} : memref<2x200x64xf32, #tpu.memory_space<vmem>>, vector<1x1x16xf32>,
      %parallel_loop3A_1046 = arith.constant 0 : i32
      %parallel_loop3A_1047 = arith.index_cast %parallel_loop3A_1046 : i32 to index
      %parallel_loop3A_1048 = arith.index_cast %parallel_loop3A_1003 : i32 to index
      %parallel_loop3A_1049 = arith.constant 32 : index
      %parallel_loop3A_1050 = tpu.vector_load %arg8[%parallel_loop3A_1047, %parallel_loop3A_1048, %parallel_loop3A_1049] {strides = array<i32>} : memref<2x200x128xf32, #tpu.memory_space<vmem>>, vector<1x1x16xf32>,
      %parallel_loop3A_1051 = vector.shape_cast %parallel_loop3A_1050 : vector<1x1x16xf32> to vector<16xf32>
      %parallel_loop3A_1052 = arith.constant 64 : i32
      %parallel_loop3A_1053 = arith.muli %parallel_loop3A_1003, %parallel_loop3A_1052 : i32
      %parallel_loop3A_1054 = arith.constant 32 : i32
      %parallel_loop3A_1055 = arith.addi %parallel_loop3A_1053, %parallel_loop3A_1054 : i32
      %parallel_loop3A_1056 = arith.index_cast %parallel_loop3A_1055 : i32 to index
      %parallel_loop3A_1057 = tpu.vector_load %arg7[%parallel_loop3A_1056] {strides = array<i32>} : memref<12800xf32, #tpu.memory_space<vmem>>, vector<16xf32>,
      %parallel_loop3A_1058 = vector.shape_cast %parallel_loop3A_1057 : vector<16xf32> to vector<16xf32>
      %parallel_loop3A_1059 = arith.addf %parallel_loop3A_1051, %parallel_loop3A_1058 : vector<16xf32>
      %parallel_loop3A_1060 = arith.constant 0 : i32
      %parallel_loop3A_1061 = arith.index_cast %parallel_loop3A_1060 : i32 to index
      %parallel_loop3A_1062 = arith.index_cast %parallel_loop3A_1003 : i32 to index
      %parallel_loop3A_1063 = arith.constant 32 : index
      %parallel_loop3A_1064 = tpu.vector_load %arg9[%parallel_loop3A_1061, %parallel_loop3A_1062, %parallel_loop3A_1063] {strides = array<i32>} : memref<2x200x64xf32, #tpu.memory_space<vmem>>, vector<1x1x16xf32>,
      %parallel_loop3A_1065 = vector.shape_cast %parallel_loop3A_1064 : vector<1x1x16xf32> to vector<16xf32>
      %parallel_loop3A_1066 = vector.shape_cast %parallel_loop3A_1059 : vector<16xf32> to vector<1x1x16xf32>
      tpu.vector_store %arg9[%parallel_loop3A_1061, %parallel_loop3A_1062, %parallel_loop3A_1063], %parallel_loop3A_1066 {strides = array<i32>} : memref<2x200x64xf32, #tpu.memory_space<vmem>>, vector<1x1x16xf32>,
      %parallel_loop3A_1067 = arith.constant 0 : i32
      %parallel_loop3A_1068 = arith.index_cast %parallel_loop3A_1067 : i32 to index
      %parallel_loop3A_1069 = arith.index_cast %parallel_loop3A_1003 : i32 to index
      %parallel_loop3A_1070 = arith.constant 48 : index
      %parallel_loop3A_1071 = tpu.vector_load %arg8[%parallel_loop3A_1068, %parallel_loop3A_1069, %parallel_loop3A_1070] {strides = array<i32>} : memref<2x200x128xf32, #tpu.memory_space<vmem>>, vector<1x1x16xf32>,
      %parallel_loop3A_1072 = vector.shape_cast %parallel_loop3A_1071 : vector<1x1x16xf32> to vector<16xf32>
      %parallel_loop3A_1073 = arith.constant 64 : i32
      %parallel_loop3A_1074 = arith.muli %parallel_loop3A_1003, %parallel_loop3A_1073 : i32
      %parallel_loop3A_1075 = arith.constant 48 : i32
      %parallel_loop3A_1076 = arith.addi %parallel_loop3A_1074, %parallel_loop3A_1075 : i32
      %parallel_loop3A_1077 = arith.index_cast %parallel_loop3A_1076 : i32 to index
      %parallel_loop3A_1078 = tpu.vector_load %arg7[%parallel_loop3A_1077] {strides = array<i32>} : memref<12800xf32, #tpu.memory_space<vmem>>, vector<16xf32>,
      %parallel_loop3A_1079 = vector.shape_cast %parallel_loop3A_1078 : vector<16xf32> to vector<16xf32>
      %parallel_loop3A_1080 = arith.addf %parallel_loop3A_1072, %parallel_loop3A_1079 : vector<16xf32>
      %parallel_loop3A_1081 = arith.constant 0 : i32
      %parallel_loop3A_1082 = arith.index_cast %parallel_loop3A_1081 : i32 to index
      %parallel_loop3A_1083 = arith.index_cast %parallel_loop3A_1003 : i32 to index
      %parallel_loop3A_1084 = arith.constant 48 : index
      %parallel_loop3A_1085 = tpu.vector_load %arg9[%parallel_loop3A_1082, %parallel_loop3A_1083, %parallel_loop3A_1084] {strides = array<i32>} : memref<2x200x64xf32, #tpu.memory_space<vmem>>, vector<1x1x16xf32>,
      %parallel_loop3A_1086 = vector.shape_cast %parallel_loop3A_1085 : vector<1x1x16xf32> to vector<16xf32>
      %parallel_loop3A_1087 = vector.shape_cast %parallel_loop3A_1080 : vector<16xf32> to vector<1x1x16xf32>
      tpu.vector_store %arg9[%parallel_loop3A_1082, %parallel_loop3A_1083, %parallel_loop3A_1084], %parallel_loop3A_1087 {strides = array<i32>} : memref<2x200x64xf32, #tpu.memory_space<vmem>>, vector<1x1x16xf32>,
    } {sc.loop_unroll_factor = 1 : i64, sc.parallel_access}
    %add3A_106 = arith.constant 0 : i32
    %add3A_107 = arith.addi %mul3A_2, %add3A_106 : i32
    %dma_start3A_108 = arith.constant 0 : i32
    %dma_start3A_109 = arith.constant 0 : i32
    %dma_start3A_110 = arith.constant 0 : i32
    %dma_start3A_111 = arith.constant 0 : i32
    %dma_start3A_112 = tpu.memref_slice %arg9[%dma_start3A_108, %dma_start3A_110, %dma_start3A_111] : memref<2x200x64xf32, #tpu.memory_space<vmem>> -> memref<1x200x64xf32, #tpu.memory_space<vmem>>
    %dma_start3A_113 = tpu.memref_squeeze %dma_start3A_112 : memref<1x200x64xf32, #tpu.memory_space<vmem>> -> memref<200x64xf32, #tpu.memory_space<vmem>>
    %dma_start3A_114 = arith.constant 0 : i32
    %dma_start3A_115 = arith.constant 0 : i32
    %dma_start3A_116 = tpu.memref_slice %arg5[%add3A_107, %dma_start3A_114, %dma_start3A_115] : memref<4096x200x64xf32, #tpu.memory_space<hbm>> -> memref<1x200x64xf32, #tpu.memory_space<hbm>>
    %dma_start3A_117 = tpu.memref_squeeze %dma_start3A_116 : memref<1x200x64xf32, #tpu.memory_space<hbm>> -> memref<200x64xf32, #tpu.memory_space<hbm>>
    %dma_start3A_118 = tpu.memref_slice %arg12[%dma_start3A_109] : memref<2x!tpu.dma_semaphore, #tpu.memory_space<semaphore_mem>> -> memref<1x!tpu.dma_semaphore, #tpu.memory_space<semaphore_mem>>
    %dma_start3A_119 = tpu.memref_squeeze %dma_start3A_118 : memref<1x!tpu.dma_semaphore, #tpu.memory_space<semaphore_mem>> -> memref<!tpu.dma_semaphore, #tpu.memory_space<semaphore_mem>>
    %dma_start3A_120 = arith.constant 0 : i32
    %dma_start3A_121 = arith.constant 0 : i32
    %dma_start3A_122 = tpu.memref_slice %arg5[%add3A_107, %dma_start3A_120, %dma_start3A_121] : memref<4096x200x64xf32, #tpu.memory_space<hbm>> -> memref<1x200x64xf32, #tpu.memory_space<hbm>>
    %dma_start3A_123 = tpu.memref_squeeze %dma_start3A_122 : memref<1x200x64xf32, #tpu.memory_space<hbm>> -> memref<200x64xf32, #tpu.memory_space<hbm>>
    %dma_start3A_124 = arith.constant 0 : i32
    %dma_start3A_125 = arith.constant 0 : i32
    %dma_start3A_126 = tpu.memref_slice %arg9[%dma_start3A_108, %dma_start3A_124, %dma_start3A_125] : memref<2x200x64xf32, #tpu.memory_space<vmem>> -> memref<1x200x64xf32, #tpu.memory_space<vmem>>
    %dma_start3A_127 = tpu.memref_squeeze %dma_start3A_126 : memref<1x200x64xf32, #tpu.memory_space<vmem>> -> memref<200x64xf32, #tpu.memory_space<vmem>>
    tpu.enqueue_dma source(%dma_start3A_127 : memref<200x64xf32, #tpu.memory_space<vmem>>) target(%dma_start3A_123 : memref<200x64xf32, #tpu.memory_space<hbm>>) target_semaphore(%dma_start3A_119 : memref<!tpu.dma_semaphore, #tpu.memory_space<semaphore_mem>>)
    %rem3A_128 = arith.constant 2 : i32
    %rem3A_129 = arith.constant 64 : i32
    %rem3A_130 = arith.remsi %rem3A_128, %rem3A_129 : i32
    %mul3A_131 = arith.constant 200 : i32
    %mul3A_132 = arith.muli %rem3A_130, %mul3A_131 : i32
    %multiple_of3A_133 = tpu.assume_multiple %mul3A_132, 8 : i32
    %add3A_134 = arith.constant 128 : i32
    %add3A_135 = arith.addi %multiple_of3A_133, %add3A_134 : i32
    %dma_start3A_136 = arith.constant 0 : i32
    %dma_start3A_137 = arith.constant 0 : i32
    %dma_start3A_138 = arith.constant 0 : i32
    %dma_start3A_139 = arith.constant 0 : i32
    %dma_start3A_140 = tpu.memref_slice %arg8[%dma_start3A_136, %dma_start3A_138, %dma_start3A_139] : memref<2x200x128xf32, #tpu.memory_space<vmem>> -> memref<1x128x128xf32, #tpu.memory_space<vmem>>
    %dma_start3A_141 = tpu.memref_squeeze %dma_start3A_140 : memref<1x128x128xf32, #tpu.memory_space<vmem>> -> memref<128x128xf32, #tpu.memory_space<vmem>>
    %dma_start3A_142 = tpu.memref_slice %arg6[%multiple_of3A_133] : memref<12800xi32, #tpu.memory_space<vmem>> -> memref<128xi32, #tpu.memory_space<vmem>>
    %dma_start3A_143 = arith.constant 0 : i32
    %dma_start3A_144 = arith.constant 0 : i32
    %dma_start3A_145 = tpu.memref_slice %arg4[%dma_start3A_143, %dma_start3A_144] : memref<100000x128xf32, #tpu.memory_space<hbm>> -> memref<100000x128xf32, #tpu.memory_space<hbm>>
    %dma_start3A_146 = tpu.memref_slice %arg11[%dma_start3A_137] : memref<2x!tpu.dma_semaphore, #tpu.memory_space<semaphore_mem>> -> memref<1x!tpu.dma_semaphore, #tpu.memory_space<semaphore_mem>>
    %dma_start3A_147 = tpu.memref_squeeze %dma_start3A_146 : memref<1x!tpu.dma_semaphore, #tpu.memory_space<semaphore_mem>> -> memref<!tpu.dma_semaphore, #tpu.memory_space<semaphore_mem>>
    tpu.enqueue_indirect_dma source(%dma_start3A_145 : memref<100000x128xf32, #tpu.memory_space<hbm>>) target(%dma_start3A_141 : memref<128x128xf32, #tpu.memory_space<vmem>>) offsets(%dma_start3A_142 : memref<128xi32, #tpu.memory_space<vmem>>) semaphore(%dma_start3A_147 : memref<!tpu.dma_semaphore, #tpu.memory_space<semaphore_mem>>)
    %dma_start3A_148 = arith.constant 0 : i32
    %dma_start3A_149 = arith.constant 0 : i32
    %dma_start3A_150 = arith.constant 128 : i32
    %dma_start3A_151 = arith.constant 0 : i32
    %dma_start3A_152 = tpu.memref_slice %arg8[%dma_start3A_148, %dma_start3A_150, %dma_start3A_151] : memref<2x200x128xf32, #tpu.memory_space<vmem>> -> memref<1x72x128xf32, #tpu.memory_space<vmem>>
    %dma_start3A_153 = tpu.memref_squeeze %dma_start3A_152 : memref<1x72x128xf32, #tpu.memory_space<vmem>> -> memref<72x128xf32, #tpu.memory_space<vmem>>
    %dma_start3A_154 = tpu.memref_slice %arg6[%add3A_135] : memref<12800xi32, #tpu.memory_space<vmem>> -> memref<72xi32, #tpu.memory_space<vmem>>
    %dma_start3A_155 = arith.constant 0 : i32
    %dma_start3A_156 = arith.constant 0 : i32
    %dma_start3A_157 = tpu.memref_slice %arg4[%dma_start3A_155, %dma_start3A_156] : memref<100000x128xf32, #tpu.memory_space<hbm>> -> memref<100000x128xf32, #tpu.memory_space<hbm>>
    %dma_start3A_158 = tpu.memref_slice %arg11[%dma_start3A_149] : memref<2x!tpu.dma_semaphore, #tpu.memory_space<semaphore_mem>> -> memref<1x!tpu.dma_semaphore, #tpu.memory_space<semaphore_mem>>
    %dma_start3A_159 = tpu.memref_squeeze %dma_start3A_158 : memref<1x!tpu.dma_semaphore, #tpu.memory_space<semaphore_mem>> -> memref<!tpu.dma_semaphore, #tpu.memory_space<semaphore_mem>>
    tpu.enqueue_indirect_dma source(%dma_start3A_157 : memref<100000x128xf32, #tpu.memory_space<hbm>>) target(%dma_start3A_153 : memref<72x128xf32, #tpu.memory_space<vmem>>) offsets(%dma_start3A_154 : memref<72xi32, #tpu.memory_space<vmem>>) semaphore(%dma_start3A_159 : memref<!tpu.dma_semaphore, #tpu.memory_space<semaphore_mem>>)
    %rem3A_160 = arith.constant 1 : i32
    %rem3A_161 = arith.constant 64 : i32
    %rem3A_162 = arith.remsi %rem3A_160, %rem3A_161 : i32
    %mul3A_163 = arith.constant 200 : i32
    %mul3A_164 = arith.muli %rem3A_162, %mul3A_163 : i32
    %multiple_of3A_165 = tpu.assume_multiple %mul3A_164, 8 : i32
    %add3A_166 = arith.constant 128 : i32
    %add3A_167 = arith.addi %multiple_of3A_165, %add3A_166 : i32
    %dma_wait3A_168 = arith.constant 1 : i32
    %dma_wait3A_169 = arith.constant 1 : i32
    %dma_wait3A_170 = arith.constant 0 : i32
    %dma_wait3A_171 = arith.constant 0 : i32
    %dma_wait3A_172 = tpu.memref_slice %arg8[%dma_wait3A_168, %dma_wait3A_170, %dma_wait3A_171] : memref<2x200x128xf32, #tpu.memory_space<vmem>> -> memref<1x128x128xf32, #tpu.memory_space<vmem>>
    %dma_wait3A_173 = tpu.memref_squeeze %dma_wait3A_172 : memref<1x128x128xf32, #tpu.memory_space<vmem>> -> memref<128x128xf32, #tpu.memory_space<vmem>>
    %dma_wait3A_174 = tpu.memref_slice %arg6[%multiple_of3A_165] : memref<12800xi32, #tpu.memory_space<vmem>> -> memref<128xi32, #tpu.memory_space<vmem>>
    %dma_wait3A_175 = arith.constant 0 : i32
    %dma_wait3A_176 = arith.constant 0 : i32
    %dma_wait3A_177 = tpu.memref_slice %arg4[%dma_wait3A_175, %dma_wait3A_176] : memref<100000x128xf32, #tpu.memory_space<hbm>> -> memref<100000x128xf32, #tpu.memory_space<hbm>>
    %dma_wait3A_178 = tpu.memref_slice %arg11[%dma_wait3A_169] : memref<2x!tpu.dma_semaphore, #tpu.memory_space<semaphore_mem>> -> memref<1x!tpu.dma_semaphore, #tpu.memory_space<semaphore_mem>>
    %dma_wait3A_179 = tpu.memref_squeeze %dma_wait3A_178 : memref<1x!tpu.dma_semaphore, #tpu.memory_space<semaphore_mem>> -> memref<!tpu.dma_semaphore, #tpu.memory_space<semaphore_mem>>
    tpu.wait_indirect_dma semaphore(%dma_wait3A_179 : memref<!tpu.dma_semaphore, #tpu.memory_space<semaphore_mem>>) src(%dma_wait3A_177 : memref<100000x128xf32, #tpu.memory_space<hbm>>) dst(%dma_wait3A_173 : memref<128x128xf32, #tpu.memory_space<vmem>>)
    %dma_wait3A_180 = arith.constant 1 : i32
    %dma_wait3A_181 = arith.constant 1 : i32
    %dma_wait3A_182 = arith.constant 128 : i32
    %dma_wait3A_183 = arith.constant 0 : i32
    %dma_wait3A_184 = tpu.memref_slice %arg8[%dma_wait3A_180, %dma_wait3A_182, %dma_wait3A_183] : memref<2x200x128xf32, #tpu.memory_space<vmem>> -> memref<1x72x128xf32, #tpu.memory_space<vmem>>
    %dma_wait3A_185 = tpu.memref_squeeze %dma_wait3A_184 : memref<1x72x128xf32, #tpu.memory_space<vmem>> -> memref<72x128xf32, #tpu.memory_space<vmem>>
    %dma_wait3A_186 = tpu.memref_slice %arg6[%add3A_167] : memref<12800xi32, #tpu.memory_space<vmem>> -> memref<72xi32, #tpu.memory_space<vmem>>
    %dma_wait3A_187 = arith.constant 0 : i32
    %dma_wait3A_188 = arith.constant 0 : i32
    %dma_wait3A_189 = tpu.memref_slice %arg4[%dma_wait3A_187, %dma_wait3A_188] : memref<100000x128xf32, #tpu.memory_space<hbm>> -> memref<100000x128xf32, #tpu.memory_space<hbm>>
    %dma_wait3A_190 = tpu.memref_slice %arg11[%dma_wait3A_181] : memref<2x!tpu.dma_semaphore, #tpu.memory_space<semaphore_mem>> -> memref<1x!tpu.dma_semaphore, #tpu.memory_space<semaphore_mem>>
    %dma_wait3A_191 = tpu.memref_squeeze %dma_wait3A_190 : memref<1x!tpu.dma_semaphore, #tpu.memory_space<semaphore_mem>> -> memref<!tpu.dma_semaphore, #tpu.memory_space<semaphore_mem>>
    tpu.wait_indirect_dma semaphore(%dma_wait3A_191 : memref<!tpu.dma_semaphore, #tpu.memory_space<semaphore_mem>>) src(%dma_wait3A_189 : memref<100000x128xf32, #tpu.memory_space<hbm>>) dst(%dma_wait3A_185 : memref<72x128xf32, #tpu.memory_space<vmem>>)
    %parallel_loop3A_192 = arith.constant 0 : i32
    %parallel_loop3A_193 = arith.constant 200 : i32
    %parallel_loop3A_194 = arith.constant 2 : i32
    scf.for %parallel_loop3A_915 = %parallel_loop3A_192 to %parallel_loop3A_193 step %parallel_loop3A_194  : i32 {
      %parallel_loop3A_916 = arith.constant 0 : i32
      %parallel_loop3A_917 = arith.addi %parallel_loop3A_915, %parallel_loop3A_916 : i32
      %parallel_loop3A_918 = arith.constant 1 : i32
      %parallel_loop3A_919 = arith.index_cast %parallel_loop3A_918 : i32 to index
      %parallel_loop3A_920 = arith.index_cast %parallel_loop3A_917 : i32 to index
      %parallel_loop3A_921 = arith.constant 0 : index
      %parallel_loop3A_922 = tpu.vector_load %arg8[%parallel_loop3A_919, %parallel_loop3A_920, %parallel_loop3A_921] {strides = array<i32>} : memref<2x200x128xf32, #tpu.memory_space<vmem>>, vector<1x1x16xf32>,
      %parallel_loop3A_923 = vector.shape_cast %parallel_loop3A_922 : vector<1x1x16xf32> to vector<16xf32>
      %parallel_loop3A_924 = arith.constant 64 : i32
      %parallel_loop3A_925 = arith.muli %parallel_loop3A_917, %parallel_loop3A_924 : i32
      %parallel_loop3A_926 = arith.constant 0 : i32
      %parallel_loop3A_927 = arith.addi %parallel_loop3A_925, %parallel_loop3A_926 : i32
      %parallel_loop3A_928 = arith.index_cast %parallel_loop3A_927 : i32 to index
      %parallel_loop3A_929 = tpu.vector_load %arg7[%parallel_loop3A_928] {strides = array<i32>} : memref<12800xf32, #tpu.memory_space<vmem>>, vector<16xf32>,
      %parallel_loop3A_930 = vector.shape_cast %parallel_loop3A_929 : vector<16xf32> to vector<16xf32>
      %parallel_loop3A_931 = arith.addf %parallel_loop3A_923, %parallel_loop3A_930 : vector<16xf32>
      %parallel_loop3A_932 = arith.constant 1 : i32
      %parallel_loop3A_933 = arith.index_cast %parallel_loop3A_932 : i32 to index
      %parallel_loop3A_934 = arith.index_cast %parallel_loop3A_917 : i32 to index
      %parallel_loop3A_935 = arith.constant 0 : index
      %parallel_loop3A_936 = tpu.vector_load %arg9[%parallel_loop3A_933, %parallel_loop3A_934, %parallel_loop3A_935] {strides = array<i32>} : memref<2x200x64xf32, #tpu.memory_space<vmem>>, vector<1x1x16xf32>,
      %parallel_loop3A_937 = vector.shape_cast %parallel_loop3A_936 : vector<1x1x16xf32> to vector<16xf32>
      %parallel_loop3A_938 = vector.shape_cast %parallel_loop3A_931 : vector<16xf32> to vector<1x1x16xf32>
      tpu.vector_store %arg9[%parallel_loop3A_933, %parallel_loop3A_934, %parallel_loop3A_935], %parallel_loop3A_938 {strides = array<i32>} : memref<2x200x64xf32, #tpu.memory_space<vmem>>, vector<1x1x16xf32>,
      %parallel_loop3A_939 = arith.constant 1 : i32
      %parallel_loop3A_940 = arith.index_cast %parallel_loop3A_939 : i32 to index
      %parallel_loop3A_941 = arith.index_cast %parallel_loop3A_917 : i32 to index
      %parallel_loop3A_942 = arith.constant 16 : index
      %parallel_loop3A_943 = tpu.vector_load %arg8[%parallel_loop3A_940, %parallel_loop3A_941, %parallel_loop3A_942] {strides = array<i32>} : memref<2x200x128xf32, #tpu.memory_space<vmem>>, vector<1x1x16xf32>,
      %parallel_loop3A_944 = vector.shape_cast %parallel_loop3A_943 : vector<1x1x16xf32> to vector<16xf32>
      %parallel_loop3A_945 = arith.constant 64 : i32
      %parallel_loop3A_946 = arith.muli %parallel_loop3A_917, %parallel_loop3A_945 : i32
      %parallel_loop3A_947 = arith.constant 16 : i32
      %parallel_loop3A_948 = arith.addi %parallel_loop3A_946, %parallel_loop3A_947 : i32
      %parallel_loop3A_949 = arith.index_cast %parallel_loop3A_948 : i32 to index
      %parallel_loop3A_950 = tpu.vector_load %arg7[%parallel_loop3A_949] {strides = array<i32>} : memref<12800xf32, #tpu.memory_space<vmem>>, vector<16xf32>,
      %parallel_loop3A_951 = vector.shape_cast %parallel_loop3A_950 : vector<16xf32> to vector<16xf32>
      %parallel_loop3A_952 = arith.addf %parallel_loop3A_944, %parallel_loop3A_951 : vector<16xf32>
      %parallel_loop3A_953 = arith.constant 1 : i32
      %parallel_loop3A_954 = arith.index_cast %parallel_loop3A_953 : i32 to index
      %parallel_loop3A_955 = arith.index_cast %parallel_loop3A_917 : i32 to index
      %parallel_loop3A_956 = arith.constant 16 : index
      %parallel_loop3A_957 = tpu.vector_load %arg9[%parallel_loop3A_954, %parallel_loop3A_955, %parallel_loop3A_956] {strides = array<i32>} : memref<2x200x64xf32, #tpu.memory_space<vmem>>, vector<1x1x16xf32>,
      %parallel_loop3A_958 = vector.shape_cast %parallel_loop3A_957 : vector<1x1x16xf32> to vector<16xf32>
      %parallel_loop3A_959 = vector.shape_cast %parallel_loop3A_952 : vector<16xf32> to vector<1x1x16xf32>
      tpu.vector_store %arg9[%parallel_loop3A_954, %parallel_loop3A_955, %parallel_loop3A_956], %parallel_loop3A_959 {strides = array<i32>} : memref<2x200x64xf32, #tpu.memory_space<vmem>>, vector<1x1x16xf32>,
      %parallel_loop3A_960 = arith.constant 1 : i32
      %parallel_loop3A_961 = arith.index_cast %parallel_loop3A_960 : i32 to index
      %parallel_loop3A_962 = arith.index_cast %parallel_loop3A_917 : i32 to index
      %parallel_loop3A_963 = arith.constant 32 : index
      %parallel_loop3A_964 = tpu.vector_load %arg8[%parallel_loop3A_961, %parallel_loop3A_962, %parallel_loop3A_963] {strides = array<i32>} : memref<2x200x128xf32, #tpu.memory_space<vmem>>, vector<1x1x16xf32>,
      %parallel_loop3A_965 = vector.shape_cast %parallel_loop3A_964 : vector<1x1x16xf32> to vector<16xf32>
      %parallel_loop3A_966 = arith.constant 64 : i32
      %parallel_loop3A_967 = arith.muli %parallel_loop3A_917, %parallel_loop3A_966 : i32
      %parallel_loop3A_968 = arith.constant 32 : i32
      %parallel_loop3A_969 = arith.addi %parallel_loop3A_967, %parallel_loop3A_968 : i32
      %parallel_loop3A_970 = arith.index_cast %parallel_loop3A_969 : i32 to index
      %parallel_loop3A_971 = tpu.vector_load %arg7[%parallel_loop3A_970] {strides = array<i32>} : memref<12800xf32, #tpu.memory_space<vmem>>, vector<16xf32>,
      %parallel_loop3A_972 = vector.shape_cast %parallel_loop3A_971 : vector<16xf32> to vector<16xf32>
      %parallel_loop3A_973 = arith.addf %parallel_loop3A_965, %parallel_loop3A_972 : vector<16xf32>
      %parallel_loop3A_974 = arith.constant 1 : i32
      %parallel_loop3A_975 = arith.index_cast %parallel_loop3A_974 : i32 to index
      %parallel_loop3A_976 = arith.index_cast %parallel_loop3A_917 : i32 to index
      %parallel_loop3A_977 = arith.constant 32 : index
      %parallel_loop3A_978 = tpu.vector_load %arg9[%parallel_loop3A_975, %parallel_loop3A_976, %parallel_loop3A_977] {strides = array<i32>} : memref<2x200x64xf32, #tpu.memory_space<vmem>>, vector<1x1x16xf32>,
      %parallel_loop3A_979 = vector.shape_cast %parallel_loop3A_978 : vector<1x1x16xf32> to vector<16xf32>
      %parallel_loop3A_980 = vector.shape_cast %parallel_loop3A_973 : vector<16xf32> to vector<1x1x16xf32>
      tpu.vector_store %arg9[%parallel_loop3A_975, %parallel_loop3A_976, %parallel_loop3A_977], %parallel_loop3A_980 {strides = array<i32>} : memref<2x200x64xf32, #tpu.memory_space<vmem>>, vector<1x1x16xf32>,
      %parallel_loop3A_981 = arith.constant 1 : i32
      %parallel_loop3A_982 = arith.index_cast %parallel_loop3A_981 : i32 to index
      %parallel_loop3A_983 = arith.index_cast %parallel_loop3A_917 : i32 to index
      %parallel_loop3A_984 = arith.constant 48 : index
      %parallel_loop3A_985 = tpu.vector_load %arg8[%parallel_loop3A_982, %parallel_loop3A_983, %parallel_loop3A_984] {strides = array<i32>} : memref<2x200x128xf32, #tpu.memory_space<vmem>>, vector<1x1x16xf32>,
      %parallel_loop3A_986 = vector.shape_cast %parallel_loop3A_985 : vector<1x1x16xf32> to vector<16xf32>
      %parallel_loop3A_987 = arith.constant 64 : i32
      %parallel_loop3A_988 = arith.muli %parallel_loop3A_917, %parallel_loop3A_987 : i32
      %parallel_loop3A_989 = arith.constant 48 : i32
      %parallel_loop3A_990 = arith.addi %parallel_loop3A_988, %parallel_loop3A_989 : i32
      %parallel_loop3A_991 = arith.index_cast %parallel_loop3A_990 : i32 to index
      %parallel_loop3A_992 = tpu.vector_load %arg7[%parallel_loop3A_991] {strides = array<i32>} : memref<12800xf32, #tpu.memory_space<vmem>>, vector<16xf32>,
      %parallel_loop3A_993 = vector.shape_cast %parallel_loop3A_992 : vector<16xf32> to vector<16xf32>
      %parallel_loop3A_994 = arith.addf %parallel_loop3A_986, %parallel_loop3A_993 : vector<16xf32>
      %parallel_loop3A_995 = arith.constant 1 : i32
      %parallel_loop3A_996 = arith.index_cast %parallel_loop3A_995 : i32 to index
      %parallel_loop3A_997 = arith.index_cast %parallel_loop3A_917 : i32 to index
      %parallel_loop3A_998 = arith.constant 48 : index
      %parallel_loop3A_999 = tpu.vector_load %arg9[%parallel_loop3A_996, %parallel_loop3A_997, %parallel_loop3A_998] {strides = array<i32>} : memref<2x200x64xf32, #tpu.memory_space<vmem>>, vector<1x1x16xf32>,
      %parallel_loop3A_1000 = vector.shape_cast %parallel_loop3A_999 : vector<1x1x16xf32> to vector<16xf32>
      %parallel_loop3A_1001 = vector.shape_cast %parallel_loop3A_994 : vector<16xf32> to vector<1x1x16xf32>
      tpu.vector_store %arg9[%parallel_loop3A_996, %parallel_loop3A_997, %parallel_loop3A_998], %parallel_loop3A_1001 {strides = array<i32>} : memref<2x200x64xf32, #tpu.memory_space<vmem>>, vector<1x1x16xf32>,
      %parallel_loop3A_1002 = arith.constant 1 : i32
      %parallel_loop3A_1003 = arith.addi %parallel_loop3A_915, %parallel_loop3A_1002 : i32
      %parallel_loop3A_1004 = arith.constant 1 : i32
      %parallel_loop3A_1005 = arith.index_cast %parallel_loop3A_1004 : i32 to index
      %parallel_loop3A_1006 = arith.index_cast %parallel_loop3A_1003 : i32 to index
      %parallel_loop3A_1007 = arith.constant 0 : index
      %parallel_loop3A_1008 = tpu.vector_load %arg8[%parallel_loop3A_1005, %parallel_loop3A_1006, %parallel_loop3A_1007] {strides = array<i32>} : memref<2x200x128xf32, #tpu.memory_space<vmem>>, vector<1x1x16xf32>,
      %parallel_loop3A_1009 = vector.shape_cast %parallel_loop3A_1008 : vector<1x1x16xf32> to vector<16xf32>
      %parallel_loop3A_1010 = arith.constant 64 : i32
      %parallel_loop3A_1011 = arith.muli %parallel_loop3A_1003, %parallel_loop3A_1010 : i32
      %parallel_loop3A_1012 = arith.constant 0 : i32
      %parallel_loop3A_1013 = arith.addi %parallel_loop3A_1011, %parallel_loop3A_1012 : i32
      %parallel_loop3A_1014 = arith.index_cast %parallel_loop3A_1013 : i32 to index
      %parallel_loop3A_1015 = tpu.vector_load %arg7[%parallel_loop3A_1014] {strides = array<i32>} : memref<12800xf32, #tpu.memory_space<vmem>>, vector<16xf32>,
      %parallel_loop3A_1016 = vector.shape_cast %parallel_loop3A_1015 : vector<16xf32> to vector<16xf32>
      %parallel_loop3A_1017 = arith.addf %parallel_loop3A_1009, %parallel_loop3A_1016 : vector<16xf32>
      %parallel_loop3A_1018 = arith.constant 1 : i32
      %parallel_loop3A_1019 = arith.index_cast %parallel_loop3A_1018 : i32 to index
      %parallel_loop3A_1020 = arith.index_cast %parallel_loop3A_1003 : i32 to index
      %parallel_loop3A_1021 = arith.constant 0 : index
      %parallel_loop3A_1022 = tpu.vector_load %arg9[%parallel_loop3A_1019, %parallel_loop3A_1020, %parallel_loop3A_1021] {strides = array<i32>} : memref<2x200x64xf32, #tpu.memory_space<vmem>>, vector<1x1x16xf32>,
      %parallel_loop3A_1023 = vector.shape_cast %parallel_loop3A_1022 : vector<1x1x16xf32> to vector<16xf32>
      %parallel_loop3A_1024 = vector.shape_cast %parallel_loop3A_1017 : vector<16xf32> to vector<1x1x16xf32>
      tpu.vector_store %arg9[%parallel_loop3A_1019, %parallel_loop3A_1020, %parallel_loop3A_1021], %parallel_loop3A_1024 {strides = array<i32>} : memref<2x200x64xf32, #tpu.memory_space<vmem>>, vector<1x1x16xf32>,
      %parallel_loop3A_1025 = arith.constant 1 : i32
      %parallel_loop3A_1026 = arith.index_cast %parallel_loop3A_1025 : i32 to index
      %parallel_loop3A_1027 = arith.index_cast %parallel_loop3A_1003 : i32 to index
      %parallel_loop3A_1028 = arith.constant 16 : index
      %parallel_loop3A_1029 = tpu.vector_load %arg8[%parallel_loop3A_1026, %parallel_loop3A_1027, %parallel_loop3A_1028] {strides = array<i32>} : memref<2x200x128xf32, #tpu.memory_space<vmem>>, vector<1x1x16xf32>,
      %parallel_loop3A_1030 = vector.shape_cast %parallel_loop3A_1029 : vector<1x1x16xf32> to vector<16xf32>
      %parallel_loop3A_1031 = arith.constant 64 : i32
      %parallel_loop3A_1032 = arith.muli %parallel_loop3A_1003, %parallel_loop3A_1031 : i32
      %parallel_loop3A_1033 = arith.constant 16 : i32
      %parallel_loop3A_1034 = arith.addi %parallel_loop3A_1032, %parallel_loop3A_1033 : i32
      %parallel_loop3A_1035 = arith.index_cast %parallel_loop3A_1034 : i32 to index
      %parallel_loop3A_1036 = tpu.vector_load %arg7[%parallel_loop3A_1035] {strides = array<i32>} : memref<12800xf32, #tpu.memory_space<vmem>>, vector<16xf32>,
      %parallel_loop3A_1037 = vector.shape_cast %parallel_loop3A_1036 : vector<16xf32> to vector<16xf32>
      %parallel_loop3A_1038 = arith.addf %parallel_loop3A_1030, %parallel_loop3A_1037 : vector<16xf32>
      %parallel_loop3A_1039 = arith.constant 1 : i32
      %parallel_loop3A_1040 = arith.index_cast %parallel_loop3A_1039 : i32 to index
      %parallel_loop3A_1041 = arith.index_cast %parallel_loop3A_1003 : i32 to index
      %parallel_loop3A_1042 = arith.constant 16 : index
      %parallel_loop3A_1043 = tpu.vector_load %arg9[%parallel_loop3A_1040, %parallel_loop3A_1041, %parallel_loop3A_1042] {strides = array<i32>} : memref<2x200x64xf32, #tpu.memory_space<vmem>>, vector<1x1x16xf32>,
      %parallel_loop3A_1044 = vector.shape_cast %parallel_loop3A_1043 : vector<1x1x16xf32> to vector<16xf32>
      %parallel_loop3A_1045 = vector.shape_cast %parallel_loop3A_1038 : vector<16xf32> to vector<1x1x16xf32>
      tpu.vector_store %arg9[%parallel_loop3A_1040, %parallel_loop3A_1041, %parallel_loop3A_1042], %parallel_loop3A_1045 {strides = array<i32>} : memref<2x200x64xf32, #tpu.memory_space<vmem>>, vector<1x1x16xf32>,
      %parallel_loop3A_1046 = arith.constant 1 : i32
      %parallel_loop3A_1047 = arith.index_cast %parallel_loop3A_1046 : i32 to index
      %parallel_loop3A_1048 = arith.index_cast %parallel_loop3A_1003 : i32 to index
      %parallel_loop3A_1049 = arith.constant 32 : index
      %parallel_loop3A_1050 = tpu.vector_load %arg8[%parallel_loop3A_1047, %parallel_loop3A_1048, %parallel_loop3A_1049] {strides = array<i32>} : memref<2x200x128xf32, #tpu.memory_space<vmem>>, vector<1x1x16xf32>,
      %parallel_loop3A_1051 = vector.shape_cast %parallel_loop3A_1050 : vector<1x1x16xf32> to vector<16xf32>
      %parallel_loop3A_1052 = arith.constant 64 : i32
      %parallel_loop3A_1053 = arith.muli %parallel_loop3A_1003, %parallel_loop3A_1052 : i32
      %parallel_loop3A_1054 = arith.constant 32 : i32
      %parallel_loop3A_1055 = arith.addi %parallel_loop3A_1053, %parallel_loop3A_1054 : i32
      %parallel_loop3A_1056 = arith.index_cast %parallel_loop3A_1055 : i32 to index
      %parallel_loop3A_1057 = tpu.vector_load %arg7[%parallel_loop3A_1056] {strides = array<i32>} : memref<12800xf32, #tpu.memory_space<vmem>>, vector<16xf32>,
      %parallel_loop3A_1058 = vector.shape_cast %parallel_loop3A_1057 : vector<16xf32> to vector<16xf32>
      %parallel_loop3A_1059 = arith.addf %parallel_loop3A_1051, %parallel_loop3A_1058 : vector<16xf32>
      %parallel_loop3A_1060 = arith.constant 1 : i32
      %parallel_loop3A_1061 = arith.index_cast %parallel_loop3A_1060 : i32 to index
      %parallel_loop3A_1062 = arith.index_cast %parallel_loop3A_1003 : i32 to index
      %parallel_loop3A_1063 = arith.constant 32 : index
      %parallel_loop3A_1064 = tpu.vector_load %arg9[%parallel_loop3A_1061, %parallel_loop3A_1062, %parallel_loop3A_1063] {strides = array<i32>} : memref<2x200x64xf32, #tpu.memory_space<vmem>>, vector<1x1x16xf32>,
      %parallel_loop3A_1065 = vector.shape_cast %parallel_loop3A_1064 : vector<1x1x16xf32> to vector<16xf32>
      %parallel_loop3A_1066 = vector.shape_cast %parallel_loop3A_1059 : vector<16xf32> to vector<1x1x16xf32>
      tpu.vector_store %arg9[%parallel_loop3A_1061, %parallel_loop3A_1062, %parallel_loop3A_1063], %parallel_loop3A_1066 {strides = array<i32>} : memref<2x200x64xf32, #tpu.memory_space<vmem>>, vector<1x1x16xf32>,
      %parallel_loop3A_1067 = arith.constant 1 : i32
      %parallel_loop3A_1068 = arith.index_cast %parallel_loop3A_1067 : i32 to index
      %parallel_loop3A_1069 = arith.index_cast %parallel_loop3A_1003 : i32 to index
      %parallel_loop3A_1070 = arith.constant 48 : index
      %parallel_loop3A_1071 = tpu.vector_load %arg8[%parallel_loop3A_1068, %parallel_loop3A_1069, %parallel_loop3A_1070] {strides = array<i32>} : memref<2x200x128xf32, #tpu.memory_space<vmem>>, vector<1x1x16xf32>,
      %parallel_loop3A_1072 = vector.shape_cast %parallel_loop3A_1071 : vector<1x1x16xf32> to vector<16xf32>
      %parallel_loop3A_1073 = arith.constant 64 : i32
      %parallel_loop3A_1074 = arith.muli %parallel_loop3A_1003, %parallel_loop3A_1073 : i32
      %parallel_loop3A_1075 = arith.constant 48 : i32
      %parallel_loop3A_1076 = arith.addi %parallel_loop3A_1074, %parallel_loop3A_1075 : i32
      %parallel_loop3A_1077 = arith.index_cast %parallel_loop3A_1076 : i32 to index
      %parallel_loop3A_1078 = tpu.vector_load %arg7[%parallel_loop3A_1077] {strides = array<i32>} : memref<12800xf32, #tpu.memory_space<vmem>>, vector<16xf32>,
      %parallel_loop3A_1079 = vector.shape_cast %parallel_loop3A_1078 : vector<16xf32> to vector<16xf32>
      %parallel_loop3A_1080 = arith.addf %parallel_loop3A_1072, %parallel_loop3A_1079 : vector<16xf32>
      %parallel_loop3A_1081 = arith.constant 1 : i32
      %parallel_loop3A_1082 = arith.index_cast %parallel_loop3A_1081 : i32 to index
      %parallel_loop3A_1083 = arith.index_cast %parallel_loop3A_1003 : i32 to index
      %parallel_loop3A_1084 = arith.constant 48 : index
      %parallel_loop3A_1085 = tpu.vector_load %arg9[%parallel_loop3A_1082, %parallel_loop3A_1083, %parallel_loop3A_1084] {strides = array<i32>} : memref<2x200x64xf32, #tpu.memory_space<vmem>>, vector<1x1x16xf32>,
      %parallel_loop3A_1086 = vector.shape_cast %parallel_loop3A_1085 : vector<1x1x16xf32> to vector<16xf32>
      %parallel_loop3A_1087 = vector.shape_cast %parallel_loop3A_1080 : vector<16xf32> to vector<1x1x16xf32>
      tpu.vector_store %arg9[%parallel_loop3A_1082, %parallel_loop3A_1083, %parallel_loop3A_1084], %parallel_loop3A_1087 {strides = array<i32>} : memref<2x200x64xf32, #tpu.memory_space<vmem>>, vector<1x1x16xf32>,
    } {sc.loop_unroll_factor = 1 : i64, sc.parallel_access}
    %add3A_195 = arith.constant 1 : i32
    %add3A_196 = arith.addi %mul3A_2, %add3A_195 : i32
    %dma_start3A_197 = arith.constant 1 : i32
    %dma_start3A_198 = arith.constant 1 : i32
    %dma_start3A_199 = arith.constant 0 : i32
    %dma_start3A_200 = arith.constant 0 : i32
    %dma_start3A_201 = tpu.memref_slice %arg9[%dma_start3A_197, %dma_start3A_199, %dma_start3A_200] : memref<2x200x64xf32, #tpu.memory_space<vmem>> -> memref<1x200x64xf32, #tpu.memory_space<vmem>>
    %dma_start3A_202 = tpu.memref_squeeze %dma_start3A_201 : memref<1x200x64xf32, #tpu.memory_space<vmem>> -> memref<200x64xf32, #tpu.memory_space<vmem>>
    %dma_start3A_203 = arith.constant 0 : i32
    %dma_start3A_204 = arith.constant 0 : i32
    %dma_start3A_205 = tpu.memref_slice %arg5[%add3A_196, %dma_start3A_203, %dma_start3A_204] : memref<4096x200x64xf32, #tpu.memory_space<hbm>> -> memref<1x200x64xf32, #tpu.memory_space<hbm>>
    %dma_start3A_206 = tpu.memref_squeeze %dma_start3A_205 : memref<1x200x64xf32, #tpu.memory_space<hbm>> -> memref<200x64xf32, #tpu.memory_space<hbm>>
    %dma_start3A_207 = tpu.memref_slice %arg12[%dma_start3A_198] : memref<2x!tpu.dma_semaphore, #tpu.memory_space<semaphore_mem>> -> memref<1x!tpu.dma_semaphore, #tpu.memory_space<semaphore_mem>>
    %dma_start3A_208 = tpu.memref_squeeze %dma_start3A_207 : memref<1x!tpu.dma_semaphore, #tpu.memory_space<semaphore_mem>> -> memref<!tpu.dma_semaphore, #tpu.memory_space<semaphore_mem>>
    %dma_start3A_209 = arith.constant 0 : i32
    %dma_start3A_210 = arith.constant 0 : i32
    %dma_start3A_211 = tpu.memref_slice %arg5[%add3A_196, %dma_start3A_209, %dma_start3A_210] : memref<4096x200x64xf32, #tpu.memory_space<hbm>> -> memref<1x200x64xf32, #tpu.memory_space<hbm>>
    %dma_start3A_212 = tpu.memref_squeeze %dma_start3A_211 : memref<1x200x64xf32, #tpu.memory_space<hbm>> -> memref<200x64xf32, #tpu.memory_space<hbm>>
    %dma_start3A_213 = arith.constant 0 : i32
    %dma_start3A_214 = arith.constant 0 : i32
    %dma_start3A_215 = tpu.memref_slice %arg9[%dma_start3A_197, %dma_start3A_213, %dma_start3A_214] : memref<2x200x64xf32, #tpu.memory_space<vmem>> -> memref<1x200x64xf32, #tpu.memory_space<vmem>>
    %dma_start3A_216 = tpu.memref_squeeze %dma_start3A_215 : memref<1x200x64xf32, #tpu.memory_space<vmem>> -> memref<200x64xf32, #tpu.memory_space<vmem>>
    tpu.enqueue_dma source(%dma_start3A_216 : memref<200x64xf32, #tpu.memory_space<vmem>>) target(%dma_start3A_212 : memref<200x64xf32, #tpu.memory_space<hbm>>) target_semaphore(%dma_start3A_208 : memref<!tpu.dma_semaphore, #tpu.memory_space<semaphore_mem>>)
    %scan3A = arith.constant 0 : i32
    %scan3A_217 = arith.constant 1 : i32
    %scan3A_218 = arith.constant 30 : i32
    %scan3A_219 = arith.addi %scan3A_217, %scan3A_218 : i32
    %scan3A_220 = arith.constant 1 : i32
    scf.for %scan3A_915 = %scan3A_217 to %scan3A_219 step %scan3A_220  : i32 {
      %mul3A_916 = arith.constant 2 : i32
      %mul3A_917 = arith.muli %scan3A_915, %mul3A_916 : i32
      %add3A_918 = arith.constant 1 : i32
      %add3A_919 = arith.addi %mul3A_917, %add3A_918 : i32
      %rem3A_920 = arith.constant 64 : i32
      %rem3A_921 = arith.remsi %add3A_919, %rem3A_920 : i32
      %mul3A_922 = arith.constant 200 : i32
      %mul3A_923 = arith.muli %rem3A_921, %mul3A_922 : i32
      %multiple_of3A_924 = tpu.assume_multiple %mul3A_923, 8 : i32
      %add3A_925 = arith.constant 128 : i32
      %add3A_926 = arith.addi %multiple_of3A_924, %add3A_925 : i32
      %dma_start3A_927 = arith.constant 1 : i32
      %dma_start3A_928 = arith.constant 1 : i32
      %dma_start3A_929 = arith.constant 0 : i32
      %dma_start3A_930 = arith.constant 0 : i32
      %dma_start3A_931 = tpu.memref_slice %arg8[%dma_start3A_927, %dma_start3A_929, %dma_start3A_930] : memref<2x200x128xf32, #tpu.memory_space<vmem>> -> memref<1x128x128xf32, #tpu.memory_space<vmem>>
      %dma_start3A_932 = tpu.memref_squeeze %dma_start3A_931 : memref<1x128x128xf32, #tpu.memory_space<vmem>> -> memref<128x128xf32, #tpu.memory_space<vmem>>
      %dma_start3A_933 = tpu.memref_slice %arg6[%multiple_of3A_924] : memref<12800xi32, #tpu.memory_space<vmem>> -> memref<128xi32, #tpu.memory_space<vmem>>
      %dma_start3A_934 = arith.constant 0 : i32
      %dma_start3A_935 = arith.constant 0 : i32
      %dma_start3A_936 = tpu.memref_slice %arg4[%dma_start3A_934, %dma_start3A_935] : memref<100000x128xf32, #tpu.memory_space<hbm>> -> memref<100000x128xf32, #tpu.memory_space<hbm>>
      %dma_start3A_937 = tpu.memref_slice %arg11[%dma_start3A_928] : memref<2x!tpu.dma_semaphore, #tpu.memory_space<semaphore_mem>> -> memref<1x!tpu.dma_semaphore, #tpu.memory_space<semaphore_mem>>
      %dma_start3A_938 = tpu.memref_squeeze %dma_start3A_937 : memref<1x!tpu.dma_semaphore, #tpu.memory_space<semaphore_mem>> -> memref<!tpu.dma_semaphore, #tpu.memory_space<semaphore_mem>>
      tpu.enqueue_indirect_dma source(%dma_start3A_936 : memref<100000x128xf32, #tpu.memory_space<hbm>>) target(%dma_start3A_932 : memref<128x128xf32, #tpu.memory_space<vmem>>) offsets(%dma_start3A_933 : memref<128xi32, #tpu.memory_space<vmem>>) semaphore(%dma_start3A_938 : memref<!tpu.dma_semaphore, #tpu.memory_space<semaphore_mem>>)
      %dma_start3A_939 = arith.constant 1 : i32
      %dma_start3A_940 = arith.constant 1 : i32
      %dma_start3A_941 = arith.constant 128 : i32
      %dma_start3A_942 = arith.constant 0 : i32
      %dma_start3A_943 = tpu.memref_slice %arg8[%dma_start3A_939, %dma_start3A_941, %dma_start3A_942] : memref<2x200x128xf32, #tpu.memory_space<vmem>> -> memref<1x72x128xf32, #tpu.memory_space<vmem>>
      %dma_start3A_944 = tpu.memref_squeeze %dma_start3A_943 : memref<1x72x128xf32, #tpu.memory_space<vmem>> -> memref<72x128xf32, #tpu.memory_space<vmem>>
      %dma_start3A_945 = tpu.memref_slice %arg6[%add3A_926] : memref<12800xi32, #tpu.memory_space<vmem>> -> memref<72xi32, #tpu.memory_space<vmem>>
      %dma_start3A_946 = arith.constant 0 : i32
      %dma_start3A_947 = arith.constant 0 : i32
      %dma_start3A_948 = tpu.memref_slice %arg4[%dma_start3A_946, %dma_start3A_947] : memref<100000x128xf32, #tpu.memory_space<hbm>> -> memref<100000x128xf32, #tpu.memory_space<hbm>>
      %dma_start3A_949 = tpu.memref_slice %arg11[%dma_start3A_940] : memref<2x!tpu.dma_semaphore, #tpu.memory_space<semaphore_mem>> -> memref<1x!tpu.dma_semaphore, #tpu.memory_space<semaphore_mem>>
      %dma_start3A_950 = tpu.memref_squeeze %dma_start3A_949 : memref<1x!tpu.dma_semaphore, #tpu.memory_space<semaphore_mem>> -> memref<!tpu.dma_semaphore, #tpu.memory_space<semaphore_mem>>
      tpu.enqueue_indirect_dma source(%dma_start3A_948 : memref<100000x128xf32, #tpu.memory_space<hbm>>) target(%dma_start3A_944 : memref<72x128xf32, #tpu.memory_space<vmem>>) offsets(%dma_start3A_945 : memref<72xi32, #tpu.memory_space<vmem>>) semaphore(%dma_start3A_950 : memref<!tpu.dma_semaphore, #tpu.memory_space<semaphore_mem>>)
      %rem3A_951 = arith.constant 64 : i32
      %rem3A_952 = arith.remsi %mul3A_917, %rem3A_951 : i32
      %mul3A_953 = arith.constant 200 : i32
      %mul3A_954 = arith.muli %rem3A_952, %mul3A_953 : i32
      %multiple_of3A_955 = tpu.assume_multiple %mul3A_954, 8 : i32
      %add3A_956 = arith.constant 128 : i32
      %add3A_957 = arith.addi %multiple_of3A_955, %add3A_956 : i32
      %dma_wait3A_958 = arith.constant 0 : i32
      %dma_wait3A_959 = arith.constant 0 : i32
      %dma_wait3A_960 = arith.constant 0 : i32
      %dma_wait3A_961 = arith.constant 0 : i32
      %dma_wait3A_962 = tpu.memref_slice %arg8[%dma_wait3A_958, %dma_wait3A_960, %dma_wait3A_961] : memref<2x200x128xf32, #tpu.memory_space<vmem>> -> memref<1x128x128xf32, #tpu.memory_space<vmem>>
      %dma_wait3A_963 = tpu.memref_squeeze %dma_wait3A_962 : memref<1x128x128xf32, #tpu.memory_space<vmem>> -> memref<128x128xf32, #tpu.memory_space<vmem>>
      %dma_wait3A_964 = tpu.memref_slice %arg6[%multiple_of3A_955] : memref<12800xi32, #tpu.memory_space<vmem>> -> memref<128xi32, #tpu.memory_space<vmem>>
      %dma_wait3A_965 = arith.constant 0 : i32
      %dma_wait3A_966 = arith.constant 0 : i32
      %dma_wait3A_967 = tpu.memref_slice %arg4[%dma_wait3A_965, %dma_wait3A_966] : memref<100000x128xf32, #tpu.memory_space<hbm>> -> memref<100000x128xf32, #tpu.memory_space<hbm>>
      %dma_wait3A_968 = tpu.memref_slice %arg11[%dma_wait3A_959] : memref<2x!tpu.dma_semaphore, #tpu.memory_space<semaphore_mem>> -> memref<1x!tpu.dma_semaphore, #tpu.memory_space<semaphore_mem>>
      %dma_wait3A_969 = tpu.memref_squeeze %dma_wait3A_968 : memref<1x!tpu.dma_semaphore, #tpu.memory_space<semaphore_mem>> -> memref<!tpu.dma_semaphore, #tpu.memory_space<semaphore_mem>>
      tpu.wait_indirect_dma semaphore(%dma_wait3A_969 : memref<!tpu.dma_semaphore, #tpu.memory_space<semaphore_mem>>) src(%dma_wait3A_967 : memref<100000x128xf32, #tpu.memory_space<hbm>>) dst(%dma_wait3A_963 : memref<128x128xf32, #tpu.memory_space<vmem>>)
      %dma_wait3A_970 = arith.constant 0 : i32
      %dma_wait3A_971 = arith.constant 0 : i32
      %dma_wait3A_972 = arith.constant 128 : i32
      %dma_wait3A_973 = arith.constant 0 : i32
      %dma_wait3A_974 = tpu.memref_slice %arg8[%dma_wait3A_970, %dma_wait3A_972, %dma_wait3A_973] : memref<2x200x128xf32, #tpu.memory_space<vmem>> -> memref<1x72x128xf32, #tpu.memory_space<vmem>>
      %dma_wait3A_975 = tpu.memref_squeeze %dma_wait3A_974 : memref<1x72x128xf32, #tpu.memory_space<vmem>> -> memref<72x128xf32, #tpu.memory_space<vmem>>
      %dma_wait3A_976 = tpu.memref_slice %arg6[%add3A_957] : memref<12800xi32, #tpu.memory_space<vmem>> -> memref<72xi32, #tpu.memory_space<vmem>>
      %dma_wait3A_977 = arith.constant 0 : i32
      %dma_wait3A_978 = arith.constant 0 : i32
      %dma_wait3A_979 = tpu.memref_slice %arg4[%dma_wait3A_977, %dma_wait3A_978] : memref<100000x128xf32, #tpu.memory_space<hbm>> -> memref<100000x128xf32, #tpu.memory_space<hbm>>
      %dma_wait3A_980 = tpu.memref_slice %arg11[%dma_wait3A_971] : memref<2x!tpu.dma_semaphore, #tpu.memory_space<semaphore_mem>> -> memref<1x!tpu.dma_semaphore, #tpu.memory_space<semaphore_mem>>
      %dma_wait3A_981 = tpu.memref_squeeze %dma_wait3A_980 : memref<1x!tpu.dma_semaphore, #tpu.memory_space<semaphore_mem>> -> memref<!tpu.dma_semaphore, #tpu.memory_space<semaphore_mem>>
      tpu.wait_indirect_dma semaphore(%dma_wait3A_981 : memref<!tpu.dma_semaphore, #tpu.memory_space<semaphore_mem>>) src(%dma_wait3A_979 : memref<100000x128xf32, #tpu.memory_space<hbm>>) dst(%dma_wait3A_975 : memref<72x128xf32, #tpu.memory_space<vmem>>)
      %sub3A = arith.constant 2 : i32
      %sub3A_982 = arith.subi %mul3A_917, %sub3A : i32
      %add3A_983 = arith.addi %mul3A_2, %sub3A_982 : i32
      %dma_wait3A_984 = arith.constant 0 : i32
      %dma_wait3A_985 = arith.constant 0 : i32
      %dma_wait3A_986 = arith.constant 0 : i32
      %dma_wait3A_987 = arith.constant 0 : i32
      %dma_wait3A_988 = tpu.memref_slice %arg9[%dma_wait3A_984, %dma_wait3A_986, %dma_wait3A_987] : memref<2x200x64xf32, #tpu.memory_space<vmem>> -> memref<1x200x64xf32, #tpu.memory_space<vmem>>
      %dma_wait3A_989 = tpu.memref_squeeze %dma_wait3A_988 : memref<1x200x64xf32, #tpu.memory_space<vmem>> -> memref<200x64xf32, #tpu.memory_space<vmem>>
      %dma_wait3A_990 = arith.constant 0 : i32
      %dma_wait3A_991 = arith.constant 0 : i32
      %dma_wait3A_992 = tpu.memref_slice %arg5[%add3A_983, %dma_wait3A_990, %dma_wait3A_991] : memref<4096x200x64xf32, #tpu.memory_space<hbm>> -> memref<1x200x64xf32, #tpu.memory_space<hbm>>
      %dma_wait3A_993 = tpu.memref_squeeze %dma_wait3A_992 : memref<1x200x64xf32, #tpu.memory_space<hbm>> -> memref<200x64xf32, #tpu.memory_space<hbm>>
      %dma_wait3A_994 = tpu.memref_slice %arg12[%dma_wait3A_985] : memref<2x!tpu.dma_semaphore, #tpu.memory_space<semaphore_mem>> -> memref<1x!tpu.dma_semaphore, #tpu.memory_space<semaphore_mem>>
      %dma_wait3A_995 = tpu.memref_squeeze %dma_wait3A_994 : memref<1x!tpu.dma_semaphore, #tpu.memory_space<semaphore_mem>> -> memref<!tpu.dma_semaphore, #tpu.memory_space<semaphore_mem>>
      %dma_wait3A_996 = arith.constant 0 : i32
      %dma_wait3A_997 = arith.constant 0 : i32
      %dma_wait3A_998 = tpu.memref_slice %arg5[%add3A_983, %dma_wait3A_996, %dma_wait3A_997] : memref<4096x200x64xf32, #tpu.memory_space<hbm>> -> memref<1x200x64xf32, #tpu.memory_space<hbm>>
      %dma_wait3A_999 = tpu.memref_squeeze %dma_wait3A_998 : memref<1x200x64xf32, #tpu.memory_space<hbm>> -> memref<200x64xf32, #tpu.memory_space<hbm>>
      %dma_wait3A_1000 = arith.constant 0 : i32
      %dma_wait3A_1001 = arith.constant 0 : i32
      %dma_wait3A_1002 = tpu.memref_slice %arg9[%dma_wait3A_984, %dma_wait3A_1000, %dma_wait3A_1001] : memref<2x200x64xf32, #tpu.memory_space<vmem>> -> memref<1x200x64xf32, #tpu.memory_space<vmem>>
      %dma_wait3A_1003 = tpu.memref_squeeze %dma_wait3A_1002 : memref<1x200x64xf32, #tpu.memory_space<vmem>> -> memref<200x64xf32, #tpu.memory_space<vmem>>
      tpu.wait_dma2 semaphore(%dma_wait3A_995 : memref<!tpu.dma_semaphore, #tpu.memory_space<semaphore_mem>>) src(%dma_wait3A_1003 : memref<200x64xf32, #tpu.memory_space<vmem>>) dst(%dma_wait3A_999 : memref<200x64xf32, #tpu.memory_space<hbm>>)
      %parallel_loop3A_1004 = arith.constant 0 : i32
      %parallel_loop3A_1005 = arith.constant 200 : i32
      %parallel_loop3A_1006 = arith.constant 2 : i32
      scf.for %parallel_loop3A_1141 = %parallel_loop3A_1004 to %parallel_loop3A_1005 step %parallel_loop3A_1006  : i32 {
        %parallel_loop3A_1142 = arith.constant 0 : i32
        %parallel_loop3A_1143 = arith.addi %parallel_loop3A_1141, %parallel_loop3A_1142 : i32
        %parallel_loop3A_1144 = arith.constant 0 : i32
        %parallel_loop3A_1145 = arith.index_cast %parallel_loop3A_1144 : i32 to index
        %parallel_loop3A_1146 = arith.index_cast %parallel_loop3A_1143 : i32 to index
        %parallel_loop3A_1147 = arith.constant 0 : index
        %parallel_loop3A_1148 = tpu.vector_load %arg8[%parallel_loop3A_1145, %parallel_loop3A_1146, %parallel_loop3A_1147] {strides = array<i32>} : memref<2x200x128xf32, #tpu.memory_space<vmem>>, vector<1x1x16xf32>,
        %parallel_loop3A_1149 = vector.shape_cast %parallel_loop3A_1148 : vector<1x1x16xf32> to vector<16xf32>
        %parallel_loop3A_1150 = arith.constant 64 : i32
        %parallel_loop3A_1151 = arith.muli %parallel_loop3A_1143, %parallel_loop3A_1150 : i32
        %parallel_loop3A_1152 = arith.constant 0 : i32
        %parallel_loop3A_1153 = arith.addi %parallel_loop3A_1151, %parallel_loop3A_1152 : i32
        %parallel_loop3A_1154 = arith.index_cast %parallel_loop3A_1153 : i32 to index
        %parallel_loop3A_1155 = tpu.vector_load %arg7[%parallel_loop3A_1154] {strides = array<i32>} : memref<12800xf32, #tpu.memory_space<vmem>>, vector<16xf32>,
        %parallel_loop3A_1156 = vector.shape_cast %parallel_loop3A_1155 : vector<16xf32> to vector<16xf32>
        %parallel_loop3A_1157 = arith.addf %parallel_loop3A_1149, %parallel_loop3A_1156 : vector<16xf32>
        %parallel_loop3A_1158 = arith.constant 0 : i32
        %parallel_loop3A_1159 = arith.index_cast %parallel_loop3A_1158 : i32 to index
        %parallel_loop3A_1160 = arith.index_cast %parallel_loop3A_1143 : i32 to index
        %parallel_loop3A_1161 = arith.constant 0 : index
        %parallel_loop3A_1162 = tpu.vector_load %arg9[%parallel_loop3A_1159, %parallel_loop3A_1160, %parallel_loop3A_1161] {strides = array<i32>} : memref<2x200x64xf32, #tpu.memory_space<vmem>>, vector<1x1x16xf32>,
        %parallel_loop3A_1163 = vector.shape_cast %parallel_loop3A_1162 : vector<1x1x16xf32> to vector<16xf32>
        %parallel_loop3A_1164 = vector.shape_cast %parallel_loop3A_1157 : vector<16xf32> to vector<1x1x16xf32>
        tpu.vector_store %arg9[%parallel_loop3A_1159, %parallel_loop3A_1160, %parallel_loop3A_1161], %parallel_loop3A_1164 {strides = array<i32>} : memref<2x200x64xf32, #tpu.memory_space<vmem>>, vector<1x1x16xf32>,
        %parallel_loop3A_1165 = arith.constant 0 : i32
        %parallel_loop3A_1166 = arith.index_cast %parallel_loop3A_1165 : i32 to index
        %parallel_loop3A_1167 = arith.index_cast %parallel_loop3A_1143 : i32 to index
        %parallel_loop3A_1168 = arith.constant 16 : index
        %parallel_loop3A_1169 = tpu.vector_load %arg8[%parallel_loop3A_1166, %parallel_loop3A_1167, %parallel_loop3A_1168] {strides = array<i32>} : memref<2x200x128xf32, #tpu.memory_space<vmem>>, vector<1x1x16xf32>,
        %parallel_loop3A_1170 = vector.shape_cast %parallel_loop3A_1169 : vector<1x1x16xf32> to vector<16xf32>
        %parallel_loop3A_1171 = arith.constant 64 : i32
        %parallel_loop3A_1172 = arith.muli %parallel_loop3A_1143, %parallel_loop3A_1171 : i32
        %parallel_loop3A_1173 = arith.constant 16 : i32
        %parallel_loop3A_1174 = arith.addi %parallel_loop3A_1172, %parallel_loop3A_1173 : i32
        %parallel_loop3A_1175 = arith.index_cast %parallel_loop3A_1174 : i32 to index
        %parallel_loop3A_1176 = tpu.vector_load %arg7[%parallel_loop3A_1175] {strides = array<i32>} : memref<12800xf32, #tpu.memory_space<vmem>>, vector<16xf32>,
        %parallel_loop3A_1177 = vector.shape_cast %parallel_loop3A_1176 : vector<16xf32> to vector<16xf32>
        %parallel_loop3A_1178 = arith.addf %parallel_loop3A_1170, %parallel_loop3A_1177 : vector<16xf32>
        %parallel_loop3A_1179 = arith.constant 0 : i32
        %parallel_loop3A_1180 = arith.index_cast %parallel_loop3A_1179 : i32 to index
        %parallel_loop3A_1181 = arith.index_cast %parallel_loop3A_1143 : i32 to index
        %parallel_loop3A_1182 = arith.constant 16 : index
        %parallel_loop3A_1183 = tpu.vector_load %arg9[%parallel_loop3A_1180, %parallel_loop3A_1181, %parallel_loop3A_1182] {strides = array<i32>} : memref<2x200x64xf32, #tpu.memory_space<vmem>>, vector<1x1x16xf32>,
        %parallel_loop3A_1184 = vector.shape_cast %parallel_loop3A_1183 : vector<1x1x16xf32> to vector<16xf32>
        %parallel_loop3A_1185 = vector.shape_cast %parallel_loop3A_1178 : vector<16xf32> to vector<1x1x16xf32>
        tpu.vector_store %arg9[%parallel_loop3A_1180, %parallel_loop3A_1181, %parallel_loop3A_1182], %parallel_loop3A_1185 {strides = array<i32>} : memref<2x200x64xf32, #tpu.memory_space<vmem>>, vector<1x1x16xf32>,
        %parallel_loop3A_1186 = arith.constant 0 : i32
        %parallel_loop3A_1187 = arith.index_cast %parallel_loop3A_1186 : i32 to index
        %parallel_loop3A_1188 = arith.index_cast %parallel_loop3A_1143 : i32 to index
        %parallel_loop3A_1189 = arith.constant 32 : index
        %parallel_loop3A_1190 = tpu.vector_load %arg8[%parallel_loop3A_1187, %parallel_loop3A_1188, %parallel_loop3A_1189] {strides = array<i32>} : memref<2x200x128xf32, #tpu.memory_space<vmem>>, vector<1x1x16xf32>,
        %parallel_loop3A_1191 = vector.shape_cast %parallel_loop3A_1190 : vector<1x1x16xf32> to vector<16xf32>
        %parallel_loop3A_1192 = arith.constant 64 : i32
        %parallel_loop3A_1193 = arith.muli %parallel_loop3A_1143, %parallel_loop3A_1192 : i32
        %parallel_loop3A_1194 = arith.constant 32 : i32
        %parallel_loop3A_1195 = arith.addi %parallel_loop3A_1193, %parallel_loop3A_1194 : i32
        %parallel_loop3A_1196 = arith.index_cast %parallel_loop3A_1195 : i32 to index
        %parallel_loop3A_1197 = tpu.vector_load %arg7[%parallel_loop3A_1196] {strides = array<i32>} : memref<12800xf32, #tpu.memory_space<vmem>>, vector<16xf32>,
        %parallel_loop3A_1198 = vector.shape_cast %parallel_loop3A_1197 : vector<16xf32> to vector<16xf32>
        %parallel_loop3A_1199 = arith.addf %parallel_loop3A_1191, %parallel_loop3A_1198 : vector<16xf32>
        %parallel_loop3A_1200 = arith.constant 0 : i32
        %parallel_loop3A_1201 = arith.index_cast %parallel_loop3A_1200 : i32 to index
        %parallel_loop3A_1202 = arith.index_cast %parallel_loop3A_1143 : i32 to index
        %parallel_loop3A_1203 = arith.constant 32 : index
        %parallel_loop3A_1204 = tpu.vector_load %arg9[%parallel_loop3A_1201, %parallel_loop3A_1202, %parallel_loop3A_1203] {strides = array<i32>} : memref<2x200x64xf32, #tpu.memory_space<vmem>>, vector<1x1x16xf32>,
        %parallel_loop3A_1205 = vector.shape_cast %parallel_loop3A_1204 : vector<1x1x16xf32> to vector<16xf32>
        %parallel_loop3A_1206 = vector.shape_cast %parallel_loop3A_1199 : vector<16xf32> to vector<1x1x16xf32>
        tpu.vector_store %arg9[%parallel_loop3A_1201, %parallel_loop3A_1202, %parallel_loop3A_1203], %parallel_loop3A_1206 {strides = array<i32>} : memref<2x200x64xf32, #tpu.memory_space<vmem>>, vector<1x1x16xf32>,
        %parallel_loop3A_1207 = arith.constant 0 : i32
        %parallel_loop3A_1208 = arith.index_cast %parallel_loop3A_1207 : i32 to index
        %parallel_loop3A_1209 = arith.index_cast %parallel_loop3A_1143 : i32 to index
        %parallel_loop3A_1210 = arith.constant 48 : index
        %parallel_loop3A_1211 = tpu.vector_load %arg8[%parallel_loop3A_1208, %parallel_loop3A_1209, %parallel_loop3A_1210] {strides = array<i32>} : memref<2x200x128xf32, #tpu.memory_space<vmem>>, vector<1x1x16xf32>,
        %parallel_loop3A_1212 = vector.shape_cast %parallel_loop3A_1211 : vector<1x1x16xf32> to vector<16xf32>
        %parallel_loop3A_1213 = arith.constant 64 : i32
        %parallel_loop3A_1214 = arith.muli %parallel_loop3A_1143, %parallel_loop3A_1213 : i32
        %parallel_loop3A_1215 = arith.constant 48 : i32
        %parallel_loop3A_1216 = arith.addi %parallel_loop3A_1214, %parallel_loop3A_1215 : i32
        %parallel_loop3A_1217 = arith.index_cast %parallel_loop3A_1216 : i32 to index
        %parallel_loop3A_1218 = tpu.vector_load %arg7[%parallel_loop3A_1217] {strides = array<i32>} : memref<12800xf32, #tpu.memory_space<vmem>>, vector<16xf32>,
        %parallel_loop3A_1219 = vector.shape_cast %parallel_loop3A_1218 : vector<16xf32> to vector<16xf32>
        %parallel_loop3A_1220 = arith.addf %parallel_loop3A_1212, %parallel_loop3A_1219 : vector<16xf32>
        %parallel_loop3A_1221 = arith.constant 0 : i32
        %parallel_loop3A_1222 = arith.index_cast %parallel_loop3A_1221 : i32 to index
        %parallel_loop3A_1223 = arith.index_cast %parallel_loop3A_1143 : i32 to index
        %parallel_loop3A_1224 = arith.constant 48 : index
        %parallel_loop3A_1225 = tpu.vector_load %arg9[%parallel_loop3A_1222, %parallel_loop3A_1223, %parallel_loop3A_1224] {strides = array<i32>} : memref<2x200x64xf32, #tpu.memory_space<vmem>>, vector<1x1x16xf32>,
        %parallel_loop3A_1226 = vector.shape_cast %parallel_loop3A_1225 : vector<1x1x16xf32> to vector<16xf32>
        %parallel_loop3A_1227 = vector.shape_cast %parallel_loop3A_1220 : vector<16xf32> to vector<1x1x16xf32>
        tpu.vector_store %arg9[%parallel_loop3A_1222, %parallel_loop3A_1223, %parallel_loop3A_1224], %parallel_loop3A_1227 {strides = array<i32>} : memref<2x200x64xf32, #tpu.memory_space<vmem>>, vector<1x1x16xf32>,
        %parallel_loop3A_1228 = arith.constant 1 : i32
        %parallel_loop3A_1229 = arith.addi %parallel_loop3A_1141, %parallel_loop3A_1228 : i32
        %parallel_loop3A_1230 = arith.constant 0 : i32
        %parallel_loop3A_1231 = arith.index_cast %parallel_loop3A_1230 : i32 to index
        %parallel_loop3A_1232 = arith.index_cast %parallel_loop3A_1229 : i32 to index
        %parallel_loop3A_1233 = arith.constant 0 : index
        %parallel_loop3A_1234 = tpu.vector_load %arg8[%parallel_loop3A_1231, %parallel_loop3A_1232, %parallel_loop3A_1233] {strides = array<i32>} : memref<2x200x128xf32, #tpu.memory_space<vmem>>, vector<1x1x16xf32>,
        %parallel_loop3A_1235 = vector.shape_cast %parallel_loop3A_1234 : vector<1x1x16xf32> to vector<16xf32>
        %parallel_loop3A_1236 = arith.constant 64 : i32
        %parallel_loop3A_1237 = arith.muli %parallel_loop3A_1229, %parallel_loop3A_1236 : i32
        %parallel_loop3A_1238 = arith.constant 0 : i32
        %parallel_loop3A_1239 = arith.addi %parallel_loop3A_1237, %parallel_loop3A_1238 : i32
        %parallel_loop3A_1240 = arith.index_cast %parallel_loop3A_1239 : i32 to index
        %parallel_loop3A_1241 = tpu.vector_load %arg7[%parallel_loop3A_1240] {strides = array<i32>} : memref<12800xf32, #tpu.memory_space<vmem>>, vector<16xf32>,
        %parallel_loop3A_1242 = vector.shape_cast %parallel_loop3A_1241 : vector<16xf32> to vector<16xf32>
        %parallel_loop3A_1243 = arith.addf %parallel_loop3A_1235, %parallel_loop3A_1242 : vector<16xf32>
        %parallel_loop3A_1244 = arith.constant 0 : i32
        %parallel_loop3A_1245 = arith.index_cast %parallel_loop3A_1244 : i32 to index
        %parallel_loop3A_1246 = arith.index_cast %parallel_loop3A_1229 : i32 to index
        %parallel_loop3A_1247 = arith.constant 0 : index
        %parallel_loop3A_1248 = tpu.vector_load %arg9[%parallel_loop3A_1245, %parallel_loop3A_1246, %parallel_loop3A_1247] {strides = array<i32>} : memref<2x200x64xf32, #tpu.memory_space<vmem>>, vector<1x1x16xf32>,
        %parallel_loop3A_1249 = vector.shape_cast %parallel_loop3A_1248 : vector<1x1x16xf32> to vector<16xf32>
        %parallel_loop3A_1250 = vector.shape_cast %parallel_loop3A_1243 : vector<16xf32> to vector<1x1x16xf32>
        tpu.vector_store %arg9[%parallel_loop3A_1245, %parallel_loop3A_1246, %parallel_loop3A_1247], %parallel_loop3A_1250 {strides = array<i32>} : memref<2x200x64xf32, #tpu.memory_space<vmem>>, vector<1x1x16xf32>,
        %parallel_loop3A_1251 = arith.constant 0 : i32
        %parallel_loop3A_1252 = arith.index_cast %parallel_loop3A_1251 : i32 to index
        %parallel_loop3A_1253 = arith.index_cast %parallel_loop3A_1229 : i32 to index
        %parallel_loop3A_1254 = arith.constant 16 : index
        %parallel_loop3A_1255 = tpu.vector_load %arg8[%parallel_loop3A_1252, %parallel_loop3A_1253, %parallel_loop3A_1254] {strides = array<i32>} : memref<2x200x128xf32, #tpu.memory_space<vmem>>, vector<1x1x16xf32>,
        %parallel_loop3A_1256 = vector.shape_cast %parallel_loop3A_1255 : vector<1x1x16xf32> to vector<16xf32>
        %parallel_loop3A_1257 = arith.constant 64 : i32
        %parallel_loop3A_1258 = arith.muli %parallel_loop3A_1229, %parallel_loop3A_1257 : i32
        %parallel_loop3A_1259 = arith.constant 16 : i32
        %parallel_loop3A_1260 = arith.addi %parallel_loop3A_1258, %parallel_loop3A_1259 : i32
        %parallel_loop3A_1261 = arith.index_cast %parallel_loop3A_1260 : i32 to index
        %parallel_loop3A_1262 = tpu.vector_load %arg7[%parallel_loop3A_1261] {strides = array<i32>} : memref<12800xf32, #tpu.memory_space<vmem>>, vector<16xf32>,
        %parallel_loop3A_1263 = vector.shape_cast %parallel_loop3A_1262 : vector<16xf32> to vector<16xf32>
        %parallel_loop3A_1264 = arith.addf %parallel_loop3A_1256, %parallel_loop3A_1263 : vector<16xf32>
        %parallel_loop3A_1265 = arith.constant 0 : i32
        %parallel_loop3A_1266 = arith.index_cast %parallel_loop3A_1265 : i32 to index
        %parallel_loop3A_1267 = arith.index_cast %parallel_loop3A_1229 : i32 to index
        %parallel_loop3A_1268 = arith.constant 16 : index
        %parallel_loop3A_1269 = tpu.vector_load %arg9[%parallel_loop3A_1266, %parallel_loop3A_1267, %parallel_loop3A_1268] {strides = array<i32>} : memref<2x200x64xf32, #tpu.memory_space<vmem>>, vector<1x1x16xf32>,
        %parallel_loop3A_1270 = vector.shape_cast %parallel_loop3A_1269 : vector<1x1x16xf32> to vector<16xf32>
        %parallel_loop3A_1271 = vector.shape_cast %parallel_loop3A_1264 : vector<16xf32> to vector<1x1x16xf32>
        tpu.vector_store %arg9[%parallel_loop3A_1266, %parallel_loop3A_1267, %parallel_loop3A_1268], %parallel_loop3A_1271 {strides = array<i32>} : memref<2x200x64xf32, #tpu.memory_space<vmem>>, vector<1x1x16xf32>,
        %parallel_loop3A_1272 = arith.constant 0 : i32
        %parallel_loop3A_1273 = arith.index_cast %parallel_loop3A_1272 : i32 to index
        %parallel_loop3A_1274 = arith.index_cast %parallel_loop3A_1229 : i32 to index
        %parallel_loop3A_1275 = arith.constant 32 : index
        %parallel_loop3A_1276 = tpu.vector_load %arg8[%parallel_loop3A_1273, %parallel_loop3A_1274, %parallel_loop3A_1275] {strides = array<i32>} : memref<2x200x128xf32, #tpu.memory_space<vmem>>, vector<1x1x16xf32>,
        %parallel_loop3A_1277 = vector.shape_cast %parallel_loop3A_1276 : vector<1x1x16xf32> to vector<16xf32>
        %parallel_loop3A_1278 = arith.constant 64 : i32
        %parallel_loop3A_1279 = arith.muli %parallel_loop3A_1229, %parallel_loop3A_1278 : i32
        %parallel_loop3A_1280 = arith.constant 32 : i32
        %parallel_loop3A_1281 = arith.addi %parallel_loop3A_1279, %parallel_loop3A_1280 : i32
        %parallel_loop3A_1282 = arith.index_cast %parallel_loop3A_1281 : i32 to index
        %parallel_loop3A_1283 = tpu.vector_load %arg7[%parallel_loop3A_1282] {strides = array<i32>} : memref<12800xf32, #tpu.memory_space<vmem>>, vector<16xf32>,
        %parallel_loop3A_1284 = vector.shape_cast %parallel_loop3A_1283 : vector<16xf32> to vector<16xf32>
        %parallel_loop3A_1285 = arith.addf %parallel_loop3A_1277, %parallel_loop3A_1284 : vector<16xf32>
        %parallel_loop3A_1286 = arith.constant 0 : i32
        %parallel_loop3A_1287 = arith.index_cast %parallel_loop3A_1286 : i32 to index
        %parallel_loop3A_1288 = arith.index_cast %parallel_loop3A_1229 : i32 to index
        %parallel_loop3A_1289 = arith.constant 32 : index
        %parallel_loop3A_1290 = tpu.vector_load %arg9[%parallel_loop3A_1287, %parallel_loop3A_1288, %parallel_loop3A_1289] {strides = array<i32>} : memref<2x200x64xf32, #tpu.memory_space<vmem>>, vector<1x1x16xf32>,
        %parallel_loop3A_1291 = vector.shape_cast %parallel_loop3A_1290 : vector<1x1x16xf32> to vector<16xf32>
        %parallel_loop3A_1292 = vector.shape_cast %parallel_loop3A_1285 : vector<16xf32> to vector<1x1x16xf32>
        tpu.vector_store %arg9[%parallel_loop3A_1287, %parallel_loop3A_1288, %parallel_loop3A_1289], %parallel_loop3A_1292 {strides = array<i32>} : memref<2x200x64xf32, #tpu.memory_space<vmem>>, vector<1x1x16xf32>,
        %parallel_loop3A_1293 = arith.constant 0 : i32
        %parallel_loop3A_1294 = arith.index_cast %parallel_loop3A_1293 : i32 to index
        %parallel_loop3A_1295 = arith.index_cast %parallel_loop3A_1229 : i32 to index
        %parallel_loop3A_1296 = arith.constant 48 : index
        %parallel_loop3A_1297 = tpu.vector_load %arg8[%parallel_loop3A_1294, %parallel_loop3A_1295, %parallel_loop3A_1296] {strides = array<i32>} : memref<2x200x128xf32, #tpu.memory_space<vmem>>, vector<1x1x16xf32>,
        %parallel_loop3A_1298 = vector.shape_cast %parallel_loop3A_1297 : vector<1x1x16xf32> to vector<16xf32>
        %parallel_loop3A_1299 = arith.constant 64 : i32
        %parallel_loop3A_1300 = arith.muli %parallel_loop3A_1229, %parallel_loop3A_1299 : i32
        %parallel_loop3A_1301 = arith.constant 48 : i32
        %parallel_loop3A_1302 = arith.addi %parallel_loop3A_1300, %parallel_loop3A_1301 : i32
        %parallel_loop3A_1303 = arith.index_cast %parallel_loop3A_1302 : i32 to index
        %parallel_loop3A_1304 = tpu.vector_load %arg7[%parallel_loop3A_1303] {strides = array<i32>} : memref<12800xf32, #tpu.memory_space<vmem>>, vector<16xf32>,
        %parallel_loop3A_1305 = vector.shape_cast %parallel_loop3A_1304 : vector<16xf32> to vector<16xf32>
        %parallel_loop3A_1306 = arith.addf %parallel_loop3A_1298, %parallel_loop3A_1305 : vector<16xf32>
        %parallel_loop3A_1307 = arith.constant 0 : i32
        %parallel_loop3A_1308 = arith.index_cast %parallel_loop3A_1307 : i32 to index
        %parallel_loop3A_1309 = arith.index_cast %parallel_loop3A_1229 : i32 to index
        %parallel_loop3A_1310 = arith.constant 48 : index
        %parallel_loop3A_1311 = tpu.vector_load %arg9[%parallel_loop3A_1308, %parallel_loop3A_1309, %parallel_loop3A_1310] {strides = array<i32>} : memref<2x200x64xf32, #tpu.memory_space<vmem>>, vector<1x1x16xf32>,
        %parallel_loop3A_1312 = vector.shape_cast %parallel_loop3A_1311 : vector<1x1x16xf32> to vector<16xf32>
        %parallel_loop3A_1313 = vector.shape_cast %parallel_loop3A_1306 : vector<16xf32> to vector<1x1x16xf32>
        tpu.vector_store %arg9[%parallel_loop3A_1308, %parallel_loop3A_1309, %parallel_loop3A_1310], %parallel_loop3A_1313 {strides = array<i32>} : memref<2x200x64xf32, #tpu.memory_space<vmem>>, vector<1x1x16xf32>,
      } {sc.loop_unroll_factor = 1 : i64, sc.parallel_access}
      %add3A_1007 = arith.addi %mul3A_2, %mul3A_917 : i32
      %dma_start3A_1008 = arith.constant 0 : i32
      %dma_start3A_1009 = arith.constant 0 : i32
      %dma_start3A_1010 = arith.constant 0 : i32
      %dma_start3A_1011 = arith.constant 0 : i32
      %dma_start3A_1012 = tpu.memref_slice %arg9[%dma_start3A_1008, %dma_start3A_1010, %dma_start3A_1011] : memref<2x200x64xf32, #tpu.memory_space<vmem>> -> memref<1x200x64xf32, #tpu.memory_space<vmem>>
      %dma_start3A_1013 = tpu.memref_squeeze %dma_start3A_1012 : memref<1x200x64xf32, #tpu.memory_space<vmem>> -> memref<200x64xf32, #tpu.memory_space<vmem>>
      %dma_start3A_1014 = arith.constant 0 : i32
      %dma_start3A_1015 = arith.constant 0 : i32
      %dma_start3A_1016 = tpu.memref_slice %arg5[%add3A_1007, %dma_start3A_1014, %dma_start3A_1015] : memref<4096x200x64xf32, #tpu.memory_space<hbm>> -> memref<1x200x64xf32, #tpu.memory_space<hbm>>
      %dma_start3A_1017 = tpu.memref_squeeze %dma_start3A_1016 : memref<1x200x64xf32, #tpu.memory_space<hbm>> -> memref<200x64xf32, #tpu.memory_space<hbm>>
      %dma_start3A_1018 = tpu.memref_slice %arg12[%dma_start3A_1009] : memref<2x!tpu.dma_semaphore, #tpu.memory_space<semaphore_mem>> -> memref<1x!tpu.dma_semaphore, #tpu.memory_space<semaphore_mem>>
      %dma_start3A_1019 = tpu.memref_squeeze %dma_start3A_1018 : memref<1x!tpu.dma_semaphore, #tpu.memory_space<semaphore_mem>> -> memref<!tpu.dma_semaphore, #tpu.memory_space<semaphore_mem>>
      %dma_start3A_1020 = arith.constant 0 : i32
      %dma_start3A_1021 = arith.constant 0 : i32
      %dma_start3A_1022 = tpu.memref_slice %arg5[%add3A_1007, %dma_start3A_1020, %dma_start3A_1021] : memref<4096x200x64xf32, #tpu.memory_space<hbm>> -> memref<1x200x64xf32, #tpu.memory_space<hbm>>
      %dma_start3A_1023 = tpu.memref_squeeze %dma_start3A_1022 : memref<1x200x64xf32, #tpu.memory_space<hbm>> -> memref<200x64xf32, #tpu.memory_space<hbm>>
      %dma_start3A_1024 = arith.constant 0 : i32
      %dma_start3A_1025 = arith.constant 0 : i32
      %dma_start3A_1026 = tpu.memref_slice %arg9[%dma_start3A_1008, %dma_start3A_1024, %dma_start3A_1025] : memref<2x200x64xf32, #tpu.memory_space<vmem>> -> memref<1x200x64xf32, #tpu.memory_space<vmem>>
      %dma_start3A_1027 = tpu.memref_squeeze %dma_start3A_1026 : memref<1x200x64xf32, #tpu.memory_space<vmem>> -> memref<200x64xf32, #tpu.memory_space<vmem>>
      tpu.enqueue_dma source(%dma_start3A_1027 : memref<200x64xf32, #tpu.memory_space<vmem>>) target(%dma_start3A_1023 : memref<200x64xf32, #tpu.memory_space<hbm>>) target_semaphore(%dma_start3A_1019 : memref<!tpu.dma_semaphore, #tpu.memory_space<semaphore_mem>>)
      %add3A_1028 = arith.constant 1 : i32
      %add3A_1029 = arith.addi %mul3A_917, %add3A_1028 : i32
      %add3A_1030 = arith.constant 1 : i32
      %add3A_1031 = arith.addi %add3A_1029, %add3A_1030 : i32
      %rem3A_1032 = arith.constant 64 : i32
      %rem3A_1033 = arith.remsi %add3A_1031, %rem3A_1032 : i32
      %mul3A_1034 = arith.constant 200 : i32
      %mul3A_1035 = arith.muli %rem3A_1033, %mul3A_1034 : i32
      %multiple_of3A_1036 = tpu.assume_multiple %mul3A_1035, 8 : i32
      %add3A_1037 = arith.constant 128 : i32
      %add3A_1038 = arith.addi %multiple_of3A_1036, %add3A_1037 : i32
      %dma_start3A_1039 = arith.constant 0 : i32
      %dma_start3A_1040 = arith.constant 0 : i32
      %dma_start3A_1041 = arith.constant 0 : i32
      %dma_start3A_1042 = arith.constant 0 : i32
      %dma_start3A_1043 = tpu.memref_slice %arg8[%dma_start3A_1039, %dma_start3A_1041, %dma_start3A_1042] : memref<2x200x128xf32, #tpu.memory_space<vmem>> -> memref<1x128x128xf32, #tpu.memory_space<vmem>>
      %dma_start3A_1044 = tpu.memref_squeeze %dma_start3A_1043 : memref<1x128x128xf32, #tpu.memory_space<vmem>> -> memref<128x128xf32, #tpu.memory_space<vmem>>
      %dma_start3A_1045 = tpu.memref_slice %arg6[%multiple_of3A_1036] : memref<12800xi32, #tpu.memory_space<vmem>> -> memref<128xi32, #tpu.memory_space<vmem>>
      %dma_start3A_1046 = arith.constant 0 : i32
      %dma_start3A_1047 = arith.constant 0 : i32
      %dma_start3A_1048 = tpu.memref_slice %arg4[%dma_start3A_1046, %dma_start3A_1047] : memref<100000x128xf32, #tpu.memory_space<hbm>> -> memref<100000x128xf32, #tpu.memory_space<hbm>>
      %dma_start3A_1049 = tpu.memref_slice %arg11[%dma_start3A_1040] : memref<2x!tpu.dma_semaphore, #tpu.memory_space<semaphore_mem>> -> memref<1x!tpu.dma_semaphore, #tpu.memory_space<semaphore_mem>>
      %dma_start3A_1050 = tpu.memref_squeeze %dma_start3A_1049 : memref<1x!tpu.dma_semaphore, #tpu.memory_space<semaphore_mem>> -> memref<!tpu.dma_semaphore, #tpu.memory_space<semaphore_mem>>
      tpu.enqueue_indirect_dma source(%dma_start3A_1048 : memref<100000x128xf32, #tpu.memory_space<hbm>>) target(%dma_start3A_1044 : memref<128x128xf32, #tpu.memory_space<vmem>>) offsets(%dma_start3A_1045 : memref<128xi32, #tpu.memory_space<vmem>>) semaphore(%dma_start3A_1050 : memref<!tpu.dma_semaphore, #tpu.memory_space<semaphore_mem>>)
      %dma_start3A_1051 = arith.constant 0 : i32
      %dma_start3A_1052 = arith.constant 0 : i32
      %dma_start3A_1053 = arith.constant 128 : i32
      %dma_start3A_1054 = arith.constant 0 : i32
      %dma_start3A_1055 = tpu.memref_slice %arg8[%dma_start3A_1051, %dma_start3A_1053, %dma_start3A_1054] : memref<2x200x128xf32, #tpu.memory_space<vmem>> -> memref<1x72x128xf32, #tpu.memory_space<vmem>>
      %dma_start3A_1056 = tpu.memref_squeeze %dma_start3A_1055 : memref<1x72x128xf32, #tpu.memory_space<vmem>> -> memref<72x128xf32, #tpu.memory_space<vmem>>
      %dma_start3A_1057 = tpu.memref_slice %arg6[%add3A_1038] : memref<12800xi32, #tpu.memory_space<vmem>> -> memref<72xi32, #tpu.memory_space<vmem>>
      %dma_start3A_1058 = arith.constant 0 : i32
      %dma_start3A_1059 = arith.constant 0 : i32
      %dma_start3A_1060 = tpu.memref_slice %arg4[%dma_start3A_1058, %dma_start3A_1059] : memref<100000x128xf32, #tpu.memory_space<hbm>> -> memref<100000x128xf32, #tpu.memory_space<hbm>>
      %dma_start3A_1061 = tpu.memref_slice %arg11[%dma_start3A_1052] : memref<2x!tpu.dma_semaphore, #tpu.memory_space<semaphore_mem>> -> memref<1x!tpu.dma_semaphore, #tpu.memory_space<semaphore_mem>>
      %dma_start3A_1062 = tpu.memref_squeeze %dma_start3A_1061 : memref<1x!tpu.dma_semaphore, #tpu.memory_space<semaphore_mem>> -> memref<!tpu.dma_semaphore, #tpu.memory_space<semaphore_mem>>
      tpu.enqueue_indirect_dma source(%dma_start3A_1060 : memref<100000x128xf32, #tpu.memory_space<hbm>>) target(%dma_start3A_1056 : memref<72x128xf32, #tpu.memory_space<vmem>>) offsets(%dma_start3A_1057 : memref<72xi32, #tpu.memory_space<vmem>>) semaphore(%dma_start3A_1062 : memref<!tpu.dma_semaphore, #tpu.memory_space<semaphore_mem>>)
      %rem3A_1063 = arith.constant 64 : i32
      %rem3A_1064 = arith.remsi %add3A_1029, %rem3A_1063 : i32
      %mul3A_1065 = arith.constant 200 : i32
      %mul3A_1066 = arith.muli %rem3A_1064, %mul3A_1065 : i32
      %multiple_of3A_1067 = tpu.assume_multiple %mul3A_1066, 8 : i32
      %add3A_1068 = arith.constant 128 : i32
      %add3A_1069 = arith.addi %multiple_of3A_1067, %add3A_1068 : i32
      %dma_wait3A_1070 = arith.constant 1 : i32
      %dma_wait3A_1071 = arith.constant 1 : i32
      %dma_wait3A_1072 = arith.constant 0 : i32
      %dma_wait3A_1073 = arith.constant 0 : i32
      %dma_wait3A_1074 = tpu.memref_slice %arg8[%dma_wait3A_1070, %dma_wait3A_1072, %dma_wait3A_1073] : memref<2x200x128xf32, #tpu.memory_space<vmem>> -> memref<1x128x128xf32, #tpu.memory_space<vmem>>
      %dma_wait3A_1075 = tpu.memref_squeeze %dma_wait3A_1074 : memref<1x128x128xf32, #tpu.memory_space<vmem>> -> memref<128x128xf32, #tpu.memory_space<vmem>>
      %dma_wait3A_1076 = tpu.memref_slice %arg6[%multiple_of3A_1067] : memref<12800xi32, #tpu.memory_space<vmem>> -> memref<128xi32, #tpu.memory_space<vmem>>
      %dma_wait3A_1077 = arith.constant 0 : i32
      %dma_wait3A_1078 = arith.constant 0 : i32
      %dma_wait3A_1079 = tpu.memref_slice %arg4[%dma_wait3A_1077, %dma_wait3A_1078] : memref<100000x128xf32, #tpu.memory_space<hbm>> -> memref<100000x128xf32, #tpu.memory_space<hbm>>
      %dma_wait3A_1080 = tpu.memref_slice %arg11[%dma_wait3A_1071] : memref<2x!tpu.dma_semaphore, #tpu.memory_space<semaphore_mem>> -> memref<1x!tpu.dma_semaphore, #tpu.memory_space<semaphore_mem>>
      %dma_wait3A_1081 = tpu.memref_squeeze %dma_wait3A_1080 : memref<1x!tpu.dma_semaphore, #tpu.memory_space<semaphore_mem>> -> memref<!tpu.dma_semaphore, #tpu.memory_space<semaphore_mem>>
      tpu.wait_indirect_dma semaphore(%dma_wait3A_1081 : memref<!tpu.dma_semaphore, #tpu.memory_space<semaphore_mem>>) src(%dma_wait3A_1079 : memref<100000x128xf32, #tpu.memory_space<hbm>>) dst(%dma_wait3A_1075 : memref<128x128xf32, #tpu.memory_space<vmem>>)
      %dma_wait3A_1082 = arith.constant 1 : i32
      %dma_wait3A_1083 = arith.constant 1 : i32
      %dma_wait3A_1084 = arith.constant 128 : i32
      %dma_wait3A_1085 = arith.constant 0 : i32
      %dma_wait3A_1086 = tpu.memref_slice %arg8[%dma_wait3A_1082, %dma_wait3A_1084, %dma_wait3A_1085] : memref<2x200x128xf32, #tpu.memory_space<vmem>> -> memref<1x72x128xf32, #tpu.memory_space<vmem>>
      %dma_wait3A_1087 = tpu.memref_squeeze %dma_wait3A_1086 : memref<1x72x128xf32, #tpu.memory_space<vmem>> -> memref<72x128xf32, #tpu.memory_space<vmem>>
      %dma_wait3A_1088 = tpu.memref_slice %arg6[%add3A_1069] : memref<12800xi32, #tpu.memory_space<vmem>> -> memref<72xi32, #tpu.memory_space<vmem>>
      %dma_wait3A_1089 = arith.constant 0 : i32
      %dma_wait3A_1090 = arith.constant 0 : i32
      %dma_wait3A_1091 = tpu.memref_slice %arg4[%dma_wait3A_1089, %dma_wait3A_1090] : memref<100000x128xf32, #tpu.memory_space<hbm>> -> memref<100000x128xf32, #tpu.memory_space<hbm>>
      %dma_wait3A_1092 = tpu.memref_slice %arg11[%dma_wait3A_1083] : memref<2x!tpu.dma_semaphore, #tpu.memory_space<semaphore_mem>> -> memref<1x!tpu.dma_semaphore, #tpu.memory_space<semaphore_mem>>
      %dma_wait3A_1093 = tpu.memref_squeeze %dma_wait3A_1092 : memref<1x!tpu.dma_semaphore, #tpu.memory_space<semaphore_mem>> -> memref<!tpu.dma_semaphore, #tpu.memory_space<semaphore_mem>>
      tpu.wait_indirect_dma semaphore(%dma_wait3A_1093 : memref<!tpu.dma_semaphore, #tpu.memory_space<semaphore_mem>>) src(%dma_wait3A_1091 : memref<100000x128xf32, #tpu.memory_space<hbm>>) dst(%dma_wait3A_1087 : memref<72x128xf32, #tpu.memory_space<vmem>>)
      %sub3A_1094 = arith.constant 2 : i32
      %sub3A_1095 = arith.subi %add3A_1029, %sub3A_1094 : i32
      %add3A_1096 = arith.addi %mul3A_2, %sub3A_1095 : i32
      %dma_wait3A_1097 = arith.constant 1 : i32
      %dma_wait3A_1098 = arith.constant 1 : i32
      %dma_wait3A_1099 = arith.constant 0 : i32
      %dma_wait3A_1100 = arith.constant 0 : i32
      %dma_wait3A_1101 = tpu.memref_slice %arg9[%dma_wait3A_1097, %dma_wait3A_1099, %dma_wait3A_1100] : memref<2x200x64xf32, #tpu.memory_space<vmem>> -> memref<1x200x64xf32, #tpu.memory_space<vmem>>
      %dma_wait3A_1102 = tpu.memref_squeeze %dma_wait3A_1101 : memref<1x200x64xf32, #tpu.memory_space<vmem>> -> memref<200x64xf32, #tpu.memory_space<vmem>>
      %dma_wait3A_1103 = arith.constant 0 : i32
      %dma_wait3A_1104 = arith.constant 0 : i32
      %dma_wait3A_1105 = tpu.memref_slice %arg5[%add3A_1096, %dma_wait3A_1103, %dma_wait3A_1104] : memref<4096x200x64xf32, #tpu.memory_space<hbm>> -> memref<1x200x64xf32, #tpu.memory_space<hbm>>
      %dma_wait3A_1106 = tpu.memref_squeeze %dma_wait3A_1105 : memref<1x200x64xf32, #tpu.memory_space<hbm>> -> memref<200x64xf32, #tpu.memory_space<hbm>>
      %dma_wait3A_1107 = tpu.memref_slice %arg12[%dma_wait3A_1098] : memref<2x!tpu.dma_semaphore, #tpu.memory_space<semaphore_mem>> -> memref<1x!tpu.dma_semaphore, #tpu.memory_space<semaphore_mem>>
      %dma_wait3A_1108 = tpu.memref_squeeze %dma_wait3A_1107 : memref<1x!tpu.dma_semaphore, #tpu.memory_space<semaphore_mem>> -> memref<!tpu.dma_semaphore, #tpu.memory_space<semaphore_mem>>
      %dma_wait3A_1109 = arith.constant 0 : i32
      %dma_wait3A_1110 = arith.constant 0 : i32
      %dma_wait3A_1111 = tpu.memref_slice %arg5[%add3A_1096, %dma_wait3A_1109, %dma_wait3A_1110] : memref<4096x200x64xf32, #tpu.memory_space<hbm>> -> memref<1x200x64xf32, #tpu.memory_space<hbm>>
      %dma_wait3A_1112 = tpu.memref_squeeze %dma_wait3A_1111 : memref<1x200x64xf32, #tpu.memory_space<hbm>> -> memref<200x64xf32, #tpu.memory_space<hbm>>
      %dma_wait3A_1113 = arith.constant 0 : i32
      %dma_wait3A_1114 = arith.constant 0 : i32
      %dma_wait3A_1115 = tpu.memref_slice %arg9[%dma_wait3A_1097, %dma_wait3A_1113, %dma_wait3A_1114] : memref<2x200x64xf32, #tpu.memory_space<vmem>> -> memref<1x200x64xf32, #tpu.memory_space<vmem>>
      %dma_wait3A_1116 = tpu.memref_squeeze %dma_wait3A_1115 : memref<1x200x64xf32, #tpu.memory_space<vmem>> -> memref<200x64xf32, #tpu.memory_space<vmem>>
      tpu.wait_dma2 semaphore(%dma_wait3A_1108 : memref<!tpu.dma_semaphore, #tpu.memory_space<semaphore_mem>>) src(%dma_wait3A_1116 : memref<200x64xf32, #tpu.memory_space<vmem>>) dst(%dma_wait3A_1112 : memref<200x64xf32, #tpu.memory_space<hbm>>)
      %parallel_loop3A_1117 = arith.constant 0 : i32
      %parallel_loop3A_1118 = arith.constant 200 : i32
      %parallel_loop3A_1119 = arith.constant 2 : i32
      scf.for %parallel_loop3A_1141 = %parallel_loop3A_1117 to %parallel_loop3A_1118 step %parallel_loop3A_1119  : i32 {
        %parallel_loop3A_1142 = arith.constant 0 : i32
        %parallel_loop3A_1143 = arith.addi %parallel_loop3A_1141, %parallel_loop3A_1142 : i32
        %parallel_loop3A_1144 = arith.constant 1 : i32
        %parallel_loop3A_1145 = arith.index_cast %parallel_loop3A_1144 : i32 to index
        %parallel_loop3A_1146 = arith.index_cast %parallel_loop3A_1143 : i32 to index
        %parallel_loop3A_1147 = arith.constant 0 : index
        %parallel_loop3A_1148 = tpu.vector_load %arg8[%parallel_loop3A_1145, %parallel_loop3A_1146, %parallel_loop3A_1147] {strides = array<i32>} : memref<2x200x128xf32, #tpu.memory_space<vmem>>, vector<1x1x16xf32>,
        %parallel_loop3A_1149 = vector.shape_cast %parallel_loop3A_1148 : vector<1x1x16xf32> to vector<16xf32>
        %parallel_loop3A_1150 = arith.constant 64 : i32
        %parallel_loop3A_1151 = arith.muli %parallel_loop3A_1143, %parallel_loop3A_1150 : i32
        %parallel_loop3A_1152 = arith.constant 0 : i32
        %parallel_loop3A_1153 = arith.addi %parallel_loop3A_1151, %parallel_loop3A_1152 : i32
        %parallel_loop3A_1154 = arith.index_cast %parallel_loop3A_1153 : i32 to index
        %parallel_loop3A_1155 = tpu.vector_load %arg7[%parallel_loop3A_1154] {strides = array<i32>} : memref<12800xf32, #tpu.memory_space<vmem>>, vector<16xf32>,
        %parallel_loop3A_1156 = vector.shape_cast %parallel_loop3A_1155 : vector<16xf32> to vector<16xf32>
        %parallel_loop3A_1157 = arith.addf %parallel_loop3A_1149, %parallel_loop3A_1156 : vector<16xf32>
        %parallel_loop3A_1158 = arith.constant 1 : i32
        %parallel_loop3A_1159 = arith.index_cast %parallel_loop3A_1158 : i32 to index
        %parallel_loop3A_1160 = arith.index_cast %parallel_loop3A_1143 : i32 to index
        %parallel_loop3A_1161 = arith.constant 0 : index
        %parallel_loop3A_1162 = tpu.vector_load %arg9[%parallel_loop3A_1159, %parallel_loop3A_1160, %parallel_loop3A_1161] {strides = array<i32>} : memref<2x200x64xf32, #tpu.memory_space<vmem>>, vector<1x1x16xf32>,
        %parallel_loop3A_1163 = vector.shape_cast %parallel_loop3A_1162 : vector<1x1x16xf32> to vector<16xf32>
        %parallel_loop3A_1164 = vector.shape_cast %parallel_loop3A_1157 : vector<16xf32> to vector<1x1x16xf32>
        tpu.vector_store %arg9[%parallel_loop3A_1159, %parallel_loop3A_1160, %parallel_loop3A_1161], %parallel_loop3A_1164 {strides = array<i32>} : memref<2x200x64xf32, #tpu.memory_space<vmem>>, vector<1x1x16xf32>,
        %parallel_loop3A_1165 = arith.constant 1 : i32
        %parallel_loop3A_1166 = arith.index_cast %parallel_loop3A_1165 : i32 to index
        %parallel_loop3A_1167 = arith.index_cast %parallel_loop3A_1143 : i32 to index
        %parallel_loop3A_1168 = arith.constant 16 : index
        %parallel_loop3A_1169 = tpu.vector_load %arg8[%parallel_loop3A_1166, %parallel_loop3A_1167, %parallel_loop3A_1168] {strides = array<i32>} : memref<2x200x128xf32, #tpu.memory_space<vmem>>, vector<1x1x16xf32>,
        %parallel_loop3A_1170 = vector.shape_cast %parallel_loop3A_1169 : vector<1x1x16xf32> to vector<16xf32>
        %parallel_loop3A_1171 = arith.constant 64 : i32
        %parallel_loop3A_1172 = arith.muli %parallel_loop3A_1143, %parallel_loop3A_1171 : i32
        %parallel_loop3A_1173 = arith.constant 16 : i32
        %parallel_loop3A_1174 = arith.addi %parallel_loop3A_1172, %parallel_loop3A_1173 : i32
        %parallel_loop3A_1175 = arith.index_cast %parallel_loop3A_1174 : i32 to index
        %parallel_loop3A_1176 = tpu.vector_load %arg7[%parallel_loop3A_1175] {strides = array<i32>} : memref<12800xf32, #tpu.memory_space<vmem>>, vector<16xf32>,
        %parallel_loop3A_1177 = vector.shape_cast %parallel_loop3A_1176 : vector<16xf32> to vector<16xf32>
        %parallel_loop3A_1178 = arith.addf %parallel_loop3A_1170, %parallel_loop3A_1177 : vector<16xf32>
        %parallel_loop3A_1179 = arith.constant 1 : i32
        %parallel_loop3A_1180 = arith.index_cast %parallel_loop3A_1179 : i32 to index
        %parallel_loop3A_1181 = arith.index_cast %parallel_loop3A_1143 : i32 to index
        %parallel_loop3A_1182 = arith.constant 16 : index
        %parallel_loop3A_1183 = tpu.vector_load %arg9[%parallel_loop3A_1180, %parallel_loop3A_1181, %parallel_loop3A_1182] {strides = array<i32>} : memref<2x200x64xf32, #tpu.memory_space<vmem>>, vector<1x1x16xf32>,
        %parallel_loop3A_1184 = vector.shape_cast %parallel_loop3A_1183 : vector<1x1x16xf32> to vector<16xf32>
        %parallel_loop3A_1185 = vector.shape_cast %parallel_loop3A_1178 : vector<16xf32> to vector<1x1x16xf32>
        tpu.vector_store %arg9[%parallel_loop3A_1180, %parallel_loop3A_1181, %parallel_loop3A_1182], %parallel_loop3A_1185 {strides = array<i32>} : memref<2x200x64xf32, #tpu.memory_space<vmem>>, vector<1x1x16xf32>,
        %parallel_loop3A_1186 = arith.constant 1 : i32
        %parallel_loop3A_1187 = arith.index_cast %parallel_loop3A_1186 : i32 to index
        %parallel_loop3A_1188 = arith.index_cast %parallel_loop3A_1143 : i32 to index
        %parallel_loop3A_1189 = arith.constant 32 : index
        %parallel_loop3A_1190 = tpu.vector_load %arg8[%parallel_loop3A_1187, %parallel_loop3A_1188, %parallel_loop3A_1189] {strides = array<i32>} : memref<2x200x128xf32, #tpu.memory_space<vmem>>, vector<1x1x16xf32>,
        %parallel_loop3A_1191 = vector.shape_cast %parallel_loop3A_1190 : vector<1x1x16xf32> to vector<16xf32>
        %parallel_loop3A_1192 = arith.constant 64 : i32
        %parallel_loop3A_1193 = arith.muli %parallel_loop3A_1143, %parallel_loop3A_1192 : i32
        %parallel_loop3A_1194 = arith.constant 32 : i32
        %parallel_loop3A_1195 = arith.addi %parallel_loop3A_1193, %parallel_loop3A_1194 : i32
        %parallel_loop3A_1196 = arith.index_cast %parallel_loop3A_1195 : i32 to index
        %parallel_loop3A_1197 = tpu.vector_load %arg7[%parallel_loop3A_1196] {strides = array<i32>} : memref<12800xf32, #tpu.memory_space<vmem>>, vector<16xf32>,
        %parallel_loop3A_1198 = vector.shape_cast %parallel_loop3A_1197 : vector<16xf32> to vector<16xf32>
        %parallel_loop3A_1199 = arith.addf %parallel_loop3A_1191, %parallel_loop3A_1198 : vector<16xf32>
        %parallel_loop3A_1200 = arith.constant 1 : i32
        %parallel_loop3A_1201 = arith.index_cast %parallel_loop3A_1200 : i32 to index
        %parallel_loop3A_1202 = arith.index_cast %parallel_loop3A_1143 : i32 to index
        %parallel_loop3A_1203 = arith.constant 32 : index
        %parallel_loop3A_1204 = tpu.vector_load %arg9[%parallel_loop3A_1201, %parallel_loop3A_1202, %parallel_loop3A_1203] {strides = array<i32>} : memref<2x200x64xf32, #tpu.memory_space<vmem>>, vector<1x1x16xf32>,
        %parallel_loop3A_1205 = vector.shape_cast %parallel_loop3A_1204 : vector<1x1x16xf32> to vector<16xf32>
        %parallel_loop3A_1206 = vector.shape_cast %parallel_loop3A_1199 : vector<16xf32> to vector<1x1x16xf32>
        tpu.vector_store %arg9[%parallel_loop3A_1201, %parallel_loop3A_1202, %parallel_loop3A_1203], %parallel_loop3A_1206 {strides = array<i32>} : memref<2x200x64xf32, #tpu.memory_space<vmem>>, vector<1x1x16xf32>,
        %parallel_loop3A_1207 = arith.constant 1 : i32
        %parallel_loop3A_1208 = arith.index_cast %parallel_loop3A_1207 : i32 to index
        %parallel_loop3A_1209 = arith.index_cast %parallel_loop3A_1143 : i32 to index
        %parallel_loop3A_1210 = arith.constant 48 : index
        %parallel_loop3A_1211 = tpu.vector_load %arg8[%parallel_loop3A_1208, %parallel_loop3A_1209, %parallel_loop3A_1210] {strides = array<i32>} : memref<2x200x128xf32, #tpu.memory_space<vmem>>, vector<1x1x16xf32>,
        %parallel_loop3A_1212 = vector.shape_cast %parallel_loop3A_1211 : vector<1x1x16xf32> to vector<16xf32>
        %parallel_loop3A_1213 = arith.constant 64 : i32
        %parallel_loop3A_1214 = arith.muli %parallel_loop3A_1143, %parallel_loop3A_1213 : i32
        %parallel_loop3A_1215 = arith.constant 48 : i32
        %parallel_loop3A_1216 = arith.addi %parallel_loop3A_1214, %parallel_loop3A_1215 : i32
        %parallel_loop3A_1217 = arith.index_cast %parallel_loop3A_1216 : i32 to index
        %parallel_loop3A_1218 = tpu.vector_load %arg7[%parallel_loop3A_1217] {strides = array<i32>} : memref<12800xf32, #tpu.memory_space<vmem>>, vector<16xf32>,
        %parallel_loop3A_1219 = vector.shape_cast %parallel_loop3A_1218 : vector<16xf32> to vector<16xf32>
        %parallel_loop3A_1220 = arith.addf %parallel_loop3A_1212, %parallel_loop3A_1219 : vector<16xf32>
        %parallel_loop3A_1221 = arith.constant 1 : i32
        %parallel_loop3A_1222 = arith.index_cast %parallel_loop3A_1221 : i32 to index
        %parallel_loop3A_1223 = arith.index_cast %parallel_loop3A_1143 : i32 to index
        %parallel_loop3A_1224 = arith.constant 48 : index
        %parallel_loop3A_1225 = tpu.vector_load %arg9[%parallel_loop3A_1222, %parallel_loop3A_1223, %parallel_loop3A_1224] {strides = array<i32>} : memref<2x200x64xf32, #tpu.memory_space<vmem>>, vector<1x1x16xf32>,
        %parallel_loop3A_1226 = vector.shape_cast %parallel_loop3A_1225 : vector<1x1x16xf32> to vector<16xf32>
        %parallel_loop3A_1227 = vector.shape_cast %parallel_loop3A_1220 : vector<16xf32> to vector<1x1x16xf32>
        tpu.vector_store %arg9[%parallel_loop3A_1222, %parallel_loop3A_1223, %parallel_loop3A_1224], %parallel_loop3A_1227 {strides = array<i32>} : memref<2x200x64xf32, #tpu.memory_space<vmem>>, vector<1x1x16xf32>,
        %parallel_loop3A_1228 = arith.constant 1 : i32
        %parallel_loop3A_1229 = arith.addi %parallel_loop3A_1141, %parallel_loop3A_1228 : i32
        %parallel_loop3A_1230 = arith.constant 1 : i32
        %parallel_loop3A_1231 = arith.index_cast %parallel_loop3A_1230 : i32 to index
        %parallel_loop3A_1232 = arith.index_cast %parallel_loop3A_1229 : i32 to index
        %parallel_loop3A_1233 = arith.constant 0 : index
        %parallel_loop3A_1234 = tpu.vector_load %arg8[%parallel_loop3A_1231, %parallel_loop3A_1232, %parallel_loop3A_1233] {strides = array<i32>} : memref<2x200x128xf32, #tpu.memory_space<vmem>>, vector<1x1x16xf32>,
        %parallel_loop3A_1235 = vector.shape_cast %parallel_loop3A_1234 : vector<1x1x16xf32> to vector<16xf32>
        %parallel_loop3A_1236 = arith.constant 64 : i32
        %parallel_loop3A_1237 = arith.muli %parallel_loop3A_1229, %parallel_loop3A_1236 : i32
        %parallel_loop3A_1238 = arith.constant 0 : i32
        %parallel_loop3A_1239 = arith.addi %parallel_loop3A_1237, %parallel_loop3A_1238 : i32
        %parallel_loop3A_1240 = arith.index_cast %parallel_loop3A_1239 : i32 to index
        %parallel_loop3A_1241 = tpu.vector_load %arg7[%parallel_loop3A_1240] {strides = array<i32>} : memref<12800xf32, #tpu.memory_space<vmem>>, vector<16xf32>,
        %parallel_loop3A_1242 = vector.shape_cast %parallel_loop3A_1241 : vector<16xf32> to vector<16xf32>
        %parallel_loop3A_1243 = arith.addf %parallel_loop3A_1235, %parallel_loop3A_1242 : vector<16xf32>
        %parallel_loop3A_1244 = arith.constant 1 : i32
        %parallel_loop3A_1245 = arith.index_cast %parallel_loop3A_1244 : i32 to index
        %parallel_loop3A_1246 = arith.index_cast %parallel_loop3A_1229 : i32 to index
        %parallel_loop3A_1247 = arith.constant 0 : index
        %parallel_loop3A_1248 = tpu.vector_load %arg9[%parallel_loop3A_1245, %parallel_loop3A_1246, %parallel_loop3A_1247] {strides = array<i32>} : memref<2x200x64xf32, #tpu.memory_space<vmem>>, vector<1x1x16xf32>,
        %parallel_loop3A_1249 = vector.shape_cast %parallel_loop3A_1248 : vector<1x1x16xf32> to vector<16xf32>
        %parallel_loop3A_1250 = vector.shape_cast %parallel_loop3A_1243 : vector<16xf32> to vector<1x1x16xf32>
        tpu.vector_store %arg9[%parallel_loop3A_1245, %parallel_loop3A_1246, %parallel_loop3A_1247], %parallel_loop3A_1250 {strides = array<i32>} : memref<2x200x64xf32, #tpu.memory_space<vmem>>, vector<1x1x16xf32>,
        %parallel_loop3A_1251 = arith.constant 1 : i32
        %parallel_loop3A_1252 = arith.index_cast %parallel_loop3A_1251 : i32 to index
        %parallel_loop3A_1253 = arith.index_cast %parallel_loop3A_1229 : i32 to index
        %parallel_loop3A_1254 = arith.constant 16 : index
        %parallel_loop3A_1255 = tpu.vector_load %arg8[%parallel_loop3A_1252, %parallel_loop3A_1253, %parallel_loop3A_1254] {strides = array<i32>} : memref<2x200x128xf32, #tpu.memory_space<vmem>>, vector<1x1x16xf32>,
        %parallel_loop3A_1256 = vector.shape_cast %parallel_loop3A_1255 : vector<1x1x16xf32> to vector<16xf32>
        %parallel_loop3A_1257 = arith.constant 64 : i32
        %parallel_loop3A_1258 = arith.muli %parallel_loop3A_1229, %parallel_loop3A_1257 : i32
        %parallel_loop3A_1259 = arith.constant 16 : i32
        %parallel_loop3A_1260 = arith.addi %parallel_loop3A_1258, %parallel_loop3A_1259 : i32
        %parallel_loop3A_1261 = arith.index_cast %parallel_loop3A_1260 : i32 to index
        %parallel_loop3A_1262 = tpu.vector_load %arg7[%parallel_loop3A_1261] {strides = array<i32>} : memref<12800xf32, #tpu.memory_space<vmem>>, vector<16xf32>,
        %parallel_loop3A_1263 = vector.shape_cast %parallel_loop3A_1262 : vector<16xf32> to vector<16xf32>
        %parallel_loop3A_1264 = arith.addf %parallel_loop3A_1256, %parallel_loop3A_1263 : vector<16xf32>
        %parallel_loop3A_1265 = arith.constant 1 : i32
        %parallel_loop3A_1266 = arith.index_cast %parallel_loop3A_1265 : i32 to index
        %parallel_loop3A_1267 = arith.index_cast %parallel_loop3A_1229 : i32 to index
        %parallel_loop3A_1268 = arith.constant 16 : index
        %parallel_loop3A_1269 = tpu.vector_load %arg9[%parallel_loop3A_1266, %parallel_loop3A_1267, %parallel_loop3A_1268] {strides = array<i32>} : memref<2x200x64xf32, #tpu.memory_space<vmem>>, vector<1x1x16xf32>,
        %parallel_loop3A_1270 = vector.shape_cast %parallel_loop3A_1269 : vector<1x1x16xf32> to vector<16xf32>
        %parallel_loop3A_1271 = vector.shape_cast %parallel_loop3A_1264 : vector<16xf32> to vector<1x1x16xf32>
        tpu.vector_store %arg9[%parallel_loop3A_1266, %parallel_loop3A_1267, %parallel_loop3A_1268], %parallel_loop3A_1271 {strides = array<i32>} : memref<2x200x64xf32, #tpu.memory_space<vmem>>, vector<1x1x16xf32>,
        %parallel_loop3A_1272 = arith.constant 1 : i32
        %parallel_loop3A_1273 = arith.index_cast %parallel_loop3A_1272 : i32 to index
        %parallel_loop3A_1274 = arith.index_cast %parallel_loop3A_1229 : i32 to index
        %parallel_loop3A_1275 = arith.constant 32 : index
        %parallel_loop3A_1276 = tpu.vector_load %arg8[%parallel_loop3A_1273, %parallel_loop3A_1274, %parallel_loop3A_1275] {strides = array<i32>} : memref<2x200x128xf32, #tpu.memory_space<vmem>>, vector<1x1x16xf32>,
        %parallel_loop3A_1277 = vector.shape_cast %parallel_loop3A_1276 : vector<1x1x16xf32> to vector<16xf32>
        %parallel_loop3A_1278 = arith.constant 64 : i32
        %parallel_loop3A_1279 = arith.muli %parallel_loop3A_1229, %parallel_loop3A_1278 : i32
        %parallel_loop3A_1280 = arith.constant 32 : i32
        %parallel_loop3A_1281 = arith.addi %parallel_loop3A_1279, %parallel_loop3A_1280 : i32
        %parallel_loop3A_1282 = arith.index_cast %parallel_loop3A_1281 : i32 to index
        %parallel_loop3A_1283 = tpu.vector_load %arg7[%parallel_loop3A_1282] {strides = array<i32>} : memref<12800xf32, #tpu.memory_space<vmem>>, vector<16xf32>,
        %parallel_loop3A_1284 = vector.shape_cast %parallel_loop3A_1283 : vector<16xf32> to vector<16xf32>
        %parallel_loop3A_1285 = arith.addf %parallel_loop3A_1277, %parallel_loop3A_1284 : vector<16xf32>
        %parallel_loop3A_1286 = arith.constant 1 : i32
        %parallel_loop3A_1287 = arith.index_cast %parallel_loop3A_1286 : i32 to index
        %parallel_loop3A_1288 = arith.index_cast %parallel_loop3A_1229 : i32 to index
        %parallel_loop3A_1289 = arith.constant 32 : index
        %parallel_loop3A_1290 = tpu.vector_load %arg9[%parallel_loop3A_1287, %parallel_loop3A_1288, %parallel_loop3A_1289] {strides = array<i32>} : memref<2x200x64xf32, #tpu.memory_space<vmem>>, vector<1x1x16xf32>,
        %parallel_loop3A_1291 = vector.shape_cast %parallel_loop3A_1290 : vector<1x1x16xf32> to vector<16xf32>
        %parallel_loop3A_1292 = vector.shape_cast %parallel_loop3A_1285 : vector<16xf32> to vector<1x1x16xf32>
        tpu.vector_store %arg9[%parallel_loop3A_1287, %parallel_loop3A_1288, %parallel_loop3A_1289], %parallel_loop3A_1292 {strides = array<i32>} : memref<2x200x64xf32, #tpu.memory_space<vmem>>, vector<1x1x16xf32>,
        %parallel_loop3A_1293 = arith.constant 1 : i32
        %parallel_loop3A_1294 = arith.index_cast %parallel_loop3A_1293 : i32 to index
        %parallel_loop3A_1295 = arith.index_cast %parallel_loop3A_1229 : i32 to index
        %parallel_loop3A_1296 = arith.constant 48 : index
        %parallel_loop3A_1297 = tpu.vector_load %arg8[%parallel_loop3A_1294, %parallel_loop3A_1295, %parallel_loop3A_1296] {strides = array<i32>} : memref<2x200x128xf32, #tpu.memory_space<vmem>>, vector<1x1x16xf32>,
        %parallel_loop3A_1298 = vector.shape_cast %parallel_loop3A_1297 : vector<1x1x16xf32> to vector<16xf32>
        %parallel_loop3A_1299 = arith.constant 64 : i32
        %parallel_loop3A_1300 = arith.muli %parallel_loop3A_1229, %parallel_loop3A_1299 : i32
        %parallel_loop3A_1301 = arith.constant 48 : i32
        %parallel_loop3A_1302 = arith.addi %parallel_loop3A_1300, %parallel_loop3A_1301 : i32
        %parallel_loop3A_1303 = arith.index_cast %parallel_loop3A_1302 : i32 to index
        %parallel_loop3A_1304 = tpu.vector_load %arg7[%parallel_loop3A_1303] {strides = array<i32>} : memref<12800xf32, #tpu.memory_space<vmem>>, vector<16xf32>,
        %parallel_loop3A_1305 = vector.shape_cast %parallel_loop3A_1304 : vector<16xf32> to vector<16xf32>
        %parallel_loop3A_1306 = arith.addf %parallel_loop3A_1298, %parallel_loop3A_1305 : vector<16xf32>
        %parallel_loop3A_1307 = arith.constant 1 : i32
        %parallel_loop3A_1308 = arith.index_cast %parallel_loop3A_1307 : i32 to index
        %parallel_loop3A_1309 = arith.index_cast %parallel_loop3A_1229 : i32 to index
        %parallel_loop3A_1310 = arith.constant 48 : index
        %parallel_loop3A_1311 = tpu.vector_load %arg9[%parallel_loop3A_1308, %parallel_loop3A_1309, %parallel_loop3A_1310] {strides = array<i32>} : memref<2x200x64xf32, #tpu.memory_space<vmem>>, vector<1x1x16xf32>,
        %parallel_loop3A_1312 = vector.shape_cast %parallel_loop3A_1311 : vector<1x1x16xf32> to vector<16xf32>
        %parallel_loop3A_1313 = vector.shape_cast %parallel_loop3A_1306 : vector<16xf32> to vector<1x1x16xf32>
        tpu.vector_store %arg9[%parallel_loop3A_1308, %parallel_loop3A_1309, %parallel_loop3A_1310], %parallel_loop3A_1313 {strides = array<i32>} : memref<2x200x64xf32, #tpu.memory_space<vmem>>, vector<1x1x16xf32>,
      } {sc.loop_unroll_factor = 1 : i64, sc.parallel_access}
      %add3A_1120 = arith.addi %mul3A_2, %add3A_1029 : i32
      %dma_start3A_1121 = arith.constant 1 : i32
      %dma_start3A_1122 = arith.constant 1 : i32
      %dma_start3A_1123 = arith.constant 0 : i32
      %dma_start3A_1124 = arith.constant 0 : i32
      %dma_start3A_1125 = tpu.memref_slice %arg9[%dma_start3A_1121, %dma_start3A_1123, %dma_start3A_1124] : memref<2x200x64xf32, #tpu.memory_space<vmem>> -> memref<1x200x64xf32, #tpu.memory_space<vmem>>
      %dma_start3A_1126 = tpu.memref_squeeze %dma_start3A_1125 : memref<1x200x64xf32, #tpu.memory_space<vmem>> -> memref<200x64xf32, #tpu.memory_space<vmem>>
      %dma_start3A_1127 = arith.constant 0 : i32
      %dma_start3A_1128 = arith.constant 0 : i32
      %dma_start3A_1129 = tpu.memref_slice %arg5[%add3A_1120, %dma_start3A_1127, %dma_start3A_1128] : memref<4096x200x64xf32, #tpu.memory_space<hbm>> -> memref<1x200x64xf32, #tpu.memory_space<hbm>>
      %dma_start3A_1130 = tpu.memref_squeeze %dma_start3A_1129 : memref<1x200x64xf32, #tpu.memory_space<hbm>> -> memref<200x64xf32, #tpu.memory_space<hbm>>
      %dma_start3A_1131 = tpu.memref_slice %arg12[%dma_start3A_1122] : memref<2x!tpu.dma_semaphore, #tpu.memory_space<semaphore_mem>> -> memref<1x!tpu.dma_semaphore, #tpu.memory_space<semaphore_mem>>
      %dma_start3A_1132 = tpu.memref_squeeze %dma_start3A_1131 : memref<1x!tpu.dma_semaphore, #tpu.memory_space<semaphore_mem>> -> memref<!tpu.dma_semaphore, #tpu.memory_space<semaphore_mem>>
      %dma_start3A_1133 = arith.constant 0 : i32
      %dma_start3A_1134 = arith.constant 0 : i32
      %dma_start3A_1135 = tpu.memref_slice %arg5[%add3A_1120, %dma_start3A_1133, %dma_start3A_1134] : memref<4096x200x64xf32, #tpu.memory_space<hbm>> -> memref<1x200x64xf32, #tpu.memory_space<hbm>>
      %dma_start3A_1136 = tpu.memref_squeeze %dma_start3A_1135 : memref<1x200x64xf32, #tpu.memory_space<hbm>> -> memref<200x64xf32, #tpu.memory_space<hbm>>
      %dma_start3A_1137 = arith.constant 0 : i32
      %dma_start3A_1138 = arith.constant 0 : i32
      %dma_start3A_1139 = tpu.memref_slice %arg9[%dma_start3A_1121, %dma_start3A_1137, %dma_start3A_1138] : memref<2x200x64xf32, #tpu.memory_space<vmem>> -> memref<1x200x64xf32, #tpu.memory_space<vmem>>
      %dma_start3A_1140 = tpu.memref_squeeze %dma_start3A_1139 : memref<1x200x64xf32, #tpu.memory_space<vmem>> -> memref<200x64xf32, #tpu.memory_space<vmem>>
      tpu.enqueue_dma source(%dma_start3A_1140 : memref<200x64xf32, #tpu.memory_space<vmem>>) target(%dma_start3A_1136 : memref<200x64xf32, #tpu.memory_space<hbm>>) target_semaphore(%dma_start3A_1132 : memref<!tpu.dma_semaphore, #tpu.memory_space<semaphore_mem>>)
    }
    %scan3A_221 = arith.constant 30 : i32
    %rem3A_222 = arith.constant 63 : i32
    %rem3A_223 = arith.constant 64 : i32
    %rem3A_224 = arith.remsi %rem3A_222, %rem3A_223 : i32
    %mul3A_225 = arith.constant 200 : i32
    %mul3A_226 = arith.muli %rem3A_224, %mul3A_225 : i32
    %multiple_of3A_227 = tpu.assume_multiple %mul3A_226, 8 : i32
    %add3A_228 = arith.constant 128 : i32
    %add3A_229 = arith.addi %multiple_of3A_227, %add3A_228 : i32
    %dma_start3A_230 = arith.constant 1 : i32
    %dma_start3A_231 = arith.constant 1 : i32
    %dma_start3A_232 = arith.constant 0 : i32
    %dma_start3A_233 = arith.constant 0 : i32
    %dma_start3A_234 = tpu.memref_slice %arg8[%dma_start3A_230, %dma_start3A_232, %dma_start3A_233] : memref<2x200x128xf32, #tpu.memory_space<vmem>> -> memref<1x128x128xf32, #tpu.memory_space<vmem>>
    %dma_start3A_235 = tpu.memref_squeeze %dma_start3A_234 : memref<1x128x128xf32, #tpu.memory_space<vmem>> -> memref<128x128xf32, #tpu.memory_space<vmem>>
    %dma_start3A_236 = tpu.memref_slice %arg6[%multiple_of3A_227] : memref<12800xi32, #tpu.memory_space<vmem>> -> memref<128xi32, #tpu.memory_space<vmem>>
    %dma_start3A_237 = arith.constant 0 : i32
    %dma_start3A_238 = arith.constant 0 : i32
    %dma_start3A_239 = tpu.memref_slice %arg4[%dma_start3A_237, %dma_start3A_238] : memref<100000x128xf32, #tpu.memory_space<hbm>> -> memref<100000x128xf32, #tpu.memory_space<hbm>>
    %dma_start3A_240 = tpu.memref_slice %arg11[%dma_start3A_231] : memref<2x!tpu.dma_semaphore, #tpu.memory_space<semaphore_mem>> -> memref<1x!tpu.dma_semaphore, #tpu.memory_space<semaphore_mem>>
    %dma_start3A_241 = tpu.memref_squeeze %dma_start3A_240 : memref<1x!tpu.dma_semaphore, #tpu.memory_space<semaphore_mem>> -> memref<!tpu.dma_semaphore, #tpu.memory_space<semaphore_mem>>
    tpu.enqueue_indirect_dma source(%dma_start3A_239 : memref<100000x128xf32, #tpu.memory_space<hbm>>) target(%dma_start3A_235 : memref<128x128xf32, #tpu.memory_space<vmem>>) offsets(%dma_start3A_236 : memref<128xi32, #tpu.memory_space<vmem>>) semaphore(%dma_start3A_241 : memref<!tpu.dma_semaphore, #tpu.memory_space<semaphore_mem>>)
    %dma_start3A_242 = arith.constant 1 : i32
    %dma_start3A_243 = arith.constant 1 : i32
    %dma_start3A_244 = arith.constant 128 : i32
    %dma_start3A_245 = arith.constant 0 : i32
    %dma_start3A_246 = tpu.memref_slice %arg8[%dma_start3A_242, %dma_start3A_244, %dma_start3A_245] : memref<2x200x128xf32, #tpu.memory_space<vmem>> -> memref<1x72x128xf32, #tpu.memory_space<vmem>>
    %dma_start3A_247 = tpu.memref_squeeze %dma_start3A_246 : memref<1x72x128xf32, #tpu.memory_space<vmem>> -> memref<72x128xf32, #tpu.memory_space<vmem>>
    %dma_start3A_248 = tpu.memref_slice %arg6[%add3A_229] : memref<12800xi32, #tpu.memory_space<vmem>> -> memref<72xi32, #tpu.memory_space<vmem>>
    %dma_start3A_249 = arith.constant 0 : i32
    %dma_start3A_250 = arith.constant 0 : i32
    %dma_start3A_251 = tpu.memref_slice %arg4[%dma_start3A_249, %dma_start3A_250] : memref<100000x128xf32, #tpu.memory_space<hbm>> -> memref<100000x128xf32, #tpu.memory_space<hbm>>
    %dma_start3A_252 = tpu.memref_slice %arg11[%dma_start3A_243] : memref<2x!tpu.dma_semaphore, #tpu.memory_space<semaphore_mem>> -> memref<1x!tpu.dma_semaphore, #tpu.memory_space<semaphore_mem>>
    %dma_start3A_253 = tpu.memref_squeeze %dma_start3A_252 : memref<1x!tpu.dma_semaphore, #tpu.memory_space<semaphore_mem>> -> memref<!tpu.dma_semaphore, #tpu.memory_space<semaphore_mem>>
    tpu.enqueue_indirect_dma source(%dma_start3A_251 : memref<100000x128xf32, #tpu.memory_space<hbm>>) target(%dma_start3A_247 : memref<72x128xf32, #tpu.memory_space<vmem>>) offsets(%dma_start3A_248 : memref<72xi32, #tpu.memory_space<vmem>>) semaphore(%dma_start3A_253 : memref<!tpu.dma_semaphore, #tpu.memory_space<semaphore_mem>>)
    %rem3A_254 = arith.constant 62 : i32
    %rem3A_255 = arith.constant 64 : i32
    %rem3A_256 = arith.remsi %rem3A_254, %rem3A_255 : i32
    %mul3A_257 = arith.constant 200 : i32
    %mul3A_258 = arith.muli %rem3A_256, %mul3A_257 : i32
    %multiple_of3A_259 = tpu.assume_multiple %mul3A_258, 8 : i32
    %add3A_260 = arith.constant 128 : i32
    %add3A_261 = arith.addi %multiple_of3A_259, %add3A_260 : i32
    %dma_wait3A_262 = arith.constant 0 : i32
    %dma_wait3A_263 = arith.constant 0 : i32
    %dma_wait3A_264 = arith.constant 0 : i32
    %dma_wait3A_265 = arith.constant 0 : i32
    %dma_wait3A_266 = tpu.memref_slice %arg8[%dma_wait3A_262, %dma_wait3A_264, %dma_wait3A_265] : memref<2x200x128xf32, #tpu.memory_space<vmem>> -> memref<1x128x128xf32, #tpu.memory_space<vmem>>
    %dma_wait3A_267 = tpu.memref_squeeze %dma_wait3A_266 : memref<1x128x128xf32, #tpu.memory_space<vmem>> -> memref<128x128xf32, #tpu.memory_space<vmem>>
    %dma_wait3A_268 = tpu.memref_slice %arg6[%multiple_of3A_259] : memref<12800xi32, #tpu.memory_space<vmem>> -> memref<128xi32, #tpu.memory_space<vmem>>
    %dma_wait3A_269 = arith.constant 0 : i32
    %dma_wait3A_270 = arith.constant 0 : i32
    %dma_wait3A_271 = tpu.memref_slice %arg4[%dma_wait3A_269, %dma_wait3A_270] : memref<100000x128xf32, #tpu.memory_space<hbm>> -> memref<100000x128xf32, #tpu.memory_space<hbm>>
    %dma_wait3A_272 = tpu.memref_slice %arg11[%dma_wait3A_263] : memref<2x!tpu.dma_semaphore, #tpu.memory_space<semaphore_mem>> -> memref<1x!tpu.dma_semaphore, #tpu.memory_space<semaphore_mem>>
    %dma_wait3A_273 = tpu.memref_squeeze %dma_wait3A_272 : memref<1x!tpu.dma_semaphore, #tpu.memory_space<semaphore_mem>> -> memref<!tpu.dma_semaphore, #tpu.memory_space<semaphore_mem>>
    tpu.wait_indirect_dma semaphore(%dma_wait3A_273 : memref<!tpu.dma_semaphore, #tpu.memory_space<semaphore_mem>>) src(%dma_wait3A_271 : memref<100000x128xf32, #tpu.memory_space<hbm>>) dst(%dma_wait3A_267 : memref<128x128xf32, #tpu.memory_space<vmem>>)
    %dma_wait3A_274 = arith.constant 0 : i32
    %dma_wait3A_275 = arith.constant 0 : i32
    %dma_wait3A_276 = arith.constant 128 : i32
    %dma_wait3A_277 = arith.constant 0 : i32
    %dma_wait3A_278 = tpu.memref_slice %arg8[%dma_wait3A_274, %dma_wait3A_276, %dma_wait3A_277] : memref<2x200x128xf32, #tpu.memory_space<vmem>> -> memref<1x72x128xf32, #tpu.memory_space<vmem>>
    %dma_wait3A_279 = tpu.memref_squeeze %dma_wait3A_278 : memref<1x72x128xf32, #tpu.memory_space<vmem>> -> memref<72x128xf32, #tpu.memory_space<vmem>>
    %dma_wait3A_280 = tpu.memref_slice %arg6[%add3A_261] : memref<12800xi32, #tpu.memory_space<vmem>> -> memref<72xi32, #tpu.memory_space<vmem>>
    %dma_wait3A_281 = arith.constant 0 : i32
    %dma_wait3A_282 = arith.constant 0 : i32
    %dma_wait3A_283 = tpu.memref_slice %arg4[%dma_wait3A_281, %dma_wait3A_282] : memref<100000x128xf32, #tpu.memory_space<hbm>> -> memref<100000x128xf32, #tpu.memory_space<hbm>>
    %dma_wait3A_284 = tpu.memref_slice %arg11[%dma_wait3A_275] : memref<2x!tpu.dma_semaphore, #tpu.memory_space<semaphore_mem>> -> memref<1x!tpu.dma_semaphore, #tpu.memory_space<semaphore_mem>>
    %dma_wait3A_285 = tpu.memref_squeeze %dma_wait3A_284 : memref<1x!tpu.dma_semaphore, #tpu.memory_space<semaphore_mem>> -> memref<!tpu.dma_semaphore, #tpu.memory_space<semaphore_mem>>
    tpu.wait_indirect_dma semaphore(%dma_wait3A_285 : memref<!tpu.dma_semaphore, #tpu.memory_space<semaphore_mem>>) src(%dma_wait3A_283 : memref<100000x128xf32, #tpu.memory_space<hbm>>) dst(%dma_wait3A_279 : memref<72x128xf32, #tpu.memory_space<vmem>>)
    %add3A_286 = arith.constant 60 : i32
    %add3A_287 = arith.addi %mul3A_2, %add3A_286 : i32
    %dma_wait3A_288 = arith.constant 0 : i32
    %dma_wait3A_289 = arith.constant 0 : i32
    %dma_wait3A_290 = arith.constant 0 : i32
    %dma_wait3A_291 = arith.constant 0 : i32
    %dma_wait3A_292 = tpu.memref_slice %arg9[%dma_wait3A_288, %dma_wait3A_290, %dma_wait3A_291] : memref<2x200x64xf32, #tpu.memory_space<vmem>> -> memref<1x200x64xf32, #tpu.memory_space<vmem>>
    %dma_wait3A_293 = tpu.memref_squeeze %dma_wait3A_292 : memref<1x200x64xf32, #tpu.memory_space<vmem>> -> memref<200x64xf32, #tpu.memory_space<vmem>>
    %dma_wait3A_294 = arith.constant 0 : i32
    %dma_wait3A_295 = arith.constant 0 : i32
    %dma_wait3A_296 = tpu.memref_slice %arg5[%add3A_287, %dma_wait3A_294, %dma_wait3A_295] : memref<4096x200x64xf32, #tpu.memory_space<hbm>> -> memref<1x200x64xf32, #tpu.memory_space<hbm>>
    %dma_wait3A_297 = tpu.memref_squeeze %dma_wait3A_296 : memref<1x200x64xf32, #tpu.memory_space<hbm>> -> memref<200x64xf32, #tpu.memory_space<hbm>>
    %dma_wait3A_298 = tpu.memref_slice %arg12[%dma_wait3A_289] : memref<2x!tpu.dma_semaphore, #tpu.memory_space<semaphore_mem>> -> memref<1x!tpu.dma_semaphore, #tpu.memory_space<semaphore_mem>>
    %dma_wait3A_299 = tpu.memref_squeeze %dma_wait3A_298 : memref<1x!tpu.dma_semaphore, #tpu.memory_space<semaphore_mem>> -> memref<!tpu.dma_semaphore, #tpu.memory_space<semaphore_mem>>
    %dma_wait3A_300 = arith.constant 0 : i32
    %dma_wait3A_301 = arith.constant 0 : i32
    %dma_wait3A_302 = tpu.memref_slice %arg5[%add3A_287, %dma_wait3A_300, %dma_wait3A_301] : memref<4096x200x64xf32, #tpu.memory_space<hbm>> -> memref<1x200x64xf32, #tpu.memory_space<hbm>>
    %dma_wait3A_303 = tpu.memref_squeeze %dma_wait3A_302 : memref<1x200x64xf32, #tpu.memory_space<hbm>> -> memref<200x64xf32, #tpu.memory_space<hbm>>
    %dma_wait3A_304 = arith.constant 0 : i32
    %dma_wait3A_305 = arith.constant 0 : i32
    %dma_wait3A_306 = tpu.memref_slice %arg9[%dma_wait3A_288, %dma_wait3A_304, %dma_wait3A_305] : memref<2x200x64xf32, #tpu.memory_space<vmem>> -> memref<1x200x64xf32, #tpu.memory_space<vmem>>
    %dma_wait3A_307 = tpu.memref_squeeze %dma_wait3A_306 : memref<1x200x64xf32, #tpu.memory_space<vmem>> -> memref<200x64xf32, #tpu.memory_space<vmem>>
    tpu.wait_dma2 semaphore(%dma_wait3A_299 : memref<!tpu.dma_semaphore, #tpu.memory_space<semaphore_mem>>) src(%dma_wait3A_307 : memref<200x64xf32, #tpu.memory_space<vmem>>) dst(%dma_wait3A_303 : memref<200x64xf32, #tpu.memory_space<hbm>>)
    %parallel_loop3A_308 = arith.constant 0 : i32
    %parallel_loop3A_309 = arith.constant 200 : i32
    %parallel_loop3A_310 = arith.constant 2 : i32
    scf.for %parallel_loop3A_915 = %parallel_loop3A_308 to %parallel_loop3A_309 step %parallel_loop3A_310  : i32 {
      %parallel_loop3A_916 = arith.constant 0 : i32
      %parallel_loop3A_917 = arith.addi %parallel_loop3A_915, %parallel_loop3A_916 : i32
      %parallel_loop3A_918 = arith.constant 0 : i32
      %parallel_loop3A_919 = arith.index_cast %parallel_loop3A_918 : i32 to index
      %parallel_loop3A_920 = arith.index_cast %parallel_loop3A_917 : i32 to index
      %parallel_loop3A_921 = arith.constant 0 : index
      %parallel_loop3A_922 = tpu.vector_load %arg8[%parallel_loop3A_919, %parallel_loop3A_920, %parallel_loop3A_921] {strides = array<i32>} : memref<2x200x128xf32, #tpu.memory_space<vmem>>, vector<1x1x16xf32>,
      %parallel_loop3A_923 = vector.shape_cast %parallel_loop3A_922 : vector<1x1x16xf32> to vector<16xf32>
      %parallel_loop3A_924 = arith.constant 64 : i32
      %parallel_loop3A_925 = arith.muli %parallel_loop3A_917, %parallel_loop3A_924 : i32
      %parallel_loop3A_926 = arith.constant 0 : i32
      %parallel_loop3A_927 = arith.addi %parallel_loop3A_925, %parallel_loop3A_926 : i32
      %parallel_loop3A_928 = arith.index_cast %parallel_loop3A_927 : i32 to index
      %parallel_loop3A_929 = tpu.vector_load %arg7[%parallel_loop3A_928] {strides = array<i32>} : memref<12800xf32, #tpu.memory_space<vmem>>, vector<16xf32>,
      %parallel_loop3A_930 = vector.shape_cast %parallel_loop3A_929 : vector<16xf32> to vector<16xf32>
      %parallel_loop3A_931 = arith.addf %parallel_loop3A_923, %parallel_loop3A_930 : vector<16xf32>
      %parallel_loop3A_932 = arith.constant 0 : i32
      %parallel_loop3A_933 = arith.index_cast %parallel_loop3A_932 : i32 to index
      %parallel_loop3A_934 = arith.index_cast %parallel_loop3A_917 : i32 to index
      %parallel_loop3A_935 = arith.constant 0 : index
      %parallel_loop3A_936 = tpu.vector_load %arg9[%parallel_loop3A_933, %parallel_loop3A_934, %parallel_loop3A_935] {strides = array<i32>} : memref<2x200x64xf32, #tpu.memory_space<vmem>>, vector<1x1x16xf32>,
      %parallel_loop3A_937 = vector.shape_cast %parallel_loop3A_936 : vector<1x1x16xf32> to vector<16xf32>
      %parallel_loop3A_938 = vector.shape_cast %parallel_loop3A_931 : vector<16xf32> to vector<1x1x16xf32>
      tpu.vector_store %arg9[%parallel_loop3A_933, %parallel_loop3A_934, %parallel_loop3A_935], %parallel_loop3A_938 {strides = array<i32>} : memref<2x200x64xf32, #tpu.memory_space<vmem>>, vector<1x1x16xf32>,
      %parallel_loop3A_939 = arith.constant 0 : i32
      %parallel_loop3A_940 = arith.index_cast %parallel_loop3A_939 : i32 to index
      %parallel_loop3A_941 = arith.index_cast %parallel_loop3A_917 : i32 to index
      %parallel_loop3A_942 = arith.constant 16 : index
      %parallel_loop3A_943 = tpu.vector_load %arg8[%parallel_loop3A_940, %parallel_loop3A_941, %parallel_loop3A_942] {strides = array<i32>} : memref<2x200x128xf32, #tpu.memory_space<vmem>>, vector<1x1x16xf32>,
      %parallel_loop3A_944 = vector.shape_cast %parallel_loop3A_943 : vector<1x1x16xf32> to vector<16xf32>
      %parallel_loop3A_945 = arith.constant 64 : i32
      %parallel_loop3A_946 = arith.muli %parallel_loop3A_917, %parallel_loop3A_945 : i32
      %parallel_loop3A_947 = arith.constant 16 : i32
      %parallel_loop3A_948 = arith.addi %parallel_loop3A_946, %parallel_loop3A_947 : i32
      %parallel_loop3A_949 = arith.index_cast %parallel_loop3A_948 : i32 to index
      %parallel_loop3A_950 = tpu.vector_load %arg7[%parallel_loop3A_949] {strides = array<i32>} : memref<12800xf32, #tpu.memory_space<vmem>>, vector<16xf32>,
      %parallel_loop3A_951 = vector.shape_cast %parallel_loop3A_950 : vector<16xf32> to vector<16xf32>
      %parallel_loop3A_952 = arith.addf %parallel_loop3A_944, %parallel_loop3A_951 : vector<16xf32>
      %parallel_loop3A_953 = arith.constant 0 : i32
      %parallel_loop3A_954 = arith.index_cast %parallel_loop3A_953 : i32 to index
      %parallel_loop3A_955 = arith.index_cast %parallel_loop3A_917 : i32 to index
      %parallel_loop3A_956 = arith.constant 16 : index
      %parallel_loop3A_957 = tpu.vector_load %arg9[%parallel_loop3A_954, %parallel_loop3A_955, %parallel_loop3A_956] {strides = array<i32>} : memref<2x200x64xf32, #tpu.memory_space<vmem>>, vector<1x1x16xf32>,
      %parallel_loop3A_958 = vector.shape_cast %parallel_loop3A_957 : vector<1x1x16xf32> to vector<16xf32>
      %parallel_loop3A_959 = vector.shape_cast %parallel_loop3A_952 : vector<16xf32> to vector<1x1x16xf32>
      tpu.vector_store %arg9[%parallel_loop3A_954, %parallel_loop3A_955, %parallel_loop3A_956], %parallel_loop3A_959 {strides = array<i32>} : memref<2x200x64xf32, #tpu.memory_space<vmem>>, vector<1x1x16xf32>,
      %parallel_loop3A_960 = arith.constant 0 : i32
      %parallel_loop3A_961 = arith.index_cast %parallel_loop3A_960 : i32 to index
      %parallel_loop3A_962 = arith.index_cast %parallel_loop3A_917 : i32 to index
      %parallel_loop3A_963 = arith.constant 32 : index
      %parallel_loop3A_964 = tpu.vector_load %arg8[%parallel_loop3A_961, %parallel_loop3A_962, %parallel_loop3A_963] {strides = array<i32>} : memref<2x200x128xf32, #tpu.memory_space<vmem>>, vector<1x1x16xf32>,
      %parallel_loop3A_965 = vector.shape_cast %parallel_loop3A_964 : vector<1x1x16xf32> to vector<16xf32>
      %parallel_loop3A_966 = arith.constant 64 : i32
      %parallel_loop3A_967 = arith.muli %parallel_loop3A_917, %parallel_loop3A_966 : i32
      %parallel_loop3A_968 = arith.constant 32 : i32
      %parallel_loop3A_969 = arith.addi %parallel_loop3A_967, %parallel_loop3A_968 : i32
      %parallel_loop3A_970 = arith.index_cast %parallel_loop3A_969 : i32 to index
      %parallel_loop3A_971 = tpu.vector_load %arg7[%parallel_loop3A_970] {strides = array<i32>} : memref<12800xf32, #tpu.memory_space<vmem>>, vector<16xf32>,
      %parallel_loop3A_972 = vector.shape_cast %parallel_loop3A_971 : vector<16xf32> to vector<16xf32>
      %parallel_loop3A_973 = arith.addf %parallel_loop3A_965, %parallel_loop3A_972 : vector<16xf32>
      %parallel_loop3A_974 = arith.constant 0 : i32
      %parallel_loop3A_975 = arith.index_cast %parallel_loop3A_974 : i32 to index
      %parallel_loop3A_976 = arith.index_cast %parallel_loop3A_917 : i32 to index
      %parallel_loop3A_977 = arith.constant 32 : index
      %parallel_loop3A_978 = tpu.vector_load %arg9[%parallel_loop3A_975, %parallel_loop3A_976, %parallel_loop3A_977] {strides = array<i32>} : memref<2x200x64xf32, #tpu.memory_space<vmem>>, vector<1x1x16xf32>,
      %parallel_loop3A_979 = vector.shape_cast %parallel_loop3A_978 : vector<1x1x16xf32> to vector<16xf32>
      %parallel_loop3A_980 = vector.shape_cast %parallel_loop3A_973 : vector<16xf32> to vector<1x1x16xf32>
      tpu.vector_store %arg9[%parallel_loop3A_975, %parallel_loop3A_976, %parallel_loop3A_977], %parallel_loop3A_980 {strides = array<i32>} : memref<2x200x64xf32, #tpu.memory_space<vmem>>, vector<1x1x16xf32>,
      %parallel_loop3A_981 = arith.constant 0 : i32
      %parallel_loop3A_982 = arith.index_cast %parallel_loop3A_981 : i32 to index
      %parallel_loop3A_983 = arith.index_cast %parallel_loop3A_917 : i32 to index
      %parallel_loop3A_984 = arith.constant 48 : index
      %parallel_loop3A_985 = tpu.vector_load %arg8[%parallel_loop3A_982, %parallel_loop3A_983, %parallel_loop3A_984] {strides = array<i32>} : memref<2x200x128xf32, #tpu.memory_space<vmem>>, vector<1x1x16xf32>,
      %parallel_loop3A_986 = vector.shape_cast %parallel_loop3A_985 : vector<1x1x16xf32> to vector<16xf32>
      %parallel_loop3A_987 = arith.constant 64 : i32
      %parallel_loop3A_988 = arith.muli %parallel_loop3A_917, %parallel_loop3A_987 : i32
      %parallel_loop3A_989 = arith.constant 48 : i32
      %parallel_loop3A_990 = arith.addi %parallel_loop3A_988, %parallel_loop3A_989 : i32
      %parallel_loop3A_991 = arith.index_cast %parallel_loop3A_990 : i32 to index
      %parallel_loop3A_992 = tpu.vector_load %arg7[%parallel_loop3A_991] {strides = array<i32>} : memref<12800xf32, #tpu.memory_space<vmem>>, vector<16xf32>,
      %parallel_loop3A_993 = vector.shape_cast %parallel_loop3A_992 : vector<16xf32> to vector<16xf32>
      %parallel_loop3A_994 = arith.addf %parallel_loop3A_986, %parallel_loop3A_993 : vector<16xf32>
      %parallel_loop3A_995 = arith.constant 0 : i32
      %parallel_loop3A_996 = arith.index_cast %parallel_loop3A_995 : i32 to index
      %parallel_loop3A_997 = arith.index_cast %parallel_loop3A_917 : i32 to index
      %parallel_loop3A_998 = arith.constant 48 : index
      %parallel_loop3A_999 = tpu.vector_load %arg9[%parallel_loop3A_996, %parallel_loop3A_997, %parallel_loop3A_998] {strides = array<i32>} : memref<2x200x64xf32, #tpu.memory_space<vmem>>, vector<1x1x16xf32>,
      %parallel_loop3A_1000 = vector.shape_cast %parallel_loop3A_999 : vector<1x1x16xf32> to vector<16xf32>
      %parallel_loop3A_1001 = vector.shape_cast %parallel_loop3A_994 : vector<16xf32> to vector<1x1x16xf32>
      tpu.vector_store %arg9[%parallel_loop3A_996, %parallel_loop3A_997, %parallel_loop3A_998], %parallel_loop3A_1001 {strides = array<i32>} : memref<2x200x64xf32, #tpu.memory_space<vmem>>, vector<1x1x16xf32>,
      %parallel_loop3A_1002 = arith.constant 1 : i32
      %parallel_loop3A_1003 = arith.addi %parallel_loop3A_915, %parallel_loop3A_1002 : i32
      %parallel_loop3A_1004 = arith.constant 0 : i32
      %parallel_loop3A_1005 = arith.index_cast %parallel_loop3A_1004 : i32 to index
      %parallel_loop3A_1006 = arith.index_cast %parallel_loop3A_1003 : i32 to index
      %parallel_loop3A_1007 = arith.constant 0 : index
      %parallel_loop3A_1008 = tpu.vector_load %arg8[%parallel_loop3A_1005, %parallel_loop3A_1006, %parallel_loop3A_1007] {strides = array<i32>} : memref<2x200x128xf32, #tpu.memory_space<vmem>>, vector<1x1x16xf32>,
      %parallel_loop3A_1009 = vector.shape_cast %parallel_loop3A_1008 : vector<1x1x16xf32> to vector<16xf32>
      %parallel_loop3A_1010 = arith.constant 64 : i32
      %parallel_loop3A_1011 = arith.muli %parallel_loop3A_1003, %parallel_loop3A_1010 : i32
      %parallel_loop3A_1012 = arith.constant 0 : i32
      %parallel_loop3A_1013 = arith.addi %parallel_loop3A_1011, %parallel_loop3A_1012 : i32
      %parallel_loop3A_1014 = arith.index_cast %parallel_loop3A_1013 : i32 to index
      %parallel_loop3A_1015 = tpu.vector_load %arg7[%parallel_loop3A_1014] {strides = array<i32>} : memref<12800xf32, #tpu.memory_space<vmem>>, vector<16xf32>,
      %parallel_loop3A_1016 = vector.shape_cast %parallel_loop3A_1015 : vector<16xf32> to vector<16xf32>
      %parallel_loop3A_1017 = arith.addf %parallel_loop3A_1009, %parallel_loop3A_1016 : vector<16xf32>
      %parallel_loop3A_1018 = arith.constant 0 : i32
      %parallel_loop3A_1019 = arith.index_cast %parallel_loop3A_1018 : i32 to index
      %parallel_loop3A_1020 = arith.index_cast %parallel_loop3A_1003 : i32 to index
      %parallel_loop3A_1021 = arith.constant 0 : index
      %parallel_loop3A_1022 = tpu.vector_load %arg9[%parallel_loop3A_1019, %parallel_loop3A_1020, %parallel_loop3A_1021] {strides = array<i32>} : memref<2x200x64xf32, #tpu.memory_space<vmem>>, vector<1x1x16xf32>,
      %parallel_loop3A_1023 = vector.shape_cast %parallel_loop3A_1022 : vector<1x1x16xf32> to vector<16xf32>
      %parallel_loop3A_1024 = vector.shape_cast %parallel_loop3A_1017 : vector<16xf32> to vector<1x1x16xf32>
      tpu.vector_store %arg9[%parallel_loop3A_1019, %parallel_loop3A_1020, %parallel_loop3A_1021], %parallel_loop3A_1024 {strides = array<i32>} : memref<2x200x64xf32, #tpu.memory_space<vmem>>, vector<1x1x16xf32>,
      %parallel_loop3A_1025 = arith.constant 0 : i32
      %parallel_loop3A_1026 = arith.index_cast %parallel_loop3A_1025 : i32 to index
      %parallel_loop3A_1027 = arith.index_cast %parallel_loop3A_1003 : i32 to index
      %parallel_loop3A_1028 = arith.constant 16 : index
      %parallel_loop3A_1029 = tpu.vector_load %arg8[%parallel_loop3A_1026, %parallel_loop3A_1027, %parallel_loop3A_1028] {strides = array<i32>} : memref<2x200x128xf32, #tpu.memory_space<vmem>>, vector<1x1x16xf32>,
      %parallel_loop3A_1030 = vector.shape_cast %parallel_loop3A_1029 : vector<1x1x16xf32> to vector<16xf32>
      %parallel_loop3A_1031 = arith.constant 64 : i32
      %parallel_loop3A_1032 = arith.muli %parallel_loop3A_1003, %parallel_loop3A_1031 : i32
      %parallel_loop3A_1033 = arith.constant 16 : i32
      %parallel_loop3A_1034 = arith.addi %parallel_loop3A_1032, %parallel_loop3A_1033 : i32
      %parallel_loop3A_1035 = arith.index_cast %parallel_loop3A_1034 : i32 to index
      %parallel_loop3A_1036 = tpu.vector_load %arg7[%parallel_loop3A_1035] {strides = array<i32>} : memref<12800xf32, #tpu.memory_space<vmem>>, vector<16xf32>,
      %parallel_loop3A_1037 = vector.shape_cast %parallel_loop3A_1036 : vector<16xf32> to vector<16xf32>
      %parallel_loop3A_1038 = arith.addf %parallel_loop3A_1030, %parallel_loop3A_1037 : vector<16xf32>
      %parallel_loop3A_1039 = arith.constant 0 : i32
      %parallel_loop3A_1040 = arith.index_cast %parallel_loop3A_1039 : i32 to index
      %parallel_loop3A_1041 = arith.index_cast %parallel_loop3A_1003 : i32 to index
      %parallel_loop3A_1042 = arith.constant 16 : index
      %parallel_loop3A_1043 = tpu.vector_load %arg9[%parallel_loop3A_1040, %parallel_loop3A_1041, %parallel_loop3A_1042] {strides = array<i32>} : memref<2x200x64xf32, #tpu.memory_space<vmem>>, vector<1x1x16xf32>,
      %parallel_loop3A_1044 = vector.shape_cast %parallel_loop3A_1043 : vector<1x1x16xf32> to vector<16xf32>
      %parallel_loop3A_1045 = vector.shape_cast %parallel_loop3A_1038 : vector<16xf32> to vector<1x1x16xf32>
      tpu.vector_store %arg9[%parallel_loop3A_1040, %parallel_loop3A_1041, %parallel_loop3A_1042], %parallel_loop3A_1045 {strides = array<i32>} : memref<2x200x64xf32, #tpu.memory_space<vmem>>, vector<1x1x16xf32>,
      %parallel_loop3A_1046 = arith.constant 0 : i32
      %parallel_loop3A_1047 = arith.index_cast %parallel_loop3A_1046 : i32 to index
      %parallel_loop3A_1048 = arith.index_cast %parallel_loop3A_1003 : i32 to index
      %parallel_loop3A_1049 = arith.constant 32 : index
      %parallel_loop3A_1050 = tpu.vector_load %arg8[%parallel_loop3A_1047, %parallel_loop3A_1048, %parallel_loop3A_1049] {strides = array<i32>} : memref<2x200x128xf32, #tpu.memory_space<vmem>>, vector<1x1x16xf32>,
      %parallel_loop3A_1051 = vector.shape_cast %parallel_loop3A_1050 : vector<1x1x16xf32> to vector<16xf32>
      %parallel_loop3A_1052 = arith.constant 64 : i32
      %parallel_loop3A_1053 = arith.muli %parallel_loop3A_1003, %parallel_loop3A_1052 : i32
      %parallel_loop3A_1054 = arith.constant 32 : i32
      %parallel_loop3A_1055 = arith.addi %parallel_loop3A_1053, %parallel_loop3A_1054 : i32
      %parallel_loop3A_1056 = arith.index_cast %parallel_loop3A_1055 : i32 to index
      %parallel_loop3A_1057 = tpu.vector_load %arg7[%parallel_loop3A_1056] {strides = array<i32>} : memref<12800xf32, #tpu.memory_space<vmem>>, vector<16xf32>,
      %parallel_loop3A_1058 = vector.shape_cast %parallel_loop3A_1057 : vector<16xf32> to vector<16xf32>
      %parallel_loop3A_1059 = arith.addf %parallel_loop3A_1051, %parallel_loop3A_1058 : vector<16xf32>
      %parallel_loop3A_1060 = arith.constant 0 : i32
      %parallel_loop3A_1061 = arith.index_cast %parallel_loop3A_1060 : i32 to index
      %parallel_loop3A_1062 = arith.index_cast %parallel_loop3A_1003 : i32 to index
      %parallel_loop3A_1063 = arith.constant 32 : index
      %parallel_loop3A_1064 = tpu.vector_load %arg9[%parallel_loop3A_1061, %parallel_loop3A_1062, %parallel_loop3A_1063] {strides = array<i32>} : memref<2x200x64xf32, #tpu.memory_space<vmem>>, vector<1x1x16xf32>,
      %parallel_loop3A_1065 = vector.shape_cast %parallel_loop3A_1064 : vector<1x1x16xf32> to vector<16xf32>
      %parallel_loop3A_1066 = vector.shape_cast %parallel_loop3A_1059 : vector<16xf32> to vector<1x1x16xf32>
      tpu.vector_store %arg9[%parallel_loop3A_1061, %parallel_loop3A_1062, %parallel_loop3A_1063], %parallel_loop3A_1066 {strides = array<i32>} : memref<2x200x64xf32, #tpu.memory_space<vmem>>, vector<1x1x16xf32>,
      %parallel_loop3A_1067 = arith.constant 0 : i32
      %parallel_loop3A_1068 = arith.index_cast %parallel_loop3A_1067 : i32 to index
      %parallel_loop3A_1069 = arith.index_cast %parallel_loop3A_1003 : i32 to index
      %parallel_loop3A_1070 = arith.constant 48 : index
      %parallel_loop3A_1071 = tpu.vector_load %arg8[%parallel_loop3A_1068, %parallel_loop3A_1069, %parallel_loop3A_1070] {strides = array<i32>} : memref<2x200x128xf32, #tpu.memory_space<vmem>>, vector<1x1x16xf32>,
      %parallel_loop3A_1072 = vector.shape_cast %parallel_loop3A_1071 : vector<1x1x16xf32> to vector<16xf32>
      %parallel_loop3A_1073 = arith.constant 64 : i32
      %parallel_loop3A_1074 = arith.muli %parallel_loop3A_1003, %parallel_loop3A_1073 : i32
      %parallel_loop3A_1075 = arith.constant 48 : i32
      %parallel_loop3A_1076 = arith.addi %parallel_loop3A_1074, %parallel_loop3A_1075 : i32
      %parallel_loop3A_1077 = arith.index_cast %parallel_loop3A_1076 : i32 to index
      %parallel_loop3A_1078 = tpu.vector_load %arg7[%parallel_loop3A_1077] {strides = array<i32>} : memref<12800xf32, #tpu.memory_space<vmem>>, vector<16xf32>,
      %parallel_loop3A_1079 = vector.shape_cast %parallel_loop3A_1078 : vector<16xf32> to vector<16xf32>
      %parallel_loop3A_1080 = arith.addf %parallel_loop3A_1072, %parallel_loop3A_1079 : vector<16xf32>
      %parallel_loop3A_1081 = arith.constant 0 : i32
      %parallel_loop3A_1082 = arith.index_cast %parallel_loop3A_1081 : i32 to index
      %parallel_loop3A_1083 = arith.index_cast %parallel_loop3A_1003 : i32 to index
      %parallel_loop3A_1084 = arith.constant 48 : index
      %parallel_loop3A_1085 = tpu.vector_load %arg9[%parallel_loop3A_1082, %parallel_loop3A_1083, %parallel_loop3A_1084] {strides = array<i32>} : memref<2x200x64xf32, #tpu.memory_space<vmem>>, vector<1x1x16xf32>,
      %parallel_loop3A_1086 = vector.shape_cast %parallel_loop3A_1085 : vector<1x1x16xf32> to vector<16xf32>
      %parallel_loop3A_1087 = vector.shape_cast %parallel_loop3A_1080 : vector<16xf32> to vector<1x1x16xf32>
      tpu.vector_store %arg9[%parallel_loop3A_1082, %parallel_loop3A_1083, %parallel_loop3A_1084], %parallel_loop3A_1087 {strides = array<i32>} : memref<2x200x64xf32, #tpu.memory_space<vmem>>, vector<1x1x16xf32>,
    } {sc.loop_unroll_factor = 1 : i64, sc.parallel_access}
    %add3A_311 = arith.constant 62 : i32
    %add3A_312 = arith.addi %mul3A_2, %add3A_311 : i32
    %dma_start3A_313 = arith.constant 0 : i32
    %dma_start3A_314 = arith.constant 0 : i32
    %dma_start3A_315 = arith.constant 0 : i32
    %dma_start3A_316 = arith.constant 0 : i32
    %dma_start3A_317 = tpu.memref_slice %arg9[%dma_start3A_313, %dma_start3A_315, %dma_start3A_316] : memref<2x200x64xf32, #tpu.memory_space<vmem>> -> memref<1x200x64xf32, #tpu.memory_space<vmem>>
    %dma_start3A_318 = tpu.memref_squeeze %dma_start3A_317 : memref<1x200x64xf32, #tpu.memory_space<vmem>> -> memref<200x64xf32, #tpu.memory_space<vmem>>
    %dma_start3A_319 = arith.constant 0 : i32
    %dma_start3A_320 = arith.constant 0 : i32
    %dma_start3A_321 = tpu.memref_slice %arg5[%add3A_312, %dma_start3A_319, %dma_start3A_320] : memref<4096x200x64xf32, #tpu.memory_space<hbm>> -> memref<1x200x64xf32, #tpu.memory_space<hbm>>
    %dma_start3A_322 = tpu.memref_squeeze %dma_start3A_321 : memref<1x200x64xf32, #tpu.memory_space<hbm>> -> memref<200x64xf32, #tpu.memory_space<hbm>>
    %dma_start3A_323 = tpu.memref_slice %arg12[%dma_start3A_314] : memref<2x!tpu.dma_semaphore, #tpu.memory_space<semaphore_mem>> -> memref<1x!tpu.dma_semaphore, #tpu.memory_space<semaphore_mem>>
    %dma_start3A_324 = tpu.memref_squeeze %dma_start3A_323 : memref<1x!tpu.dma_semaphore, #tpu.memory_space<semaphore_mem>> -> memref<!tpu.dma_semaphore, #tpu.memory_space<semaphore_mem>>
    %dma_start3A_325 = arith.constant 0 : i32
    %dma_start3A_326 = arith.constant 0 : i32
    %dma_start3A_327 = tpu.memref_slice %arg5[%add3A_312, %dma_start3A_325, %dma_start3A_326] : memref<4096x200x64xf32, #tpu.memory_space<hbm>> -> memref<1x200x64xf32, #tpu.memory_space<hbm>>
    %dma_start3A_328 = tpu.memref_squeeze %dma_start3A_327 : memref<1x200x64xf32, #tpu.memory_space<hbm>> -> memref<200x64xf32, #tpu.memory_space<hbm>>
    %dma_start3A_329 = arith.constant 0 : i32
    %dma_start3A_330 = arith.constant 0 : i32
    %dma_start3A_331 = tpu.memref_slice %arg9[%dma_start3A_313, %dma_start3A_329, %dma_start3A_330] : memref<2x200x64xf32, #tpu.memory_space<vmem>> -> memref<1x200x64xf32, #tpu.memory_space<vmem>>
    %dma_start3A_332 = tpu.memref_squeeze %dma_start3A_331 : memref<1x200x64xf32, #tpu.memory_space<vmem>> -> memref<200x64xf32, #tpu.memory_space<vmem>>
    tpu.enqueue_dma source(%dma_start3A_332 : memref<200x64xf32, #tpu.memory_space<vmem>>) target(%dma_start3A_328 : memref<200x64xf32, #tpu.memory_space<hbm>>) target_semaphore(%dma_start3A_324 : memref<!tpu.dma_semaphore, #tpu.memory_space<semaphore_mem>>)
    %rem3A_333 = arith.constant 63 : i32
    %rem3A_334 = arith.constant 64 : i32
    %rem3A_335 = arith.remsi %rem3A_333, %rem3A_334 : i32
    %mul3A_336 = arith.constant 200 : i32
    %mul3A_337 = arith.muli %rem3A_335, %mul3A_336 : i32
    %multiple_of3A_338 = tpu.assume_multiple %mul3A_337, 8 : i32
    %add3A_339 = arith.constant 128 : i32
    %add3A_340 = arith.addi %multiple_of3A_338, %add3A_339 : i32
    %dma_wait3A_341 = arith.constant 1 : i32
    %dma_wait3A_342 = arith.constant 1 : i32
    %dma_wait3A_343 = arith.constant 0 : i32
    %dma_wait3A_344 = arith.constant 0 : i32
    %dma_wait3A_345 = tpu.memref_slice %arg8[%dma_wait3A_341, %dma_wait3A_343, %dma_wait3A_344] : memref<2x200x128xf32, #tpu.memory_space<vmem>> -> memref<1x128x128xf32, #tpu.memory_space<vmem>>
    %dma_wait3A_346 = tpu.memref_squeeze %dma_wait3A_345 : memref<1x128x128xf32, #tpu.memory_space<vmem>> -> memref<128x128xf32, #tpu.memory_space<vmem>>
    %dma_wait3A_347 = tpu.memref_slice %arg6[%multiple_of3A_338] : memref<12800xi32, #tpu.memory_space<vmem>> -> memref<128xi32, #tpu.memory_space<vmem>>
    %dma_wait3A_348 = arith.constant 0 : i32
    %dma_wait3A_349 = arith.constant 0 : i32
    %dma_wait3A_350 = tpu.memref_slice %arg4[%dma_wait3A_348, %dma_wait3A_349] : memref<100000x128xf32, #tpu.memory_space<hbm>> -> memref<100000x128xf32, #tpu.memory_space<hbm>>
    %dma_wait3A_351 = tpu.memref_slice %arg11[%dma_wait3A_342] : memref<2x!tpu.dma_semaphore, #tpu.memory_space<semaphore_mem>> -> memref<1x!tpu.dma_semaphore, #tpu.memory_space<semaphore_mem>>
    %dma_wait3A_352 = tpu.memref_squeeze %dma_wait3A_351 : memref<1x!tpu.dma_semaphore, #tpu.memory_space<semaphore_mem>> -> memref<!tpu.dma_semaphore, #tpu.memory_space<semaphore_mem>>
    tpu.wait_indirect_dma semaphore(%dma_wait3A_352 : memref<!tpu.dma_semaphore, #tpu.memory_space<semaphore_mem>>) src(%dma_wait3A_350 : memref<100000x128xf32, #tpu.memory_space<hbm>>) dst(%dma_wait3A_346 : memref<128x128xf32, #tpu.memory_space<vmem>>)
    %dma_wait3A_353 = arith.constant 1 : i32
    %dma_wait3A_354 = arith.constant 1 : i32
    %dma_wait3A_355 = arith.constant 128 : i32
    %dma_wait3A_356 = arith.constant 0 : i32
    %dma_wait3A_357 = tpu.memref_slice %arg8[%dma_wait3A_353, %dma_wait3A_355, %dma_wait3A_356] : memref<2x200x128xf32, #tpu.memory_space<vmem>> -> memref<1x72x128xf32, #tpu.memory_space<vmem>>
    %dma_wait3A_358 = tpu.memref_squeeze %dma_wait3A_357 : memref<1x72x128xf32, #tpu.memory_space<vmem>> -> memref<72x128xf32, #tpu.memory_space<vmem>>
    %dma_wait3A_359 = tpu.memref_slice %arg6[%add3A_340] : memref<12800xi32, #tpu.memory_space<vmem>> -> memref<72xi32, #tpu.memory_space<vmem>>
    %dma_wait3A_360 = arith.constant 0 : i32
    %dma_wait3A_361 = arith.constant 0 : i32
    %dma_wait3A_362 = tpu.memref_slice %arg4[%dma_wait3A_360, %dma_wait3A_361] : memref<100000x128xf32, #tpu.memory_space<hbm>> -> memref<100000x128xf32, #tpu.memory_space<hbm>>
    %dma_wait3A_363 = tpu.memref_slice %arg11[%dma_wait3A_354] : memref<2x!tpu.dma_semaphore, #tpu.memory_space<semaphore_mem>> -> memref<1x!tpu.dma_semaphore, #tpu.memory_space<semaphore_mem>>
    %dma_wait3A_364 = tpu.memref_squeeze %dma_wait3A_363 : memref<1x!tpu.dma_semaphore, #tpu.memory_space<semaphore_mem>> -> memref<!tpu.dma_semaphore, #tpu.memory_space<semaphore_mem>>
    tpu.wait_indirect_dma semaphore(%dma_wait3A_364 : memref<!tpu.dma_semaphore, #tpu.memory_space<semaphore_mem>>) src(%dma_wait3A_362 : memref<100000x128xf32, #tpu.memory_space<hbm>>) dst(%dma_wait3A_358 : memref<72x128xf32, #tpu.memory_space<vmem>>)
    %add3A_365 = arith.constant 61 : i32
    %add3A_366 = arith.addi %mul3A_2, %add3A_365 : i32
    %dma_wait3A_367 = arith.constant 1 : i32
    %dma_wait3A_368 = arith.constant 1 : i32
    %dma_wait3A_369 = arith.constant 0 : i32
    %dma_wait3A_370 = arith.constant 0 : i32
    %dma_wait3A_371 = tpu.memref_slice %arg9[%dma_wait3A_367, %dma_wait3A_369, %dma_wait3A_370] : memref<2x200x64xf32, #tpu.memory_space<vmem>> -> memref<1x200x64xf32, #tpu.memory_space<vmem>>
    %dma_wait3A_372 = tpu.memref_squeeze %dma_wait3A_371 : memref<1x200x64xf32, #tpu.memory_space<vmem>> -> memref<200x64xf32, #tpu.memory_space<vmem>>
    %dma_wait3A_373 = arith.constant 0 : i32
    %dma_wait3A_374 = arith.constant 0 : i32
    %dma_wait3A_375 = tpu.memref_slice %arg5[%add3A_366, %dma_wait3A_373, %dma_wait3A_374] : memref<4096x200x64xf32, #tpu.memory_space<hbm>> -> memref<1x200x64xf32, #tpu.memory_space<hbm>>
    %dma_wait3A_376 = tpu.memref_squeeze %dma_wait3A_375 : memref<1x200x64xf32, #tpu.memory_space<hbm>> -> memref<200x64xf32, #tpu.memory_space<hbm>>
    %dma_wait3A_377 = tpu.memref_slice %arg12[%dma_wait3A_368] : memref<2x!tpu.dma_semaphore, #tpu.memory_space<semaphore_mem>> -> memref<1x!tpu.dma_semaphore, #tpu.memory_space<semaphore_mem>>
    %dma_wait3A_378 = tpu.memref_squeeze %dma_wait3A_377 : memref<1x!tpu.dma_semaphore, #tpu.memory_space<semaphore_mem>> -> memref<!tpu.dma_semaphore, #tpu.memory_space<semaphore_mem>>
    %dma_wait3A_379 = arith.constant 0 : i32
    %dma_wait3A_380 = arith.constant 0 : i32
    %dma_wait3A_381 = tpu.memref_slice %arg5[%add3A_366, %dma_wait3A_379, %dma_wait3A_380] : memref<4096x200x64xf32, #tpu.memory_space<hbm>> -> memref<1x200x64xf32, #tpu.memory_space<hbm>>
    %dma_wait3A_382 = tpu.memref_squeeze %dma_wait3A_381 : memref<1x200x64xf32, #tpu.memory_space<hbm>> -> memref<200x64xf32, #tpu.memory_space<hbm>>
    %dma_wait3A_383 = arith.constant 0 : i32
    %dma_wait3A_384 = arith.constant 0 : i32
    %dma_wait3A_385 = tpu.memref_slice %arg9[%dma_wait3A_367, %dma_wait3A_383, %dma_wait3A_384] : memref<2x200x64xf32, #tpu.memory_space<vmem>> -> memref<1x200x64xf32, #tpu.memory_space<vmem>>
    %dma_wait3A_386 = tpu.memref_squeeze %dma_wait3A_385 : memref<1x200x64xf32, #tpu.memory_space<vmem>> -> memref<200x64xf32, #tpu.memory_space<vmem>>
    tpu.wait_dma2 semaphore(%dma_wait3A_378 : memref<!tpu.dma_semaphore, #tpu.memory_space<semaphore_mem>>) src(%dma_wait3A_386 : memref<200x64xf32, #tpu.memory_space<vmem>>) dst(%dma_wait3A_382 : memref<200x64xf32, #tpu.memory_space<hbm>>)
    %parallel_loop3A_387 = arith.constant 0 : i32
    %parallel_loop3A_388 = arith.constant 200 : i32
    %parallel_loop3A_389 = arith.constant 2 : i32
    scf.for %parallel_loop3A_915 = %parallel_loop3A_387 to %parallel_loop3A_388 step %parallel_loop3A_389  : i32 {
      %parallel_loop3A_916 = arith.constant 0 : i32
      %parallel_loop3A_917 = arith.addi %parallel_loop3A_915, %parallel_loop3A_916 : i32
      %parallel_loop3A_918 = arith.constant 1 : i32
      %parallel_loop3A_919 = arith.index_cast %parallel_loop3A_918 : i32 to index
      %parallel_loop3A_920 = arith.index_cast %parallel_loop3A_917 : i32 to index
      %parallel_loop3A_921 = arith.constant 0 : index
      %parallel_loop3A_922 = tpu.vector_load %arg8[%parallel_loop3A_919, %parallel_loop3A_920, %parallel_loop3A_921] {strides = array<i32>} : memref<2x200x128xf32, #tpu.memory_space<vmem>>, vector<1x1x16xf32>,
      %parallel_loop3A_923 = vector.shape_cast %parallel_loop3A_922 : vector<1x1x16xf32> to vector<16xf32>
      %parallel_loop3A_924 = arith.constant 64 : i32
      %parallel_loop3A_925 = arith.muli %parallel_loop3A_917, %parallel_loop3A_924 : i32
      %parallel_loop3A_926 = arith.constant 0 : i32
      %parallel_loop3A_927 = arith.addi %parallel_loop3A_925, %parallel_loop3A_926 : i32
      %parallel_loop3A_928 = arith.index_cast %parallel_loop3A_927 : i32 to index
      %parallel_loop3A_929 = tpu.vector_load %arg7[%parallel_loop3A_928] {strides = array<i32>} : memref<12800xf32, #tpu.memory_space<vmem>>, vector<16xf32>,
      %parallel_loop3A_930 = vector.shape_cast %parallel_loop3A_929 : vector<16xf32> to vector<16xf32>
      %parallel_loop3A_931 = arith.addf %parallel_loop3A_923, %parallel_loop3A_930 : vector<16xf32>
      %parallel_loop3A_932 = arith.constant 1 : i32
      %parallel_loop3A_933 = arith.index_cast %parallel_loop3A_932 : i32 to index
      %parallel_loop3A_934 = arith.index_cast %parallel_loop3A_917 : i32 to index
      %parallel_loop3A_935 = arith.constant 0 : index
      %parallel_loop3A_936 = tpu.vector_load %arg9[%parallel_loop3A_933, %parallel_loop3A_934, %parallel_loop3A_935] {strides = array<i32>} : memref<2x200x64xf32, #tpu.memory_space<vmem>>, vector<1x1x16xf32>,
      %parallel_loop3A_937 = vector.shape_cast %parallel_loop3A_936 : vector<1x1x16xf32> to vector<16xf32>
      %parallel_loop3A_938 = vector.shape_cast %parallel_loop3A_931 : vector<16xf32> to vector<1x1x16xf32>
      tpu.vector_store %arg9[%parallel_loop3A_933, %parallel_loop3A_934, %parallel_loop3A_935], %parallel_loop3A_938 {strides = array<i32>} : memref<2x200x64xf32, #tpu.memory_space<vmem>>, vector<1x1x16xf32>,
      %parallel_loop3A_939 = arith.constant 1 : i32
      %parallel_loop3A_940 = arith.index_cast %parallel_loop3A_939 : i32 to index
      %parallel_loop3A_941 = arith.index_cast %parallel_loop3A_917 : i32 to index
      %parallel_loop3A_942 = arith.constant 16 : index
      %parallel_loop3A_943 = tpu.vector_load %arg8[%parallel_loop3A_940, %parallel_loop3A_941, %parallel_loop3A_942] {strides = array<i32>} : memref<2x200x128xf32, #tpu.memory_space<vmem>>, vector<1x1x16xf32>,
      %parallel_loop3A_944 = vector.shape_cast %parallel_loop3A_943 : vector<1x1x16xf32> to vector<16xf32>
      %parallel_loop3A_945 = arith.constant 64 : i32
      %parallel_loop3A_946 = arith.muli %parallel_loop3A_917, %parallel_loop3A_945 : i32
      %parallel_loop3A_947 = arith.constant 16 : i32
      %parallel_loop3A_948 = arith.addi %parallel_loop3A_946, %parallel_loop3A_947 : i32
      %parallel_loop3A_949 = arith.index_cast %parallel_loop3A_948 : i32 to index
      %parallel_loop3A_950 = tpu.vector_load %arg7[%parallel_loop3A_949] {strides = array<i32>} : memref<12800xf32, #tpu.memory_space<vmem>>, vector<16xf32>,
      %parallel_loop3A_951 = vector.shape_cast %parallel_loop3A_950 : vector<16xf32> to vector<16xf32>
      %parallel_loop3A_952 = arith.addf %parallel_loop3A_944, %parallel_loop3A_951 : vector<16xf32>
      %parallel_loop3A_953 = arith.constant 1 : i32
      %parallel_loop3A_954 = arith.index_cast %parallel_loop3A_953 : i32 to index
      %parallel_loop3A_955 = arith.index_cast %parallel_loop3A_917 : i32 to index
      %parallel_loop3A_956 = arith.constant 16 : index
      %parallel_loop3A_957 = tpu.vector_load %arg9[%parallel_loop3A_954, %parallel_loop3A_955, %parallel_loop3A_956] {strides = array<i32>} : memref<2x200x64xf32, #tpu.memory_space<vmem>>, vector<1x1x16xf32>,
      %parallel_loop3A_958 = vector.shape_cast %parallel_loop3A_957 : vector<1x1x16xf32> to vector<16xf32>
      %parallel_loop3A_959 = vector.shape_cast %parallel_loop3A_952 : vector<16xf32> to vector<1x1x16xf32>
      tpu.vector_store %arg9[%parallel_loop3A_954, %parallel_loop3A_955, %parallel_loop3A_956], %parallel_loop3A_959 {strides = array<i32>} : memref<2x200x64xf32, #tpu.memory_space<vmem>>, vector<1x1x16xf32>,
      %parallel_loop3A_960 = arith.constant 1 : i32
      %parallel_loop3A_961 = arith.index_cast %parallel_loop3A_960 : i32 to index
      %parallel_loop3A_962 = arith.index_cast %parallel_loop3A_917 : i32 to index
      %parallel_loop3A_963 = arith.constant 32 : index
      %parallel_loop3A_964 = tpu.vector_load %arg8[%parallel_loop3A_961, %parallel_loop3A_962, %parallel_loop3A_963] {strides = array<i32>} : memref<2x200x128xf32, #tpu.memory_space<vmem>>, vector<1x1x16xf32>,
      %parallel_loop3A_965 = vector.shape_cast %parallel_loop3A_964 : vector<1x1x16xf32> to vector<16xf32>
      %parallel_loop3A_966 = arith.constant 64 : i32
      %parallel_loop3A_967 = arith.muli %parallel_loop3A_917, %parallel_loop3A_966 : i32
      %parallel_loop3A_968 = arith.constant 32 : i32
      %parallel_loop3A_969 = arith.addi %parallel_loop3A_967, %parallel_loop3A_968 : i32
      %parallel_loop3A_970 = arith.index_cast %parallel_loop3A_969 : i32 to index
      %parallel_loop3A_971 = tpu.vector_load %arg7[%parallel_loop3A_970] {strides = array<i32>} : memref<12800xf32, #tpu.memory_space<vmem>>, vector<16xf32>,
      %parallel_loop3A_972 = vector.shape_cast %parallel_loop3A_971 : vector<16xf32> to vector<16xf32>
      %parallel_loop3A_973 = arith.addf %parallel_loop3A_965, %parallel_loop3A_972 : vector<16xf32>
      %parallel_loop3A_974 = arith.constant 1 : i32
      %parallel_loop3A_975 = arith.index_cast %parallel_loop3A_974 : i32 to index
      %parallel_loop3A_976 = arith.index_cast %parallel_loop3A_917 : i32 to index
      %parallel_loop3A_977 = arith.constant 32 : index
      %parallel_loop3A_978 = tpu.vector_load %arg9[%parallel_loop3A_975, %parallel_loop3A_976, %parallel_loop3A_977] {strides = array<i32>} : memref<2x200x64xf32, #tpu.memory_space<vmem>>, vector<1x1x16xf32>,
      %parallel_loop3A_979 = vector.shape_cast %parallel_loop3A_978 : vector<1x1x16xf32> to vector<16xf32>
      %parallel_loop3A_980 = vector.shape_cast %parallel_loop3A_973 : vector<16xf32> to vector<1x1x16xf32>
      tpu.vector_store %arg9[%parallel_loop3A_975, %parallel_loop3A_976, %parallel_loop3A_977], %parallel_loop3A_980 {strides = array<i32>} : memref<2x200x64xf32, #tpu.memory_space<vmem>>, vector<1x1x16xf32>,
      %parallel_loop3A_981 = arith.constant 1 : i32
      %parallel_loop3A_982 = arith.index_cast %parallel_loop3A_981 : i32 to index
      %parallel_loop3A_983 = arith.index_cast %parallel_loop3A_917 : i32 to index
      %parallel_loop3A_984 = arith.constant 48 : index
      %parallel_loop3A_985 = tpu.vector_load %arg8[%parallel_loop3A_982, %parallel_loop3A_983, %parallel_loop3A_984] {strides = array<i32>} : memref<2x200x128xf32, #tpu.memory_space<vmem>>, vector<1x1x16xf32>,
      %parallel_loop3A_986 = vector.shape_cast %parallel_loop3A_985 : vector<1x1x16xf32> to vector<16xf32>
      %parallel_loop3A_987 = arith.constant 64 : i32
      %parallel_loop3A_988 = arith.muli %parallel_loop3A_917, %parallel_loop3A_987 : i32
      %parallel_loop3A_989 = arith.constant 48 : i32
      %parallel_loop3A_990 = arith.addi %parallel_loop3A_988, %parallel_loop3A_989 : i32
      %parallel_loop3A_991 = arith.index_cast %parallel_loop3A_990 : i32 to index
      %parallel_loop3A_992 = tpu.vector_load %arg7[%parallel_loop3A_991] {strides = array<i32>} : memref<12800xf32, #tpu.memory_space<vmem>>, vector<16xf32>,
      %parallel_loop3A_993 = vector.shape_cast %parallel_loop3A_992 : vector<16xf32> to vector<16xf32>
      %parallel_loop3A_994 = arith.addf %parallel_loop3A_986, %parallel_loop3A_993 : vector<16xf32>
      %parallel_loop3A_995 = arith.constant 1 : i32
      %parallel_loop3A_996 = arith.index_cast %parallel_loop3A_995 : i32 to index
      %parallel_loop3A_997 = arith.index_cast %parallel_loop3A_917 : i32 to index
      %parallel_loop3A_998 = arith.constant 48 : index
      %parallel_loop3A_999 = tpu.vector_load %arg9[%parallel_loop3A_996, %parallel_loop3A_997, %parallel_loop3A_998] {strides = array<i32>} : memref<2x200x64xf32, #tpu.memory_space<vmem>>, vector<1x1x16xf32>,
      %parallel_loop3A_1000 = vector.shape_cast %parallel_loop3A_999 : vector<1x1x16xf32> to vector<16xf32>
      %parallel_loop3A_1001 = vector.shape_cast %parallel_loop3A_994 : vector<16xf32> to vector<1x1x16xf32>
      tpu.vector_store %arg9[%parallel_loop3A_996, %parallel_loop3A_997, %parallel_loop3A_998], %parallel_loop3A_1001 {strides = array<i32>} : memref<2x200x64xf32, #tpu.memory_space<vmem>>, vector<1x1x16xf32>,
      %parallel_loop3A_1002 = arith.constant 1 : i32
      %parallel_loop3A_1003 = arith.addi %parallel_loop3A_915, %parallel_loop3A_1002 : i32
      %parallel_loop3A_1004 = arith.constant 1 : i32
      %parallel_loop3A_1005 = arith.index_cast %parallel_loop3A_1004 : i32 to index
      %parallel_loop3A_1006 = arith.index_cast %parallel_loop3A_1003 : i32 to index
      %parallel_loop3A_1007 = arith.constant 0 : index
      %parallel_loop3A_1008 = tpu.vector_load %arg8[%parallel_loop3A_1005, %parallel_loop3A_1006, %parallel_loop3A_1007] {strides = array<i32>} : memref<2x200x128xf32, #tpu.memory_space<vmem>>, vector<1x1x16xf32>,
      %parallel_loop3A_1009 = vector.shape_cast %parallel_loop3A_1008 : vector<1x1x16xf32> to vector<16xf32>
      %parallel_loop3A_1010 = arith.constant 64 : i32
      %parallel_loop3A_1011 = arith.muli %parallel_loop3A_1003, %parallel_loop3A_1010 : i32
      %parallel_loop3A_1012 = arith.constant 0 : i32
      %parallel_loop3A_1013 = arith.addi %parallel_loop3A_1011, %parallel_loop3A_1012 : i32
      %parallel_loop3A_1014 = arith.index_cast %parallel_loop3A_1013 : i32 to index
      %parallel_loop3A_1015 = tpu.vector_load %arg7[%parallel_loop3A_1014] {strides = array<i32>} : memref<12800xf32, #tpu.memory_space<vmem>>, vector<16xf32>,
      %parallel_loop3A_1016 = vector.shape_cast %parallel_loop3A_1015 : vector<16xf32> to vector<16xf32>
      %parallel_loop3A_1017 = arith.addf %parallel_loop3A_1009, %parallel_loop3A_1016 : vector<16xf32>
      %parallel_loop3A_1018 = arith.constant 1 : i32
      %parallel_loop3A_1019 = arith.index_cast %parallel_loop3A_1018 : i32 to index
      %parallel_loop3A_1020 = arith.index_cast %parallel_loop3A_1003 : i32 to index
      %parallel_loop3A_1021 = arith.constant 0 : index
      %parallel_loop3A_1022 = tpu.vector_load %arg9[%parallel_loop3A_1019, %parallel_loop3A_1020, %parallel_loop3A_1021] {strides = array<i32>} : memref<2x200x64xf32, #tpu.memory_space<vmem>>, vector<1x1x16xf32>,
      %parallel_loop3A_1023 = vector.shape_cast %parallel_loop3A_1022 : vector<1x1x16xf32> to vector<16xf32>
      %parallel_loop3A_1024 = vector.shape_cast %parallel_loop3A_1017 : vector<16xf32> to vector<1x1x16xf32>
      tpu.vector_store %arg9[%parallel_loop3A_1019, %parallel_loop3A_1020, %parallel_loop3A_1021], %parallel_loop3A_1024 {strides = array<i32>} : memref<2x200x64xf32, #tpu.memory_space<vmem>>, vector<1x1x16xf32>,
      %parallel_loop3A_1025 = arith.constant 1 : i32
      %parallel_loop3A_1026 = arith.index_cast %parallel_loop3A_1025 : i32 to index
      %parallel_loop3A_1027 = arith.index_cast %parallel_loop3A_1003 : i32 to index
      %parallel_loop3A_1028 = arith.constant 16 : index
      %parallel_loop3A_1029 = tpu.vector_load %arg8[%parallel_loop3A_1026, %parallel_loop3A_1027, %parallel_loop3A_1028] {strides = array<i32>} : memref<2x200x128xf32, #tpu.memory_space<vmem>>, vector<1x1x16xf32>,
      %parallel_loop3A_1030 = vector.shape_cast %parallel_loop3A_1029 : vector<1x1x16xf32> to vector<16xf32>
      %parallel_loop3A_1031 = arith.constant 64 : i32
      %parallel_loop3A_1032 = arith.muli %parallel_loop3A_1003, %parallel_loop3A_1031 : i32
      %parallel_loop3A_1033 = arith.constant 16 : i32
      %parallel_loop3A_1034 = arith.addi %parallel_loop3A_1032, %parallel_loop3A_1033 : i32
      %parallel_loop3A_1035 = arith.index_cast %parallel_loop3A_1034 : i32 to index
      %parallel_loop3A_1036 = tpu.vector_load %arg7[%parallel_loop3A_1035] {strides = array<i32>} : memref<12800xf32, #tpu.memory_space<vmem>>, vector<16xf32>,
      %parallel_loop3A_1037 = vector.shape_cast %parallel_loop3A_1036 : vector<16xf32> to vector<16xf32>
      %parallel_loop3A_1038 = arith.addf %parallel_loop3A_1030, %parallel_loop3A_1037 : vector<16xf32>
      %parallel_loop3A_1039 = arith.constant 1 : i32
      %parallel_loop3A_1040 = arith.index_cast %parallel_loop3A_1039 : i32 to index
      %parallel_loop3A_1041 = arith.index_cast %parallel_loop3A_1003 : i32 to index
      %parallel_loop3A_1042 = arith.constant 16 : index
      %parallel_loop3A_1043 = tpu.vector_load %arg9[%parallel_loop3A_1040, %parallel_loop3A_1041, %parallel_loop3A_1042] {strides = array<i32>} : memref<2x200x64xf32, #tpu.memory_space<vmem>>, vector<1x1x16xf32>,
      %parallel_loop3A_1044 = vector.shape_cast %parallel_loop3A_1043 : vector<1x1x16xf32> to vector<16xf32>
      %parallel_loop3A_1045 = vector.shape_cast %parallel_loop3A_1038 : vector<16xf32> to vector<1x1x16xf32>
      tpu.vector_store %arg9[%parallel_loop3A_1040, %parallel_loop3A_1041, %parallel_loop3A_1042], %parallel_loop3A_1045 {strides = array<i32>} : memref<2x200x64xf32, #tpu.memory_space<vmem>>, vector<1x1x16xf32>,
      %parallel_loop3A_1046 = arith.constant 1 : i32
      %parallel_loop3A_1047 = arith.index_cast %parallel_loop3A_1046 : i32 to index
      %parallel_loop3A_1048 = arith.index_cast %parallel_loop3A_1003 : i32 to index
      %parallel_loop3A_1049 = arith.constant 32 : index
      %parallel_loop3A_1050 = tpu.vector_load %arg8[%parallel_loop3A_1047, %parallel_loop3A_1048, %parallel_loop3A_1049] {strides = array<i32>} : memref<2x200x128xf32, #tpu.memory_space<vmem>>, vector<1x1x16xf32>,
      %parallel_loop3A_1051 = vector.shape_cast %parallel_loop3A_1050 : vector<1x1x16xf32> to vector<16xf32>
      %parallel_loop3A_1052 = arith.constant 64 : i32
      %parallel_loop3A_1053 = arith.muli %parallel_loop3A_1003, %parallel_loop3A_1052 : i32
      %parallel_loop3A_1054 = arith.constant 32 : i32
      %parallel_loop3A_1055 = arith.addi %parallel_loop3A_1053, %parallel_loop3A_1054 : i32
      %parallel_loop3A_1056 = arith.index_cast %parallel_loop3A_1055 : i32 to index
      %parallel_loop3A_1057 = tpu.vector_load %arg7[%parallel_loop3A_1056] {strides = array<i32>} : memref<12800xf32, #tpu.memory_space<vmem>>, vector<16xf32>,
      %parallel_loop3A_1058 = vector.shape_cast %parallel_loop3A_1057 : vector<16xf32> to vector<16xf32>
      %parallel_loop3A_1059 = arith.addf %parallel_loop3A_1051, %parallel_loop3A_1058 : vector<16xf32>
      %parallel_loop3A_1060 = arith.constant 1 : i32
      %parallel_loop3A_1061 = arith.index_cast %parallel_loop3A_1060 : i32 to index
      %parallel_loop3A_1062 = arith.index_cast %parallel_loop3A_1003 : i32 to index
      %parallel_loop3A_1063 = arith.constant 32 : index
      %parallel_loop3A_1064 = tpu.vector_load %arg9[%parallel_loop3A_1061, %parallel_loop3A_1062, %parallel_loop3A_1063] {strides = array<i32>} : memref<2x200x64xf32, #tpu.memory_space<vmem>>, vector<1x1x16xf32>,
      %parallel_loop3A_1065 = vector.shape_cast %parallel_loop3A_1064 : vector<1x1x16xf32> to vector<16xf32>
      %parallel_loop3A_1066 = vector.shape_cast %parallel_loop3A_1059 : vector<16xf32> to vector<1x1x16xf32>
      tpu.vector_store %arg9[%parallel_loop3A_1061, %parallel_loop3A_1062, %parallel_loop3A_1063], %parallel_loop3A_1066 {strides = array<i32>} : memref<2x200x64xf32, #tpu.memory_space<vmem>>, vector<1x1x16xf32>,
      %parallel_loop3A_1067 = arith.constant 1 : i32
      %parallel_loop3A_1068 = arith.index_cast %parallel_loop3A_1067 : i32 to index
      %parallel_loop3A_1069 = arith.index_cast %parallel_loop3A_1003 : i32 to index
      %parallel_loop3A_1070 = arith.constant 48 : index
      %parallel_loop3A_1071 = tpu.vector_load %arg8[%parallel_loop3A_1068, %parallel_loop3A_1069, %parallel_loop3A_1070] {strides = array<i32>} : memref<2x200x128xf32, #tpu.memory_space<vmem>>, vector<1x1x16xf32>,
      %parallel_loop3A_1072 = vector.shape_cast %parallel_loop3A_1071 : vector<1x1x16xf32> to vector<16xf32>
      %parallel_loop3A_1073 = arith.constant 64 : i32
      %parallel_loop3A_1074 = arith.muli %parallel_loop3A_1003, %parallel_loop3A_1073 : i32
      %parallel_loop3A_1075 = arith.constant 48 : i32
      %parallel_loop3A_1076 = arith.addi %parallel_loop3A_1074, %parallel_loop3A_1075 : i32
      %parallel_loop3A_1077 = arith.index_cast %parallel_loop3A_1076 : i32 to index
      %parallel_loop3A_1078 = tpu.vector_load %arg7[%parallel_loop3A_1077] {strides = array<i32>} : memref<12800xf32, #tpu.memory_space<vmem>>, vector<16xf32>,
      %parallel_loop3A_1079 = vector.shape_cast %parallel_loop3A_1078 : vector<16xf32> to vector<16xf32>
      %parallel_loop3A_1080 = arith.addf %parallel_loop3A_1072, %parallel_loop3A_1079 : vector<16xf32>
      %parallel_loop3A_1081 = arith.constant 1 : i32
      %parallel_loop3A_1082 = arith.index_cast %parallel_loop3A_1081 : i32 to index
      %parallel_loop3A_1083 = arith.index_cast %parallel_loop3A_1003 : i32 to index
      %parallel_loop3A_1084 = arith.constant 48 : index
      %parallel_loop3A_1085 = tpu.vector_load %arg9[%parallel_loop3A_1082, %parallel_loop3A_1083, %parallel_loop3A_1084] {strides = array<i32>} : memref<2x200x64xf32, #tpu.memory_space<vmem>>, vector<1x1x16xf32>,
      %parallel_loop3A_1086 = vector.shape_cast %parallel_loop3A_1085 : vector<1x1x16xf32> to vector<16xf32>
      %parallel_loop3A_1087 = vector.shape_cast %parallel_loop3A_1080 : vector<16xf32> to vector<1x1x16xf32>
      tpu.vector_store %arg9[%parallel_loop3A_1082, %parallel_loop3A_1083, %parallel_loop3A_1084], %parallel_loop3A_1087 {strides = array<i32>} : memref<2x200x64xf32, #tpu.memory_space<vmem>>, vector<1x1x16xf32>,
    } {sc.loop_unroll_factor = 1 : i64, sc.parallel_access}
    %add3A_390 = arith.constant 63 : i32
    %add3A_391 = arith.addi %mul3A_2, %add3A_390 : i32
    %dma_start3A_392 = arith.constant 1 : i32
    %dma_start3A_393 = arith.constant 1 : i32
    %dma_start3A_394 = arith.constant 0 : i32
    %dma_start3A_395 = arith.constant 0 : i32
    %dma_start3A_396 = tpu.memref_slice %arg9[%dma_start3A_392, %dma_start3A_394, %dma_start3A_395] : memref<2x200x64xf32, #tpu.memory_space<vmem>> -> memref<1x200x64xf32, #tpu.memory_space<vmem>>
    %dma_start3A_397 = tpu.memref_squeeze %dma_start3A_396 : memref<1x200x64xf32, #tpu.memory_space<vmem>> -> memref<200x64xf32, #tpu.memory_space<vmem>>
    %dma_start3A_398 = arith.constant 0 : i32
    %dma_start3A_399 = arith.constant 0 : i32
    %dma_start3A_400 = tpu.memref_slice %arg5[%add3A_391, %dma_start3A_398, %dma_start3A_399] : memref<4096x200x64xf32, #tpu.memory_space<hbm>> -> memref<1x200x64xf32, #tpu.memory_space<hbm>>
    %dma_start3A_401 = tpu.memref_squeeze %dma_start3A_400 : memref<1x200x64xf32, #tpu.memory_space<hbm>> -> memref<200x64xf32, #tpu.memory_space<hbm>>
    %dma_start3A_402 = tpu.memref_slice %arg12[%dma_start3A_393] : memref<2x!tpu.dma_semaphore, #tpu.memory_space<semaphore_mem>> -> memref<1x!tpu.dma_semaphore, #tpu.memory_space<semaphore_mem>>
    %dma_start3A_403 = tpu.memref_squeeze %dma_start3A_402 : memref<1x!tpu.dma_semaphore, #tpu.memory_space<semaphore_mem>> -> memref<!tpu.dma_semaphore, #tpu.memory_space<semaphore_mem>>
    %dma_start3A_404 = arith.constant 0 : i32
    %dma_start3A_405 = arith.constant 0 : i32
    %dma_start3A_406 = tpu.memref_slice %arg5[%add3A_391, %dma_start3A_404, %dma_start3A_405] : memref<4096x200x64xf32, #tpu.memory_space<hbm>> -> memref<1x200x64xf32, #tpu.memory_space<hbm>>
    %dma_start3A_407 = tpu.memref_squeeze %dma_start3A_406 : memref<1x200x64xf32, #tpu.memory_space<hbm>> -> memref<200x64xf32, #tpu.memory_space<hbm>>
    %dma_start3A_408 = arith.constant 0 : i32
    %dma_start3A_409 = arith.constant 0 : i32
    %dma_start3A_410 = tpu.memref_slice %arg9[%dma_start3A_392, %dma_start3A_408, %dma_start3A_409] : memref<2x200x64xf32, #tpu.memory_space<vmem>> -> memref<1x200x64xf32, #tpu.memory_space<vmem>>
    %dma_start3A_411 = tpu.memref_squeeze %dma_start3A_410 : memref<1x200x64xf32, #tpu.memory_space<vmem>> -> memref<200x64xf32, #tpu.memory_space<vmem>>
    tpu.enqueue_dma source(%dma_start3A_411 : memref<200x64xf32, #tpu.memory_space<vmem>>) target(%dma_start3A_407 : memref<200x64xf32, #tpu.memory_space<hbm>>) target_semaphore(%dma_start3A_403 : memref<!tpu.dma_semaphore, #tpu.memory_space<semaphore_mem>>)
    %mul3A_412 = arith.constant 200 : i32
    %mul3A_413 = arith.muli %mul3A_2, %mul3A_412 : i32
    %add3A_414 = arith.constant 12800 : i32
    %add3A_415 = arith.addi %mul3A_413, %add3A_414 : i32
    %multiple_of3A_416 = tpu.assume_multiple %add3A_415, 8 : i32
    %dma_start3A_417 = tpu.memref_slice %arg2[%multiple_of3A_416] : memref<819200xi32, #tpu.memory_space<hbm>> -> memref<12800xi32, #tpu.memory_space<hbm>>
    %dma_start3A_418 = tpu.memref_slice %arg2[%multiple_of3A_416] : memref<819200xi32, #tpu.memory_space<hbm>> -> memref<12800xi32, #tpu.memory_space<hbm>>
    tpu.enqueue_dma source(%dma_start3A_418 : memref<12800xi32, #tpu.memory_space<hbm>>) target(%arg6 : memref<12800xi32, #tpu.memory_space<vmem>>) target_semaphore(%arg10 : memref<!tpu.dma_semaphore, #tpu.memory_space<semaphore_mem>>)
    %dma_wait3A_419 = tpu.memref_slice %arg2[%multiple_of3A_416] : memref<819200xi32, #tpu.memory_space<hbm>> -> memref<12800xi32, #tpu.memory_space<hbm>>
    %dma_wait3A_420 = tpu.memref_slice %arg2[%multiple_of3A_416] : memref<819200xi32, #tpu.memory_space<hbm>> -> memref<12800xi32, #tpu.memory_space<hbm>>
    tpu.wait_dma2 semaphore(%arg10 : memref<!tpu.dma_semaphore, #tpu.memory_space<semaphore_mem>>) src(%dma_wait3A_420 : memref<12800xi32, #tpu.memory_space<hbm>>) dst(%arg6 : memref<12800xi32, #tpu.memory_space<vmem>>)
    %rem3A_421 = arith.constant 64 : i32
    %rem3A_422 = arith.constant 64 : i32
    %rem3A_423 = arith.remsi %rem3A_421, %rem3A_422 : i32
    %mul3A_424 = arith.constant 200 : i32
    %mul3A_425 = arith.muli %rem3A_423, %mul3A_424 : i32
    %multiple_of3A_426 = tpu.assume_multiple %mul3A_425, 8 : i32
    %add3A_427 = arith.constant 128 : i32
    %add3A_428 = arith.addi %multiple_of3A_426, %add3A_427 : i32
    %dma_start3A_429 = arith.constant 0 : i32
    %dma_start3A_430 = arith.constant 0 : i32
    %dma_start3A_431 = arith.constant 0 : i32
    %dma_start3A_432 = arith.constant 0 : i32
    %dma_start3A_433 = tpu.memref_slice %arg8[%dma_start3A_429, %dma_start3A_431, %dma_start3A_432] : memref<2x200x128xf32, #tpu.memory_space<vmem>> -> memref<1x128x128xf32, #tpu.memory_space<vmem>>
    %dma_start3A_434 = tpu.memref_squeeze %dma_start3A_433 : memref<1x128x128xf32, #tpu.memory_space<vmem>> -> memref<128x128xf32, #tpu.memory_space<vmem>>
    %dma_start3A_435 = tpu.memref_slice %arg6[%multiple_of3A_426] : memref<12800xi32, #tpu.memory_space<vmem>> -> memref<128xi32, #tpu.memory_space<vmem>>
    %dma_start3A_436 = arith.constant 0 : i32
    %dma_start3A_437 = arith.constant 0 : i32
    %dma_start3A_438 = tpu.memref_slice %arg4[%dma_start3A_436, %dma_start3A_437] : memref<100000x128xf32, #tpu.memory_space<hbm>> -> memref<100000x128xf32, #tpu.memory_space<hbm>>
    %dma_start3A_439 = tpu.memref_slice %arg11[%dma_start3A_430] : memref<2x!tpu.dma_semaphore, #tpu.memory_space<semaphore_mem>> -> memref<1x!tpu.dma_semaphore, #tpu.memory_space<semaphore_mem>>
    %dma_start3A_440 = tpu.memref_squeeze %dma_start3A_439 : memref<1x!tpu.dma_semaphore, #tpu.memory_space<semaphore_mem>> -> memref<!tpu.dma_semaphore, #tpu.memory_space<semaphore_mem>>
    tpu.enqueue_indirect_dma source(%dma_start3A_438 : memref<100000x128xf32, #tpu.memory_space<hbm>>) target(%dma_start3A_434 : memref<128x128xf32, #tpu.memory_space<vmem>>) offsets(%dma_start3A_435 : memref<128xi32, #tpu.memory_space<vmem>>) semaphore(%dma_start3A_440 : memref<!tpu.dma_semaphore, #tpu.memory_space<semaphore_mem>>)
    %dma_start3A_441 = arith.constant 0 : i32
    %dma_start3A_442 = arith.constant 0 : i32
    %dma_start3A_443 = arith.constant 128 : i32
    %dma_start3A_444 = arith.constant 0 : i32
    %dma_start3A_445 = tpu.memref_slice %arg8[%dma_start3A_441, %dma_start3A_443, %dma_start3A_444] : memref<2x200x128xf32, #tpu.memory_space<vmem>> -> memref<1x72x128xf32, #tpu.memory_space<vmem>>
    %dma_start3A_446 = tpu.memref_squeeze %dma_start3A_445 : memref<1x72x128xf32, #tpu.memory_space<vmem>> -> memref<72x128xf32, #tpu.memory_space<vmem>>
    %dma_start3A_447 = tpu.memref_slice %arg6[%add3A_428] : memref<12800xi32, #tpu.memory_space<vmem>> -> memref<72xi32, #tpu.memory_space<vmem>>
    %dma_start3A_448 = arith.constant 0 : i32
    %dma_start3A_449 = arith.constant 0 : i32
    %dma_start3A_450 = tpu.memref_slice %arg4[%dma_start3A_448, %dma_start3A_449] : memref<100000x128xf32, #tpu.memory_space<hbm>> -> memref<100000x128xf32, #tpu.memory_space<hbm>>
    %dma_start3A_451 = tpu.memref_slice %arg11[%dma_start3A_442] : memref<2x!tpu.dma_semaphore, #tpu.memory_space<semaphore_mem>> -> memref<1x!tpu.dma_semaphore, #tpu.memory_space<semaphore_mem>>
    %dma_start3A_452 = tpu.memref_squeeze %dma_start3A_451 : memref<1x!tpu.dma_semaphore, #tpu.memory_space<semaphore_mem>> -> memref<!tpu.dma_semaphore, #tpu.memory_space<semaphore_mem>>
    tpu.enqueue_indirect_dma source(%dma_start3A_450 : memref<100000x128xf32, #tpu.memory_space<hbm>>) target(%dma_start3A_446 : memref<72x128xf32, #tpu.memory_space<vmem>>) offsets(%dma_start3A_447 : memref<72xi32, #tpu.memory_space<vmem>>) semaphore(%dma_start3A_452 : memref<!tpu.dma_semaphore, #tpu.memory_space<semaphore_mem>>)
    %rem3A_453 = arith.constant 65 : i32
    %rem3A_454 = arith.constant 64 : i32
    %rem3A_455 = arith.remsi %rem3A_453, %rem3A_454 : i32
    %mul3A_456 = arith.constant 200 : i32
    %mul3A_457 = arith.muli %rem3A_455, %mul3A_456 : i32
    %multiple_of3A_458 = tpu.assume_multiple %mul3A_457, 8 : i32
    %add3A_459 = arith.constant 128 : i32
    %add3A_460 = arith.addi %multiple_of3A_458, %add3A_459 : i32
    %dma_start3A_461 = arith.constant 1 : i32
    %dma_start3A_462 = arith.constant 1 : i32
    %dma_start3A_463 = arith.constant 0 : i32
    %dma_start3A_464 = arith.constant 0 : i32
    %dma_start3A_465 = tpu.memref_slice %arg8[%dma_start3A_461, %dma_start3A_463, %dma_start3A_464] : memref<2x200x128xf32, #tpu.memory_space<vmem>> -> memref<1x128x128xf32, #tpu.memory_space<vmem>>
    %dma_start3A_466 = tpu.memref_squeeze %dma_start3A_465 : memref<1x128x128xf32, #tpu.memory_space<vmem>> -> memref<128x128xf32, #tpu.memory_space<vmem>>
    %dma_start3A_467 = tpu.memref_slice %arg6[%multiple_of3A_458] : memref<12800xi32, #tpu.memory_space<vmem>> -> memref<128xi32, #tpu.memory_space<vmem>>
    %dma_start3A_468 = arith.constant 0 : i32
    %dma_start3A_469 = arith.constant 0 : i32
    %dma_start3A_470 = tpu.memref_slice %arg4[%dma_start3A_468, %dma_start3A_469] : memref<100000x128xf32, #tpu.memory_space<hbm>> -> memref<100000x128xf32, #tpu.memory_space<hbm>>
    %dma_start3A_471 = tpu.memref_slice %arg11[%dma_start3A_462] : memref<2x!tpu.dma_semaphore, #tpu.memory_space<semaphore_mem>> -> memref<1x!tpu.dma_semaphore, #tpu.memory_space<semaphore_mem>>
    %dma_start3A_472 = tpu.memref_squeeze %dma_start3A_471 : memref<1x!tpu.dma_semaphore, #tpu.memory_space<semaphore_mem>> -> memref<!tpu.dma_semaphore, #tpu.memory_space<semaphore_mem>>
    tpu.enqueue_indirect_dma source(%dma_start3A_470 : memref<100000x128xf32, #tpu.memory_space<hbm>>) target(%dma_start3A_466 : memref<128x128xf32, #tpu.memory_space<vmem>>) offsets(%dma_start3A_467 : memref<128xi32, #tpu.memory_space<vmem>>) semaphore(%dma_start3A_472 : memref<!tpu.dma_semaphore, #tpu.memory_space<semaphore_mem>>)
    %dma_start3A_473 = arith.constant 1 : i32
    %dma_start3A_474 = arith.constant 1 : i32
    %dma_start3A_475 = arith.constant 128 : i32
    %dma_start3A_476 = arith.constant 0 : i32
    %dma_start3A_477 = tpu.memref_slice %arg8[%dma_start3A_473, %dma_start3A_475, %dma_start3A_476] : memref<2x200x128xf32, #tpu.memory_space<vmem>> -> memref<1x72x128xf32, #tpu.memory_space<vmem>>
    %dma_start3A_478 = tpu.memref_squeeze %dma_start3A_477 : memref<1x72x128xf32, #tpu.memory_space<vmem>> -> memref<72x128xf32, #tpu.memory_space<vmem>>
    %dma_start3A_479 = tpu.memref_slice %arg6[%add3A_460] : memref<12800xi32, #tpu.memory_space<vmem>> -> memref<72xi32, #tpu.memory_space<vmem>>
    %dma_start3A_480 = arith.constant 0 : i32
    %dma_start3A_481 = arith.constant 0 : i32
    %dma_start3A_482 = tpu.memref_slice %arg4[%dma_start3A_480, %dma_start3A_481] : memref<100000x128xf32, #tpu.memory_space<hbm>> -> memref<100000x128xf32, #tpu.memory_space<hbm>>
    %dma_start3A_483 = tpu.memref_slice %arg11[%dma_start3A_474] : memref<2x!tpu.dma_semaphore, #tpu.memory_space<semaphore_mem>> -> memref<1x!tpu.dma_semaphore, #tpu.memory_space<semaphore_mem>>
    %dma_start3A_484 = tpu.memref_squeeze %dma_start3A_483 : memref<1x!tpu.dma_semaphore, #tpu.memory_space<semaphore_mem>> -> memref<!tpu.dma_semaphore, #tpu.memory_space<semaphore_mem>>
    tpu.enqueue_indirect_dma source(%dma_start3A_482 : memref<100000x128xf32, #tpu.memory_space<hbm>>) target(%dma_start3A_478 : memref<72x128xf32, #tpu.memory_space<vmem>>) offsets(%dma_start3A_479 : memref<72xi32, #tpu.memory_space<vmem>>) semaphore(%dma_start3A_484 : memref<!tpu.dma_semaphore, #tpu.memory_space<semaphore_mem>>)
    %rem3A_485 = arith.constant 64 : i32
    %rem3A_486 = arith.constant 64 : i32
    %rem3A_487 = arith.remsi %rem3A_485, %rem3A_486 : i32
    %mul3A_488 = arith.constant 200 : i32
    %mul3A_489 = arith.muli %rem3A_487, %mul3A_488 : i32
    %multiple_of3A_490 = tpu.assume_multiple %mul3A_489, 8 : i32
    %add3A_491 = arith.constant 128 : i32
    %add3A_492 = arith.addi %multiple_of3A_490, %add3A_491 : i32
    %dma_wait3A_493 = arith.constant 0 : i32
    %dma_wait3A_494 = arith.constant 0 : i32
    %dma_wait3A_495 = arith.constant 0 : i32
    %dma_wait3A_496 = arith.constant 0 : i32
    %dma_wait3A_497 = tpu.memref_slice %arg8[%dma_wait3A_493, %dma_wait3A_495, %dma_wait3A_496] : memref<2x200x128xf32, #tpu.memory_space<vmem>> -> memref<1x128x128xf32, #tpu.memory_space<vmem>>
    %dma_wait3A_498 = tpu.memref_squeeze %dma_wait3A_497 : memref<1x128x128xf32, #tpu.memory_space<vmem>> -> memref<128x128xf32, #tpu.memory_space<vmem>>
    %dma_wait3A_499 = tpu.memref_slice %arg6[%multiple_of3A_490] : memref<12800xi32, #tpu.memory_space<vmem>> -> memref<128xi32, #tpu.memory_space<vmem>>
    %dma_wait3A_500 = arith.constant 0 : i32
    %dma_wait3A_501 = arith.constant 0 : i32
    %dma_wait3A_502 = tpu.memref_slice %arg4[%dma_wait3A_500, %dma_wait3A_501] : memref<100000x128xf32, #tpu.memory_space<hbm>> -> memref<100000x128xf32, #tpu.memory_space<hbm>>
    %dma_wait3A_503 = tpu.memref_slice %arg11[%dma_wait3A_494] : memref<2x!tpu.dma_semaphore, #tpu.memory_space<semaphore_mem>> -> memref<1x!tpu.dma_semaphore, #tpu.memory_space<semaphore_mem>>
    %dma_wait3A_504 = tpu.memref_squeeze %dma_wait3A_503 : memref<1x!tpu.dma_semaphore, #tpu.memory_space<semaphore_mem>> -> memref<!tpu.dma_semaphore, #tpu.memory_space<semaphore_mem>>
    tpu.wait_indirect_dma semaphore(%dma_wait3A_504 : memref<!tpu.dma_semaphore, #tpu.memory_space<semaphore_mem>>) src(%dma_wait3A_502 : memref<100000x128xf32, #tpu.memory_space<hbm>>) dst(%dma_wait3A_498 : memref<128x128xf32, #tpu.memory_space<vmem>>)
    %dma_wait3A_505 = arith.constant 0 : i32
    %dma_wait3A_506 = arith.constant 0 : i32
    %dma_wait3A_507 = arith.constant 128 : i32
    %dma_wait3A_508 = arith.constant 0 : i32
    %dma_wait3A_509 = tpu.memref_slice %arg8[%dma_wait3A_505, %dma_wait3A_507, %dma_wait3A_508] : memref<2x200x128xf32, #tpu.memory_space<vmem>> -> memref<1x72x128xf32, #tpu.memory_space<vmem>>
    %dma_wait3A_510 = tpu.memref_squeeze %dma_wait3A_509 : memref<1x72x128xf32, #tpu.memory_space<vmem>> -> memref<72x128xf32, #tpu.memory_space<vmem>>
    %dma_wait3A_511 = tpu.memref_slice %arg6[%add3A_492] : memref<12800xi32, #tpu.memory_space<vmem>> -> memref<72xi32, #tpu.memory_space<vmem>>
    %dma_wait3A_512 = arith.constant 0 : i32
    %dma_wait3A_513 = arith.constant 0 : i32
    %dma_wait3A_514 = tpu.memref_slice %arg4[%dma_wait3A_512, %dma_wait3A_513] : memref<100000x128xf32, #tpu.memory_space<hbm>> -> memref<100000x128xf32, #tpu.memory_space<hbm>>
    %dma_wait3A_515 = tpu.memref_slice %arg11[%dma_wait3A_506] : memref<2x!tpu.dma_semaphore, #tpu.memory_space<semaphore_mem>> -> memref<1x!tpu.dma_semaphore, #tpu.memory_space<semaphore_mem>>
    %dma_wait3A_516 = tpu.memref_squeeze %dma_wait3A_515 : memref<1x!tpu.dma_semaphore, #tpu.memory_space<semaphore_mem>> -> memref<!tpu.dma_semaphore, #tpu.memory_space<semaphore_mem>>
    tpu.wait_indirect_dma semaphore(%dma_wait3A_516 : memref<!tpu.dma_semaphore, #tpu.memory_space<semaphore_mem>>) src(%dma_wait3A_514 : memref<100000x128xf32, #tpu.memory_space<hbm>>) dst(%dma_wait3A_510 : memref<72x128xf32, #tpu.memory_space<vmem>>)
    %add3A_517 = arith.constant 62 : i32
    %add3A_518 = arith.addi %mul3A_2, %add3A_517 : i32
    %dma_wait3A_519 = arith.constant 0 : i32
    %dma_wait3A_520 = arith.constant 0 : i32
    %dma_wait3A_521 = arith.constant 0 : i32
    %dma_wait3A_522 = arith.constant 0 : i32
    %dma_wait3A_523 = tpu.memref_slice %arg9[%dma_wait3A_519, %dma_wait3A_521, %dma_wait3A_522] : memref<2x200x64xf32, #tpu.memory_space<vmem>> -> memref<1x200x64xf32, #tpu.memory_space<vmem>>
    %dma_wait3A_524 = tpu.memref_squeeze %dma_wait3A_523 : memref<1x200x64xf32, #tpu.memory_space<vmem>> -> memref<200x64xf32, #tpu.memory_space<vmem>>
    %dma_wait3A_525 = arith.constant 0 : i32
    %dma_wait3A_526 = arith.constant 0 : i32
    %dma_wait3A_527 = tpu.memref_slice %arg5[%add3A_518, %dma_wait3A_525, %dma_wait3A_526] : memref<4096x200x64xf32, #tpu.memory_space<hbm>> -> memref<1x200x64xf32, #tpu.memory_space<hbm>>
    %dma_wait3A_528 = tpu.memref_squeeze %dma_wait3A_527 : memref<1x200x64xf32, #tpu.memory_space<hbm>> -> memref<200x64xf32, #tpu.memory_space<hbm>>
    %dma_wait3A_529 = tpu.memref_slice %arg12[%dma_wait3A_520] : memref<2x!tpu.dma_semaphore, #tpu.memory_space<semaphore_mem>> -> memref<1x!tpu.dma_semaphore, #tpu.memory_space<semaphore_mem>>
    %dma_wait3A_530 = tpu.memref_squeeze %dma_wait3A_529 : memref<1x!tpu.dma_semaphore, #tpu.memory_space<semaphore_mem>> -> memref<!tpu.dma_semaphore, #tpu.memory_space<semaphore_mem>>
    %dma_wait3A_531 = arith.constant 0 : i32
    %dma_wait3A_532 = arith.constant 0 : i32
    %dma_wait3A_533 = tpu.memref_slice %arg5[%add3A_518, %dma_wait3A_531, %dma_wait3A_532] : memref<4096x200x64xf32, #tpu.memory_space<hbm>> -> memref<1x200x64xf32, #tpu.memory_space<hbm>>
    %dma_wait3A_534 = tpu.memref_squeeze %dma_wait3A_533 : memref<1x200x64xf32, #tpu.memory_space<hbm>> -> memref<200x64xf32, #tpu.memory_space<hbm>>
    %dma_wait3A_535 = arith.constant 0 : i32
    %dma_wait3A_536 = arith.constant 0 : i32
    %dma_wait3A_537 = tpu.memref_slice %arg9[%dma_wait3A_519, %dma_wait3A_535, %dma_wait3A_536] : memref<2x200x64xf32, #tpu.memory_space<vmem>> -> memref<1x200x64xf32, #tpu.memory_space<vmem>>
    %dma_wait3A_538 = tpu.memref_squeeze %dma_wait3A_537 : memref<1x200x64xf32, #tpu.memory_space<vmem>> -> memref<200x64xf32, #tpu.memory_space<vmem>>
    tpu.wait_dma2 semaphore(%dma_wait3A_530 : memref<!tpu.dma_semaphore, #tpu.memory_space<semaphore_mem>>) src(%dma_wait3A_538 : memref<200x64xf32, #tpu.memory_space<vmem>>) dst(%dma_wait3A_534 : memref<200x64xf32, #tpu.memory_space<hbm>>)
    %parallel_loop3A_539 = arith.constant 0 : i32
    %parallel_loop3A_540 = arith.constant 200 : i32
    %parallel_loop3A_541 = arith.constant 2 : i32
    scf.for %parallel_loop3A_915 = %parallel_loop3A_539 to %parallel_loop3A_540 step %parallel_loop3A_541  : i32 {
      %parallel_loop3A_916 = arith.constant 0 : i32
      %parallel_loop3A_917 = arith.addi %parallel_loop3A_915, %parallel_loop3A_916 : i32
      %parallel_loop3A_918 = arith.constant 0 : i32
      %parallel_loop3A_919 = arith.index_cast %parallel_loop3A_918 : i32 to index
      %parallel_loop3A_920 = arith.index_cast %parallel_loop3A_917 : i32 to index
      %parallel_loop3A_921 = arith.constant 0 : index
      %parallel_loop3A_922 = tpu.vector_load %arg8[%parallel_loop3A_919, %parallel_loop3A_920, %parallel_loop3A_921] {strides = array<i32>} : memref<2x200x128xf32, #tpu.memory_space<vmem>>, vector<1x1x16xf32>,
      %parallel_loop3A_923 = vector.shape_cast %parallel_loop3A_922 : vector<1x1x16xf32> to vector<16xf32>
      %parallel_loop3A_924 = arith.constant 64 : i32
      %parallel_loop3A_925 = arith.muli %parallel_loop3A_917, %parallel_loop3A_924 : i32
      %parallel_loop3A_926 = arith.constant 0 : i32
      %parallel_loop3A_927 = arith.addi %parallel_loop3A_925, %parallel_loop3A_926 : i32
      %parallel_loop3A_928 = arith.index_cast %parallel_loop3A_927 : i32 to index
      %parallel_loop3A_929 = tpu.vector_load %arg7[%parallel_loop3A_928] {strides = array<i32>} : memref<12800xf32, #tpu.memory_space<vmem>>, vector<16xf32>,
      %parallel_loop3A_930 = vector.shape_cast %parallel_loop3A_929 : vector<16xf32> to vector<16xf32>
      %parallel_loop3A_931 = arith.addf %parallel_loop3A_923, %parallel_loop3A_930 : vector<16xf32>
      %parallel_loop3A_932 = arith.constant 0 : i32
      %parallel_loop3A_933 = arith.index_cast %parallel_loop3A_932 : i32 to index
      %parallel_loop3A_934 = arith.index_cast %parallel_loop3A_917 : i32 to index
      %parallel_loop3A_935 = arith.constant 0 : index
      %parallel_loop3A_936 = tpu.vector_load %arg9[%parallel_loop3A_933, %parallel_loop3A_934, %parallel_loop3A_935] {strides = array<i32>} : memref<2x200x64xf32, #tpu.memory_space<vmem>>, vector<1x1x16xf32>,
      %parallel_loop3A_937 = vector.shape_cast %parallel_loop3A_936 : vector<1x1x16xf32> to vector<16xf32>
      %parallel_loop3A_938 = vector.shape_cast %parallel_loop3A_931 : vector<16xf32> to vector<1x1x16xf32>
      tpu.vector_store %arg9[%parallel_loop3A_933, %parallel_loop3A_934, %parallel_loop3A_935], %parallel_loop3A_938 {strides = array<i32>} : memref<2x200x64xf32, #tpu.memory_space<vmem>>, vector<1x1x16xf32>,
      %parallel_loop3A_939 = arith.constant 0 : i32
      %parallel_loop3A_940 = arith.index_cast %parallel_loop3A_939 : i32 to index
      %parallel_loop3A_941 = arith.index_cast %parallel_loop3A_917 : i32 to index
      %parallel_loop3A_942 = arith.constant 16 : index
      %parallel_loop3A_943 = tpu.vector_load %arg8[%parallel_loop3A_940, %parallel_loop3A_941, %parallel_loop3A_942] {strides = array<i32>} : memref<2x200x128xf32, #tpu.memory_space<vmem>>, vector<1x1x16xf32>,
      %parallel_loop3A_944 = vector.shape_cast %parallel_loop3A_943 : vector<1x1x16xf32> to vector<16xf32>
      %parallel_loop3A_945 = arith.constant 64 : i32
      %parallel_loop3A_946 = arith.muli %parallel_loop3A_917, %parallel_loop3A_945 : i32
      %parallel_loop3A_947 = arith.constant 16 : i32
      %parallel_loop3A_948 = arith.addi %parallel_loop3A_946, %parallel_loop3A_947 : i32
      %parallel_loop3A_949 = arith.index_cast %parallel_loop3A_948 : i32 to index
      %parallel_loop3A_950 = tpu.vector_load %arg7[%parallel_loop3A_949] {strides = array<i32>} : memref<12800xf32, #tpu.memory_space<vmem>>, vector<16xf32>,
      %parallel_loop3A_951 = vector.shape_cast %parallel_loop3A_950 : vector<16xf32> to vector<16xf32>
      %parallel_loop3A_952 = arith.addf %parallel_loop3A_944, %parallel_loop3A_951 : vector<16xf32>
      %parallel_loop3A_953 = arith.constant 0 : i32
      %parallel_loop3A_954 = arith.index_cast %parallel_loop3A_953 : i32 to index
      %parallel_loop3A_955 = arith.index_cast %parallel_loop3A_917 : i32 to index
      %parallel_loop3A_956 = arith.constant 16 : index
      %parallel_loop3A_957 = tpu.vector_load %arg9[%parallel_loop3A_954, %parallel_loop3A_955, %parallel_loop3A_956] {strides = array<i32>} : memref<2x200x64xf32, #tpu.memory_space<vmem>>, vector<1x1x16xf32>,
      %parallel_loop3A_958 = vector.shape_cast %parallel_loop3A_957 : vector<1x1x16xf32> to vector<16xf32>
      %parallel_loop3A_959 = vector.shape_cast %parallel_loop3A_952 : vector<16xf32> to vector<1x1x16xf32>
      tpu.vector_store %arg9[%parallel_loop3A_954, %parallel_loop3A_955, %parallel_loop3A_956], %parallel_loop3A_959 {strides = array<i32>} : memref<2x200x64xf32, #tpu.memory_space<vmem>>, vector<1x1x16xf32>,
      %parallel_loop3A_960 = arith.constant 0 : i32
      %parallel_loop3A_961 = arith.index_cast %parallel_loop3A_960 : i32 to index
      %parallel_loop3A_962 = arith.index_cast %parallel_loop3A_917 : i32 to index
      %parallel_loop3A_963 = arith.constant 32 : index
      %parallel_loop3A_964 = tpu.vector_load %arg8[%parallel_loop3A_961, %parallel_loop3A_962, %parallel_loop3A_963] {strides = array<i32>} : memref<2x200x128xf32, #tpu.memory_space<vmem>>, vector<1x1x16xf32>,
      %parallel_loop3A_965 = vector.shape_cast %parallel_loop3A_964 : vector<1x1x16xf32> to vector<16xf32>
      %parallel_loop3A_966 = arith.constant 64 : i32
      %parallel_loop3A_967 = arith.muli %parallel_loop3A_917, %parallel_loop3A_966 : i32
      %parallel_loop3A_968 = arith.constant 32 : i32
      %parallel_loop3A_969 = arith.addi %parallel_loop3A_967, %parallel_loop3A_968 : i32
      %parallel_loop3A_970 = arith.index_cast %parallel_loop3A_969 : i32 to index
      %parallel_loop3A_971 = tpu.vector_load %arg7[%parallel_loop3A_970] {strides = array<i32>} : memref<12800xf32, #tpu.memory_space<vmem>>, vector<16xf32>,
      %parallel_loop3A_972 = vector.shape_cast %parallel_loop3A_971 : vector<16xf32> to vector<16xf32>
      %parallel_loop3A_973 = arith.addf %parallel_loop3A_965, %parallel_loop3A_972 : vector<16xf32>
      %parallel_loop3A_974 = arith.constant 0 : i32
      %parallel_loop3A_975 = arith.index_cast %parallel_loop3A_974 : i32 to index
      %parallel_loop3A_976 = arith.index_cast %parallel_loop3A_917 : i32 to index
      %parallel_loop3A_977 = arith.constant 32 : index
      %parallel_loop3A_978 = tpu.vector_load %arg9[%parallel_loop3A_975, %parallel_loop3A_976, %parallel_loop3A_977] {strides = array<i32>} : memref<2x200x64xf32, #tpu.memory_space<vmem>>, vector<1x1x16xf32>,
      %parallel_loop3A_979 = vector.shape_cast %parallel_loop3A_978 : vector<1x1x16xf32> to vector<16xf32>
      %parallel_loop3A_980 = vector.shape_cast %parallel_loop3A_973 : vector<16xf32> to vector<1x1x16xf32>
      tpu.vector_store %arg9[%parallel_loop3A_975, %parallel_loop3A_976, %parallel_loop3A_977], %parallel_loop3A_980 {strides = array<i32>} : memref<2x200x64xf32, #tpu.memory_space<vmem>>, vector<1x1x16xf32>,
      %parallel_loop3A_981 = arith.constant 0 : i32
      %parallel_loop3A_982 = arith.index_cast %parallel_loop3A_981 : i32 to index
      %parallel_loop3A_983 = arith.index_cast %parallel_loop3A_917 : i32 to index
      %parallel_loop3A_984 = arith.constant 48 : index
      %parallel_loop3A_985 = tpu.vector_load %arg8[%parallel_loop3A_982, %parallel_loop3A_983, %parallel_loop3A_984] {strides = array<i32>} : memref<2x200x128xf32, #tpu.memory_space<vmem>>, vector<1x1x16xf32>,
      %parallel_loop3A_986 = vector.shape_cast %parallel_loop3A_985 : vector<1x1x16xf32> to vector<16xf32>
      %parallel_loop3A_987 = arith.constant 64 : i32
      %parallel_loop3A_988 = arith.muli %parallel_loop3A_917, %parallel_loop3A_987 : i32
      %parallel_loop3A_989 = arith.constant 48 : i32
      %parallel_loop3A_990 = arith.addi %parallel_loop3A_988, %parallel_loop3A_989 : i32
      %parallel_loop3A_991 = arith.index_cast %parallel_loop3A_990 : i32 to index
      %parallel_loop3A_992 = tpu.vector_load %arg7[%parallel_loop3A_991] {strides = array<i32>} : memref<12800xf32, #tpu.memory_space<vmem>>, vector<16xf32>,
      %parallel_loop3A_993 = vector.shape_cast %parallel_loop3A_992 : vector<16xf32> to vector<16xf32>
      %parallel_loop3A_994 = arith.addf %parallel_loop3A_986, %parallel_loop3A_993 : vector<16xf32>
      %parallel_loop3A_995 = arith.constant 0 : i32
      %parallel_loop3A_996 = arith.index_cast %parallel_loop3A_995 : i32 to index
      %parallel_loop3A_997 = arith.index_cast %parallel_loop3A_917 : i32 to index
      %parallel_loop3A_998 = arith.constant 48 : index
      %parallel_loop3A_999 = tpu.vector_load %arg9[%parallel_loop3A_996, %parallel_loop3A_997, %parallel_loop3A_998] {strides = array<i32>} : memref<2x200x64xf32, #tpu.memory_space<vmem>>, vector<1x1x16xf32>,
      %parallel_loop3A_1000 = vector.shape_cast %parallel_loop3A_999 : vector<1x1x16xf32> to vector<16xf32>
      %parallel_loop3A_1001 = vector.shape_cast %parallel_loop3A_994 : vector<16xf32> to vector<1x1x16xf32>
      tpu.vector_store %arg9[%parallel_loop3A_996, %parallel_loop3A_997, %parallel_loop3A_998], %parallel_loop3A_1001 {strides = array<i32>} : memref<2x200x64xf32, #tpu.memory_space<vmem>>, vector<1x1x16xf32>,
      %parallel_loop3A_1002 = arith.constant 1 : i32
      %parallel_loop3A_1003 = arith.addi %parallel_loop3A_915, %parallel_loop3A_1002 : i32
      %parallel_loop3A_1004 = arith.constant 0 : i32
      %parallel_loop3A_1005 = arith.index_cast %parallel_loop3A_1004 : i32 to index
      %parallel_loop3A_1006 = arith.index_cast %parallel_loop3A_1003 : i32 to index
      %parallel_loop3A_1007 = arith.constant 0 : index
      %parallel_loop3A_1008 = tpu.vector_load %arg8[%parallel_loop3A_1005, %parallel_loop3A_1006, %parallel_loop3A_1007] {strides = array<i32>} : memref<2x200x128xf32, #tpu.memory_space<vmem>>, vector<1x1x16xf32>,
      %parallel_loop3A_1009 = vector.shape_cast %parallel_loop3A_1008 : vector<1x1x16xf32> to vector<16xf32>
      %parallel_loop3A_1010 = arith.constant 64 : i32
      %parallel_loop3A_1011 = arith.muli %parallel_loop3A_1003, %parallel_loop3A_1010 : i32
      %parallel_loop3A_1012 = arith.constant 0 : i32
      %parallel_loop3A_1013 = arith.addi %parallel_loop3A_1011, %parallel_loop3A_1012 : i32
      %parallel_loop3A_1014 = arith.index_cast %parallel_loop3A_1013 : i32 to index
      %parallel_loop3A_1015 = tpu.vector_load %arg7[%parallel_loop3A_1014] {strides = array<i32>} : memref<12800xf32, #tpu.memory_space<vmem>>, vector<16xf32>,
      %parallel_loop3A_1016 = vector.shape_cast %parallel_loop3A_1015 : vector<16xf32> to vector<16xf32>
      %parallel_loop3A_1017 = arith.addf %parallel_loop3A_1009, %parallel_loop3A_1016 : vector<16xf32>
      %parallel_loop3A_1018 = arith.constant 0 : i32
      %parallel_loop3A_1019 = arith.index_cast %parallel_loop3A_1018 : i32 to index
      %parallel_loop3A_1020 = arith.index_cast %parallel_loop3A_1003 : i32 to index
      %parallel_loop3A_1021 = arith.constant 0 : index
      %parallel_loop3A_1022 = tpu.vector_load %arg9[%parallel_loop3A_1019, %parallel_loop3A_1020, %parallel_loop3A_1021] {strides = array<i32>} : memref<2x200x64xf32, #tpu.memory_space<vmem>>, vector<1x1x16xf32>,
      %parallel_loop3A_1023 = vector.shape_cast %parallel_loop3A_1022 : vector<1x1x16xf32> to vector<16xf32>
      %parallel_loop3A_1024 = vector.shape_cast %parallel_loop3A_1017 : vector<16xf32> to vector<1x1x16xf32>
      tpu.vector_store %arg9[%parallel_loop3A_1019, %parallel_loop3A_1020, %parallel_loop3A_1021], %parallel_loop3A_1024 {strides = array<i32>} : memref<2x200x64xf32, #tpu.memory_space<vmem>>, vector<1x1x16xf32>,
      %parallel_loop3A_1025 = arith.constant 0 : i32
      %parallel_loop3A_1026 = arith.index_cast %parallel_loop3A_1025 : i32 to index
      %parallel_loop3A_1027 = arith.index_cast %parallel_loop3A_1003 : i32 to index
      %parallel_loop3A_1028 = arith.constant 16 : index
      %parallel_loop3A_1029 = tpu.vector_load %arg8[%parallel_loop3A_1026, %parallel_loop3A_1027, %parallel_loop3A_1028] {strides = array<i32>} : memref<2x200x128xf32, #tpu.memory_space<vmem>>, vector<1x1x16xf32>,
      %parallel_loop3A_1030 = vector.shape_cast %parallel_loop3A_1029 : vector<1x1x16xf32> to vector<16xf32>
      %parallel_loop3A_1031 = arith.constant 64 : i32
      %parallel_loop3A_1032 = arith.muli %parallel_loop3A_1003, %parallel_loop3A_1031 : i32
      %parallel_loop3A_1033 = arith.constant 16 : i32
      %parallel_loop3A_1034 = arith.addi %parallel_loop3A_1032, %parallel_loop3A_1033 : i32
      %parallel_loop3A_1035 = arith.index_cast %parallel_loop3A_1034 : i32 to index
      %parallel_loop3A_1036 = tpu.vector_load %arg7[%parallel_loop3A_1035] {strides = array<i32>} : memref<12800xf32, #tpu.memory_space<vmem>>, vector<16xf32>,
      %parallel_loop3A_1037 = vector.shape_cast %parallel_loop3A_1036 : vector<16xf32> to vector<16xf32>
      %parallel_loop3A_1038 = arith.addf %parallel_loop3A_1030, %parallel_loop3A_1037 : vector<16xf32>
      %parallel_loop3A_1039 = arith.constant 0 : i32
      %parallel_loop3A_1040 = arith.index_cast %parallel_loop3A_1039 : i32 to index
      %parallel_loop3A_1041 = arith.index_cast %parallel_loop3A_1003 : i32 to index
      %parallel_loop3A_1042 = arith.constant 16 : index
      %parallel_loop3A_1043 = tpu.vector_load %arg9[%parallel_loop3A_1040, %parallel_loop3A_1041, %parallel_loop3A_1042] {strides = array<i32>} : memref<2x200x64xf32, #tpu.memory_space<vmem>>, vector<1x1x16xf32>,
      %parallel_loop3A_1044 = vector.shape_cast %parallel_loop3A_1043 : vector<1x1x16xf32> to vector<16xf32>
      %parallel_loop3A_1045 = vector.shape_cast %parallel_loop3A_1038 : vector<16xf32> to vector<1x1x16xf32>
      tpu.vector_store %arg9[%parallel_loop3A_1040, %parallel_loop3A_1041, %parallel_loop3A_1042], %parallel_loop3A_1045 {strides = array<i32>} : memref<2x200x64xf32, #tpu.memory_space<vmem>>, vector<1x1x16xf32>,
      %parallel_loop3A_1046 = arith.constant 0 : i32
      %parallel_loop3A_1047 = arith.index_cast %parallel_loop3A_1046 : i32 to index
      %parallel_loop3A_1048 = arith.index_cast %parallel_loop3A_1003 : i32 to index
      %parallel_loop3A_1049 = arith.constant 32 : index
      %parallel_loop3A_1050 = tpu.vector_load %arg8[%parallel_loop3A_1047, %parallel_loop3A_1048, %parallel_loop3A_1049] {strides = array<i32>} : memref<2x200x128xf32, #tpu.memory_space<vmem>>, vector<1x1x16xf32>,
      %parallel_loop3A_1051 = vector.shape_cast %parallel_loop3A_1050 : vector<1x1x16xf32> to vector<16xf32>
      %parallel_loop3A_1052 = arith.constant 64 : i32
      %parallel_loop3A_1053 = arith.muli %parallel_loop3A_1003, %parallel_loop3A_1052 : i32
      %parallel_loop3A_1054 = arith.constant 32 : i32
      %parallel_loop3A_1055 = arith.addi %parallel_loop3A_1053, %parallel_loop3A_1054 : i32
      %parallel_loop3A_1056 = arith.index_cast %parallel_loop3A_1055 : i32 to index
      %parallel_loop3A_1057 = tpu.vector_load %arg7[%parallel_loop3A_1056] {strides = array<i32>} : memref<12800xf32, #tpu.memory_space<vmem>>, vector<16xf32>,
      %parallel_loop3A_1058 = vector.shape_cast %parallel_loop3A_1057 : vector<16xf32> to vector<16xf32>
      %parallel_loop3A_1059 = arith.addf %parallel_loop3A_1051, %parallel_loop3A_1058 : vector<16xf32>
      %parallel_loop3A_1060 = arith.constant 0 : i32
      %parallel_loop3A_1061 = arith.index_cast %parallel_loop3A_1060 : i32 to index
      %parallel_loop3A_1062 = arith.index_cast %parallel_loop3A_1003 : i32 to index
      %parallel_loop3A_1063 = arith.constant 32 : index
      %parallel_loop3A_1064 = tpu.vector_load %arg9[%parallel_loop3A_1061, %parallel_loop3A_1062, %parallel_loop3A_1063] {strides = array<i32>} : memref<2x200x64xf32, #tpu.memory_space<vmem>>, vector<1x1x16xf32>,
      %parallel_loop3A_1065 = vector.shape_cast %parallel_loop3A_1064 : vector<1x1x16xf32> to vector<16xf32>
      %parallel_loop3A_1066 = vector.shape_cast %parallel_loop3A_1059 : vector<16xf32> to vector<1x1x16xf32>
      tpu.vector_store %arg9[%parallel_loop3A_1061, %parallel_loop3A_1062, %parallel_loop3A_1063], %parallel_loop3A_1066 {strides = array<i32>} : memref<2x200x64xf32, #tpu.memory_space<vmem>>, vector<1x1x16xf32>,
      %parallel_loop3A_1067 = arith.constant 0 : i32
      %parallel_loop3A_1068 = arith.index_cast %parallel_loop3A_1067 : i32 to index
      %parallel_loop3A_1069 = arith.index_cast %parallel_loop3A_1003 : i32 to index
      %parallel_loop3A_1070 = arith.constant 48 : index
      %parallel_loop3A_1071 = tpu.vector_load %arg8[%parallel_loop3A_1068, %parallel_loop3A_1069, %parallel_loop3A_1070] {strides = array<i32>} : memref<2x200x128xf32, #tpu.memory_space<vmem>>, vector<1x1x16xf32>,
      %parallel_loop3A_1072 = vector.shape_cast %parallel_loop3A_1071 : vector<1x1x16xf32> to vector<16xf32>
      %parallel_loop3A_1073 = arith.constant 64 : i32
      %parallel_loop3A_1074 = arith.muli %parallel_loop3A_1003, %parallel_loop3A_1073 : i32
      %parallel_loop3A_1075 = arith.constant 48 : i32
      %parallel_loop3A_1076 = arith.addi %parallel_loop3A_1074, %parallel_loop3A_1075 : i32
      %parallel_loop3A_1077 = arith.index_cast %parallel_loop3A_1076 : i32 to index
      %parallel_loop3A_1078 = tpu.vector_load %arg7[%parallel_loop3A_1077] {strides = array<i32>} : memref<12800xf32, #tpu.memory_space<vmem>>, vector<16xf32>,
      %parallel_loop3A_1079 = vector.shape_cast %parallel_loop3A_1078 : vector<16xf32> to vector<16xf32>
      %parallel_loop3A_1080 = arith.addf %parallel_loop3A_1072, %parallel_loop3A_1079 : vector<16xf32>
      %parallel_loop3A_1081 = arith.constant 0 : i32
      %parallel_loop3A_1082 = arith.index_cast %parallel_loop3A_1081 : i32 to index
      %parallel_loop3A_1083 = arith.index_cast %parallel_loop3A_1003 : i32 to index
      %parallel_loop3A_1084 = arith.constant 48 : index
      %parallel_loop3A_1085 = tpu.vector_load %arg9[%parallel_loop3A_1082, %parallel_loop3A_1083, %parallel_loop3A_1084] {strides = array<i32>} : memref<2x200x64xf32, #tpu.memory_space<vmem>>, vector<1x1x16xf32>,
      %parallel_loop3A_1086 = vector.shape_cast %parallel_loop3A_1085 : vector<1x1x16xf32> to vector<16xf32>
      %parallel_loop3A_1087 = vector.shape_cast %parallel_loop3A_1080 : vector<16xf32> to vector<1x1x16xf32>
      tpu.vector_store %arg9[%parallel_loop3A_1082, %parallel_loop3A_1083, %parallel_loop3A_1084], %parallel_loop3A_1087 {strides = array<i32>} : memref<2x200x64xf32, #tpu.memory_space<vmem>>, vector<1x1x16xf32>,
    } {sc.loop_unroll_factor = 1 : i64, sc.parallel_access}
    %add3A_542 = arith.constant 64 : i32
    %add3A_543 = arith.addi %mul3A_2, %add3A_542 : i32
    %dma_start3A_544 = arith.constant 0 : i32
    %dma_start3A_545 = arith.constant 0 : i32
    %dma_start3A_546 = arith.constant 0 : i32
    %dma_start3A_547 = arith.constant 0 : i32
    %dma_start3A_548 = tpu.memref_slice %arg9[%dma_start3A_544, %dma_start3A_546, %dma_start3A_547] : memref<2x200x64xf32, #tpu.memory_space<vmem>> -> memref<1x200x64xf32, #tpu.memory_space<vmem>>
    %dma_start3A_549 = tpu.memref_squeeze %dma_start3A_548 : memref<1x200x64xf32, #tpu.memory_space<vmem>> -> memref<200x64xf32, #tpu.memory_space<vmem>>
    %dma_start3A_550 = arith.constant 0 : i32
    %dma_start3A_551 = arith.constant 0 : i32
    %dma_start3A_552 = tpu.memref_slice %arg5[%add3A_543, %dma_start3A_550, %dma_start3A_551] : memref<4096x200x64xf32, #tpu.memory_space<hbm>> -> memref<1x200x64xf32, #tpu.memory_space<hbm>>
    %dma_start3A_553 = tpu.memref_squeeze %dma_start3A_552 : memref<1x200x64xf32, #tpu.memory_space<hbm>> -> memref<200x64xf32, #tpu.memory_space<hbm>>
    %dma_start3A_554 = tpu.memref_slice %arg12[%dma_start3A_545] : memref<2x!tpu.dma_semaphore, #tpu.memory_space<semaphore_mem>> -> memref<1x!tpu.dma_semaphore, #tpu.memory_space<semaphore_mem>>
    %dma_start3A_555 = tpu.memref_squeeze %dma_start3A_554 : memref<1x!tpu.dma_semaphore, #tpu.memory_space<semaphore_mem>> -> memref<!tpu.dma_semaphore, #tpu.memory_space<semaphore_mem>>
    %dma_start3A_556 = arith.constant 0 : i32
    %dma_start3A_557 = arith.constant 0 : i32
    %dma_start3A_558 = tpu.memref_slice %arg5[%add3A_543, %dma_start3A_556, %dma_start3A_557] : memref<4096x200x64xf32, #tpu.memory_space<hbm>> -> memref<1x200x64xf32, #tpu.memory_space<hbm>>
    %dma_start3A_559 = tpu.memref_squeeze %dma_start3A_558 : memref<1x200x64xf32, #tpu.memory_space<hbm>> -> memref<200x64xf32, #tpu.memory_space<hbm>>
    %dma_start3A_560 = arith.constant 0 : i32
    %dma_start3A_561 = arith.constant 0 : i32
    %dma_start3A_562 = tpu.memref_slice %arg9[%dma_start3A_544, %dma_start3A_560, %dma_start3A_561] : memref<2x200x64xf32, #tpu.memory_space<vmem>> -> memref<1x200x64xf32, #tpu.memory_space<vmem>>
    %dma_start3A_563 = tpu.memref_squeeze %dma_start3A_562 : memref<1x200x64xf32, #tpu.memory_space<vmem>> -> memref<200x64xf32, #tpu.memory_space<vmem>>
    tpu.enqueue_dma source(%dma_start3A_563 : memref<200x64xf32, #tpu.memory_space<vmem>>) target(%dma_start3A_559 : memref<200x64xf32, #tpu.memory_space<hbm>>) target_semaphore(%dma_start3A_555 : memref<!tpu.dma_semaphore, #tpu.memory_space<semaphore_mem>>)
    %rem3A_564 = arith.constant 66 : i32
    %rem3A_565 = arith.constant 64 : i32
    %rem3A_566 = arith.remsi %rem3A_564, %rem3A_565 : i32
    %mul3A_567 = arith.constant 200 : i32
    %mul3A_568 = arith.muli %rem3A_566, %mul3A_567 : i32
    %multiple_of3A_569 = tpu.assume_multiple %mul3A_568, 8 : i32
    %add3A_570 = arith.constant 128 : i32
    %add3A_571 = arith.addi %multiple_of3A_569, %add3A_570 : i32
    %dma_start3A_572 = arith.constant 0 : i32
    %dma_start3A_573 = arith.constant 0 : i32
    %dma_start3A_574 = arith.constant 0 : i32
    %dma_start3A_575 = arith.constant 0 : i32
    %dma_start3A_576 = tpu.memref_slice %arg8[%dma_start3A_572, %dma_start3A_574, %dma_start3A_575] : memref<2x200x128xf32, #tpu.memory_space<vmem>> -> memref<1x128x128xf32, #tpu.memory_space<vmem>>
    %dma_start3A_577 = tpu.memref_squeeze %dma_start3A_576 : memref<1x128x128xf32, #tpu.memory_space<vmem>> -> memref<128x128xf32, #tpu.memory_space<vmem>>
    %dma_start3A_578 = tpu.memref_slice %arg6[%multiple_of3A_569] : memref<12800xi32, #tpu.memory_space<vmem>> -> memref<128xi32, #tpu.memory_space<vmem>>
    %dma_start3A_579 = arith.constant 0 : i32
    %dma_start3A_580 = arith.constant 0 : i32
    %dma_start3A_581 = tpu.memref_slice %arg4[%dma_start3A_579, %dma_start3A_580] : memref<100000x128xf32, #tpu.memory_space<hbm>> -> memref<100000x128xf32, #tpu.memory_space<hbm>>
    %dma_start3A_582 = tpu.memref_slice %arg11[%dma_start3A_573] : memref<2x!tpu.dma_semaphore, #tpu.memory_space<semaphore_mem>> -> memref<1x!tpu.dma_semaphore, #tpu.memory_space<semaphore_mem>>
    %dma_start3A_583 = tpu.memref_squeeze %dma_start3A_582 : memref<1x!tpu.dma_semaphore, #tpu.memory_space<semaphore_mem>> -> memref<!tpu.dma_semaphore, #tpu.memory_space<semaphore_mem>>
    tpu.enqueue_indirect_dma source(%dma_start3A_581 : memref<100000x128xf32, #tpu.memory_space<hbm>>) target(%dma_start3A_577 : memref<128x128xf32, #tpu.memory_space<vmem>>) offsets(%dma_start3A_578 : memref<128xi32, #tpu.memory_space<vmem>>) semaphore(%dma_start3A_583 : memref<!tpu.dma_semaphore, #tpu.memory_space<semaphore_mem>>)
    %dma_start3A_584 = arith.constant 0 : i32
    %dma_start3A_585 = arith.constant 0 : i32
    %dma_start3A_586 = arith.constant 128 : i32
    %dma_start3A_587 = arith.constant 0 : i32
    %dma_start3A_588 = tpu.memref_slice %arg8[%dma_start3A_584, %dma_start3A_586, %dma_start3A_587] : memref<2x200x128xf32, #tpu.memory_space<vmem>> -> memref<1x72x128xf32, #tpu.memory_space<vmem>>
    %dma_start3A_589 = tpu.memref_squeeze %dma_start3A_588 : memref<1x72x128xf32, #tpu.memory_space<vmem>> -> memref<72x128xf32, #tpu.memory_space<vmem>>
    %dma_start3A_590 = tpu.memref_slice %arg6[%add3A_571] : memref<12800xi32, #tpu.memory_space<vmem>> -> memref<72xi32, #tpu.memory_space<vmem>>
    %dma_start3A_591 = arith.constant 0 : i32
    %dma_start3A_592 = arith.constant 0 : i32
    %dma_start3A_593 = tpu.memref_slice %arg4[%dma_start3A_591, %dma_start3A_592] : memref<100000x128xf32, #tpu.memory_space<hbm>> -> memref<100000x128xf32, #tpu.memory_space<hbm>>
    %dma_start3A_594 = tpu.memref_slice %arg11[%dma_start3A_585] : memref<2x!tpu.dma_semaphore, #tpu.memory_space<semaphore_mem>> -> memref<1x!tpu.dma_semaphore, #tpu.memory_space<semaphore_mem>>
    %dma_start3A_595 = tpu.memref_squeeze %dma_start3A_594 : memref<1x!tpu.dma_semaphore, #tpu.memory_space<semaphore_mem>> -> memref<!tpu.dma_semaphore, #tpu.memory_space<semaphore_mem>>
    tpu.enqueue_indirect_dma source(%dma_start3A_593 : memref<100000x128xf32, #tpu.memory_space<hbm>>) target(%dma_start3A_589 : memref<72x128xf32, #tpu.memory_space<vmem>>) offsets(%dma_start3A_590 : memref<72xi32, #tpu.memory_space<vmem>>) semaphore(%dma_start3A_595 : memref<!tpu.dma_semaphore, #tpu.memory_space<semaphore_mem>>)
    %rem3A_596 = arith.constant 65 : i32
    %rem3A_597 = arith.constant 64 : i32
    %rem3A_598 = arith.remsi %rem3A_596, %rem3A_597 : i32
    %mul3A_599 = arith.constant 200 : i32
    %mul3A_600 = arith.muli %rem3A_598, %mul3A_599 : i32
    %multiple_of3A_601 = tpu.assume_multiple %mul3A_600, 8 : i32
    %add3A_602 = arith.constant 128 : i32
    %add3A_603 = arith.addi %multiple_of3A_601, %add3A_602 : i32
    %dma_wait3A_604 = arith.constant 1 : i32
    %dma_wait3A_605 = arith.constant 1 : i32
    %dma_wait3A_606 = arith.constant 0 : i32
    %dma_wait3A_607 = arith.constant 0 : i32
    %dma_wait3A_608 = tpu.memref_slice %arg8[%dma_wait3A_604, %dma_wait3A_606, %dma_wait3A_607] : memref<2x200x128xf32, #tpu.memory_space<vmem>> -> memref<1x128x128xf32, #tpu.memory_space<vmem>>
    %dma_wait3A_609 = tpu.memref_squeeze %dma_wait3A_608 : memref<1x128x128xf32, #tpu.memory_space<vmem>> -> memref<128x128xf32, #tpu.memory_space<vmem>>
    %dma_wait3A_610 = tpu.memref_slice %arg6[%multiple_of3A_601] : memref<12800xi32, #tpu.memory_space<vmem>> -> memref<128xi32, #tpu.memory_space<vmem>>
    %dma_wait3A_611 = arith.constant 0 : i32
    %dma_wait3A_612 = arith.constant 0 : i32
    %dma_wait3A_613 = tpu.memref_slice %arg4[%dma_wait3A_611, %dma_wait3A_612] : memref<100000x128xf32, #tpu.memory_space<hbm>> -> memref<100000x128xf32, #tpu.memory_space<hbm>>
    %dma_wait3A_614 = tpu.memref_slice %arg11[%dma_wait3A_605] : memref<2x!tpu.dma_semaphore, #tpu.memory_space<semaphore_mem>> -> memref<1x!tpu.dma_semaphore, #tpu.memory_space<semaphore_mem>>
    %dma_wait3A_615 = tpu.memref_squeeze %dma_wait3A_614 : memref<1x!tpu.dma_semaphore, #tpu.memory_space<semaphore_mem>> -> memref<!tpu.dma_semaphore, #tpu.memory_space<semaphore_mem>>
    tpu.wait_indirect_dma semaphore(%dma_wait3A_615 : memref<!tpu.dma_semaphore, #tpu.memory_space<semaphore_mem>>) src(%dma_wait3A_613 : memref<100000x128xf32, #tpu.memory_space<hbm>>) dst(%dma_wait3A_609 : memref<128x128xf32, #tpu.memory_space<vmem>>)
    %dma_wait3A_616 = arith.constant 1 : i32
    %dma_wait3A_617 = arith.constant 1 : i32
    %dma_wait3A_618 = arith.constant 128 : i32
    %dma_wait3A_619 = arith.constant 0 : i32
    %dma_wait3A_620 = tpu.memref_slice %arg8[%dma_wait3A_616, %dma_wait3A_618, %dma_wait3A_619] : memref<2x200x128xf32, #tpu.memory_space<vmem>> -> memref<1x72x128xf32, #tpu.memory_space<vmem>>
    %dma_wait3A_621 = tpu.memref_squeeze %dma_wait3A_620 : memref<1x72x128xf32, #tpu.memory_space<vmem>> -> memref<72x128xf32, #tpu.memory_space<vmem>>
    %dma_wait3A_622 = tpu.memref_slice %arg6[%add3A_603] : memref<12800xi32, #tpu.memory_space<vmem>> -> memref<72xi32, #tpu.memory_space<vmem>>
    %dma_wait3A_623 = arith.constant 0 : i32
    %dma_wait3A_624 = arith.constant 0 : i32
    %dma_wait3A_625 = tpu.memref_slice %arg4[%dma_wait3A_623, %dma_wait3A_624] : memref<100000x128xf32, #tpu.memory_space<hbm>> -> memref<100000x128xf32, #tpu.memory_space<hbm>>
    %dma_wait3A_626 = tpu.memref_slice %arg11[%dma_wait3A_617] : memref<2x!tpu.dma_semaphore, #tpu.memory_space<semaphore_mem>> -> memref<1x!tpu.dma_semaphore, #tpu.memory_space<semaphore_mem>>
    %dma_wait3A_627 = tpu.memref_squeeze %dma_wait3A_626 : memref<1x!tpu.dma_semaphore, #tpu.memory_space<semaphore_mem>> -> memref<!tpu.dma_semaphore, #tpu.memory_space<semaphore_mem>>
    tpu.wait_indirect_dma semaphore(%dma_wait3A_627 : memref<!tpu.dma_semaphore, #tpu.memory_space<semaphore_mem>>) src(%dma_wait3A_625 : memref<100000x128xf32, #tpu.memory_space<hbm>>) dst(%dma_wait3A_621 : memref<72x128xf32, #tpu.memory_space<vmem>>)
    %add3A_628 = arith.constant 63 : i32
    %add3A_629 = arith.addi %mul3A_2, %add3A_628 : i32
    %dma_wait3A_630 = arith.constant 1 : i32
    %dma_wait3A_631 = arith.constant 1 : i32
    %dma_wait3A_632 = arith.constant 0 : i32
    %dma_wait3A_633 = arith.constant 0 : i32
    %dma_wait3A_634 = tpu.memref_slice %arg9[%dma_wait3A_630, %dma_wait3A_632, %dma_wait3A_633] : memref<2x200x64xf32, #tpu.memory_space<vmem>> -> memref<1x200x64xf32, #tpu.memory_space<vmem>>
    %dma_wait3A_635 = tpu.memref_squeeze %dma_wait3A_634 : memref<1x200x64xf32, #tpu.memory_space<vmem>> -> memref<200x64xf32, #tpu.memory_space<vmem>>
    %dma_wait3A_636 = arith.constant 0 : i32
    %dma_wait3A_637 = arith.constant 0 : i32
    %dma_wait3A_638 = tpu.memref_slice %arg5[%add3A_629, %dma_wait3A_636, %dma_wait3A_637] : memref<4096x200x64xf32, #tpu.memory_space<hbm>> -> memref<1x200x64xf32, #tpu.memory_space<hbm>>
    %dma_wait3A_639 = tpu.memref_squeeze %dma_wait3A_638 : memref<1x200x64xf32, #tpu.memory_space<hbm>> -> memref<200x64xf32, #tpu.memory_space<hbm>>
    %dma_wait3A_640 = tpu.memref_slice %arg12[%dma_wait3A_631] : memref<2x!tpu.dma_semaphore, #tpu.memory_space<semaphore_mem>> -> memref<1x!tpu.dma_semaphore, #tpu.memory_space<semaphore_mem>>
    %dma_wait3A_641 = tpu.memref_squeeze %dma_wait3A_640 : memref<1x!tpu.dma_semaphore, #tpu.memory_space<semaphore_mem>> -> memref<!tpu.dma_semaphore, #tpu.memory_space<semaphore_mem>>
    %dma_wait3A_642 = arith.constant 0 : i32
    %dma_wait3A_643 = arith.constant 0 : i32
    %dma_wait3A_644 = tpu.memref_slice %arg5[%add3A_629, %dma_wait3A_642, %dma_wait3A_643] : memref<4096x200x64xf32, #tpu.memory_space<hbm>> -> memref<1x200x64xf32, #tpu.memory_space<hbm>>
    %dma_wait3A_645 = tpu.memref_squeeze %dma_wait3A_644 : memref<1x200x64xf32, #tpu.memory_space<hbm>> -> memref<200x64xf32, #tpu.memory_space<hbm>>
    %dma_wait3A_646 = arith.constant 0 : i32
    %dma_wait3A_647 = arith.constant 0 : i32
    %dma_wait3A_648 = tpu.memref_slice %arg9[%dma_wait3A_630, %dma_wait3A_646, %dma_wait3A_647] : memref<2x200x64xf32, #tpu.memory_space<vmem>> -> memref<1x200x64xf32, #tpu.memory_space<vmem>>
    %dma_wait3A_649 = tpu.memref_squeeze %dma_wait3A_648 : memref<1x200x64xf32, #tpu.memory_space<vmem>> -> memref<200x64xf32, #tpu.memory_space<vmem>>
    tpu.wait_dma2 semaphore(%dma_wait3A_641 : memref<!tpu.dma_semaphore, #tpu.memory_space<semaphore_mem>>) src(%dma_wait3A_649 : memref<200x64xf32, #tpu.memory_space<vmem>>) dst(%dma_wait3A_645 : memref<200x64xf32, #tpu.memory_space<hbm>>)
    %parallel_loop3A_650 = arith.constant 0 : i32
    %parallel_loop3A_651 = arith.constant 200 : i32
    %parallel_loop3A_652 = arith.constant 2 : i32
    scf.for %parallel_loop3A_915 = %parallel_loop3A_650 to %parallel_loop3A_651 step %parallel_loop3A_652  : i32 {
      %parallel_loop3A_916 = arith.constant 0 : i32
      %parallel_loop3A_917 = arith.addi %parallel_loop3A_915, %parallel_loop3A_916 : i32
      %parallel_loop3A_918 = arith.constant 1 : i32
      %parallel_loop3A_919 = arith.index_cast %parallel_loop3A_918 : i32 to index
      %parallel_loop3A_920 = arith.index_cast %parallel_loop3A_917 : i32 to index
      %parallel_loop3A_921 = arith.constant 0 : index
      %parallel_loop3A_922 = tpu.vector_load %arg8[%parallel_loop3A_919, %parallel_loop3A_920, %parallel_loop3A_921] {strides = array<i32>} : memref<2x200x128xf32, #tpu.memory_space<vmem>>, vector<1x1x16xf32>,
      %parallel_loop3A_923 = vector.shape_cast %parallel_loop3A_922 : vector<1x1x16xf32> to vector<16xf32>
      %parallel_loop3A_924 = arith.constant 64 : i32
      %parallel_loop3A_925 = arith.muli %parallel_loop3A_917, %parallel_loop3A_924 : i32
      %parallel_loop3A_926 = arith.constant 0 : i32
      %parallel_loop3A_927 = arith.addi %parallel_loop3A_925, %parallel_loop3A_926 : i32
      %parallel_loop3A_928 = arith.index_cast %parallel_loop3A_927 : i32 to index
      %parallel_loop3A_929 = tpu.vector_load %arg7[%parallel_loop3A_928] {strides = array<i32>} : memref<12800xf32, #tpu.memory_space<vmem>>, vector<16xf32>,
      %parallel_loop3A_930 = vector.shape_cast %parallel_loop3A_929 : vector<16xf32> to vector<16xf32>
      %parallel_loop3A_931 = arith.addf %parallel_loop3A_923, %parallel_loop3A_930 : vector<16xf32>
      %parallel_loop3A_932 = arith.constant 1 : i32
      %parallel_loop3A_933 = arith.index_cast %parallel_loop3A_932 : i32 to index
      %parallel_loop3A_934 = arith.index_cast %parallel_loop3A_917 : i32 to index
      %parallel_loop3A_935 = arith.constant 0 : index
      %parallel_loop3A_936 = tpu.vector_load %arg9[%parallel_loop3A_933, %parallel_loop3A_934, %parallel_loop3A_935] {strides = array<i32>} : memref<2x200x64xf32, #tpu.memory_space<vmem>>, vector<1x1x16xf32>,
      %parallel_loop3A_937 = vector.shape_cast %parallel_loop3A_936 : vector<1x1x16xf32> to vector<16xf32>
      %parallel_loop3A_938 = vector.shape_cast %parallel_loop3A_931 : vector<16xf32> to vector<1x1x16xf32>
      tpu.vector_store %arg9[%parallel_loop3A_933, %parallel_loop3A_934, %parallel_loop3A_935], %parallel_loop3A_938 {strides = array<i32>} : memref<2x200x64xf32, #tpu.memory_space<vmem>>, vector<1x1x16xf32>,
      %parallel_loop3A_939 = arith.constant 1 : i32
      %parallel_loop3A_940 = arith.index_cast %parallel_loop3A_939 : i32 to index
      %parallel_loop3A_941 = arith.index_cast %parallel_loop3A_917 : i32 to index
      %parallel_loop3A_942 = arith.constant 16 : index
      %parallel_loop3A_943 = tpu.vector_load %arg8[%parallel_loop3A_940, %parallel_loop3A_941, %parallel_loop3A_942] {strides = array<i32>} : memref<2x200x128xf32, #tpu.memory_space<vmem>>, vector<1x1x16xf32>,
      %parallel_loop3A_944 = vector.shape_cast %parallel_loop3A_943 : vector<1x1x16xf32> to vector<16xf32>
      %parallel_loop3A_945 = arith.constant 64 : i32
      %parallel_loop3A_946 = arith.muli %parallel_loop3A_917, %parallel_loop3A_945 : i32
      %parallel_loop3A_947 = arith.constant 16 : i32
      %parallel_loop3A_948 = arith.addi %parallel_loop3A_946, %parallel_loop3A_947 : i32
      %parallel_loop3A_949 = arith.index_cast %parallel_loop3A_948 : i32 to index
      %parallel_loop3A_950 = tpu.vector_load %arg7[%parallel_loop3A_949] {strides = array<i32>} : memref<12800xf32, #tpu.memory_space<vmem>>, vector<16xf32>,
      %parallel_loop3A_951 = vector.shape_cast %parallel_loop3A_950 : vector<16xf32> to vector<16xf32>
      %parallel_loop3A_952 = arith.addf %parallel_loop3A_944, %parallel_loop3A_951 : vector<16xf32>
      %parallel_loop3A_953 = arith.constant 1 : i32
      %parallel_loop3A_954 = arith.index_cast %parallel_loop3A_953 : i32 to index
      %parallel_loop3A_955 = arith.index_cast %parallel_loop3A_917 : i32 to index
      %parallel_loop3A_956 = arith.constant 16 : index
      %parallel_loop3A_957 = tpu.vector_load %arg9[%parallel_loop3A_954, %parallel_loop3A_955, %parallel_loop3A_956] {strides = array<i32>} : memref<2x200x64xf32, #tpu.memory_space<vmem>>, vector<1x1x16xf32>,
      %parallel_loop3A_958 = vector.shape_cast %parallel_loop3A_957 : vector<1x1x16xf32> to vector<16xf32>
      %parallel_loop3A_959 = vector.shape_cast %parallel_loop3A_952 : vector<16xf32> to vector<1x1x16xf32>
      tpu.vector_store %arg9[%parallel_loop3A_954, %parallel_loop3A_955, %parallel_loop3A_956], %parallel_loop3A_959 {strides = array<i32>} : memref<2x200x64xf32, #tpu.memory_space<vmem>>, vector<1x1x16xf32>,
      %parallel_loop3A_960 = arith.constant 1 : i32
      %parallel_loop3A_961 = arith.index_cast %parallel_loop3A_960 : i32 to index
      %parallel_loop3A_962 = arith.index_cast %parallel_loop3A_917 : i32 to index
      %parallel_loop3A_963 = arith.constant 32 : index
      %parallel_loop3A_964 = tpu.vector_load %arg8[%parallel_loop3A_961, %parallel_loop3A_962, %parallel_loop3A_963] {strides = array<i32>} : memref<2x200x128xf32, #tpu.memory_space<vmem>>, vector<1x1x16xf32>,
      %parallel_loop3A_965 = vector.shape_cast %parallel_loop3A_964 : vector<1x1x16xf32> to vector<16xf32>
      %parallel_loop3A_966 = arith.constant 64 : i32
      %parallel_loop3A_967 = arith.muli %parallel_loop3A_917, %parallel_loop3A_966 : i32
      %parallel_loop3A_968 = arith.constant 32 : i32
      %parallel_loop3A_969 = arith.addi %parallel_loop3A_967, %parallel_loop3A_968 : i32
      %parallel_loop3A_970 = arith.index_cast %parallel_loop3A_969 : i32 to index
      %parallel_loop3A_971 = tpu.vector_load %arg7[%parallel_loop3A_970] {strides = array<i32>} : memref<12800xf32, #tpu.memory_space<vmem>>, vector<16xf32>,
      %parallel_loop3A_972 = vector.shape_cast %parallel_loop3A_971 : vector<16xf32> to vector<16xf32>
      %parallel_loop3A_973 = arith.addf %parallel_loop3A_965, %parallel_loop3A_972 : vector<16xf32>
      %parallel_loop3A_974 = arith.constant 1 : i32
      %parallel_loop3A_975 = arith.index_cast %parallel_loop3A_974 : i32 to index
      %parallel_loop3A_976 = arith.index_cast %parallel_loop3A_917 : i32 to index
      %parallel_loop3A_977 = arith.constant 32 : index
      %parallel_loop3A_978 = tpu.vector_load %arg9[%parallel_loop3A_975, %parallel_loop3A_976, %parallel_loop3A_977] {strides = array<i32>} : memref<2x200x64xf32, #tpu.memory_space<vmem>>, vector<1x1x16xf32>,
      %parallel_loop3A_979 = vector.shape_cast %parallel_loop3A_978 : vector<1x1x16xf32> to vector<16xf32>
      %parallel_loop3A_980 = vector.shape_cast %parallel_loop3A_973 : vector<16xf32> to vector<1x1x16xf32>
      tpu.vector_store %arg9[%parallel_loop3A_975, %parallel_loop3A_976, %parallel_loop3A_977], %parallel_loop3A_980 {strides = array<i32>} : memref<2x200x64xf32, #tpu.memory_space<vmem>>, vector<1x1x16xf32>,
      %parallel_loop3A_981 = arith.constant 1 : i32
      %parallel_loop3A_982 = arith.index_cast %parallel_loop3A_981 : i32 to index
      %parallel_loop3A_983 = arith.index_cast %parallel_loop3A_917 : i32 to index
      %parallel_loop3A_984 = arith.constant 48 : index
      %parallel_loop3A_985 = tpu.vector_load %arg8[%parallel_loop3A_982, %parallel_loop3A_983, %parallel_loop3A_984] {strides = array<i32>} : memref<2x200x128xf32, #tpu.memory_space<vmem>>, vector<1x1x16xf32>,
      %parallel_loop3A_986 = vector.shape_cast %parallel_loop3A_985 : vector<1x1x16xf32> to vector<16xf32>
      %parallel_loop3A_987 = arith.constant 64 : i32
      %parallel_loop3A_988 = arith.muli %parallel_loop3A_917, %parallel_loop3A_987 : i32
      %parallel_loop3A_989 = arith.constant 48 : i32
      %parallel_loop3A_990 = arith.addi %parallel_loop3A_988, %parallel_loop3A_989 : i32
      %parallel_loop3A_991 = arith.index_cast %parallel_loop3A_990 : i32 to index
      %parallel_loop3A_992 = tpu.vector_load %arg7[%parallel_loop3A_991] {strides = array<i32>} : memref<12800xf32, #tpu.memory_space<vmem>>, vector<16xf32>,
      %parallel_loop3A_993 = vector.shape_cast %parallel_loop3A_992 : vector<16xf32> to vector<16xf32>
      %parallel_loop3A_994 = arith.addf %parallel_loop3A_986, %parallel_loop3A_993 : vector<16xf32>
      %parallel_loop3A_995 = arith.constant 1 : i32
      %parallel_loop3A_996 = arith.index_cast %parallel_loop3A_995 : i32 to index
      %parallel_loop3A_997 = arith.index_cast %parallel_loop3A_917 : i32 to index
      %parallel_loop3A_998 = arith.constant 48 : index
      %parallel_loop3A_999 = tpu.vector_load %arg9[%parallel_loop3A_996, %parallel_loop3A_997, %parallel_loop3A_998] {strides = array<i32>} : memref<2x200x64xf32, #tpu.memory_space<vmem>>, vector<1x1x16xf32>,
      %parallel_loop3A_1000 = vector.shape_cast %parallel_loop3A_999 : vector<1x1x16xf32> to vector<16xf32>
      %parallel_loop3A_1001 = vector.shape_cast %parallel_loop3A_994 : vector<16xf32> to vector<1x1x16xf32>
      tpu.vector_store %arg9[%parallel_loop3A_996, %parallel_loop3A_997, %parallel_loop3A_998], %parallel_loop3A_1001 {strides = array<i32>} : memref<2x200x64xf32, #tpu.memory_space<vmem>>, vector<1x1x16xf32>,
      %parallel_loop3A_1002 = arith.constant 1 : i32
      %parallel_loop3A_1003 = arith.addi %parallel_loop3A_915, %parallel_loop3A_1002 : i32
      %parallel_loop3A_1004 = arith.constant 1 : i32
      %parallel_loop3A_1005 = arith.index_cast %parallel_loop3A_1004 : i32 to index
      %parallel_loop3A_1006 = arith.index_cast %parallel_loop3A_1003 : i32 to index
      %parallel_loop3A_1007 = arith.constant 0 : index
      %parallel_loop3A_1008 = tpu.vector_load %arg8[%parallel_loop3A_1005, %parallel_loop3A_1006, %parallel_loop3A_1007] {strides = array<i32>} : memref<2x200x128xf32, #tpu.memory_space<vmem>>, vector<1x1x16xf32>,
      %parallel_loop3A_1009 = vector.shape_cast %parallel_loop3A_1008 : vector<1x1x16xf32> to vector<16xf32>
      %parallel_loop3A_1010 = arith.constant 64 : i32
      %parallel_loop3A_1011 = arith.muli %parallel_loop3A_1003, %parallel_loop3A_1010 : i32
      %parallel_loop3A_1012 = arith.constant 0 : i32
      %parallel_loop3A_1013 = arith.addi %parallel_loop3A_1011, %parallel_loop3A_1012 : i32
      %parallel_loop3A_1014 = arith.index_cast %parallel_loop3A_1013 : i32 to index
      %parallel_loop3A_1015 = tpu.vector_load %arg7[%parallel_loop3A_1014] {strides = array<i32>} : memref<12800xf32, #tpu.memory_space<vmem>>, vector<16xf32>,
      %parallel_loop3A_1016 = vector.shape_cast %parallel_loop3A_1015 : vector<16xf32> to vector<16xf32>
      %parallel_loop3A_1017 = arith.addf %parallel_loop3A_1009, %parallel_loop3A_1016 : vector<16xf32>
      %parallel_loop3A_1018 = arith.constant 1 : i32
      %parallel_loop3A_1019 = arith.index_cast %parallel_loop3A_1018 : i32 to index
      %parallel_loop3A_1020 = arith.index_cast %parallel_loop3A_1003 : i32 to index
      %parallel_loop3A_1021 = arith.constant 0 : index
      %parallel_loop3A_1022 = tpu.vector_load %arg9[%parallel_loop3A_1019, %parallel_loop3A_1020, %parallel_loop3A_1021] {strides = array<i32>} : memref<2x200x64xf32, #tpu.memory_space<vmem>>, vector<1x1x16xf32>,
      %parallel_loop3A_1023 = vector.shape_cast %parallel_loop3A_1022 : vector<1x1x16xf32> to vector<16xf32>
      %parallel_loop3A_1024 = vector.shape_cast %parallel_loop3A_1017 : vector<16xf32> to vector<1x1x16xf32>
      tpu.vector_store %arg9[%parallel_loop3A_1019, %parallel_loop3A_1020, %parallel_loop3A_1021], %parallel_loop3A_1024 {strides = array<i32>} : memref<2x200x64xf32, #tpu.memory_space<vmem>>, vector<1x1x16xf32>,
      %parallel_loop3A_1025 = arith.constant 1 : i32
      %parallel_loop3A_1026 = arith.index_cast %parallel_loop3A_1025 : i32 to index
      %parallel_loop3A_1027 = arith.index_cast %parallel_loop3A_1003 : i32 to index
      %parallel_loop3A_1028 = arith.constant 16 : index
      %parallel_loop3A_1029 = tpu.vector_load %arg8[%parallel_loop3A_1026, %parallel_loop3A_1027, %parallel_loop3A_1028] {strides = array<i32>} : memref<2x200x128xf32, #tpu.memory_space<vmem>>, vector<1x1x16xf32>,
      %parallel_loop3A_1030 = vector.shape_cast %parallel_loop3A_1029 : vector<1x1x16xf32> to vector<16xf32>
      %parallel_loop3A_1031 = arith.constant 64 : i32
      %parallel_loop3A_1032 = arith.muli %parallel_loop3A_1003, %parallel_loop3A_1031 : i32
      %parallel_loop3A_1033 = arith.constant 16 : i32
      %parallel_loop3A_1034 = arith.addi %parallel_loop3A_1032, %parallel_loop3A_1033 : i32
      %parallel_loop3A_1035 = arith.index_cast %parallel_loop3A_1034 : i32 to index
      %parallel_loop3A_1036 = tpu.vector_load %arg7[%parallel_loop3A_1035] {strides = array<i32>} : memref<12800xf32, #tpu.memory_space<vmem>>, vector<16xf32>,
      %parallel_loop3A_1037 = vector.shape_cast %parallel_loop3A_1036 : vector<16xf32> to vector<16xf32>
      %parallel_loop3A_1038 = arith.addf %parallel_loop3A_1030, %parallel_loop3A_1037 : vector<16xf32>
      %parallel_loop3A_1039 = arith.constant 1 : i32
      %parallel_loop3A_1040 = arith.index_cast %parallel_loop3A_1039 : i32 to index
      %parallel_loop3A_1041 = arith.index_cast %parallel_loop3A_1003 : i32 to index
      %parallel_loop3A_1042 = arith.constant 16 : index
      %parallel_loop3A_1043 = tpu.vector_load %arg9[%parallel_loop3A_1040, %parallel_loop3A_1041, %parallel_loop3A_1042] {strides = array<i32>} : memref<2x200x64xf32, #tpu.memory_space<vmem>>, vector<1x1x16xf32>,
      %parallel_loop3A_1044 = vector.shape_cast %parallel_loop3A_1043 : vector<1x1x16xf32> to vector<16xf32>
      %parallel_loop3A_1045 = vector.shape_cast %parallel_loop3A_1038 : vector<16xf32> to vector<1x1x16xf32>
      tpu.vector_store %arg9[%parallel_loop3A_1040, %parallel_loop3A_1041, %parallel_loop3A_1042], %parallel_loop3A_1045 {strides = array<i32>} : memref<2x200x64xf32, #tpu.memory_space<vmem>>, vector<1x1x16xf32>,
      %parallel_loop3A_1046 = arith.constant 1 : i32
      %parallel_loop3A_1047 = arith.index_cast %parallel_loop3A_1046 : i32 to index
      %parallel_loop3A_1048 = arith.index_cast %parallel_loop3A_1003 : i32 to index
      %parallel_loop3A_1049 = arith.constant 32 : index
      %parallel_loop3A_1050 = tpu.vector_load %arg8[%parallel_loop3A_1047, %parallel_loop3A_1048, %parallel_loop3A_1049] {strides = array<i32>} : memref<2x200x128xf32, #tpu.memory_space<vmem>>, vector<1x1x16xf32>,
      %parallel_loop3A_1051 = vector.shape_cast %parallel_loop3A_1050 : vector<1x1x16xf32> to vector<16xf32>
      %parallel_loop3A_1052 = arith.constant 64 : i32
      %parallel_loop3A_1053 = arith.muli %parallel_loop3A_1003, %parallel_loop3A_1052 : i32
      %parallel_loop3A_1054 = arith.constant 32 : i32
      %parallel_loop3A_1055 = arith.addi %parallel_loop3A_1053, %parallel_loop3A_1054 : i32
      %parallel_loop3A_1056 = arith.index_cast %parallel_loop3A_1055 : i32 to index
      %parallel_loop3A_1057 = tpu.vector_load %arg7[%parallel_loop3A_1056] {strides = array<i32>} : memref<12800xf32, #tpu.memory_space<vmem>>, vector<16xf32>,
      %parallel_loop3A_1058 = vector.shape_cast %parallel_loop3A_1057 : vector<16xf32> to vector<16xf32>
      %parallel_loop3A_1059 = arith.addf %parallel_loop3A_1051, %parallel_loop3A_1058 : vector<16xf32>
      %parallel_loop3A_1060 = arith.constant 1 : i32
      %parallel_loop3A_1061 = arith.index_cast %parallel_loop3A_1060 : i32 to index
      %parallel_loop3A_1062 = arith.index_cast %parallel_loop3A_1003 : i32 to index
      %parallel_loop3A_1063 = arith.constant 32 : index
      %parallel_loop3A_1064 = tpu.vector_load %arg9[%parallel_loop3A_1061, %parallel_loop3A_1062, %parallel_loop3A_1063] {strides = array<i32>} : memref<2x200x64xf32, #tpu.memory_space<vmem>>, vector<1x1x16xf32>,
      %parallel_loop3A_1065 = vector.shape_cast %parallel_loop3A_1064 : vector<1x1x16xf32> to vector<16xf32>
      %parallel_loop3A_1066 = vector.shape_cast %parallel_loop3A_1059 : vector<16xf32> to vector<1x1x16xf32>
      tpu.vector_store %arg9[%parallel_loop3A_1061, %parallel_loop3A_1062, %parallel_loop3A_1063], %parallel_loop3A_1066 {strides = array<i32>} : memref<2x200x64xf32, #tpu.memory_space<vmem>>, vector<1x1x16xf32>,
      %parallel_loop3A_1067 = arith.constant 1 : i32
      %parallel_loop3A_1068 = arith.index_cast %parallel_loop3A_1067 : i32 to index
      %parallel_loop3A_1069 = arith.index_cast %parallel_loop3A_1003 : i32 to index
      %parallel_loop3A_1070 = arith.constant 48 : index
      %parallel_loop3A_1071 = tpu.vector_load %arg8[%parallel_loop3A_1068, %parallel_loop3A_1069, %parallel_loop3A_1070] {strides = array<i32>} : memref<2x200x128xf32, #tpu.memory_space<vmem>>, vector<1x1x16xf32>,
      %parallel_loop3A_1072 = vector.shape_cast %parallel_loop3A_1071 : vector<1x1x16xf32> to vector<16xf32>
      %parallel_loop3A_1073 = arith.constant 64 : i32
      %parallel_loop3A_1074 = arith.muli %parallel_loop3A_1003, %parallel_loop3A_1073 : i32
      %parallel_loop3A_1075 = arith.constant 48 : i32
      %parallel_loop3A_1076 = arith.addi %parallel_loop3A_1074, %parallel_loop3A_1075 : i32
      %parallel_loop3A_1077 = arith.index_cast %parallel_loop3A_1076 : i32 to index
      %parallel_loop3A_1078 = tpu.vector_load %arg7[%parallel_loop3A_1077] {strides = array<i32>} : memref<12800xf32, #tpu.memory_space<vmem>>, vector<16xf32>,
      %parallel_loop3A_1079 = vector.shape_cast %parallel_loop3A_1078 : vector<16xf32> to vector<16xf32>
      %parallel_loop3A_1080 = arith.addf %parallel_loop3A_1072, %parallel_loop3A_1079 : vector<16xf32>
      %parallel_loop3A_1081 = arith.constant 1 : i32
      %parallel_loop3A_1082 = arith.index_cast %parallel_loop3A_1081 : i32 to index
      %parallel_loop3A_1083 = arith.index_cast %parallel_loop3A_1003 : i32 to index
      %parallel_loop3A_1084 = arith.constant 48 : index
      %parallel_loop3A_1085 = tpu.vector_load %arg9[%parallel_loop3A_1082, %parallel_loop3A_1083, %parallel_loop3A_1084] {strides = array<i32>} : memref<2x200x64xf32, #tpu.memory_space<vmem>>, vector<1x1x16xf32>,
      %parallel_loop3A_1086 = vector.shape_cast %parallel_loop3A_1085 : vector<1x1x16xf32> to vector<16xf32>
      %parallel_loop3A_1087 = vector.shape_cast %parallel_loop3A_1080 : vector<16xf32> to vector<1x1x16xf32>
      tpu.vector_store %arg9[%parallel_loop3A_1082, %parallel_loop3A_1083, %parallel_loop3A_1084], %parallel_loop3A_1087 {strides = array<i32>} : memref<2x200x64xf32, #tpu.memory_space<vmem>>, vector<1x1x16xf32>,
    } {sc.loop_unroll_factor = 1 : i64, sc.parallel_access}
    %add3A_653 = arith.constant 65 : i32
    %add3A_654 = arith.addi %mul3A_2, %add3A_653 : i32
    %dma_start3A_655 = arith.constant 1 : i32
    %dma_start3A_656 = arith.constant 1 : i32
    %dma_start3A_657 = arith.constant 0 : i32
    %dma_start3A_658 = arith.constant 0 : i32
    %dma_start3A_659 = tpu.memref_slice %arg9[%dma_start3A_655, %dma_start3A_657, %dma_start3A_658] : memref<2x200x64xf32, #tpu.memory_space<vmem>> -> memref<1x200x64xf32, #tpu.memory_space<vmem>>
    %dma_start3A_660 = tpu.memref_squeeze %dma_start3A_659 : memref<1x200x64xf32, #tpu.memory_space<vmem>> -> memref<200x64xf32, #tpu.memory_space<vmem>>
    %dma_start3A_661 = arith.constant 0 : i32
    %dma_start3A_662 = arith.constant 0 : i32
    %dma_start3A_663 = tpu.memref_slice %arg5[%add3A_654, %dma_start3A_661, %dma_start3A_662] : memref<4096x200x64xf32, #tpu.memory_space<hbm>> -> memref<1x200x64xf32, #tpu.memory_space<hbm>>
    %dma_start3A_664 = tpu.memref_squeeze %dma_start3A_663 : memref<1x200x64xf32, #tpu.memory_space<hbm>> -> memref<200x64xf32, #tpu.memory_space<hbm>>
    %dma_start3A_665 = tpu.memref_slice %arg12[%dma_start3A_656] : memref<2x!tpu.dma_semaphore, #tpu.memory_space<semaphore_mem>> -> memref<1x!tpu.dma_semaphore, #tpu.memory_space<semaphore_mem>>
    %dma_start3A_666 = tpu.memref_squeeze %dma_start3A_665 : memref<1x!tpu.dma_semaphore, #tpu.memory_space<semaphore_mem>> -> memref<!tpu.dma_semaphore, #tpu.memory_space<semaphore_mem>>
    %dma_start3A_667 = arith.constant 0 : i32
    %dma_start3A_668 = arith.constant 0 : i32
    %dma_start3A_669 = tpu.memref_slice %arg5[%add3A_654, %dma_start3A_667, %dma_start3A_668] : memref<4096x200x64xf32, #tpu.memory_space<hbm>> -> memref<1x200x64xf32, #tpu.memory_space<hbm>>
    %dma_start3A_670 = tpu.memref_squeeze %dma_start3A_669 : memref<1x200x64xf32, #tpu.memory_space<hbm>> -> memref<200x64xf32, #tpu.memory_space<hbm>>
    %dma_start3A_671 = arith.constant 0 : i32
    %dma_start3A_672 = arith.constant 0 : i32
    %dma_start3A_673 = tpu.memref_slice %arg9[%dma_start3A_655, %dma_start3A_671, %dma_start3A_672] : memref<2x200x64xf32, #tpu.memory_space<vmem>> -> memref<1x200x64xf32, #tpu.memory_space<vmem>>
    %dma_start3A_674 = tpu.memref_squeeze %dma_start3A_673 : memref<1x200x64xf32, #tpu.memory_space<vmem>> -> memref<200x64xf32, #tpu.memory_space<vmem>>
    tpu.enqueue_dma source(%dma_start3A_674 : memref<200x64xf32, #tpu.memory_space<vmem>>) target(%dma_start3A_670 : memref<200x64xf32, #tpu.memory_space<hbm>>) target_semaphore(%dma_start3A_666 : memref<!tpu.dma_semaphore, #tpu.memory_space<semaphore_mem>>)
    %scan3A_675 = arith.constant 0 : i32
    %scan3A_676 = arith.constant 33 : i32
    %scan3A_677 = arith.constant 30 : i32
    %scan3A_678 = arith.addi %scan3A_676, %scan3A_677 : i32
    %scan3A_679 = arith.constant 1 : i32
    scf.for %scan3A_915 = %scan3A_676 to %scan3A_678 step %scan3A_679  : i32 {
      %mul3A_916 = arith.constant 2 : i32
      %mul3A_917 = arith.muli %scan3A_915, %mul3A_916 : i32
      %add3A_918 = arith.constant 1 : i32
      %add3A_919 = arith.addi %mul3A_917, %add3A_918 : i32
      %rem3A_920 = arith.constant 64 : i32
      %rem3A_921 = arith.remsi %add3A_919, %rem3A_920 : i32
      %mul3A_922 = arith.constant 200 : i32
      %mul3A_923 = arith.muli %rem3A_921, %mul3A_922 : i32
      %multiple_of3A_924 = tpu.assume_multiple %mul3A_923, 8 : i32
      %add3A_925 = arith.constant 128 : i32
      %add3A_926 = arith.addi %multiple_of3A_924, %add3A_925 : i32
      %dma_start3A_927 = arith.constant 1 : i32
      %dma_start3A_928 = arith.constant 1 : i32
      %dma_start3A_929 = arith.constant 0 : i32
      %dma_start3A_930 = arith.constant 0 : i32
      %dma_start3A_931 = tpu.memref_slice %arg8[%dma_start3A_927, %dma_start3A_929, %dma_start3A_930] : memref<2x200x128xf32, #tpu.memory_space<vmem>> -> memref<1x128x128xf32, #tpu.memory_space<vmem>>
      %dma_start3A_932 = tpu.memref_squeeze %dma_start3A_931 : memref<1x128x128xf32, #tpu.memory_space<vmem>> -> memref<128x128xf32, #tpu.memory_space<vmem>>
      %dma_start3A_933 = tpu.memref_slice %arg6[%multiple_of3A_924] : memref<12800xi32, #tpu.memory_space<vmem>> -> memref<128xi32, #tpu.memory_space<vmem>>
      %dma_start3A_934 = arith.constant 0 : i32
      %dma_start3A_935 = arith.constant 0 : i32
      %dma_start3A_936 = tpu.memref_slice %arg4[%dma_start3A_934, %dma_start3A_935] : memref<100000x128xf32, #tpu.memory_space<hbm>> -> memref<100000x128xf32, #tpu.memory_space<hbm>>
      %dma_start3A_937 = tpu.memref_slice %arg11[%dma_start3A_928] : memref<2x!tpu.dma_semaphore, #tpu.memory_space<semaphore_mem>> -> memref<1x!tpu.dma_semaphore, #tpu.memory_space<semaphore_mem>>
      %dma_start3A_938 = tpu.memref_squeeze %dma_start3A_937 : memref<1x!tpu.dma_semaphore, #tpu.memory_space<semaphore_mem>> -> memref<!tpu.dma_semaphore, #tpu.memory_space<semaphore_mem>>
      tpu.enqueue_indirect_dma source(%dma_start3A_936 : memref<100000x128xf32, #tpu.memory_space<hbm>>) target(%dma_start3A_932 : memref<128x128xf32, #tpu.memory_space<vmem>>) offsets(%dma_start3A_933 : memref<128xi32, #tpu.memory_space<vmem>>) semaphore(%dma_start3A_938 : memref<!tpu.dma_semaphore, #tpu.memory_space<semaphore_mem>>)
      %dma_start3A_939 = arith.constant 1 : i32
      %dma_start3A_940 = arith.constant 1 : i32
      %dma_start3A_941 = arith.constant 128 : i32
      %dma_start3A_942 = arith.constant 0 : i32
      %dma_start3A_943 = tpu.memref_slice %arg8[%dma_start3A_939, %dma_start3A_941, %dma_start3A_942] : memref<2x200x128xf32, #tpu.memory_space<vmem>> -> memref<1x72x128xf32, #tpu.memory_space<vmem>>
      %dma_start3A_944 = tpu.memref_squeeze %dma_start3A_943 : memref<1x72x128xf32, #tpu.memory_space<vmem>> -> memref<72x128xf32, #tpu.memory_space<vmem>>
      %dma_start3A_945 = tpu.memref_slice %arg6[%add3A_926] : memref<12800xi32, #tpu.memory_space<vmem>> -> memref<72xi32, #tpu.memory_space<vmem>>
      %dma_start3A_946 = arith.constant 0 : i32
      %dma_start3A_947 = arith.constant 0 : i32
      %dma_start3A_948 = tpu.memref_slice %arg4[%dma_start3A_946, %dma_start3A_947] : memref<100000x128xf32, #tpu.memory_space<hbm>> -> memref<100000x128xf32, #tpu.memory_space<hbm>>
      %dma_start3A_949 = tpu.memref_slice %arg11[%dma_start3A_940] : memref<2x!tpu.dma_semaphore, #tpu.memory_space<semaphore_mem>> -> memref<1x!tpu.dma_semaphore, #tpu.memory_space<semaphore_mem>>
      %dma_start3A_950 = tpu.memref_squeeze %dma_start3A_949 : memref<1x!tpu.dma_semaphore, #tpu.memory_space<semaphore_mem>> -> memref<!tpu.dma_semaphore, #tpu.memory_space<semaphore_mem>>
      tpu.enqueue_indirect_dma source(%dma_start3A_948 : memref<100000x128xf32, #tpu.memory_space<hbm>>) target(%dma_start3A_944 : memref<72x128xf32, #tpu.memory_space<vmem>>) offsets(%dma_start3A_945 : memref<72xi32, #tpu.memory_space<vmem>>) semaphore(%dma_start3A_950 : memref<!tpu.dma_semaphore, #tpu.memory_space<semaphore_mem>>)
      %rem3A_951 = arith.constant 64 : i32
      %rem3A_952 = arith.remsi %mul3A_917, %rem3A_951 : i32
      %mul3A_953 = arith.constant 200 : i32
      %mul3A_954 = arith.muli %rem3A_952, %mul3A_953 : i32
      %multiple_of3A_955 = tpu.assume_multiple %mul3A_954, 8 : i32
      %add3A_956 = arith.constant 128 : i32
      %add3A_957 = arith.addi %multiple_of3A_955, %add3A_956 : i32
      %dma_wait3A_958 = arith.constant 0 : i32
      %dma_wait3A_959 = arith.constant 0 : i32
      %dma_wait3A_960 = arith.constant 0 : i32
      %dma_wait3A_961 = arith.constant 0 : i32
      %dma_wait3A_962 = tpu.memref_slice %arg8[%dma_wait3A_958, %dma_wait3A_960, %dma_wait3A_961] : memref<2x200x128xf32, #tpu.memory_space<vmem>> -> memref<1x128x128xf32, #tpu.memory_space<vmem>>
      %dma_wait3A_963 = tpu.memref_squeeze %dma_wait3A_962 : memref<1x128x128xf32, #tpu.memory_space<vmem>> -> memref<128x128xf32, #tpu.memory_space<vmem>>
      %dma_wait3A_964 = tpu.memref_slice %arg6[%multiple_of3A_955] : memref<12800xi32, #tpu.memory_space<vmem>> -> memref<128xi32, #tpu.memory_space<vmem>>
      %dma_wait3A_965 = arith.constant 0 : i32
      %dma_wait3A_966 = arith.constant 0 : i32
      %dma_wait3A_967 = tpu.memref_slice %arg4[%dma_wait3A_965, %dma_wait3A_966] : memref<100000x128xf32, #tpu.memory_space<hbm>> -> memref<100000x128xf32, #tpu.memory_space<hbm>>
      %dma_wait3A_968 = tpu.memref_slice %arg11[%dma_wait3A_959] : memref<2x!tpu.dma_semaphore, #tpu.memory_space<semaphore_mem>> -> memref<1x!tpu.dma_semaphore, #tpu.memory_space<semaphore_mem>>
      %dma_wait3A_969 = tpu.memref_squeeze %dma_wait3A_968 : memref<1x!tpu.dma_semaphore, #tpu.memory_space<semaphore_mem>> -> memref<!tpu.dma_semaphore, #tpu.memory_space<semaphore_mem>>
      tpu.wait_indirect_dma semaphore(%dma_wait3A_969 : memref<!tpu.dma_semaphore, #tpu.memory_space<semaphore_mem>>) src(%dma_wait3A_967 : memref<100000x128xf32, #tpu.memory_space<hbm>>) dst(%dma_wait3A_963 : memref<128x128xf32, #tpu.memory_space<vmem>>)
      %dma_wait3A_970 = arith.constant 0 : i32
      %dma_wait3A_971 = arith.constant 0 : i32
      %dma_wait3A_972 = arith.constant 128 : i32
      %dma_wait3A_973 = arith.constant 0 : i32
      %dma_wait3A_974 = tpu.memref_slice %arg8[%dma_wait3A_970, %dma_wait3A_972, %dma_wait3A_973] : memref<2x200x128xf32, #tpu.memory_space<vmem>> -> memref<1x72x128xf32, #tpu.memory_space<vmem>>
      %dma_wait3A_975 = tpu.memref_squeeze %dma_wait3A_974 : memref<1x72x128xf32, #tpu.memory_space<vmem>> -> memref<72x128xf32, #tpu.memory_space<vmem>>
      %dma_wait3A_976 = tpu.memref_slice %arg6[%add3A_957] : memref<12800xi32, #tpu.memory_space<vmem>> -> memref<72xi32, #tpu.memory_space<vmem>>
      %dma_wait3A_977 = arith.constant 0 : i32
      %dma_wait3A_978 = arith.constant 0 : i32
      %dma_wait3A_979 = tpu.memref_slice %arg4[%dma_wait3A_977, %dma_wait3A_978] : memref<100000x128xf32, #tpu.memory_space<hbm>> -> memref<100000x128xf32, #tpu.memory_space<hbm>>
      %dma_wait3A_980 = tpu.memref_slice %arg11[%dma_wait3A_971] : memref<2x!tpu.dma_semaphore, #tpu.memory_space<semaphore_mem>> -> memref<1x!tpu.dma_semaphore, #tpu.memory_space<semaphore_mem>>
      %dma_wait3A_981 = tpu.memref_squeeze %dma_wait3A_980 : memref<1x!tpu.dma_semaphore, #tpu.memory_space<semaphore_mem>> -> memref<!tpu.dma_semaphore, #tpu.memory_space<semaphore_mem>>
      tpu.wait_indirect_dma semaphore(%dma_wait3A_981 : memref<!tpu.dma_semaphore, #tpu.memory_space<semaphore_mem>>) src(%dma_wait3A_979 : memref<100000x128xf32, #tpu.memory_space<hbm>>) dst(%dma_wait3A_975 : memref<72x128xf32, #tpu.memory_space<vmem>>)
      %sub3A = arith.constant 2 : i32
      %sub3A_982 = arith.subi %mul3A_917, %sub3A : i32
      %add3A_983 = arith.addi %mul3A_2, %sub3A_982 : i32
      %dma_wait3A_984 = arith.constant 0 : i32
      %dma_wait3A_985 = arith.constant 0 : i32
      %dma_wait3A_986 = arith.constant 0 : i32
      %dma_wait3A_987 = arith.constant 0 : i32
      %dma_wait3A_988 = tpu.memref_slice %arg9[%dma_wait3A_984, %dma_wait3A_986, %dma_wait3A_987] : memref<2x200x64xf32, #tpu.memory_space<vmem>> -> memref<1x200x64xf32, #tpu.memory_space<vmem>>
      %dma_wait3A_989 = tpu.memref_squeeze %dma_wait3A_988 : memref<1x200x64xf32, #tpu.memory_space<vmem>> -> memref<200x64xf32, #tpu.memory_space<vmem>>
      %dma_wait3A_990 = arith.constant 0 : i32
      %dma_wait3A_991 = arith.constant 0 : i32
      %dma_wait3A_992 = tpu.memref_slice %arg5[%add3A_983, %dma_wait3A_990, %dma_wait3A_991] : memref<4096x200x64xf32, #tpu.memory_space<hbm>> -> memref<1x200x64xf32, #tpu.memory_space<hbm>>
      %dma_wait3A_993 = tpu.memref_squeeze %dma_wait3A_992 : memref<1x200x64xf32, #tpu.memory_space<hbm>> -> memref<200x64xf32, #tpu.memory_space<hbm>>
      %dma_wait3A_994 = tpu.memref_slice %arg12[%dma_wait3A_985] : memref<2x!tpu.dma_semaphore, #tpu.memory_space<semaphore_mem>> -> memref<1x!tpu.dma_semaphore, #tpu.memory_space<semaphore_mem>>
      %dma_wait3A_995 = tpu.memref_squeeze %dma_wait3A_994 : memref<1x!tpu.dma_semaphore, #tpu.memory_space<semaphore_mem>> -> memref<!tpu.dma_semaphore, #tpu.memory_space<semaphore_mem>>
      %dma_wait3A_996 = arith.constant 0 : i32
      %dma_wait3A_997 = arith.constant 0 : i32
      %dma_wait3A_998 = tpu.memref_slice %arg5[%add3A_983, %dma_wait3A_996, %dma_wait3A_997] : memref<4096x200x64xf32, #tpu.memory_space<hbm>> -> memref<1x200x64xf32, #tpu.memory_space<hbm>>
      %dma_wait3A_999 = tpu.memref_squeeze %dma_wait3A_998 : memref<1x200x64xf32, #tpu.memory_space<hbm>> -> memref<200x64xf32, #tpu.memory_space<hbm>>
      %dma_wait3A_1000 = arith.constant 0 : i32
      %dma_wait3A_1001 = arith.constant 0 : i32
      %dma_wait3A_1002 = tpu.memref_slice %arg9[%dma_wait3A_984, %dma_wait3A_1000, %dma_wait3A_1001] : memref<2x200x64xf32, #tpu.memory_space<vmem>> -> memref<1x200x64xf32, #tpu.memory_space<vmem>>
      %dma_wait3A_1003 = tpu.memref_squeeze %dma_wait3A_1002 : memref<1x200x64xf32, #tpu.memory_space<vmem>> -> memref<200x64xf32, #tpu.memory_space<vmem>>
      tpu.wait_dma2 semaphore(%dma_wait3A_995 : memref<!tpu.dma_semaphore, #tpu.memory_space<semaphore_mem>>) src(%dma_wait3A_1003 : memref<200x64xf32, #tpu.memory_space<vmem>>) dst(%dma_wait3A_999 : memref<200x64xf32, #tpu.memory_space<hbm>>)
      %parallel_loop3A_1004 = arith.constant 0 : i32
      %parallel_loop3A_1005 = arith.constant 200 : i32
      %parallel_loop3A_1006 = arith.constant 2 : i32
      scf.for %parallel_loop3A_1141 = %parallel_loop3A_1004 to %parallel_loop3A_1005 step %parallel_loop3A_1006  : i32 {
        %parallel_loop3A_1142 = arith.constant 0 : i32
        %parallel_loop3A_1143 = arith.addi %parallel_loop3A_1141, %parallel_loop3A_1142 : i32
        %parallel_loop3A_1144 = arith.constant 0 : i32
        %parallel_loop3A_1145 = arith.index_cast %parallel_loop3A_1144 : i32 to index
        %parallel_loop3A_1146 = arith.index_cast %parallel_loop3A_1143 : i32 to index
        %parallel_loop3A_1147 = arith.constant 0 : index
        %parallel_loop3A_1148 = tpu.vector_load %arg8[%parallel_loop3A_1145, %parallel_loop3A_1146, %parallel_loop3A_1147] {strides = array<i32>} : memref<2x200x128xf32, #tpu.memory_space<vmem>>, vector<1x1x16xf32>,
        %parallel_loop3A_1149 = vector.shape_cast %parallel_loop3A_1148 : vector<1x1x16xf32> to vector<16xf32>
        %parallel_loop3A_1150 = arith.constant 64 : i32
        %parallel_loop3A_1151 = arith.muli %parallel_loop3A_1143, %parallel_loop3A_1150 : i32
        %parallel_loop3A_1152 = arith.constant 0 : i32
        %parallel_loop3A_1153 = arith.addi %parallel_loop3A_1151, %parallel_loop3A_1152 : i32
        %parallel_loop3A_1154 = arith.index_cast %parallel_loop3A_1153 : i32 to index
        %parallel_loop3A_1155 = tpu.vector_load %arg7[%parallel_loop3A_1154] {strides = array<i32>} : memref<12800xf32, #tpu.memory_space<vmem>>, vector<16xf32>,
        %parallel_loop3A_1156 = vector.shape_cast %parallel_loop3A_1155 : vector<16xf32> to vector<16xf32>
        %parallel_loop3A_1157 = arith.addf %parallel_loop3A_1149, %parallel_loop3A_1156 : vector<16xf32>
        %parallel_loop3A_1158 = arith.constant 0 : i32
        %parallel_loop3A_1159 = arith.index_cast %parallel_loop3A_1158 : i32 to index
        %parallel_loop3A_1160 = arith.index_cast %parallel_loop3A_1143 : i32 to index
        %parallel_loop3A_1161 = arith.constant 0 : index
        %parallel_loop3A_1162 = tpu.vector_load %arg9[%parallel_loop3A_1159, %parallel_loop3A_1160, %parallel_loop3A_1161] {strides = array<i32>} : memref<2x200x64xf32, #tpu.memory_space<vmem>>, vector<1x1x16xf32>,
        %parallel_loop3A_1163 = vector.shape_cast %parallel_loop3A_1162 : vector<1x1x16xf32> to vector<16xf32>
        %parallel_loop3A_1164 = vector.shape_cast %parallel_loop3A_1157 : vector<16xf32> to vector<1x1x16xf32>
        tpu.vector_store %arg9[%parallel_loop3A_1159, %parallel_loop3A_1160, %parallel_loop3A_1161], %parallel_loop3A_1164 {strides = array<i32>} : memref<2x200x64xf32, #tpu.memory_space<vmem>>, vector<1x1x16xf32>,
        %parallel_loop3A_1165 = arith.constant 0 : i32
        %parallel_loop3A_1166 = arith.index_cast %parallel_loop3A_1165 : i32 to index
        %parallel_loop3A_1167 = arith.index_cast %parallel_loop3A_1143 : i32 to index
        %parallel_loop3A_1168 = arith.constant 16 : index
        %parallel_loop3A_1169 = tpu.vector_load %arg8[%parallel_loop3A_1166, %parallel_loop3A_1167, %parallel_loop3A_1168] {strides = array<i32>} : memref<2x200x128xf32, #tpu.memory_space<vmem>>, vector<1x1x16xf32>,
        %parallel_loop3A_1170 = vector.shape_cast %parallel_loop3A_1169 : vector<1x1x16xf32> to vector<16xf32>
        %parallel_loop3A_1171 = arith.constant 64 : i32
        %parallel_loop3A_1172 = arith.muli %parallel_loop3A_1143, %parallel_loop3A_1171 : i32
        %parallel_loop3A_1173 = arith.constant 16 : i32
        %parallel_loop3A_1174 = arith.addi %parallel_loop3A_1172, %parallel_loop3A_1173 : i32
        %parallel_loop3A_1175 = arith.index_cast %parallel_loop3A_1174 : i32 to index
        %parallel_loop3A_1176 = tpu.vector_load %arg7[%parallel_loop3A_1175] {strides = array<i32>} : memref<12800xf32, #tpu.memory_space<vmem>>, vector<16xf32>,
        %parallel_loop3A_1177 = vector.shape_cast %parallel_loop3A_1176 : vector<16xf32> to vector<16xf32>
        %parallel_loop3A_1178 = arith.addf %parallel_loop3A_1170, %parallel_loop3A_1177 : vector<16xf32>
        %parallel_loop3A_1179 = arith.constant 0 : i32
        %parallel_loop3A_1180 = arith.index_cast %parallel_loop3A_1179 : i32 to index
        %parallel_loop3A_1181 = arith.index_cast %parallel_loop3A_1143 : i32 to index
        %parallel_loop3A_1182 = arith.constant 16 : index
        %parallel_loop3A_1183 = tpu.vector_load %arg9[%parallel_loop3A_1180, %parallel_loop3A_1181, %parallel_loop3A_1182] {strides = array<i32>} : memref<2x200x64xf32, #tpu.memory_space<vmem>>, vector<1x1x16xf32>,
        %parallel_loop3A_1184 = vector.shape_cast %parallel_loop3A_1183 : vector<1x1x16xf32> to vector<16xf32>
        %parallel_loop3A_1185 = vector.shape_cast %parallel_loop3A_1178 : vector<16xf32> to vector<1x1x16xf32>
        tpu.vector_store %arg9[%parallel_loop3A_1180, %parallel_loop3A_1181, %parallel_loop3A_1182], %parallel_loop3A_1185 {strides = array<i32>} : memref<2x200x64xf32, #tpu.memory_space<vmem>>, vector<1x1x16xf32>,
        %parallel_loop3A_1186 = arith.constant 0 : i32
        %parallel_loop3A_1187 = arith.index_cast %parallel_loop3A_1186 : i32 to index
        %parallel_loop3A_1188 = arith.index_cast %parallel_loop3A_1143 : i32 to index
        %parallel_loop3A_1189 = arith.constant 32 : index
        %parallel_loop3A_1190 = tpu.vector_load %arg8[%parallel_loop3A_1187, %parallel_loop3A_1188, %parallel_loop3A_1189] {strides = array<i32>} : memref<2x200x128xf32, #tpu.memory_space<vmem>>, vector<1x1x16xf32>,
        %parallel_loop3A_1191 = vector.shape_cast %parallel_loop3A_1190 : vector<1x1x16xf32> to vector<16xf32>
        %parallel_loop3A_1192 = arith.constant 64 : i32
        %parallel_loop3A_1193 = arith.muli %parallel_loop3A_1143, %parallel_loop3A_1192 : i32
        %parallel_loop3A_1194 = arith.constant 32 : i32
        %parallel_loop3A_1195 = arith.addi %parallel_loop3A_1193, %parallel_loop3A_1194 : i32
        %parallel_loop3A_1196 = arith.index_cast %parallel_loop3A_1195 : i32 to index
        %parallel_loop3A_1197 = tpu.vector_load %arg7[%parallel_loop3A_1196] {strides = array<i32>} : memref<12800xf32, #tpu.memory_space<vmem>>, vector<16xf32>,
        %parallel_loop3A_1198 = vector.shape_cast %parallel_loop3A_1197 : vector<16xf32> to vector<16xf32>
        %parallel_loop3A_1199 = arith.addf %parallel_loop3A_1191, %parallel_loop3A_1198 : vector<16xf32>
        %parallel_loop3A_1200 = arith.constant 0 : i32
        %parallel_loop3A_1201 = arith.index_cast %parallel_loop3A_1200 : i32 to index
        %parallel_loop3A_1202 = arith.index_cast %parallel_loop3A_1143 : i32 to index
        %parallel_loop3A_1203 = arith.constant 32 : index
        %parallel_loop3A_1204 = tpu.vector_load %arg9[%parallel_loop3A_1201, %parallel_loop3A_1202, %parallel_loop3A_1203] {strides = array<i32>} : memref<2x200x64xf32, #tpu.memory_space<vmem>>, vector<1x1x16xf32>,
        %parallel_loop3A_1205 = vector.shape_cast %parallel_loop3A_1204 : vector<1x1x16xf32> to vector<16xf32>
        %parallel_loop3A_1206 = vector.shape_cast %parallel_loop3A_1199 : vector<16xf32> to vector<1x1x16xf32>
        tpu.vector_store %arg9[%parallel_loop3A_1201, %parallel_loop3A_1202, %parallel_loop3A_1203], %parallel_loop3A_1206 {strides = array<i32>} : memref<2x200x64xf32, #tpu.memory_space<vmem>>, vector<1x1x16xf32>,
        %parallel_loop3A_1207 = arith.constant 0 : i32
        %parallel_loop3A_1208 = arith.index_cast %parallel_loop3A_1207 : i32 to index
        %parallel_loop3A_1209 = arith.index_cast %parallel_loop3A_1143 : i32 to index
        %parallel_loop3A_1210 = arith.constant 48 : index
        %parallel_loop3A_1211 = tpu.vector_load %arg8[%parallel_loop3A_1208, %parallel_loop3A_1209, %parallel_loop3A_1210] {strides = array<i32>} : memref<2x200x128xf32, #tpu.memory_space<vmem>>, vector<1x1x16xf32>,
        %parallel_loop3A_1212 = vector.shape_cast %parallel_loop3A_1211 : vector<1x1x16xf32> to vector<16xf32>
        %parallel_loop3A_1213 = arith.constant 64 : i32
        %parallel_loop3A_1214 = arith.muli %parallel_loop3A_1143, %parallel_loop3A_1213 : i32
        %parallel_loop3A_1215 = arith.constant 48 : i32
        %parallel_loop3A_1216 = arith.addi %parallel_loop3A_1214, %parallel_loop3A_1215 : i32
        %parallel_loop3A_1217 = arith.index_cast %parallel_loop3A_1216 : i32 to index
        %parallel_loop3A_1218 = tpu.vector_load %arg7[%parallel_loop3A_1217] {strides = array<i32>} : memref<12800xf32, #tpu.memory_space<vmem>>, vector<16xf32>,
        %parallel_loop3A_1219 = vector.shape_cast %parallel_loop3A_1218 : vector<16xf32> to vector<16xf32>
        %parallel_loop3A_1220 = arith.addf %parallel_loop3A_1212, %parallel_loop3A_1219 : vector<16xf32>
        %parallel_loop3A_1221 = arith.constant 0 : i32
        %parallel_loop3A_1222 = arith.index_cast %parallel_loop3A_1221 : i32 to index
        %parallel_loop3A_1223 = arith.index_cast %parallel_loop3A_1143 : i32 to index
        %parallel_loop3A_1224 = arith.constant 48 : index
        %parallel_loop3A_1225 = tpu.vector_load %arg9[%parallel_loop3A_1222, %parallel_loop3A_1223, %parallel_loop3A_1224] {strides = array<i32>} : memref<2x200x64xf32, #tpu.memory_space<vmem>>, vector<1x1x16xf32>,
        %parallel_loop3A_1226 = vector.shape_cast %parallel_loop3A_1225 : vector<1x1x16xf32> to vector<16xf32>
        %parallel_loop3A_1227 = vector.shape_cast %parallel_loop3A_1220 : vector<16xf32> to vector<1x1x16xf32>
        tpu.vector_store %arg9[%parallel_loop3A_1222, %parallel_loop3A_1223, %parallel_loop3A_1224], %parallel_loop3A_1227 {strides = array<i32>} : memref<2x200x64xf32, #tpu.memory_space<vmem>>, vector<1x1x16xf32>,
        %parallel_loop3A_1228 = arith.constant 1 : i32
        %parallel_loop3A_1229 = arith.addi %parallel_loop3A_1141, %parallel_loop3A_1228 : i32
        %parallel_loop3A_1230 = arith.constant 0 : i32
        %parallel_loop3A_1231 = arith.index_cast %parallel_loop3A_1230 : i32 to index
        %parallel_loop3A_1232 = arith.index_cast %parallel_loop3A_1229 : i32 to index
        %parallel_loop3A_1233 = arith.constant 0 : index
        %parallel_loop3A_1234 = tpu.vector_load %arg8[%parallel_loop3A_1231, %parallel_loop3A_1232, %parallel_loop3A_1233] {strides = array<i32>} : memref<2x200x128xf32, #tpu.memory_space<vmem>>, vector<1x1x16xf32>,
        %parallel_loop3A_1235 = vector.shape_cast %parallel_loop3A_1234 : vector<1x1x16xf32> to vector<16xf32>
        %parallel_loop3A_1236 = arith.constant 64 : i32
        %parallel_loop3A_1237 = arith.muli %parallel_loop3A_1229, %parallel_loop3A_1236 : i32
        %parallel_loop3A_1238 = arith.constant 0 : i32
        %parallel_loop3A_1239 = arith.addi %parallel_loop3A_1237, %parallel_loop3A_1238 : i32
        %parallel_loop3A_1240 = arith.index_cast %parallel_loop3A_1239 : i32 to index
        %parallel_loop3A_1241 = tpu.vector_load %arg7[%parallel_loop3A_1240] {strides = array<i32>} : memref<12800xf32, #tpu.memory_space<vmem>>, vector<16xf32>,
        %parallel_loop3A_1242 = vector.shape_cast %parallel_loop3A_1241 : vector<16xf32> to vector<16xf32>
        %parallel_loop3A_1243 = arith.addf %parallel_loop3A_1235, %parallel_loop3A_1242 : vector<16xf32>
        %parallel_loop3A_1244 = arith.constant 0 : i32
        %parallel_loop3A_1245 = arith.index_cast %parallel_loop3A_1244 : i32 to index
        %parallel_loop3A_1246 = arith.index_cast %parallel_loop3A_1229 : i32 to index
        %parallel_loop3A_1247 = arith.constant 0 : index
        %parallel_loop3A_1248 = tpu.vector_load %arg9[%parallel_loop3A_1245, %parallel_loop3A_1246, %parallel_loop3A_1247] {strides = array<i32>} : memref<2x200x64xf32, #tpu.memory_space<vmem>>, vector<1x1x16xf32>,
        %parallel_loop3A_1249 = vector.shape_cast %parallel_loop3A_1248 : vector<1x1x16xf32> to vector<16xf32>
        %parallel_loop3A_1250 = vector.shape_cast %parallel_loop3A_1243 : vector<16xf32> to vector<1x1x16xf32>
        tpu.vector_store %arg9[%parallel_loop3A_1245, %parallel_loop3A_1246, %parallel_loop3A_1247], %parallel_loop3A_1250 {strides = array<i32>} : memref<2x200x64xf32, #tpu.memory_space<vmem>>, vector<1x1x16xf32>,
        %parallel_loop3A_1251 = arith.constant 0 : i32
        %parallel_loop3A_1252 = arith.index_cast %parallel_loop3A_1251 : i32 to index
        %parallel_loop3A_1253 = arith.index_cast %parallel_loop3A_1229 : i32 to index
        %parallel_loop3A_1254 = arith.constant 16 : index
        %parallel_loop3A_1255 = tpu.vector_load %arg8[%parallel_loop3A_1252, %parallel_loop3A_1253, %parallel_loop3A_1254] {strides = array<i32>} : memref<2x200x128xf32, #tpu.memory_space<vmem>>, vector<1x1x16xf32>,
        %parallel_loop3A_1256 = vector.shape_cast %parallel_loop3A_1255 : vector<1x1x16xf32> to vector<16xf32>
        %parallel_loop3A_1257 = arith.constant 64 : i32
        %parallel_loop3A_1258 = arith.muli %parallel_loop3A_1229, %parallel_loop3A_1257 : i32
        %parallel_loop3A_1259 = arith.constant 16 : i32
        %parallel_loop3A_1260 = arith.addi %parallel_loop3A_1258, %parallel_loop3A_1259 : i32
        %parallel_loop3A_1261 = arith.index_cast %parallel_loop3A_1260 : i32 to index
        %parallel_loop3A_1262 = tpu.vector_load %arg7[%parallel_loop3A_1261] {strides = array<i32>} : memref<12800xf32, #tpu.memory_space<vmem>>, vector<16xf32>,
        %parallel_loop3A_1263 = vector.shape_cast %parallel_loop3A_1262 : vector<16xf32> to vector<16xf32>
        %parallel_loop3A_1264 = arith.addf %parallel_loop3A_1256, %parallel_loop3A_1263 : vector<16xf32>
        %parallel_loop3A_1265 = arith.constant 0 : i32
        %parallel_loop3A_1266 = arith.index_cast %parallel_loop3A_1265 : i32 to index
        %parallel_loop3A_1267 = arith.index_cast %parallel_loop3A_1229 : i32 to index
        %parallel_loop3A_1268 = arith.constant 16 : index
        %parallel_loop3A_1269 = tpu.vector_load %arg9[%parallel_loop3A_1266, %parallel_loop3A_1267, %parallel_loop3A_1268] {strides = array<i32>} : memref<2x200x64xf32, #tpu.memory_space<vmem>>, vector<1x1x16xf32>,
        %parallel_loop3A_1270 = vector.shape_cast %parallel_loop3A_1269 : vector<1x1x16xf32> to vector<16xf32>
        %parallel_loop3A_1271 = vector.shape_cast %parallel_loop3A_1264 : vector<16xf32> to vector<1x1x16xf32>
        tpu.vector_store %arg9[%parallel_loop3A_1266, %parallel_loop3A_1267, %parallel_loop3A_1268], %parallel_loop3A_1271 {strides = array<i32>} : memref<2x200x64xf32, #tpu.memory_space<vmem>>, vector<1x1x16xf32>,
        %parallel_loop3A_1272 = arith.constant 0 : i32
        %parallel_loop3A_1273 = arith.index_cast %parallel_loop3A_1272 : i32 to index
        %parallel_loop3A_1274 = arith.index_cast %parallel_loop3A_1229 : i32 to index
        %parallel_loop3A_1275 = arith.constant 32 : index
        %parallel_loop3A_1276 = tpu.vector_load %arg8[%parallel_loop3A_1273, %parallel_loop3A_1274, %parallel_loop3A_1275] {strides = array<i32>} : memref<2x200x128xf32, #tpu.memory_space<vmem>>, vector<1x1x16xf32>,
        %parallel_loop3A_1277 = vector.shape_cast %parallel_loop3A_1276 : vector<1x1x16xf32> to vector<16xf32>
        %parallel_loop3A_1278 = arith.constant 64 : i32
        %parallel_loop3A_1279 = arith.muli %parallel_loop3A_1229, %parallel_loop3A_1278 : i32
        %parallel_loop3A_1280 = arith.constant 32 : i32
        %parallel_loop3A_1281 = arith.addi %parallel_loop3A_1279, %parallel_loop3A_1280 : i32
        %parallel_loop3A_1282 = arith.index_cast %parallel_loop3A_1281 : i32 to index
        %parallel_loop3A_1283 = tpu.vector_load %arg7[%parallel_loop3A_1282] {strides = array<i32>} : memref<12800xf32, #tpu.memory_space<vmem>>, vector<16xf32>,
        %parallel_loop3A_1284 = vector.shape_cast %parallel_loop3A_1283 : vector<16xf32> to vector<16xf32>
        %parallel_loop3A_1285 = arith.addf %parallel_loop3A_1277, %parallel_loop3A_1284 : vector<16xf32>
        %parallel_loop3A_1286 = arith.constant 0 : i32
        %parallel_loop3A_1287 = arith.index_cast %parallel_loop3A_1286 : i32 to index
        %parallel_loop3A_1288 = arith.index_cast %parallel_loop3A_1229 : i32 to index
        %parallel_loop3A_1289 = arith.constant 32 : index
        %parallel_loop3A_1290 = tpu.vector_load %arg9[%parallel_loop3A_1287, %parallel_loop3A_1288, %parallel_loop3A_1289] {strides = array<i32>} : memref<2x200x64xf32, #tpu.memory_space<vmem>>, vector<1x1x16xf32>,
        %parallel_loop3A_1291 = vector.shape_cast %parallel_loop3A_1290 : vector<1x1x16xf32> to vector<16xf32>
        %parallel_loop3A_1292 = vector.shape_cast %parallel_loop3A_1285 : vector<16xf32> to vector<1x1x16xf32>
        tpu.vector_store %arg9[%parallel_loop3A_1287, %parallel_loop3A_1288, %parallel_loop3A_1289], %parallel_loop3A_1292 {strides = array<i32>} : memref<2x200x64xf32, #tpu.memory_space<vmem>>, vector<1x1x16xf32>,
        %parallel_loop3A_1293 = arith.constant 0 : i32
        %parallel_loop3A_1294 = arith.index_cast %parallel_loop3A_1293 : i32 to index
        %parallel_loop3A_1295 = arith.index_cast %parallel_loop3A_1229 : i32 to index
        %parallel_loop3A_1296 = arith.constant 48 : index
        %parallel_loop3A_1297 = tpu.vector_load %arg8[%parallel_loop3A_1294, %parallel_loop3A_1295, %parallel_loop3A_1296] {strides = array<i32>} : memref<2x200x128xf32, #tpu.memory_space<vmem>>, vector<1x1x16xf32>,
        %parallel_loop3A_1298 = vector.shape_cast %parallel_loop3A_1297 : vector<1x1x16xf32> to vector<16xf32>
        %parallel_loop3A_1299 = arith.constant 64 : i32
        %parallel_loop3A_1300 = arith.muli %parallel_loop3A_1229, %parallel_loop3A_1299 : i32
        %parallel_loop3A_1301 = arith.constant 48 : i32
        %parallel_loop3A_1302 = arith.addi %parallel_loop3A_1300, %parallel_loop3A_1301 : i32
        %parallel_loop3A_1303 = arith.index_cast %parallel_loop3A_1302 : i32 to index
        %parallel_loop3A_1304 = tpu.vector_load %arg7[%parallel_loop3A_1303] {strides = array<i32>} : memref<12800xf32, #tpu.memory_space<vmem>>, vector<16xf32>,
        %parallel_loop3A_1305 = vector.shape_cast %parallel_loop3A_1304 : vector<16xf32> to vector<16xf32>
        %parallel_loop3A_1306 = arith.addf %parallel_loop3A_1298, %parallel_loop3A_1305 : vector<16xf32>
        %parallel_loop3A_1307 = arith.constant 0 : i32
        %parallel_loop3A_1308 = arith.index_cast %parallel_loop3A_1307 : i32 to index
        %parallel_loop3A_1309 = arith.index_cast %parallel_loop3A_1229 : i32 to index
        %parallel_loop3A_1310 = arith.constant 48 : index
        %parallel_loop3A_1311 = tpu.vector_load %arg9[%parallel_loop3A_1308, %parallel_loop3A_1309, %parallel_loop3A_1310] {strides = array<i32>} : memref<2x200x64xf32, #tpu.memory_space<vmem>>, vector<1x1x16xf32>,
        %parallel_loop3A_1312 = vector.shape_cast %parallel_loop3A_1311 : vector<1x1x16xf32> to vector<16xf32>
        %parallel_loop3A_1313 = vector.shape_cast %parallel_loop3A_1306 : vector<16xf32> to vector<1x1x16xf32>
        tpu.vector_store %arg9[%parallel_loop3A_1308, %parallel_loop3A_1309, %parallel_loop3A_1310], %parallel_loop3A_1313 {strides = array<i32>} : memref<2x200x64xf32, #tpu.memory_space<vmem>>, vector<1x1x16xf32>,
      } {sc.loop_unroll_factor = 1 : i64, sc.parallel_access}
      %add3A_1007 = arith.addi %mul3A_2, %mul3A_917 : i32
      %dma_start3A_1008 = arith.constant 0 : i32
      %dma_start3A_1009 = arith.constant 0 : i32
      %dma_start3A_1010 = arith.constant 0 : i32
      %dma_start3A_1011 = arith.constant 0 : i32
      %dma_start3A_1012 = tpu.memref_slice %arg9[%dma_start3A_1008, %dma_start3A_1010, %dma_start3A_1011] : memref<2x200x64xf32, #tpu.memory_space<vmem>> -> memref<1x200x64xf32, #tpu.memory_space<vmem>>
      %dma_start3A_1013 = tpu.memref_squeeze %dma_start3A_1012 : memref<1x200x64xf32, #tpu.memory_space<vmem>> -> memref<200x64xf32, #tpu.memory_space<vmem>>
      %dma_start3A_1014 = arith.constant 0 : i32
      %dma_start3A_1015 = arith.constant 0 : i32
      %dma_start3A_1016 = tpu.memref_slice %arg5[%add3A_1007, %dma_start3A_1014, %dma_start3A_1015] : memref<4096x200x64xf32, #tpu.memory_space<hbm>> -> memref<1x200x64xf32, #tpu.memory_space<hbm>>
      %dma_start3A_1017 = tpu.memref_squeeze %dma_start3A_1016 : memref<1x200x64xf32, #tpu.memory_space<hbm>> -> memref<200x64xf32, #tpu.memory_space<hbm>>
      %dma_start3A_1018 = tpu.memref_slice %arg12[%dma_start3A_1009] : memref<2x!tpu.dma_semaphore, #tpu.memory_space<semaphore_mem>> -> memref<1x!tpu.dma_semaphore, #tpu.memory_space<semaphore_mem>>
      %dma_start3A_1019 = tpu.memref_squeeze %dma_start3A_1018 : memref<1x!tpu.dma_semaphore, #tpu.memory_space<semaphore_mem>> -> memref<!tpu.dma_semaphore, #tpu.memory_space<semaphore_mem>>
      %dma_start3A_1020 = arith.constant 0 : i32
      %dma_start3A_1021 = arith.constant 0 : i32
      %dma_start3A_1022 = tpu.memref_slice %arg5[%add3A_1007, %dma_start3A_1020, %dma_start3A_1021] : memref<4096x200x64xf32, #tpu.memory_space<hbm>> -> memref<1x200x64xf32, #tpu.memory_space<hbm>>
      %dma_start3A_1023 = tpu.memref_squeeze %dma_start3A_1022 : memref<1x200x64xf32, #tpu.memory_space<hbm>> -> memref<200x64xf32, #tpu.memory_space<hbm>>
      %dma_start3A_1024 = arith.constant 0 : i32
      %dma_start3A_1025 = arith.constant 0 : i32
      %dma_start3A_1026 = tpu.memref_slice %arg9[%dma_start3A_1008, %dma_start3A_1024, %dma_start3A_1025] : memref<2x200x64xf32, #tpu.memory_space<vmem>> -> memref<1x200x64xf32, #tpu.memory_space<vmem>>
      %dma_start3A_1027 = tpu.memref_squeeze %dma_start3A_1026 : memref<1x200x64xf32, #tpu.memory_space<vmem>> -> memref<200x64xf32, #tpu.memory_space<vmem>>
      tpu.enqueue_dma source(%dma_start3A_1027 : memref<200x64xf32, #tpu.memory_space<vmem>>) target(%dma_start3A_1023 : memref<200x64xf32, #tpu.memory_space<hbm>>) target_semaphore(%dma_start3A_1019 : memref<!tpu.dma_semaphore, #tpu.memory_space<semaphore_mem>>)
      %add3A_1028 = arith.constant 1 : i32
      %add3A_1029 = arith.addi %mul3A_917, %add3A_1028 : i32
      %add3A_1030 = arith.constant 1 : i32
      %add3A_1031 = arith.addi %add3A_1029, %add3A_1030 : i32
      %rem3A_1032 = arith.constant 64 : i32
      %rem3A_1033 = arith.remsi %add3A_1031, %rem3A_1032 : i32
      %mul3A_1034 = arith.constant 200 : i32
      %mul3A_1035 = arith.muli %rem3A_1033, %mul3A_1034 : i32
      %multiple_of3A_1036 = tpu.assume_multiple %mul3A_1035, 8 : i32
      %add3A_1037 = arith.constant 128 : i32
      %add3A_1038 = arith.addi %multiple_of3A_1036, %add3A_1037 : i32
      %dma_start3A_1039 = arith.constant 0 : i32
      %dma_start3A_1040 = arith.constant 0 : i32
      %dma_start3A_1041 = arith.constant 0 : i32
      %dma_start3A_1042 = arith.constant 0 : i32
      %dma_start3A_1043 = tpu.memref_slice %arg8[%dma_start3A_1039, %dma_start3A_1041, %dma_start3A_1042] : memref<2x200x128xf32, #tpu.memory_space<vmem>> -> memref<1x128x128xf32, #tpu.memory_space<vmem>>
      %dma_start3A_1044 = tpu.memref_squeeze %dma_start3A_1043 : memref<1x128x128xf32, #tpu.memory_space<vmem>> -> memref<128x128xf32, #tpu.memory_space<vmem>>
      %dma_start3A_1045 = tpu.memref_slice %arg6[%multiple_of3A_1036] : memref<12800xi32, #tpu.memory_space<vmem>> -> memref<128xi32, #tpu.memory_space<vmem>>
      %dma_start3A_1046 = arith.constant 0 : i32
      %dma_start3A_1047 = arith.constant 0 : i32
      %dma_start3A_1048 = tpu.memref_slice %arg4[%dma_start3A_1046, %dma_start3A_1047] : memref<100000x128xf32, #tpu.memory_space<hbm>> -> memref<100000x128xf32, #tpu.memory_space<hbm>>
      %dma_start3A_1049 = tpu.memref_slice %arg11[%dma_start3A_1040] : memref<2x!tpu.dma_semaphore, #tpu.memory_space<semaphore_mem>> -> memref<1x!tpu.dma_semaphore, #tpu.memory_space<semaphore_mem>>
      %dma_start3A_1050 = tpu.memref_squeeze %dma_start3A_1049 : memref<1x!tpu.dma_semaphore, #tpu.memory_space<semaphore_mem>> -> memref<!tpu.dma_semaphore, #tpu.memory_space<semaphore_mem>>
      tpu.enqueue_indirect_dma source(%dma_start3A_1048 : memref<100000x128xf32, #tpu.memory_space<hbm>>) target(%dma_start3A_1044 : memref<128x128xf32, #tpu.memory_space<vmem>>) offsets(%dma_start3A_1045 : memref<128xi32, #tpu.memory_space<vmem>>) semaphore(%dma_start3A_1050 : memref<!tpu.dma_semaphore, #tpu.memory_space<semaphore_mem>>)
      %dma_start3A_1051 = arith.constant 0 : i32
      %dma_start3A_1052 = arith.constant 0 : i32
      %dma_start3A_1053 = arith.constant 128 : i32
      %dma_start3A_1054 = arith.constant 0 : i32
      %dma_start3A_1055 = tpu.memref_slice %arg8[%dma_start3A_1051, %dma_start3A_1053, %dma_start3A_1054] : memref<2x200x128xf32, #tpu.memory_space<vmem>> -> memref<1x72x128xf32, #tpu.memory_space<vmem>>
      %dma_start3A_1056 = tpu.memref_squeeze %dma_start3A_1055 : memref<1x72x128xf32, #tpu.memory_space<vmem>> -> memref<72x128xf32, #tpu.memory_space<vmem>>
      %dma_start3A_1057 = tpu.memref_slice %arg6[%add3A_1038] : memref<12800xi32, #tpu.memory_space<vmem>> -> memref<72xi32, #tpu.memory_space<vmem>>
      %dma_start3A_1058 = arith.constant 0 : i32
      %dma_start3A_1059 = arith.constant 0 : i32
      %dma_start3A_1060 = tpu.memref_slice %arg4[%dma_start3A_1058, %dma_start3A_1059] : memref<100000x128xf32, #tpu.memory_space<hbm>> -> memref<100000x128xf32, #tpu.memory_space<hbm>>
      %dma_start3A_1061 = tpu.memref_slice %arg11[%dma_start3A_1052] : memref<2x!tpu.dma_semaphore, #tpu.memory_space<semaphore_mem>> -> memref<1x!tpu.dma_semaphore, #tpu.memory_space<semaphore_mem>>
      %dma_start3A_1062 = tpu.memref_squeeze %dma_start3A_1061 : memref<1x!tpu.dma_semaphore, #tpu.memory_space<semaphore_mem>> -> memref<!tpu.dma_semaphore, #tpu.memory_space<semaphore_mem>>
      tpu.enqueue_indirect_dma source(%dma_start3A_1060 : memref<100000x128xf32, #tpu.memory_space<hbm>>) target(%dma_start3A_1056 : memref<72x128xf32, #tpu.memory_space<vmem>>) offsets(%dma_start3A_1057 : memref<72xi32, #tpu.memory_space<vmem>>) semaphore(%dma_start3A_1062 : memref<!tpu.dma_semaphore, #tpu.memory_space<semaphore_mem>>)
      %rem3A_1063 = arith.constant 64 : i32
      %rem3A_1064 = arith.remsi %add3A_1029, %rem3A_1063 : i32
      %mul3A_1065 = arith.constant 200 : i32
      %mul3A_1066 = arith.muli %rem3A_1064, %mul3A_1065 : i32
      %multiple_of3A_1067 = tpu.assume_multiple %mul3A_1066, 8 : i32
      %add3A_1068 = arith.constant 128 : i32
      %add3A_1069 = arith.addi %multiple_of3A_1067, %add3A_1068 : i32
      %dma_wait3A_1070 = arith.constant 1 : i32
      %dma_wait3A_1071 = arith.constant 1 : i32
      %dma_wait3A_1072 = arith.constant 0 : i32
      %dma_wait3A_1073 = arith.constant 0 : i32
      %dma_wait3A_1074 = tpu.memref_slice %arg8[%dma_wait3A_1070, %dma_wait3A_1072, %dma_wait3A_1073] : memref<2x200x128xf32, #tpu.memory_space<vmem>> -> memref<1x128x128xf32, #tpu.memory_space<vmem>>
      %dma_wait3A_1075 = tpu.memref_squeeze %dma_wait3A_1074 : memref<1x128x128xf32, #tpu.memory_space<vmem>> -> memref<128x128xf32, #tpu.memory_space<vmem>>
      %dma_wait3A_1076 = tpu.memref_slice %arg6[%multiple_of3A_1067] : memref<12800xi32, #tpu.memory_space<vmem>> -> memref<128xi32, #tpu.memory_space<vmem>>
      %dma_wait3A_1077 = arith.constant 0 : i32
      %dma_wait3A_1078 = arith.constant 0 : i32
      %dma_wait3A_1079 = tpu.memref_slice %arg4[%dma_wait3A_1077, %dma_wait3A_1078] : memref<100000x128xf32, #tpu.memory_space<hbm>> -> memref<100000x128xf32, #tpu.memory_space<hbm>>
      %dma_wait3A_1080 = tpu.memref_slice %arg11[%dma_wait3A_1071] : memref<2x!tpu.dma_semaphore, #tpu.memory_space<semaphore_mem>> -> memref<1x!tpu.dma_semaphore, #tpu.memory_space<semaphore_mem>>
      %dma_wait3A_1081 = tpu.memref_squeeze %dma_wait3A_1080 : memref<1x!tpu.dma_semaphore, #tpu.memory_space<semaphore_mem>> -> memref<!tpu.dma_semaphore, #tpu.memory_space<semaphore_mem>>
      tpu.wait_indirect_dma semaphore(%dma_wait3A_1081 : memref<!tpu.dma_semaphore, #tpu.memory_space<semaphore_mem>>) src(%dma_wait3A_1079 : memref<100000x128xf32, #tpu.memory_space<hbm>>) dst(%dma_wait3A_1075 : memref<128x128xf32, #tpu.memory_space<vmem>>)
      %dma_wait3A_1082 = arith.constant 1 : i32
      %dma_wait3A_1083 = arith.constant 1 : i32
      %dma_wait3A_1084 = arith.constant 128 : i32
      %dma_wait3A_1085 = arith.constant 0 : i32
      %dma_wait3A_1086 = tpu.memref_slice %arg8[%dma_wait3A_1082, %dma_wait3A_1084, %dma_wait3A_1085] : memref<2x200x128xf32, #tpu.memory_space<vmem>> -> memref<1x72x128xf32, #tpu.memory_space<vmem>>
      %dma_wait3A_1087 = tpu.memref_squeeze %dma_wait3A_1086 : memref<1x72x128xf32, #tpu.memory_space<vmem>> -> memref<72x128xf32, #tpu.memory_space<vmem>>
      %dma_wait3A_1088 = tpu.memref_slice %arg6[%add3A_1069] : memref<12800xi32, #tpu.memory_space<vmem>> -> memref<72xi32, #tpu.memory_space<vmem>>
      %dma_wait3A_1089 = arith.constant 0 : i32
      %dma_wait3A_1090 = arith.constant 0 : i32
      %dma_wait3A_1091 = tpu.memref_slice %arg4[%dma_wait3A_1089, %dma_wait3A_1090] : memref<100000x128xf32, #tpu.memory_space<hbm>> -> memref<100000x128xf32, #tpu.memory_space<hbm>>
      %dma_wait3A_1092 = tpu.memref_slice %arg11[%dma_wait3A_1083] : memref<2x!tpu.dma_semaphore, #tpu.memory_space<semaphore_mem>> -> memref<1x!tpu.dma_semaphore, #tpu.memory_space<semaphore_mem>>
      %dma_wait3A_1093 = tpu.memref_squeeze %dma_wait3A_1092 : memref<1x!tpu.dma_semaphore, #tpu.memory_space<semaphore_mem>> -> memref<!tpu.dma_semaphore, #tpu.memory_space<semaphore_mem>>
      tpu.wait_indirect_dma semaphore(%dma_wait3A_1093 : memref<!tpu.dma_semaphore, #tpu.memory_space<semaphore_mem>>) src(%dma_wait3A_1091 : memref<100000x128xf32, #tpu.memory_space<hbm>>) dst(%dma_wait3A_1087 : memref<72x128xf32, #tpu.memory_space<vmem>>)
      %sub3A_1094 = arith.constant 2 : i32
      %sub3A_1095 = arith.subi %add3A_1029, %sub3A_1094 : i32
      %add3A_1096 = arith.addi %mul3A_2, %sub3A_1095 : i32
      %dma_wait3A_1097 = arith.constant 1 : i32
      %dma_wait3A_1098 = arith.constant 1 : i32
      %dma_wait3A_1099 = arith.constant 0 : i32
      %dma_wait3A_1100 = arith.constant 0 : i32
      %dma_wait3A_1101 = tpu.memref_slice %arg9[%dma_wait3A_1097, %dma_wait3A_1099, %dma_wait3A_1100] : memref<2x200x64xf32, #tpu.memory_space<vmem>> -> memref<1x200x64xf32, #tpu.memory_space<vmem>>
      %dma_wait3A_1102 = tpu.memref_squeeze %dma_wait3A_1101 : memref<1x200x64xf32, #tpu.memory_space<vmem>> -> memref<200x64xf32, #tpu.memory_space<vmem>>
      %dma_wait3A_1103 = arith.constant 0 : i32
      %dma_wait3A_1104 = arith.constant 0 : i32
      %dma_wait3A_1105 = tpu.memref_slice %arg5[%add3A_1096, %dma_wait3A_1103, %dma_wait3A_1104] : memref<4096x200x64xf32, #tpu.memory_space<hbm>> -> memref<1x200x64xf32, #tpu.memory_space<hbm>>
      %dma_wait3A_1106 = tpu.memref_squeeze %dma_wait3A_1105 : memref<1x200x64xf32, #tpu.memory_space<hbm>> -> memref<200x64xf32, #tpu.memory_space<hbm>>
      %dma_wait3A_1107 = tpu.memref_slice %arg12[%dma_wait3A_1098] : memref<2x!tpu.dma_semaphore, #tpu.memory_space<semaphore_mem>> -> memref<1x!tpu.dma_semaphore, #tpu.memory_space<semaphore_mem>>
      %dma_wait3A_1108 = tpu.memref_squeeze %dma_wait3A_1107 : memref<1x!tpu.dma_semaphore, #tpu.memory_space<semaphore_mem>> -> memref<!tpu.dma_semaphore, #tpu.memory_space<semaphore_mem>>
      %dma_wait3A_1109 = arith.constant 0 : i32
      %dma_wait3A_1110 = arith.constant 0 : i32
      %dma_wait3A_1111 = tpu.memref_slice %arg5[%add3A_1096, %dma_wait3A_1109, %dma_wait3A_1110] : memref<4096x200x64xf32, #tpu.memory_space<hbm>> -> memref<1x200x64xf32, #tpu.memory_space<hbm>>
      %dma_wait3A_1112 = tpu.memref_squeeze %dma_wait3A_1111 : memref<1x200x64xf32, #tpu.memory_space<hbm>> -> memref<200x64xf32, #tpu.memory_space<hbm>>
      %dma_wait3A_1113 = arith.constant 0 : i32
      %dma_wait3A_1114 = arith.constant 0 : i32
      %dma_wait3A_1115 = tpu.memref_slice %arg9[%dma_wait3A_1097, %dma_wait3A_1113, %dma_wait3A_1114] : memref<2x200x64xf32, #tpu.memory_space<vmem>> -> memref<1x200x64xf32, #tpu.memory_space<vmem>>
      %dma_wait3A_1116 = tpu.memref_squeeze %dma_wait3A_1115 : memref<1x200x64xf32, #tpu.memory_space<vmem>> -> memref<200x64xf32, #tpu.memory_space<vmem>>
      tpu.wait_dma2 semaphore(%dma_wait3A_1108 : memref<!tpu.dma_semaphore, #tpu.memory_space<semaphore_mem>>) src(%dma_wait3A_1116 : memref<200x64xf32, #tpu.memory_space<vmem>>) dst(%dma_wait3A_1112 : memref<200x64xf32, #tpu.memory_space<hbm>>)
      %parallel_loop3A_1117 = arith.constant 0 : i32
      %parallel_loop3A_1118 = arith.constant 200 : i32
      %parallel_loop3A_1119 = arith.constant 2 : i32
      scf.for %parallel_loop3A_1141 = %parallel_loop3A_1117 to %parallel_loop3A_1118 step %parallel_loop3A_1119  : i32 {
        %parallel_loop3A_1142 = arith.constant 0 : i32
        %parallel_loop3A_1143 = arith.addi %parallel_loop3A_1141, %parallel_loop3A_1142 : i32
        %parallel_loop3A_1144 = arith.constant 1 : i32
        %parallel_loop3A_1145 = arith.index_cast %parallel_loop3A_1144 : i32 to index
        %parallel_loop3A_1146 = arith.index_cast %parallel_loop3A_1143 : i32 to index
        %parallel_loop3A_1147 = arith.constant 0 : index
        %parallel_loop3A_1148 = tpu.vector_load %arg8[%parallel_loop3A_1145, %parallel_loop3A_1146, %parallel_loop3A_1147] {strides = array<i32>} : memref<2x200x128xf32, #tpu.memory_space<vmem>>, vector<1x1x16xf32>,
        %parallel_loop3A_1149 = vector.shape_cast %parallel_loop3A_1148 : vector<1x1x16xf32> to vector<16xf32>
        %parallel_loop3A_1150 = arith.constant 64 : i32
        %parallel_loop3A_1151 = arith.muli %parallel_loop3A_1143, %parallel_loop3A_1150 : i32
        %parallel_loop3A_1152 = arith.constant 0 : i32
        %parallel_loop3A_1153 = arith.addi %parallel_loop3A_1151, %parallel_loop3A_1152 : i32
        %parallel_loop3A_1154 = arith.index_cast %parallel_loop3A_1153 : i32 to index
        %parallel_loop3A_1155 = tpu.vector_load %arg7[%parallel_loop3A_1154] {strides = array<i32>} : memref<12800xf32, #tpu.memory_space<vmem>>, vector<16xf32>,
        %parallel_loop3A_1156 = vector.shape_cast %parallel_loop3A_1155 : vector<16xf32> to vector<16xf32>
        %parallel_loop3A_1157 = arith.addf %parallel_loop3A_1149, %parallel_loop3A_1156 : vector<16xf32>
        %parallel_loop3A_1158 = arith.constant 1 : i32
        %parallel_loop3A_1159 = arith.index_cast %parallel_loop3A_1158 : i32 to index
        %parallel_loop3A_1160 = arith.index_cast %parallel_loop3A_1143 : i32 to index
        %parallel_loop3A_1161 = arith.constant 0 : index
        %parallel_loop3A_1162 = tpu.vector_load %arg9[%parallel_loop3A_1159, %parallel_loop3A_1160, %parallel_loop3A_1161] {strides = array<i32>} : memref<2x200x64xf32, #tpu.memory_space<vmem>>, vector<1x1x16xf32>,
        %parallel_loop3A_1163 = vector.shape_cast %parallel_loop3A_1162 : vector<1x1x16xf32> to vector<16xf32>
        %parallel_loop3A_1164 = vector.shape_cast %parallel_loop3A_1157 : vector<16xf32> to vector<1x1x16xf32>
        tpu.vector_store %arg9[%parallel_loop3A_1159, %parallel_loop3A_1160, %parallel_loop3A_1161], %parallel_loop3A_1164 {strides = array<i32>} : memref<2x200x64xf32, #tpu.memory_space<vmem>>, vector<1x1x16xf32>,
        %parallel_loop3A_1165 = arith.constant 1 : i32
        %parallel_loop3A_1166 = arith.index_cast %parallel_loop3A_1165 : i32 to index
        %parallel_loop3A_1167 = arith.index_cast %parallel_loop3A_1143 : i32 to index
        %parallel_loop3A_1168 = arith.constant 16 : index
        %parallel_loop3A_1169 = tpu.vector_load %arg8[%parallel_loop3A_1166, %parallel_loop3A_1167, %parallel_loop3A_1168] {strides = array<i32>} : memref<2x200x128xf32, #tpu.memory_space<vmem>>, vector<1x1x16xf32>,
        %parallel_loop3A_1170 = vector.shape_cast %parallel_loop3A_1169 : vector<1x1x16xf32> to vector<16xf32>
        %parallel_loop3A_1171 = arith.constant 64 : i32
        %parallel_loop3A_1172 = arith.muli %parallel_loop3A_1143, %parallel_loop3A_1171 : i32
        %parallel_loop3A_1173 = arith.constant 16 : i32
        %parallel_loop3A_1174 = arith.addi %parallel_loop3A_1172, %parallel_loop3A_1173 : i32
        %parallel_loop3A_1175 = arith.index_cast %parallel_loop3A_1174 : i32 to index
        %parallel_loop3A_1176 = tpu.vector_load %arg7[%parallel_loop3A_1175] {strides = array<i32>} : memref<12800xf32, #tpu.memory_space<vmem>>, vector<16xf32>,
        %parallel_loop3A_1177 = vector.shape_cast %parallel_loop3A_1176 : vector<16xf32> to vector<16xf32>
        %parallel_loop3A_1178 = arith.addf %parallel_loop3A_1170, %parallel_loop3A_1177 : vector<16xf32>
        %parallel_loop3A_1179 = arith.constant 1 : i32
        %parallel_loop3A_1180 = arith.index_cast %parallel_loop3A_1179 : i32 to index
        %parallel_loop3A_1181 = arith.index_cast %parallel_loop3A_1143 : i32 to index
        %parallel_loop3A_1182 = arith.constant 16 : index
        %parallel_loop3A_1183 = tpu.vector_load %arg9[%parallel_loop3A_1180, %parallel_loop3A_1181, %parallel_loop3A_1182] {strides = array<i32>} : memref<2x200x64xf32, #tpu.memory_space<vmem>>, vector<1x1x16xf32>,
        %parallel_loop3A_1184 = vector.shape_cast %parallel_loop3A_1183 : vector<1x1x16xf32> to vector<16xf32>
        %parallel_loop3A_1185 = vector.shape_cast %parallel_loop3A_1178 : vector<16xf32> to vector<1x1x16xf32>
        tpu.vector_store %arg9[%parallel_loop3A_1180, %parallel_loop3A_1181, %parallel_loop3A_1182], %parallel_loop3A_1185 {strides = array<i32>} : memref<2x200x64xf32, #tpu.memory_space<vmem>>, vector<1x1x16xf32>,
        %parallel_loop3A_1186 = arith.constant 1 : i32
        %parallel_loop3A_1187 = arith.index_cast %parallel_loop3A_1186 : i32 to index
        %parallel_loop3A_1188 = arith.index_cast %parallel_loop3A_1143 : i32 to index
        %parallel_loop3A_1189 = arith.constant 32 : index
        %parallel_loop3A_1190 = tpu.vector_load %arg8[%parallel_loop3A_1187, %parallel_loop3A_1188, %parallel_loop3A_1189] {strides = array<i32>} : memref<2x200x128xf32, #tpu.memory_space<vmem>>, vector<1x1x16xf32>,
        %parallel_loop3A_1191 = vector.shape_cast %parallel_loop3A_1190 : vector<1x1x16xf32> to vector<16xf32>
        %parallel_loop3A_1192 = arith.constant 64 : i32
        %parallel_loop3A_1193 = arith.muli %parallel_loop3A_1143, %parallel_loop3A_1192 : i32
        %parallel_loop3A_1194 = arith.constant 32 : i32
        %parallel_loop3A_1195 = arith.addi %parallel_loop3A_1193, %parallel_loop3A_1194 : i32
        %parallel_loop3A_1196 = arith.index_cast %parallel_loop3A_1195 : i32 to index
        %parallel_loop3A_1197 = tpu.vector_load %arg7[%parallel_loop3A_1196] {strides = array<i32>} : memref<12800xf32, #tpu.memory_space<vmem>>, vector<16xf32>,
        %parallel_loop3A_1198 = vector.shape_cast %parallel_loop3A_1197 : vector<16xf32> to vector<16xf32>
        %parallel_loop3A_1199 = arith.addf %parallel_loop3A_1191, %parallel_loop3A_1198 : vector<16xf32>
        %parallel_loop3A_1200 = arith.constant 1 : i32
        %parallel_loop3A_1201 = arith.index_cast %parallel_loop3A_1200 : i32 to index
        %parallel_loop3A_1202 = arith.index_cast %parallel_loop3A_1143 : i32 to index
        %parallel_loop3A_1203 = arith.constant 32 : index
        %parallel_loop3A_1204 = tpu.vector_load %arg9[%parallel_loop3A_1201, %parallel_loop3A_1202, %parallel_loop3A_1203] {strides = array<i32>} : memref<2x200x64xf32, #tpu.memory_space<vmem>>, vector<1x1x16xf32>,
        %parallel_loop3A_1205 = vector.shape_cast %parallel_loop3A_1204 : vector<1x1x16xf32> to vector<16xf32>
        %parallel_loop3A_1206 = vector.shape_cast %parallel_loop3A_1199 : vector<16xf32> to vector<1x1x16xf32>
        tpu.vector_store %arg9[%parallel_loop3A_1201, %parallel_loop3A_1202, %parallel_loop3A_1203], %parallel_loop3A_1206 {strides = array<i32>} : memref<2x200x64xf32, #tpu.memory_space<vmem>>, vector<1x1x16xf32>,
        %parallel_loop3A_1207 = arith.constant 1 : i32
        %parallel_loop3A_1208 = arith.index_cast %parallel_loop3A_1207 : i32 to index
        %parallel_loop3A_1209 = arith.index_cast %parallel_loop3A_1143 : i32 to index
        %parallel_loop3A_1210 = arith.constant 48 : index
        %parallel_loop3A_1211 = tpu.vector_load %arg8[%parallel_loop3A_1208, %parallel_loop3A_1209, %parallel_loop3A_1210] {strides = array<i32>} : memref<2x200x128xf32, #tpu.memory_space<vmem>>, vector<1x1x16xf32>,
        %parallel_loop3A_1212 = vector.shape_cast %parallel_loop3A_1211 : vector<1x1x16xf32> to vector<16xf32>
        %parallel_loop3A_1213 = arith.constant 64 : i32
        %parallel_loop3A_1214 = arith.muli %parallel_loop3A_1143, %parallel_loop3A_1213 : i32
        %parallel_loop3A_1215 = arith.constant 48 : i32
        %parallel_loop3A_1216 = arith.addi %parallel_loop3A_1214, %parallel_loop3A_1215 : i32
        %parallel_loop3A_1217 = arith.index_cast %parallel_loop3A_1216 : i32 to index
        %parallel_loop3A_1218 = tpu.vector_load %arg7[%parallel_loop3A_1217] {strides = array<i32>} : memref<12800xf32, #tpu.memory_space<vmem>>, vector<16xf32>,
        %parallel_loop3A_1219 = vector.shape_cast %parallel_loop3A_1218 : vector<16xf32> to vector<16xf32>
        %parallel_loop3A_1220 = arith.addf %parallel_loop3A_1212, %parallel_loop3A_1219 : vector<16xf32>
        %parallel_loop3A_1221 = arith.constant 1 : i32
        %parallel_loop3A_1222 = arith.index_cast %parallel_loop3A_1221 : i32 to index
        %parallel_loop3A_1223 = arith.index_cast %parallel_loop3A_1143 : i32 to index
        %parallel_loop3A_1224 = arith.constant 48 : index
        %parallel_loop3A_1225 = tpu.vector_load %arg9[%parallel_loop3A_1222, %parallel_loop3A_1223, %parallel_loop3A_1224] {strides = array<i32>} : memref<2x200x64xf32, #tpu.memory_space<vmem>>, vector<1x1x16xf32>,
        %parallel_loop3A_1226 = vector.shape_cast %parallel_loop3A_1225 : vector<1x1x16xf32> to vector<16xf32>
        %parallel_loop3A_1227 = vector.shape_cast %parallel_loop3A_1220 : vector<16xf32> to vector<1x1x16xf32>
        tpu.vector_store %arg9[%parallel_loop3A_1222, %parallel_loop3A_1223, %parallel_loop3A_1224], %parallel_loop3A_1227 {strides = array<i32>} : memref<2x200x64xf32, #tpu.memory_space<vmem>>, vector<1x1x16xf32>,
        %parallel_loop3A_1228 = arith.constant 1 : i32
        %parallel_loop3A_1229 = arith.addi %parallel_loop3A_1141, %parallel_loop3A_1228 : i32
        %parallel_loop3A_1230 = arith.constant 1 : i32
        %parallel_loop3A_1231 = arith.index_cast %parallel_loop3A_1230 : i32 to index
        %parallel_loop3A_1232 = arith.index_cast %parallel_loop3A_1229 : i32 to index
        %parallel_loop3A_1233 = arith.constant 0 : index
        %parallel_loop3A_1234 = tpu.vector_load %arg8[%parallel_loop3A_1231, %parallel_loop3A_1232, %parallel_loop3A_1233] {strides = array<i32>} : memref<2x200x128xf32, #tpu.memory_space<vmem>>, vector<1x1x16xf32>,
        %parallel_loop3A_1235 = vector.shape_cast %parallel_loop3A_1234 : vector<1x1x16xf32> to vector<16xf32>
        %parallel_loop3A_1236 = arith.constant 64 : i32
        %parallel_loop3A_1237 = arith.muli %parallel_loop3A_1229, %parallel_loop3A_1236 : i32
        %parallel_loop3A_1238 = arith.constant 0 : i32
        %parallel_loop3A_1239 = arith.addi %parallel_loop3A_1237, %parallel_loop3A_1238 : i32
        %parallel_loop3A_1240 = arith.index_cast %parallel_loop3A_1239 : i32 to index
        %parallel_loop3A_1241 = tpu.vector_load %arg7[%parallel_loop3A_1240] {strides = array<i32>} : memref<12800xf32, #tpu.memory_space<vmem>>, vector<16xf32>,
        %parallel_loop3A_1242 = vector.shape_cast %parallel_loop3A_1241 : vector<16xf32> to vector<16xf32>
        %parallel_loop3A_1243 = arith.addf %parallel_loop3A_1235, %parallel_loop3A_1242 : vector<16xf32>
        %parallel_loop3A_1244 = arith.constant 1 : i32
        %parallel_loop3A_1245 = arith.index_cast %parallel_loop3A_1244 : i32 to index
        %parallel_loop3A_1246 = arith.index_cast %parallel_loop3A_1229 : i32 to index
        %parallel_loop3A_1247 = arith.constant 0 : index
        %parallel_loop3A_1248 = tpu.vector_load %arg9[%parallel_loop3A_1245, %parallel_loop3A_1246, %parallel_loop3A_1247] {strides = array<i32>} : memref<2x200x64xf32, #tpu.memory_space<vmem>>, vector<1x1x16xf32>,
        %parallel_loop3A_1249 = vector.shape_cast %parallel_loop3A_1248 : vector<1x1x16xf32> to vector<16xf32>
        %parallel_loop3A_1250 = vector.shape_cast %parallel_loop3A_1243 : vector<16xf32> to vector<1x1x16xf32>
        tpu.vector_store %arg9[%parallel_loop3A_1245, %parallel_loop3A_1246, %parallel_loop3A_1247], %parallel_loop3A_1250 {strides = array<i32>} : memref<2x200x64xf32, #tpu.memory_space<vmem>>, vector<1x1x16xf32>,
        %parallel_loop3A_1251 = arith.constant 1 : i32
        %parallel_loop3A_1252 = arith.index_cast %parallel_loop3A_1251 : i32 to index
        %parallel_loop3A_1253 = arith.index_cast %parallel_loop3A_1229 : i32 to index
        %parallel_loop3A_1254 = arith.constant 16 : index
        %parallel_loop3A_1255 = tpu.vector_load %arg8[%parallel_loop3A_1252, %parallel_loop3A_1253, %parallel_loop3A_1254] {strides = array<i32>} : memref<2x200x128xf32, #tpu.memory_space<vmem>>, vector<1x1x16xf32>,
        %parallel_loop3A_1256 = vector.shape_cast %parallel_loop3A_1255 : vector<1x1x16xf32> to vector<16xf32>
        %parallel_loop3A_1257 = arith.constant 64 : i32
        %parallel_loop3A_1258 = arith.muli %parallel_loop3A_1229, %parallel_loop3A_1257 : i32
        %parallel_loop3A_1259 = arith.constant 16 : i32
        %parallel_loop3A_1260 = arith.addi %parallel_loop3A_1258, %parallel_loop3A_1259 : i32
        %parallel_loop3A_1261 = arith.index_cast %parallel_loop3A_1260 : i32 to index
        %parallel_loop3A_1262 = tpu.vector_load %arg7[%parallel_loop3A_1261] {strides = array<i32>} : memref<12800xf32, #tpu.memory_space<vmem>>, vector<16xf32>,
        %parallel_loop3A_1263 = vector.shape_cast %parallel_loop3A_1262 : vector<16xf32> to vector<16xf32>
        %parallel_loop3A_1264 = arith.addf %parallel_loop3A_1256, %parallel_loop3A_1263 : vector<16xf32>
        %parallel_loop3A_1265 = arith.constant 1 : i32
        %parallel_loop3A_1266 = arith.index_cast %parallel_loop3A_1265 : i32 to index
        %parallel_loop3A_1267 = arith.index_cast %parallel_loop3A_1229 : i32 to index
        %parallel_loop3A_1268 = arith.constant 16 : index
        %parallel_loop3A_1269 = tpu.vector_load %arg9[%parallel_loop3A_1266, %parallel_loop3A_1267, %parallel_loop3A_1268] {strides = array<i32>} : memref<2x200x64xf32, #tpu.memory_space<vmem>>, vector<1x1x16xf32>,
        %parallel_loop3A_1270 = vector.shape_cast %parallel_loop3A_1269 : vector<1x1x16xf32> to vector<16xf32>
        %parallel_loop3A_1271 = vector.shape_cast %parallel_loop3A_1264 : vector<16xf32> to vector<1x1x16xf32>
        tpu.vector_store %arg9[%parallel_loop3A_1266, %parallel_loop3A_1267, %parallel_loop3A_1268], %parallel_loop3A_1271 {strides = array<i32>} : memref<2x200x64xf32, #tpu.memory_space<vmem>>, vector<1x1x16xf32>,
        %parallel_loop3A_1272 = arith.constant 1 : i32
        %parallel_loop3A_1273 = arith.index_cast %parallel_loop3A_1272 : i32 to index
        %parallel_loop3A_1274 = arith.index_cast %parallel_loop3A_1229 : i32 to index
        %parallel_loop3A_1275 = arith.constant 32 : index
        %parallel_loop3A_1276 = tpu.vector_load %arg8[%parallel_loop3A_1273, %parallel_loop3A_1274, %parallel_loop3A_1275] {strides = array<i32>} : memref<2x200x128xf32, #tpu.memory_space<vmem>>, vector<1x1x16xf32>,
        %parallel_loop3A_1277 = vector.shape_cast %parallel_loop3A_1276 : vector<1x1x16xf32> to vector<16xf32>
        %parallel_loop3A_1278 = arith.constant 64 : i32
        %parallel_loop3A_1279 = arith.muli %parallel_loop3A_1229, %parallel_loop3A_1278 : i32
        %parallel_loop3A_1280 = arith.constant 32 : i32
        %parallel_loop3A_1281 = arith.addi %parallel_loop3A_1279, %parallel_loop3A_1280 : i32
        %parallel_loop3A_1282 = arith.index_cast %parallel_loop3A_1281 : i32 to index
        %parallel_loop3A_1283 = tpu.vector_load %arg7[%parallel_loop3A_1282] {strides = array<i32>} : memref<12800xf32, #tpu.memory_space<vmem>>, vector<16xf32>,
        %parallel_loop3A_1284 = vector.shape_cast %parallel_loop3A_1283 : vector<16xf32> to vector<16xf32>
        %parallel_loop3A_1285 = arith.addf %parallel_loop3A_1277, %parallel_loop3A_1284 : vector<16xf32>
        %parallel_loop3A_1286 = arith.constant 1 : i32
        %parallel_loop3A_1287 = arith.index_cast %parallel_loop3A_1286 : i32 to index
        %parallel_loop3A_1288 = arith.index_cast %parallel_loop3A_1229 : i32 to index
        %parallel_loop3A_1289 = arith.constant 32 : index
        %parallel_loop3A_1290 = tpu.vector_load %arg9[%parallel_loop3A_1287, %parallel_loop3A_1288, %parallel_loop3A_1289] {strides = array<i32>} : memref<2x200x64xf32, #tpu.memory_space<vmem>>, vector<1x1x16xf32>,
        %parallel_loop3A_1291 = vector.shape_cast %parallel_loop3A_1290 : vector<1x1x16xf32> to vector<16xf32>
        %parallel_loop3A_1292 = vector.shape_cast %parallel_loop3A_1285 : vector<16xf32> to vector<1x1x16xf32>
        tpu.vector_store %arg9[%parallel_loop3A_1287, %parallel_loop3A_1288, %parallel_loop3A_1289], %parallel_loop3A_1292 {strides = array<i32>} : memref<2x200x64xf32, #tpu.memory_space<vmem>>, vector<1x1x16xf32>,
        %parallel_loop3A_1293 = arith.constant 1 : i32
        %parallel_loop3A_1294 = arith.index_cast %parallel_loop3A_1293 : i32 to index
        %parallel_loop3A_1295 = arith.index_cast %parallel_loop3A_1229 : i32 to index
        %parallel_loop3A_1296 = arith.constant 48 : index
        %parallel_loop3A_1297 = tpu.vector_load %arg8[%parallel_loop3A_1294, %parallel_loop3A_1295, %parallel_loop3A_1296] {strides = array<i32>} : memref<2x200x128xf32, #tpu.memory_space<vmem>>, vector<1x1x16xf32>,
        %parallel_loop3A_1298 = vector.shape_cast %parallel_loop3A_1297 : vector<1x1x16xf32> to vector<16xf32>
        %parallel_loop3A_1299 = arith.constant 64 : i32
        %parallel_loop3A_1300 = arith.muli %parallel_loop3A_1229, %parallel_loop3A_1299 : i32
        %parallel_loop3A_1301 = arith.constant 48 : i32
        %parallel_loop3A_1302 = arith.addi %parallel_loop3A_1300, %parallel_loop3A_1301 : i32
        %parallel_loop3A_1303 = arith.index_cast %parallel_loop3A_1302 : i32 to index
        %parallel_loop3A_1304 = tpu.vector_load %arg7[%parallel_loop3A_1303] {strides = array<i32>} : memref<12800xf32, #tpu.memory_space<vmem>>, vector<16xf32>,
        %parallel_loop3A_1305 = vector.shape_cast %parallel_loop3A_1304 : vector<16xf32> to vector<16xf32>
        %parallel_loop3A_1306 = arith.addf %parallel_loop3A_1298, %parallel_loop3A_1305 : vector<16xf32>
        %parallel_loop3A_1307 = arith.constant 1 : i32
        %parallel_loop3A_1308 = arith.index_cast %parallel_loop3A_1307 : i32 to index
        %parallel_loop3A_1309 = arith.index_cast %parallel_loop3A_1229 : i32 to index
        %parallel_loop3A_1310 = arith.constant 48 : index
        %parallel_loop3A_1311 = tpu.vector_load %arg9[%parallel_loop3A_1308, %parallel_loop3A_1309, %parallel_loop3A_1310] {strides = array<i32>} : memref<2x200x64xf32, #tpu.memory_space<vmem>>, vector<1x1x16xf32>,
        %parallel_loop3A_1312 = vector.shape_cast %parallel_loop3A_1311 : vector<1x1x16xf32> to vector<16xf32>
        %parallel_loop3A_1313 = vector.shape_cast %parallel_loop3A_1306 : vector<16xf32> to vector<1x1x16xf32>
        tpu.vector_store %arg9[%parallel_loop3A_1308, %parallel_loop3A_1309, %parallel_loop3A_1310], %parallel_loop3A_1313 {strides = array<i32>} : memref<2x200x64xf32, #tpu.memory_space<vmem>>, vector<1x1x16xf32>,
      } {sc.loop_unroll_factor = 1 : i64, sc.parallel_access}
      %add3A_1120 = arith.addi %mul3A_2, %add3A_1029 : i32
      %dma_start3A_1121 = arith.constant 1 : i32
      %dma_start3A_1122 = arith.constant 1 : i32
      %dma_start3A_1123 = arith.constant 0 : i32
      %dma_start3A_1124 = arith.constant 0 : i32
      %dma_start3A_1125 = tpu.memref_slice %arg9[%dma_start3A_1121, %dma_start3A_1123, %dma_start3A_1124] : memref<2x200x64xf32, #tpu.memory_space<vmem>> -> memref<1x200x64xf32, #tpu.memory_space<vmem>>
      %dma_start3A_1126 = tpu.memref_squeeze %dma_start3A_1125 : memref<1x200x64xf32, #tpu.memory_space<vmem>> -> memref<200x64xf32, #tpu.memory_space<vmem>>
      %dma_start3A_1127 = arith.constant 0 : i32
      %dma_start3A_1128 = arith.constant 0 : i32
      %dma_start3A_1129 = tpu.memref_slice %arg5[%add3A_1120, %dma_start3A_1127, %dma_start3A_1128] : memref<4096x200x64xf32, #tpu.memory_space<hbm>> -> memref<1x200x64xf32, #tpu.memory_space<hbm>>
      %dma_start3A_1130 = tpu.memref_squeeze %dma_start3A_1129 : memref<1x200x64xf32, #tpu.memory_space<hbm>> -> memref<200x64xf32, #tpu.memory_space<hbm>>
      %dma_start3A_1131 = tpu.memref_slice %arg12[%dma_start3A_1122] : memref<2x!tpu.dma_semaphore, #tpu.memory_space<semaphore_mem>> -> memref<1x!tpu.dma_semaphore, #tpu.memory_space<semaphore_mem>>
      %dma_start3A_1132 = tpu.memref_squeeze %dma_start3A_1131 : memref<1x!tpu.dma_semaphore, #tpu.memory_space<semaphore_mem>> -> memref<!tpu.dma_semaphore, #tpu.memory_space<semaphore_mem>>
      %dma_start3A_1133 = arith.constant 0 : i32
      %dma_start3A_1134 = arith.constant 0 : i32
      %dma_start3A_1135 = tpu.memref_slice %arg5[%add3A_1120, %dma_start3A_1133, %dma_start3A_1134] : memref<4096x200x64xf32, #tpu.memory_space<hbm>> -> memref<1x200x64xf32, #tpu.memory_space<hbm>>
      %dma_start3A_1136 = tpu.memref_squeeze %dma_start3A_1135 : memref<1x200x64xf32, #tpu.memory_space<hbm>> -> memref<200x64xf32, #tpu.memory_space<hbm>>
      %dma_start3A_1137 = arith.constant 0 : i32
      %dma_start3A_1138 = arith.constant 0 : i32
      %dma_start3A_1139 = tpu.memref_slice %arg9[%dma_start3A_1121, %dma_start3A_1137, %dma_start3A_1138] : memref<2x200x64xf32, #tpu.memory_space<vmem>> -> memref<1x200x64xf32, #tpu.memory_space<vmem>>
      %dma_start3A_1140 = tpu.memref_squeeze %dma_start3A_1139 : memref<1x200x64xf32, #tpu.memory_space<vmem>> -> memref<200x64xf32, #tpu.memory_space<vmem>>
      tpu.enqueue_dma source(%dma_start3A_1140 : memref<200x64xf32, #tpu.memory_space<vmem>>) target(%dma_start3A_1136 : memref<200x64xf32, #tpu.memory_space<hbm>>) target_semaphore(%dma_start3A_1132 : memref<!tpu.dma_semaphore, #tpu.memory_space<semaphore_mem>>)
    }
    %scan3A_680 = arith.constant 30 : i32
    %rem3A_681 = arith.constant 127 : i32
    %rem3A_682 = arith.constant 64 : i32
    %rem3A_683 = arith.remsi %rem3A_681, %rem3A_682 : i32
    %mul3A_684 = arith.constant 200 : i32
    %mul3A_685 = arith.muli %rem3A_683, %mul3A_684 : i32
    %multiple_of3A_686 = tpu.assume_multiple %mul3A_685, 8 : i32
    %add3A_687 = arith.constant 128 : i32
    %add3A_688 = arith.addi %multiple_of3A_686, %add3A_687 : i32
    %dma_start3A_689 = arith.constant 1 : i32
    %dma_start3A_690 = arith.constant 1 : i32
    %dma_start3A_691 = arith.constant 0 : i32
    %dma_start3A_692 = arith.constant 0 : i32
    %dma_start3A_693 = tpu.memref_slice %arg8[%dma_start3A_689, %dma_start3A_691, %dma_start3A_692] : memref<2x200x128xf32, #tpu.memory_space<vmem>> -> memref<1x128x128xf32, #tpu.memory_space<vmem>>
    %dma_start3A_694 = tpu.memref_squeeze %dma_start3A_693 : memref<1x128x128xf32, #tpu.memory_space<vmem>> -> memref<128x128xf32, #tpu.memory_space<vmem>>
    %dma_start3A_695 = tpu.memref_slice %arg6[%multiple_of3A_686] : memref<12800xi32, #tpu.memory_space<vmem>> -> memref<128xi32, #tpu.memory_space<vmem>>
    %dma_start3A_696 = arith.constant 0 : i32
    %dma_start3A_697 = arith.constant 0 : i32
    %dma_start3A_698 = tpu.memref_slice %arg4[%dma_start3A_696, %dma_start3A_697] : memref<100000x128xf32, #tpu.memory_space<hbm>> -> memref<100000x128xf32, #tpu.memory_space<hbm>>
    %dma_start3A_699 = tpu.memref_slice %arg11[%dma_start3A_690] : memref<2x!tpu.dma_semaphore, #tpu.memory_space<semaphore_mem>> -> memref<1x!tpu.dma_semaphore, #tpu.memory_space<semaphore_mem>>
    %dma_start3A_700 = tpu.memref_squeeze %dma_start3A_699 : memref<1x!tpu.dma_semaphore, #tpu.memory_space<semaphore_mem>> -> memref<!tpu.dma_semaphore, #tpu.memory_space<semaphore_mem>>
    tpu.enqueue_indirect_dma source(%dma_start3A_698 : memref<100000x128xf32, #tpu.memory_space<hbm>>) target(%dma_start3A_694 : memref<128x128xf32, #tpu.memory_space<vmem>>) offsets(%dma_start3A_695 : memref<128xi32, #tpu.memory_space<vmem>>) semaphore(%dma_start3A_700 : memref<!tpu.dma_semaphore, #tpu.memory_space<semaphore_mem>>)
    %dma_start3A_701 = arith.constant 1 : i32
    %dma_start3A_702 = arith.constant 1 : i32
    %dma_start3A_703 = arith.constant 128 : i32
    %dma_start3A_704 = arith.constant 0 : i32
    %dma_start3A_705 = tpu.memref_slice %arg8[%dma_start3A_701, %dma_start3A_703, %dma_start3A_704] : memref<2x200x128xf32, #tpu.memory_space<vmem>> -> memref<1x72x128xf32, #tpu.memory_space<vmem>>
    %dma_start3A_706 = tpu.memref_squeeze %dma_start3A_705 : memref<1x72x128xf32, #tpu.memory_space<vmem>> -> memref<72x128xf32, #tpu.memory_space<vmem>>
    %dma_start3A_707 = tpu.memref_slice %arg6[%add3A_688] : memref<12800xi32, #tpu.memory_space<vmem>> -> memref<72xi32, #tpu.memory_space<vmem>>
    %dma_start3A_708 = arith.constant 0 : i32
    %dma_start3A_709 = arith.constant 0 : i32
    %dma_start3A_710 = tpu.memref_slice %arg4[%dma_start3A_708, %dma_start3A_709] : memref<100000x128xf32, #tpu.memory_space<hbm>> -> memref<100000x128xf32, #tpu.memory_space<hbm>>
    %dma_start3A_711 = tpu.memref_slice %arg11[%dma_start3A_702] : memref<2x!tpu.dma_semaphore, #tpu.memory_space<semaphore_mem>> -> memref<1x!tpu.dma_semaphore, #tpu.memory_space<semaphore_mem>>
    %dma_start3A_712 = tpu.memref_squeeze %dma_start3A_711 : memref<1x!tpu.dma_semaphore, #tpu.memory_space<semaphore_mem>> -> memref<!tpu.dma_semaphore, #tpu.memory_space<semaphore_mem>>
    tpu.enqueue_indirect_dma source(%dma_start3A_710 : memref<100000x128xf32, #tpu.memory_space<hbm>>) target(%dma_start3A_706 : memref<72x128xf32, #tpu.memory_space<vmem>>) offsets(%dma_start3A_707 : memref<72xi32, #tpu.memory_space<vmem>>) semaphore(%dma_start3A_712 : memref<!tpu.dma_semaphore, #tpu.memory_space<semaphore_mem>>)
    %rem3A_713 = arith.constant 126 : i32
    %rem3A_714 = arith.constant 64 : i32
    %rem3A_715 = arith.remsi %rem3A_713, %rem3A_714 : i32
    %mul3A_716 = arith.constant 200 : i32
    %mul3A_717 = arith.muli %rem3A_715, %mul3A_716 : i32
    %multiple_of3A_718 = tpu.assume_multiple %mul3A_717, 8 : i32
    %add3A_719 = arith.constant 128 : i32
    %add3A_720 = arith.addi %multiple_of3A_718, %add3A_719 : i32
    %dma_wait3A_721 = arith.constant 0 : i32
    %dma_wait3A_722 = arith.constant 0 : i32
    %dma_wait3A_723 = arith.constant 0 : i32
    %dma_wait3A_724 = arith.constant 0 : i32
    %dma_wait3A_725 = tpu.memref_slice %arg8[%dma_wait3A_721, %dma_wait3A_723, %dma_wait3A_724] : memref<2x200x128xf32, #tpu.memory_space<vmem>> -> memref<1x128x128xf32, #tpu.memory_space<vmem>>
    %dma_wait3A_726 = tpu.memref_squeeze %dma_wait3A_725 : memref<1x128x128xf32, #tpu.memory_space<vmem>> -> memref<128x128xf32, #tpu.memory_space<vmem>>
    %dma_wait3A_727 = tpu.memref_slice %arg6[%multiple_of3A_718] : memref<12800xi32, #tpu.memory_space<vmem>> -> memref<128xi32, #tpu.memory_space<vmem>>
    %dma_wait3A_728 = arith.constant 0 : i32
    %dma_wait3A_729 = arith.constant 0 : i32
    %dma_wait3A_730 = tpu.memref_slice %arg4[%dma_wait3A_728, %dma_wait3A_729] : memref<100000x128xf32, #tpu.memory_space<hbm>> -> memref<100000x128xf32, #tpu.memory_space<hbm>>
    %dma_wait3A_731 = tpu.memref_slice %arg11[%dma_wait3A_722] : memref<2x!tpu.dma_semaphore, #tpu.memory_space<semaphore_mem>> -> memref<1x!tpu.dma_semaphore, #tpu.memory_space<semaphore_mem>>
    %dma_wait3A_732 = tpu.memref_squeeze %dma_wait3A_731 : memref<1x!tpu.dma_semaphore, #tpu.memory_space<semaphore_mem>> -> memref<!tpu.dma_semaphore, #tpu.memory_space<semaphore_mem>>
    tpu.wait_indirect_dma semaphore(%dma_wait3A_732 : memref<!tpu.dma_semaphore, #tpu.memory_space<semaphore_mem>>) src(%dma_wait3A_730 : memref<100000x128xf32, #tpu.memory_space<hbm>>) dst(%dma_wait3A_726 : memref<128x128xf32, #tpu.memory_space<vmem>>)
    %dma_wait3A_733 = arith.constant 0 : i32
    %dma_wait3A_734 = arith.constant 0 : i32
    %dma_wait3A_735 = arith.constant 128 : i32
    %dma_wait3A_736 = arith.constant 0 : i32
    %dma_wait3A_737 = tpu.memref_slice %arg8[%dma_wait3A_733, %dma_wait3A_735, %dma_wait3A_736] : memref<2x200x128xf32, #tpu.memory_space<vmem>> -> memref<1x72x128xf32, #tpu.memory_space<vmem>>
    %dma_wait3A_738 = tpu.memref_squeeze %dma_wait3A_737 : memref<1x72x128xf32, #tpu.memory_space<vmem>> -> memref<72x128xf32, #tpu.memory_space<vmem>>
    %dma_wait3A_739 = tpu.memref_slice %arg6[%add3A_720] : memref<12800xi32, #tpu.memory_space<vmem>> -> memref<72xi32, #tpu.memory_space<vmem>>
    %dma_wait3A_740 = arith.constant 0 : i32
    %dma_wait3A_741 = arith.constant 0 : i32
    %dma_wait3A_742 = tpu.memref_slice %arg4[%dma_wait3A_740, %dma_wait3A_741] : memref<100000x128xf32, #tpu.memory_space<hbm>> -> memref<100000x128xf32, #tpu.memory_space<hbm>>
    %dma_wait3A_743 = tpu.memref_slice %arg11[%dma_wait3A_734] : memref<2x!tpu.dma_semaphore, #tpu.memory_space<semaphore_mem>> -> memref<1x!tpu.dma_semaphore, #tpu.memory_space<semaphore_mem>>
    %dma_wait3A_744 = tpu.memref_squeeze %dma_wait3A_743 : memref<1x!tpu.dma_semaphore, #tpu.memory_space<semaphore_mem>> -> memref<!tpu.dma_semaphore, #tpu.memory_space<semaphore_mem>>
    tpu.wait_indirect_dma semaphore(%dma_wait3A_744 : memref<!tpu.dma_semaphore, #tpu.memory_space<semaphore_mem>>) src(%dma_wait3A_742 : memref<100000x128xf32, #tpu.memory_space<hbm>>) dst(%dma_wait3A_738 : memref<72x128xf32, #tpu.memory_space<vmem>>)
    %add3A_745 = arith.constant 124 : i32
    %add3A_746 = arith.addi %mul3A_2, %add3A_745 : i32
    %dma_wait3A_747 = arith.constant 0 : i32
    %dma_wait3A_748 = arith.constant 0 : i32
    %dma_wait3A_749 = arith.constant 0 : i32
    %dma_wait3A_750 = arith.constant 0 : i32
    %dma_wait3A_751 = tpu.memref_slice %arg9[%dma_wait3A_747, %dma_wait3A_749, %dma_wait3A_750] : memref<2x200x64xf32, #tpu.memory_space<vmem>> -> memref<1x200x64xf32, #tpu.memory_space<vmem>>
    %dma_wait3A_752 = tpu.memref_squeeze %dma_wait3A_751 : memref<1x200x64xf32, #tpu.memory_space<vmem>> -> memref<200x64xf32, #tpu.memory_space<vmem>>
    %dma_wait3A_753 = arith.constant 0 : i32
    %dma_wait3A_754 = arith.constant 0 : i32
    %dma_wait3A_755 = tpu.memref_slice %arg5[%add3A_746, %dma_wait3A_753, %dma_wait3A_754] : memref<4096x200x64xf32, #tpu.memory_space<hbm>> -> memref<1x200x64xf32, #tpu.memory_space<hbm>>
    %dma_wait3A_756 = tpu.memref_squeeze %dma_wait3A_755 : memref<1x200x64xf32, #tpu.memory_space<hbm>> -> memref<200x64xf32, #tpu.memory_space<hbm>>
    %dma_wait3A_757 = tpu.memref_slice %arg12[%dma_wait3A_748] : memref<2x!tpu.dma_semaphore, #tpu.memory_space<semaphore_mem>> -> memref<1x!tpu.dma_semaphore, #tpu.memory_space<semaphore_mem>>
    %dma_wait3A_758 = tpu.memref_squeeze %dma_wait3A_757 : memref<1x!tpu.dma_semaphore, #tpu.memory_space<semaphore_mem>> -> memref<!tpu.dma_semaphore, #tpu.memory_space<semaphore_mem>>
    %dma_wait3A_759 = arith.constant 0 : i32
    %dma_wait3A_760 = arith.constant 0 : i32
    %dma_wait3A_761 = tpu.memref_slice %arg5[%add3A_746, %dma_wait3A_759, %dma_wait3A_760] : memref<4096x200x64xf32, #tpu.memory_space<hbm>> -> memref<1x200x64xf32, #tpu.memory_space<hbm>>
    %dma_wait3A_762 = tpu.memref_squeeze %dma_wait3A_761 : memref<1x200x64xf32, #tpu.memory_space<hbm>> -> memref<200x64xf32, #tpu.memory_space<hbm>>
    %dma_wait3A_763 = arith.constant 0 : i32
    %dma_wait3A_764 = arith.constant 0 : i32
    %dma_wait3A_765 = tpu.memref_slice %arg9[%dma_wait3A_747, %dma_wait3A_763, %dma_wait3A_764] : memref<2x200x64xf32, #tpu.memory_space<vmem>> -> memref<1x200x64xf32, #tpu.memory_space<vmem>>
    %dma_wait3A_766 = tpu.memref_squeeze %dma_wait3A_765 : memref<1x200x64xf32, #tpu.memory_space<vmem>> -> memref<200x64xf32, #tpu.memory_space<vmem>>
    tpu.wait_dma2 semaphore(%dma_wait3A_758 : memref<!tpu.dma_semaphore, #tpu.memory_space<semaphore_mem>>) src(%dma_wait3A_766 : memref<200x64xf32, #tpu.memory_space<vmem>>) dst(%dma_wait3A_762 : memref<200x64xf32, #tpu.memory_space<hbm>>)
    %parallel_loop3A_767 = arith.constant 0 : i32
    %parallel_loop3A_768 = arith.constant 200 : i32
    %parallel_loop3A_769 = arith.constant 2 : i32
    scf.for %parallel_loop3A_915 = %parallel_loop3A_767 to %parallel_loop3A_768 step %parallel_loop3A_769  : i32 {
      %parallel_loop3A_916 = arith.constant 0 : i32
      %parallel_loop3A_917 = arith.addi %parallel_loop3A_915, %parallel_loop3A_916 : i32
      %parallel_loop3A_918 = arith.constant 0 : i32
      %parallel_loop3A_919 = arith.index_cast %parallel_loop3A_918 : i32 to index
      %parallel_loop3A_920 = arith.index_cast %parallel_loop3A_917 : i32 to index
      %parallel_loop3A_921 = arith.constant 0 : index
      %parallel_loop3A_922 = tpu.vector_load %arg8[%parallel_loop3A_919, %parallel_loop3A_920, %parallel_loop3A_921] {strides = array<i32>} : memref<2x200x128xf32, #tpu.memory_space<vmem>>, vector<1x1x16xf32>,
      %parallel_loop3A_923 = vector.shape_cast %parallel_loop3A_922 : vector<1x1x16xf32> to vector<16xf32>
      %parallel_loop3A_924 = arith.constant 64 : i32
      %parallel_loop3A_925 = arith.muli %parallel_loop3A_917, %parallel_loop3A_924 : i32
      %parallel_loop3A_926 = arith.constant 0 : i32
      %parallel_loop3A_927 = arith.addi %parallel_loop3A_925, %parallel_loop3A_926 : i32
      %parallel_loop3A_928 = arith.index_cast %parallel_loop3A_927 : i32 to index
      %parallel_loop3A_929 = tpu.vector_load %arg7[%parallel_loop3A_928] {strides = array<i32>} : memref<12800xf32, #tpu.memory_space<vmem>>, vector<16xf32>,
      %parallel_loop3A_930 = vector.shape_cast %parallel_loop3A_929 : vector<16xf32> to vector<16xf32>
      %parallel_loop3A_931 = arith.addf %parallel_loop3A_923, %parallel_loop3A_930 : vector<16xf32>
      %parallel_loop3A_932 = arith.constant 0 : i32
      %parallel_loop3A_933 = arith.index_cast %parallel_loop3A_932 : i32 to index
      %parallel_loop3A_934 = arith.index_cast %parallel_loop3A_917 : i32 to index
      %parallel_loop3A_935 = arith.constant 0 : index
      %parallel_loop3A_936 = tpu.vector_load %arg9[%parallel_loop3A_933, %parallel_loop3A_934, %parallel_loop3A_935] {strides = array<i32>} : memref<2x200x64xf32, #tpu.memory_space<vmem>>, vector<1x1x16xf32>,
      %parallel_loop3A_937 = vector.shape_cast %parallel_loop3A_936 : vector<1x1x16xf32> to vector<16xf32>
      %parallel_loop3A_938 = vector.shape_cast %parallel_loop3A_931 : vector<16xf32> to vector<1x1x16xf32>
      tpu.vector_store %arg9[%parallel_loop3A_933, %parallel_loop3A_934, %parallel_loop3A_935], %parallel_loop3A_938 {strides = array<i32>} : memref<2x200x64xf32, #tpu.memory_space<vmem>>, vector<1x1x16xf32>,
      %parallel_loop3A_939 = arith.constant 0 : i32
      %parallel_loop3A_940 = arith.index_cast %parallel_loop3A_939 : i32 to index
      %parallel_loop3A_941 = arith.index_cast %parallel_loop3A_917 : i32 to index
      %parallel_loop3A_942 = arith.constant 16 : index
      %parallel_loop3A_943 = tpu.vector_load %arg8[%parallel_loop3A_940, %parallel_loop3A_941, %parallel_loop3A_942] {strides = array<i32>} : memref<2x200x128xf32, #tpu.memory_space<vmem>>, vector<1x1x16xf32>,
      %parallel_loop3A_944 = vector.shape_cast %parallel_loop3A_943 : vector<1x1x16xf32> to vector<16xf32>
      %parallel_loop3A_945 = arith.constant 64 : i32
      %parallel_loop3A_946 = arith.muli %parallel_loop3A_917, %parallel_loop3A_945 : i32
      %parallel_loop3A_947 = arith.constant 16 : i32
      %parallel_loop3A_948 = arith.addi %parallel_loop3A_946, %parallel_loop3A_947 : i32
      %parallel_loop3A_949 = arith.index_cast %parallel_loop3A_948 : i32 to index
      %parallel_loop3A_950 = tpu.vector_load %arg7[%parallel_loop3A_949] {strides = array<i32>} : memref<12800xf32, #tpu.memory_space<vmem>>, vector<16xf32>,
      %parallel_loop3A_951 = vector.shape_cast %parallel_loop3A_950 : vector<16xf32> to vector<16xf32>
      %parallel_loop3A_952 = arith.addf %parallel_loop3A_944, %parallel_loop3A_951 : vector<16xf32>
      %parallel_loop3A_953 = arith.constant 0 : i32
      %parallel_loop3A_954 = arith.index_cast %parallel_loop3A_953 : i32 to index
      %parallel_loop3A_955 = arith.index_cast %parallel_loop3A_917 : i32 to index
      %parallel_loop3A_956 = arith.constant 16 : index
      %parallel_loop3A_957 = tpu.vector_load %arg9[%parallel_loop3A_954, %parallel_loop3A_955, %parallel_loop3A_956] {strides = array<i32>} : memref<2x200x64xf32, #tpu.memory_space<vmem>>, vector<1x1x16xf32>,
      %parallel_loop3A_958 = vector.shape_cast %parallel_loop3A_957 : vector<1x1x16xf32> to vector<16xf32>
      %parallel_loop3A_959 = vector.shape_cast %parallel_loop3A_952 : vector<16xf32> to vector<1x1x16xf32>
      tpu.vector_store %arg9[%parallel_loop3A_954, %parallel_loop3A_955, %parallel_loop3A_956], %parallel_loop3A_959 {strides = array<i32>} : memref<2x200x64xf32, #tpu.memory_space<vmem>>, vector<1x1x16xf32>,
      %parallel_loop3A_960 = arith.constant 0 : i32
      %parallel_loop3A_961 = arith.index_cast %parallel_loop3A_960 : i32 to index
      %parallel_loop3A_962 = arith.index_cast %parallel_loop3A_917 : i32 to index
      %parallel_loop3A_963 = arith.constant 32 : index
      %parallel_loop3A_964 = tpu.vector_load %arg8[%parallel_loop3A_961, %parallel_loop3A_962, %parallel_loop3A_963] {strides = array<i32>} : memref<2x200x128xf32, #tpu.memory_space<vmem>>, vector<1x1x16xf32>,
      %parallel_loop3A_965 = vector.shape_cast %parallel_loop3A_964 : vector<1x1x16xf32> to vector<16xf32>
      %parallel_loop3A_966 = arith.constant 64 : i32
      %parallel_loop3A_967 = arith.muli %parallel_loop3A_917, %parallel_loop3A_966 : i32
      %parallel_loop3A_968 = arith.constant 32 : i32
      %parallel_loop3A_969 = arith.addi %parallel_loop3A_967, %parallel_loop3A_968 : i32
      %parallel_loop3A_970 = arith.index_cast %parallel_loop3A_969 : i32 to index
      %parallel_loop3A_971 = tpu.vector_load %arg7[%parallel_loop3A_970] {strides = array<i32>} : memref<12800xf32, #tpu.memory_space<vmem>>, vector<16xf32>,
      %parallel_loop3A_972 = vector.shape_cast %parallel_loop3A_971 : vector<16xf32> to vector<16xf32>
      %parallel_loop3A_973 = arith.addf %parallel_loop3A_965, %parallel_loop3A_972 : vector<16xf32>
      %parallel_loop3A_974 = arith.constant 0 : i32
      %parallel_loop3A_975 = arith.index_cast %parallel_loop3A_974 : i32 to index
      %parallel_loop3A_976 = arith.index_cast %parallel_loop3A_917 : i32 to index
      %parallel_loop3A_977 = arith.constant 32 : index
      %parallel_loop3A_978 = tpu.vector_load %arg9[%parallel_loop3A_975, %parallel_loop3A_976, %parallel_loop3A_977] {strides = array<i32>} : memref<2x200x64xf32, #tpu.memory_space<vmem>>, vector<1x1x16xf32>,
      %parallel_loop3A_979 = vector.shape_cast %parallel_loop3A_978 : vector<1x1x16xf32> to vector<16xf32>
      %parallel_loop3A_980 = vector.shape_cast %parallel_loop3A_973 : vector<16xf32> to vector<1x1x16xf32>
      tpu.vector_store %arg9[%parallel_loop3A_975, %parallel_loop3A_976, %parallel_loop3A_977], %parallel_loop3A_980 {strides = array<i32>} : memref<2x200x64xf32, #tpu.memory_space<vmem>>, vector<1x1x16xf32>,
      %parallel_loop3A_981 = arith.constant 0 : i32
      %parallel_loop3A_982 = arith.index_cast %parallel_loop3A_981 : i32 to index
      %parallel_loop3A_983 = arith.index_cast %parallel_loop3A_917 : i32 to index
      %parallel_loop3A_984 = arith.constant 48 : index
      %parallel_loop3A_985 = tpu.vector_load %arg8[%parallel_loop3A_982, %parallel_loop3A_983, %parallel_loop3A_984] {strides = array<i32>} : memref<2x200x128xf32, #tpu.memory_space<vmem>>, vector<1x1x16xf32>,
      %parallel_loop3A_986 = vector.shape_cast %parallel_loop3A_985 : vector<1x1x16xf32> to vector<16xf32>
      %parallel_loop3A_987 = arith.constant 64 : i32
      %parallel_loop3A_988 = arith.muli %parallel_loop3A_917, %parallel_loop3A_987 : i32
      %parallel_loop3A_989 = arith.constant 48 : i32
      %parallel_loop3A_990 = arith.addi %parallel_loop3A_988, %parallel_loop3A_989 : i32
      %parallel_loop3A_991 = arith.index_cast %parallel_loop3A_990 : i32 to index
      %parallel_loop3A_992 = tpu.vector_load %arg7[%parallel_loop3A_991] {strides = array<i32>} : memref<12800xf32, #tpu.memory_space<vmem>>, vector<16xf32>,
      %parallel_loop3A_993 = vector.shape_cast %parallel_loop3A_992 : vector<16xf32> to vector<16xf32>
      %parallel_loop3A_994 = arith.addf %parallel_loop3A_986, %parallel_loop3A_993 : vector<16xf32>
      %parallel_loop3A_995 = arith.constant 0 : i32
      %parallel_loop3A_996 = arith.index_cast %parallel_loop3A_995 : i32 to index
      %parallel_loop3A_997 = arith.index_cast %parallel_loop3A_917 : i32 to index
      %parallel_loop3A_998 = arith.constant 48 : index
      %parallel_loop3A_999 = tpu.vector_load %arg9[%parallel_loop3A_996, %parallel_loop3A_997, %parallel_loop3A_998] {strides = array<i32>} : memref<2x200x64xf32, #tpu.memory_space<vmem>>, vector<1x1x16xf32>,
      %parallel_loop3A_1000 = vector.shape_cast %parallel_loop3A_999 : vector<1x1x16xf32> to vector<16xf32>
      %parallel_loop3A_1001 = vector.shape_cast %parallel_loop3A_994 : vector<16xf32> to vector<1x1x16xf32>
      tpu.vector_store %arg9[%parallel_loop3A_996, %parallel_loop3A_997, %parallel_loop3A_998], %parallel_loop3A_1001 {strides = array<i32>} : memref<2x200x64xf32, #tpu.memory_space<vmem>>, vector<1x1x16xf32>,
      %parallel_loop3A_1002 = arith.constant 1 : i32
      %parallel_loop3A_1003 = arith.addi %parallel_loop3A_915, %parallel_loop3A_1002 : i32
      %parallel_loop3A_1004 = arith.constant 0 : i32
      %parallel_loop3A_1005 = arith.index_cast %parallel_loop3A_1004 : i32 to index
      %parallel_loop3A_1006 = arith.index_cast %parallel_loop3A_1003 : i32 to index
      %parallel_loop3A_1007 = arith.constant 0 : index
      %parallel_loop3A_1008 = tpu.vector_load %arg8[%parallel_loop3A_1005, %parallel_loop3A_1006, %parallel_loop3A_1007] {strides = array<i32>} : memref<2x200x128xf32, #tpu.memory_space<vmem>>, vector<1x1x16xf32>,
      %parallel_loop3A_1009 = vector.shape_cast %parallel_loop3A_1008 : vector<1x1x16xf32> to vector<16xf32>
      %parallel_loop3A_1010 = arith.constant 64 : i32
      %parallel_loop3A_1011 = arith.muli %parallel_loop3A_1003, %parallel_loop3A_1010 : i32
      %parallel_loop3A_1012 = arith.constant 0 : i32
      %parallel_loop3A_1013 = arith.addi %parallel_loop3A_1011, %parallel_loop3A_1012 : i32
      %parallel_loop3A_1014 = arith.index_cast %parallel_loop3A_1013 : i32 to index
      %parallel_loop3A_1015 = tpu.vector_load %arg7[%parallel_loop3A_1014] {strides = array<i32>} : memref<12800xf32, #tpu.memory_space<vmem>>, vector<16xf32>,
      %parallel_loop3A_1016 = vector.shape_cast %parallel_loop3A_1015 : vector<16xf32> to vector<16xf32>
      %parallel_loop3A_1017 = arith.addf %parallel_loop3A_1009, %parallel_loop3A_1016 : vector<16xf32>
      %parallel_loop3A_1018 = arith.constant 0 : i32
      %parallel_loop3A_1019 = arith.index_cast %parallel_loop3A_1018 : i32 to index
      %parallel_loop3A_1020 = arith.index_cast %parallel_loop3A_1003 : i32 to index
      %parallel_loop3A_1021 = arith.constant 0 : index
      %parallel_loop3A_1022 = tpu.vector_load %arg9[%parallel_loop3A_1019, %parallel_loop3A_1020, %parallel_loop3A_1021] {strides = array<i32>} : memref<2x200x64xf32, #tpu.memory_space<vmem>>, vector<1x1x16xf32>,
      %parallel_loop3A_1023 = vector.shape_cast %parallel_loop3A_1022 : vector<1x1x16xf32> to vector<16xf32>
      %parallel_loop3A_1024 = vector.shape_cast %parallel_loop3A_1017 : vector<16xf32> to vector<1x1x16xf32>
      tpu.vector_store %arg9[%parallel_loop3A_1019, %parallel_loop3A_1020, %parallel_loop3A_1021], %parallel_loop3A_1024 {strides = array<i32>} : memref<2x200x64xf32, #tpu.memory_space<vmem>>, vector<1x1x16xf32>,
      %parallel_loop3A_1025 = arith.constant 0 : i32
      %parallel_loop3A_1026 = arith.index_cast %parallel_loop3A_1025 : i32 to index
      %parallel_loop3A_1027 = arith.index_cast %parallel_loop3A_1003 : i32 to index
      %parallel_loop3A_1028 = arith.constant 16 : index
      %parallel_loop3A_1029 = tpu.vector_load %arg8[%parallel_loop3A_1026, %parallel_loop3A_1027, %parallel_loop3A_1028] {strides = array<i32>} : memref<2x200x128xf32, #tpu.memory_space<vmem>>, vector<1x1x16xf32>,
      %parallel_loop3A_1030 = vector.shape_cast %parallel_loop3A_1029 : vector<1x1x16xf32> to vector<16xf32>
      %parallel_loop3A_1031 = arith.constant 64 : i32
      %parallel_loop3A_1032 = arith.muli %parallel_loop3A_1003, %parallel_loop3A_1031 : i32
      %parallel_loop3A_1033 = arith.constant 16 : i32
      %parallel_loop3A_1034 = arith.addi %parallel_loop3A_1032, %parallel_loop3A_1033 : i32
      %parallel_loop3A_1035 = arith.index_cast %parallel_loop3A_1034 : i32 to index
      %parallel_loop3A_1036 = tpu.vector_load %arg7[%parallel_loop3A_1035] {strides = array<i32>} : memref<12800xf32, #tpu.memory_space<vmem>>, vector<16xf32>,
      %parallel_loop3A_1037 = vector.shape_cast %parallel_loop3A_1036 : vector<16xf32> to vector<16xf32>
      %parallel_loop3A_1038 = arith.addf %parallel_loop3A_1030, %parallel_loop3A_1037 : vector<16xf32>
      %parallel_loop3A_1039 = arith.constant 0 : i32
      %parallel_loop3A_1040 = arith.index_cast %parallel_loop3A_1039 : i32 to index
      %parallel_loop3A_1041 = arith.index_cast %parallel_loop3A_1003 : i32 to index
      %parallel_loop3A_1042 = arith.constant 16 : index
      %parallel_loop3A_1043 = tpu.vector_load %arg9[%parallel_loop3A_1040, %parallel_loop3A_1041, %parallel_loop3A_1042] {strides = array<i32>} : memref<2x200x64xf32, #tpu.memory_space<vmem>>, vector<1x1x16xf32>,
      %parallel_loop3A_1044 = vector.shape_cast %parallel_loop3A_1043 : vector<1x1x16xf32> to vector<16xf32>
      %parallel_loop3A_1045 = vector.shape_cast %parallel_loop3A_1038 : vector<16xf32> to vector<1x1x16xf32>
      tpu.vector_store %arg9[%parallel_loop3A_1040, %parallel_loop3A_1041, %parallel_loop3A_1042], %parallel_loop3A_1045 {strides = array<i32>} : memref<2x200x64xf32, #tpu.memory_space<vmem>>, vector<1x1x16xf32>,
      %parallel_loop3A_1046 = arith.constant 0 : i32
      %parallel_loop3A_1047 = arith.index_cast %parallel_loop3A_1046 : i32 to index
      %parallel_loop3A_1048 = arith.index_cast %parallel_loop3A_1003 : i32 to index
      %parallel_loop3A_1049 = arith.constant 32 : index
      %parallel_loop3A_1050 = tpu.vector_load %arg8[%parallel_loop3A_1047, %parallel_loop3A_1048, %parallel_loop3A_1049] {strides = array<i32>} : memref<2x200x128xf32, #tpu.memory_space<vmem>>, vector<1x1x16xf32>,
      %parallel_loop3A_1051 = vector.shape_cast %parallel_loop3A_1050 : vector<1x1x16xf32> to vector<16xf32>
      %parallel_loop3A_1052 = arith.constant 64 : i32
      %parallel_loop3A_1053 = arith.muli %parallel_loop3A_1003, %parallel_loop3A_1052 : i32
      %parallel_loop3A_1054 = arith.constant 32 : i32
      %parallel_loop3A_1055 = arith.addi %parallel_loop3A_1053, %parallel_loop3A_1054 : i32
      %parallel_loop3A_1056 = arith.index_cast %parallel_loop3A_1055 : i32 to index
      %parallel_loop3A_1057 = tpu.vector_load %arg7[%parallel_loop3A_1056] {strides = array<i32>} : memref<12800xf32, #tpu.memory_space<vmem>>, vector<16xf32>,
      %parallel_loop3A_1058 = vector.shape_cast %parallel_loop3A_1057 : vector<16xf32> to vector<16xf32>
      %parallel_loop3A_1059 = arith.addf %parallel_loop3A_1051, %parallel_loop3A_1058 : vector<16xf32>
      %parallel_loop3A_1060 = arith.constant 0 : i32
      %parallel_loop3A_1061 = arith.index_cast %parallel_loop3A_1060 : i32 to index
      %parallel_loop3A_1062 = arith.index_cast %parallel_loop3A_1003 : i32 to index
      %parallel_loop3A_1063 = arith.constant 32 : index
      %parallel_loop3A_1064 = tpu.vector_load %arg9[%parallel_loop3A_1061, %parallel_loop3A_1062, %parallel_loop3A_1063] {strides = array<i32>} : memref<2x200x64xf32, #tpu.memory_space<vmem>>, vector<1x1x16xf32>,
      %parallel_loop3A_1065 = vector.shape_cast %parallel_loop3A_1064 : vector<1x1x16xf32> to vector<16xf32>
      %parallel_loop3A_1066 = vector.shape_cast %parallel_loop3A_1059 : vector<16xf32> to vector<1x1x16xf32>
      tpu.vector_store %arg9[%parallel_loop3A_1061, %parallel_loop3A_1062, %parallel_loop3A_1063], %parallel_loop3A_1066 {strides = array<i32>} : memref<2x200x64xf32, #tpu.memory_space<vmem>>, vector<1x1x16xf32>,
      %parallel_loop3A_1067 = arith.constant 0 : i32
      %parallel_loop3A_1068 = arith.index_cast %parallel_loop3A_1067 : i32 to index
      %parallel_loop3A_1069 = arith.index_cast %parallel_loop3A_1003 : i32 to index
      %parallel_loop3A_1070 = arith.constant 48 : index
      %parallel_loop3A_1071 = tpu.vector_load %arg8[%parallel_loop3A_1068, %parallel_loop3A_1069, %parallel_loop3A_1070] {strides = array<i32>} : memref<2x200x128xf32, #tpu.memory_space<vmem>>, vector<1x1x16xf32>,
      %parallel_loop3A_1072 = vector.shape_cast %parallel_loop3A_1071 : vector<1x1x16xf32> to vector<16xf32>
      %parallel_loop3A_1073 = arith.constant 64 : i32
      %parallel_loop3A_1074 = arith.muli %parallel_loop3A_1003, %parallel_loop3A_1073 : i32
      %parallel_loop3A_1075 = arith.constant 48 : i32
      %parallel_loop3A_1076 = arith.addi %parallel_loop3A_1074, %parallel_loop3A_1075 : i32
      %parallel_loop3A_1077 = arith.index_cast %parallel_loop3A_1076 : i32 to index
      %parallel_loop3A_1078 = tpu.vector_load %arg7[%parallel_loop3A_1077] {strides = array<i32>} : memref<12800xf32, #tpu.memory_space<vmem>>, vector<16xf32>,
      %parallel_loop3A_1079 = vector.shape_cast %parallel_loop3A_1078 : vector<16xf32> to vector<16xf32>
      %parallel_loop3A_1080 = arith.addf %parallel_loop3A_1072, %parallel_loop3A_1079 : vector<16xf32>
      %parallel_loop3A_1081 = arith.constant 0 : i32
      %parallel_loop3A_1082 = arith.index_cast %parallel_loop3A_1081 : i32 to index
      %parallel_loop3A_1083 = arith.index_cast %parallel_loop3A_1003 : i32 to index
      %parallel_loop3A_1084 = arith.constant 48 : index
      %parallel_loop3A_1085 = tpu.vector_load %arg9[%parallel_loop3A_1082, %parallel_loop3A_1083, %parallel_loop3A_1084] {strides = array<i32>} : memref<2x200x64xf32, #tpu.memory_space<vmem>>, vector<1x1x16xf32>,
      %parallel_loop3A_1086 = vector.shape_cast %parallel_loop3A_1085 : vector<1x1x16xf32> to vector<16xf32>
      %parallel_loop3A_1087 = vector.shape_cast %parallel_loop3A_1080 : vector<16xf32> to vector<1x1x16xf32>
      tpu.vector_store %arg9[%parallel_loop3A_1082, %parallel_loop3A_1083, %parallel_loop3A_1084], %parallel_loop3A_1087 {strides = array<i32>} : memref<2x200x64xf32, #tpu.memory_space<vmem>>, vector<1x1x16xf32>,
    } {sc.loop_unroll_factor = 1 : i64, sc.parallel_access}
    %add3A_770 = arith.constant 126 : i32
    %add3A_771 = arith.addi %mul3A_2, %add3A_770 : i32
    %dma_start3A_772 = arith.constant 0 : i32
    %dma_start3A_773 = arith.constant 0 : i32
    %dma_start3A_774 = arith.constant 0 : i32
    %dma_start3A_775 = arith.constant 0 : i32
    %dma_start3A_776 = tpu.memref_slice %arg9[%dma_start3A_772, %dma_start3A_774, %dma_start3A_775] : memref<2x200x64xf32, #tpu.memory_space<vmem>> -> memref<1x200x64xf32, #tpu.memory_space<vmem>>
    %dma_start3A_777 = tpu.memref_squeeze %dma_start3A_776 : memref<1x200x64xf32, #tpu.memory_space<vmem>> -> memref<200x64xf32, #tpu.memory_space<vmem>>
    %dma_start3A_778 = arith.constant 0 : i32
    %dma_start3A_779 = arith.constant 0 : i32
    %dma_start3A_780 = tpu.memref_slice %arg5[%add3A_771, %dma_start3A_778, %dma_start3A_779] : memref<4096x200x64xf32, #tpu.memory_space<hbm>> -> memref<1x200x64xf32, #tpu.memory_space<hbm>>
    %dma_start3A_781 = tpu.memref_squeeze %dma_start3A_780 : memref<1x200x64xf32, #tpu.memory_space<hbm>> -> memref<200x64xf32, #tpu.memory_space<hbm>>
    %dma_start3A_782 = tpu.memref_slice %arg12[%dma_start3A_773] : memref<2x!tpu.dma_semaphore, #tpu.memory_space<semaphore_mem>> -> memref<1x!tpu.dma_semaphore, #tpu.memory_space<semaphore_mem>>
    %dma_start3A_783 = tpu.memref_squeeze %dma_start3A_782 : memref<1x!tpu.dma_semaphore, #tpu.memory_space<semaphore_mem>> -> memref<!tpu.dma_semaphore, #tpu.memory_space<semaphore_mem>>
    %dma_start3A_784 = arith.constant 0 : i32
    %dma_start3A_785 = arith.constant 0 : i32
    %dma_start3A_786 = tpu.memref_slice %arg5[%add3A_771, %dma_start3A_784, %dma_start3A_785] : memref<4096x200x64xf32, #tpu.memory_space<hbm>> -> memref<1x200x64xf32, #tpu.memory_space<hbm>>
    %dma_start3A_787 = tpu.memref_squeeze %dma_start3A_786 : memref<1x200x64xf32, #tpu.memory_space<hbm>> -> memref<200x64xf32, #tpu.memory_space<hbm>>
    %dma_start3A_788 = arith.constant 0 : i32
    %dma_start3A_789 = arith.constant 0 : i32
    %dma_start3A_790 = tpu.memref_slice %arg9[%dma_start3A_772, %dma_start3A_788, %dma_start3A_789] : memref<2x200x64xf32, #tpu.memory_space<vmem>> -> memref<1x200x64xf32, #tpu.memory_space<vmem>>
    %dma_start3A_791 = tpu.memref_squeeze %dma_start3A_790 : memref<1x200x64xf32, #tpu.memory_space<vmem>> -> memref<200x64xf32, #tpu.memory_space<vmem>>
    tpu.enqueue_dma source(%dma_start3A_791 : memref<200x64xf32, #tpu.memory_space<vmem>>) target(%dma_start3A_787 : memref<200x64xf32, #tpu.memory_space<hbm>>) target_semaphore(%dma_start3A_783 : memref<!tpu.dma_semaphore, #tpu.memory_space<semaphore_mem>>)
    %rem3A_792 = arith.constant 127 : i32
    %rem3A_793 = arith.constant 64 : i32
    %rem3A_794 = arith.remsi %rem3A_792, %rem3A_793 : i32
    %mul3A_795 = arith.constant 200 : i32
    %mul3A_796 = arith.muli %rem3A_794, %mul3A_795 : i32
    %multiple_of3A_797 = tpu.assume_multiple %mul3A_796, 8 : i32
    %add3A_798 = arith.constant 128 : i32
    %add3A_799 = arith.addi %multiple_of3A_797, %add3A_798 : i32
    %dma_wait3A_800 = arith.constant 1 : i32
    %dma_wait3A_801 = arith.constant 1 : i32
    %dma_wait3A_802 = arith.constant 0 : i32
    %dma_wait3A_803 = arith.constant 0 : i32
    %dma_wait3A_804 = tpu.memref_slice %arg8[%dma_wait3A_800, %dma_wait3A_802, %dma_wait3A_803] : memref<2x200x128xf32, #tpu.memory_space<vmem>> -> memref<1x128x128xf32, #tpu.memory_space<vmem>>
    %dma_wait3A_805 = tpu.memref_squeeze %dma_wait3A_804 : memref<1x128x128xf32, #tpu.memory_space<vmem>> -> memref<128x128xf32, #tpu.memory_space<vmem>>
    %dma_wait3A_806 = tpu.memref_slice %arg6[%multiple_of3A_797] : memref<12800xi32, #tpu.memory_space<vmem>> -> memref<128xi32, #tpu.memory_space<vmem>>
    %dma_wait3A_807 = arith.constant 0 : i32
    %dma_wait3A_808 = arith.constant 0 : i32
    %dma_wait3A_809 = tpu.memref_slice %arg4[%dma_wait3A_807, %dma_wait3A_808] : memref<100000x128xf32, #tpu.memory_space<hbm>> -> memref<100000x128xf32, #tpu.memory_space<hbm>>
    %dma_wait3A_810 = tpu.memref_slice %arg11[%dma_wait3A_801] : memref<2x!tpu.dma_semaphore, #tpu.memory_space<semaphore_mem>> -> memref<1x!tpu.dma_semaphore, #tpu.memory_space<semaphore_mem>>
    %dma_wait3A_811 = tpu.memref_squeeze %dma_wait3A_810 : memref<1x!tpu.dma_semaphore, #tpu.memory_space<semaphore_mem>> -> memref<!tpu.dma_semaphore, #tpu.memory_space<semaphore_mem>>
    tpu.wait_indirect_dma semaphore(%dma_wait3A_811 : memref<!tpu.dma_semaphore, #tpu.memory_space<semaphore_mem>>) src(%dma_wait3A_809 : memref<100000x128xf32, #tpu.memory_space<hbm>>) dst(%dma_wait3A_805 : memref<128x128xf32, #tpu.memory_space<vmem>>)
    %dma_wait3A_812 = arith.constant 1 : i32
    %dma_wait3A_813 = arith.constant 1 : i32
    %dma_wait3A_814 = arith.constant 128 : i32
    %dma_wait3A_815 = arith.constant 0 : i32
    %dma_wait3A_816 = tpu.memref_slice %arg8[%dma_wait3A_812, %dma_wait3A_814, %dma_wait3A_815] : memref<2x200x128xf32, #tpu.memory_space<vmem>> -> memref<1x72x128xf32, #tpu.memory_space<vmem>>
    %dma_wait3A_817 = tpu.memref_squeeze %dma_wait3A_816 : memref<1x72x128xf32, #tpu.memory_space<vmem>> -> memref<72x128xf32, #tpu.memory_space<vmem>>
    %dma_wait3A_818 = tpu.memref_slice %arg6[%add3A_799] : memref<12800xi32, #tpu.memory_space<vmem>> -> memref<72xi32, #tpu.memory_space<vmem>>
    %dma_wait3A_819 = arith.constant 0 : i32
    %dma_wait3A_820 = arith.constant 0 : i32
    %dma_wait3A_821 = tpu.memref_slice %arg4[%dma_wait3A_819, %dma_wait3A_820] : memref<100000x128xf32, #tpu.memory_space<hbm>> -> memref<100000x128xf32, #tpu.memory_space<hbm>>
    %dma_wait3A_822 = tpu.memref_slice %arg11[%dma_wait3A_813] : memref<2x!tpu.dma_semaphore, #tpu.memory_space<semaphore_mem>> -> memref<1x!tpu.dma_semaphore, #tpu.memory_space<semaphore_mem>>
    %dma_wait3A_823 = tpu.memref_squeeze %dma_wait3A_822 : memref<1x!tpu.dma_semaphore, #tpu.memory_space<semaphore_mem>> -> memref<!tpu.dma_semaphore, #tpu.memory_space<semaphore_mem>>
    tpu.wait_indirect_dma semaphore(%dma_wait3A_823 : memref<!tpu.dma_semaphore, #tpu.memory_space<semaphore_mem>>) src(%dma_wait3A_821 : memref<100000x128xf32, #tpu.memory_space<hbm>>) dst(%dma_wait3A_817 : memref<72x128xf32, #tpu.memory_space<vmem>>)
    %add3A_824 = arith.constant 125 : i32
    %add3A_825 = arith.addi %mul3A_2, %add3A_824 : i32
    %dma_wait3A_826 = arith.constant 1 : i32
    %dma_wait3A_827 = arith.constant 1 : i32
    %dma_wait3A_828 = arith.constant 0 : i32
    %dma_wait3A_829 = arith.constant 0 : i32
    %dma_wait3A_830 = tpu.memref_slice %arg9[%dma_wait3A_826, %dma_wait3A_828, %dma_wait3A_829] : memref<2x200x64xf32, #tpu.memory_space<vmem>> -> memref<1x200x64xf32, #tpu.memory_space<vmem>>
    %dma_wait3A_831 = tpu.memref_squeeze %dma_wait3A_830 : memref<1x200x64xf32, #tpu.memory_space<vmem>> -> memref<200x64xf32, #tpu.memory_space<vmem>>
    %dma_wait3A_832 = arith.constant 0 : i32
    %dma_wait3A_833 = arith.constant 0 : i32
    %dma_wait3A_834 = tpu.memref_slice %arg5[%add3A_825, %dma_wait3A_832, %dma_wait3A_833] : memref<4096x200x64xf32, #tpu.memory_space<hbm>> -> memref<1x200x64xf32, #tpu.memory_space<hbm>>
    %dma_wait3A_835 = tpu.memref_squeeze %dma_wait3A_834 : memref<1x200x64xf32, #tpu.memory_space<hbm>> -> memref<200x64xf32, #tpu.memory_space<hbm>>
    %dma_wait3A_836 = tpu.memref_slice %arg12[%dma_wait3A_827] : memref<2x!tpu.dma_semaphore, #tpu.memory_space<semaphore_mem>> -> memref<1x!tpu.dma_semaphore, #tpu.memory_space<semaphore_mem>>
    %dma_wait3A_837 = tpu.memref_squeeze %dma_wait3A_836 : memref<1x!tpu.dma_semaphore, #tpu.memory_space<semaphore_mem>> -> memref<!tpu.dma_semaphore, #tpu.memory_space<semaphore_mem>>
    %dma_wait3A_838 = arith.constant 0 : i32
    %dma_wait3A_839 = arith.constant 0 : i32
    %dma_wait3A_840 = tpu.memref_slice %arg5[%add3A_825, %dma_wait3A_838, %dma_wait3A_839] : memref<4096x200x64xf32, #tpu.memory_space<hbm>> -> memref<1x200x64xf32, #tpu.memory_space<hbm>>
    %dma_wait3A_841 = tpu.memref_squeeze %dma_wait3A_840 : memref<1x200x64xf32, #tpu.memory_space<hbm>> -> memref<200x64xf32, #tpu.memory_space<hbm>>
    %dma_wait3A_842 = arith.constant 0 : i32
    %dma_wait3A_843 = arith.constant 0 : i32
    %dma_wait3A_844 = tpu.memref_slice %arg9[%dma_wait3A_826, %dma_wait3A_842, %dma_wait3A_843] : memref<2x200x64xf32, #tpu.memory_space<vmem>> -> memref<1x200x64xf32, #tpu.memory_space<vmem>>
    %dma_wait3A_845 = tpu.memref_squeeze %dma_wait3A_844 : memref<1x200x64xf32, #tpu.memory_space<vmem>> -> memref<200x64xf32, #tpu.memory_space<vmem>>
    tpu.wait_dma2 semaphore(%dma_wait3A_837 : memref<!tpu.dma_semaphore, #tpu.memory_space<semaphore_mem>>) src(%dma_wait3A_845 : memref<200x64xf32, #tpu.memory_space<vmem>>) dst(%dma_wait3A_841 : memref<200x64xf32, #tpu.memory_space<hbm>>)
    %parallel_loop3A_846 = arith.constant 0 : i32
    %parallel_loop3A_847 = arith.constant 200 : i32
    %parallel_loop3A_848 = arith.constant 2 : i32
    scf.for %parallel_loop3A_915 = %parallel_loop3A_846 to %parallel_loop3A_847 step %parallel_loop3A_848  : i32 {
      %parallel_loop3A_916 = arith.constant 0 : i32
      %parallel_loop3A_917 = arith.addi %parallel_loop3A_915, %parallel_loop3A_916 : i32
      %parallel_loop3A_918 = arith.constant 1 : i32
      %parallel_loop3A_919 = arith.index_cast %parallel_loop3A_918 : i32 to index
      %parallel_loop3A_920 = arith.index_cast %parallel_loop3A_917 : i32 to index
      %parallel_loop3A_921 = arith.constant 0 : index
      %parallel_loop3A_922 = tpu.vector_load %arg8[%parallel_loop3A_919, %parallel_loop3A_920, %parallel_loop3A_921] {strides = array<i32>} : memref<2x200x128xf32, #tpu.memory_space<vmem>>, vector<1x1x16xf32>,
      %parallel_loop3A_923 = vector.shape_cast %parallel_loop3A_922 : vector<1x1x16xf32> to vector<16xf32>
      %parallel_loop3A_924 = arith.constant 64 : i32
      %parallel_loop3A_925 = arith.muli %parallel_loop3A_917, %parallel_loop3A_924 : i32
      %parallel_loop3A_926 = arith.constant 0 : i32
      %parallel_loop3A_927 = arith.addi %parallel_loop3A_925, %parallel_loop3A_926 : i32
      %parallel_loop3A_928 = arith.index_cast %parallel_loop3A_927 : i32 to index
      %parallel_loop3A_929 = tpu.vector_load %arg7[%parallel_loop3A_928] {strides = array<i32>} : memref<12800xf32, #tpu.memory_space<vmem>>, vector<16xf32>,
      %parallel_loop3A_930 = vector.shape_cast %parallel_loop3A_929 : vector<16xf32> to vector<16xf32>
      %parallel_loop3A_931 = arith.addf %parallel_loop3A_923, %parallel_loop3A_930 : vector<16xf32>
      %parallel_loop3A_932 = arith.constant 1 : i32
      %parallel_loop3A_933 = arith.index_cast %parallel_loop3A_932 : i32 to index
      %parallel_loop3A_934 = arith.index_cast %parallel_loop3A_917 : i32 to index
      %parallel_loop3A_935 = arith.constant 0 : index
      %parallel_loop3A_936 = tpu.vector_load %arg9[%parallel_loop3A_933, %parallel_loop3A_934, %parallel_loop3A_935] {strides = array<i32>} : memref<2x200x64xf32, #tpu.memory_space<vmem>>, vector<1x1x16xf32>,
      %parallel_loop3A_937 = vector.shape_cast %parallel_loop3A_936 : vector<1x1x16xf32> to vector<16xf32>
      %parallel_loop3A_938 = vector.shape_cast %parallel_loop3A_931 : vector<16xf32> to vector<1x1x16xf32>
      tpu.vector_store %arg9[%parallel_loop3A_933, %parallel_loop3A_934, %parallel_loop3A_935], %parallel_loop3A_938 {strides = array<i32>} : memref<2x200x64xf32, #tpu.memory_space<vmem>>, vector<1x1x16xf32>,
      %parallel_loop3A_939 = arith.constant 1 : i32
      %parallel_loop3A_940 = arith.index_cast %parallel_loop3A_939 : i32 to index
      %parallel_loop3A_941 = arith.index_cast %parallel_loop3A_917 : i32 to index
      %parallel_loop3A_942 = arith.constant 16 : index
      %parallel_loop3A_943 = tpu.vector_load %arg8[%parallel_loop3A_940, %parallel_loop3A_941, %parallel_loop3A_942] {strides = array<i32>} : memref<2x200x128xf32, #tpu.memory_space<vmem>>, vector<1x1x16xf32>,
      %parallel_loop3A_944 = vector.shape_cast %parallel_loop3A_943 : vector<1x1x16xf32> to vector<16xf32>
      %parallel_loop3A_945 = arith.constant 64 : i32
      %parallel_loop3A_946 = arith.muli %parallel_loop3A_917, %parallel_loop3A_945 : i32
      %parallel_loop3A_947 = arith.constant 16 : i32
      %parallel_loop3A_948 = arith.addi %parallel_loop3A_946, %parallel_loop3A_947 : i32
      %parallel_loop3A_949 = arith.index_cast %parallel_loop3A_948 : i32 to index
      %parallel_loop3A_950 = tpu.vector_load %arg7[%parallel_loop3A_949] {strides = array<i32>} : memref<12800xf32, #tpu.memory_space<vmem>>, vector<16xf32>,
      %parallel_loop3A_951 = vector.shape_cast %parallel_loop3A_950 : vector<16xf32> to vector<16xf32>
      %parallel_loop3A_952 = arith.addf %parallel_loop3A_944, %parallel_loop3A_951 : vector<16xf32>
      %parallel_loop3A_953 = arith.constant 1 : i32
      %parallel_loop3A_954 = arith.index_cast %parallel_loop3A_953 : i32 to index
      %parallel_loop3A_955 = arith.index_cast %parallel_loop3A_917 : i32 to index
      %parallel_loop3A_956 = arith.constant 16 : index
      %parallel_loop3A_957 = tpu.vector_load %arg9[%parallel_loop3A_954, %parallel_loop3A_955, %parallel_loop3A_956] {strides = array<i32>} : memref<2x200x64xf32, #tpu.memory_space<vmem>>, vector<1x1x16xf32>,
      %parallel_loop3A_958 = vector.shape_cast %parallel_loop3A_957 : vector<1x1x16xf32> to vector<16xf32>
      %parallel_loop3A_959 = vector.shape_cast %parallel_loop3A_952 : vector<16xf32> to vector<1x1x16xf32>
      tpu.vector_store %arg9[%parallel_loop3A_954, %parallel_loop3A_955, %parallel_loop3A_956], %parallel_loop3A_959 {strides = array<i32>} : memref<2x200x64xf32, #tpu.memory_space<vmem>>, vector<1x1x16xf32>,
      %parallel_loop3A_960 = arith.constant 1 : i32
      %parallel_loop3A_961 = arith.index_cast %parallel_loop3A_960 : i32 to index
      %parallel_loop3A_962 = arith.index_cast %parallel_loop3A_917 : i32 to index
      %parallel_loop3A_963 = arith.constant 32 : index
      %parallel_loop3A_964 = tpu.vector_load %arg8[%parallel_loop3A_961, %parallel_loop3A_962, %parallel_loop3A_963] {strides = array<i32>} : memref<2x200x128xf32, #tpu.memory_space<vmem>>, vector<1x1x16xf32>,
      %parallel_loop3A_965 = vector.shape_cast %parallel_loop3A_964 : vector<1x1x16xf32> to vector<16xf32>
      %parallel_loop3A_966 = arith.constant 64 : i32
      %parallel_loop3A_967 = arith.muli %parallel_loop3A_917, %parallel_loop3A_966 : i32
      %parallel_loop3A_968 = arith.constant 32 : i32
      %parallel_loop3A_969 = arith.addi %parallel_loop3A_967, %parallel_loop3A_968 : i32
      %parallel_loop3A_970 = arith.index_cast %parallel_loop3A_969 : i32 to index
      %parallel_loop3A_971 = tpu.vector_load %arg7[%parallel_loop3A_970] {strides = array<i32>} : memref<12800xf32, #tpu.memory_space<vmem>>, vector<16xf32>,
      %parallel_loop3A_972 = vector.shape_cast %parallel_loop3A_971 : vector<16xf32> to vector<16xf32>
      %parallel_loop3A_973 = arith.addf %parallel_loop3A_965, %parallel_loop3A_972 : vector<16xf32>
      %parallel_loop3A_974 = arith.constant 1 : i32
      %parallel_loop3A_975 = arith.index_cast %parallel_loop3A_974 : i32 to index
      %parallel_loop3A_976 = arith.index_cast %parallel_loop3A_917 : i32 to index
      %parallel_loop3A_977 = arith.constant 32 : index
      %parallel_loop3A_978 = tpu.vector_load %arg9[%parallel_loop3A_975, %parallel_loop3A_976, %parallel_loop3A_977] {strides = array<i32>} : memref<2x200x64xf32, #tpu.memory_space<vmem>>, vector<1x1x16xf32>,
      %parallel_loop3A_979 = vector.shape_cast %parallel_loop3A_978 : vector<1x1x16xf32> to vector<16xf32>
      %parallel_loop3A_980 = vector.shape_cast %parallel_loop3A_973 : vector<16xf32> to vector<1x1x16xf32>
      tpu.vector_store %arg9[%parallel_loop3A_975, %parallel_loop3A_976, %parallel_loop3A_977], %parallel_loop3A_980 {strides = array<i32>} : memref<2x200x64xf32, #tpu.memory_space<vmem>>, vector<1x1x16xf32>,
      %parallel_loop3A_981 = arith.constant 1 : i32
      %parallel_loop3A_982 = arith.index_cast %parallel_loop3A_981 : i32 to index
      %parallel_loop3A_983 = arith.index_cast %parallel_loop3A_917 : i32 to index
      %parallel_loop3A_984 = arith.constant 48 : index
      %parallel_loop3A_985 = tpu.vector_load %arg8[%parallel_loop3A_982, %parallel_loop3A_983, %parallel_loop3A_984] {strides = array<i32>} : memref<2x200x128xf32, #tpu.memory_space<vmem>>, vector<1x1x16xf32>,
      %parallel_loop3A_986 = vector.shape_cast %parallel_loop3A_985 : vector<1x1x16xf32> to vector<16xf32>
      %parallel_loop3A_987 = arith.constant 64 : i32
      %parallel_loop3A_988 = arith.muli %parallel_loop3A_917, %parallel_loop3A_987 : i32
      %parallel_loop3A_989 = arith.constant 48 : i32
      %parallel_loop3A_990 = arith.addi %parallel_loop3A_988, %parallel_loop3A_989 : i32
      %parallel_loop3A_991 = arith.index_cast %parallel_loop3A_990 : i32 to index
      %parallel_loop3A_992 = tpu.vector_load %arg7[%parallel_loop3A_991] {strides = array<i32>} : memref<12800xf32, #tpu.memory_space<vmem>>, vector<16xf32>,
      %parallel_loop3A_993 = vector.shape_cast %parallel_loop3A_992 : vector<16xf32> to vector<16xf32>
      %parallel_loop3A_994 = arith.addf %parallel_loop3A_986, %parallel_loop3A_993 : vector<16xf32>
      %parallel_loop3A_995 = arith.constant 1 : i32
      %parallel_loop3A_996 = arith.index_cast %parallel_loop3A_995 : i32 to index
      %parallel_loop3A_997 = arith.index_cast %parallel_loop3A_917 : i32 to index
      %parallel_loop3A_998 = arith.constant 48 : index
      %parallel_loop3A_999 = tpu.vector_load %arg9[%parallel_loop3A_996, %parallel_loop3A_997, %parallel_loop3A_998] {strides = array<i32>} : memref<2x200x64xf32, #tpu.memory_space<vmem>>, vector<1x1x16xf32>,
      %parallel_loop3A_1000 = vector.shape_cast %parallel_loop3A_999 : vector<1x1x16xf32> to vector<16xf32>
      %parallel_loop3A_1001 = vector.shape_cast %parallel_loop3A_994 : vector<16xf32> to vector<1x1x16xf32>
      tpu.vector_store %arg9[%parallel_loop3A_996, %parallel_loop3A_997, %parallel_loop3A_998], %parallel_loop3A_1001 {strides = array<i32>} : memref<2x200x64xf32, #tpu.memory_space<vmem>>, vector<1x1x16xf32>,
      %parallel_loop3A_1002 = arith.constant 1 : i32
      %parallel_loop3A_1003 = arith.addi %parallel_loop3A_915, %parallel_loop3A_1002 : i32
      %parallel_loop3A_1004 = arith.constant 1 : i32
      %parallel_loop3A_1005 = arith.index_cast %parallel_loop3A_1004 : i32 to index
      %parallel_loop3A_1006 = arith.index_cast %parallel_loop3A_1003 : i32 to index
      %parallel_loop3A_1007 = arith.constant 0 : index
      %parallel_loop3A_1008 = tpu.vector_load %arg8[%parallel_loop3A_1005, %parallel_loop3A_1006, %parallel_loop3A_1007] {strides = array<i32>} : memref<2x200x128xf32, #tpu.memory_space<vmem>>, vector<1x1x16xf32>,
      %parallel_loop3A_1009 = vector.shape_cast %parallel_loop3A_1008 : vector<1x1x16xf32> to vector<16xf32>
      %parallel_loop3A_1010 = arith.constant 64 : i32
      %parallel_loop3A_1011 = arith.muli %parallel_loop3A_1003, %parallel_loop3A_1010 : i32
      %parallel_loop3A_1012 = arith.constant 0 : i32
      %parallel_loop3A_1013 = arith.addi %parallel_loop3A_1011, %parallel_loop3A_1012 : i32
      %parallel_loop3A_1014 = arith.index_cast %parallel_loop3A_1013 : i32 to index
      %parallel_loop3A_1015 = tpu.vector_load %arg7[%parallel_loop3A_1014] {strides = array<i32>} : memref<12800xf32, #tpu.memory_space<vmem>>, vector<16xf32>,
      %parallel_loop3A_1016 = vector.shape_cast %parallel_loop3A_1015 : vector<16xf32> to vector<16xf32>
      %parallel_loop3A_1017 = arith.addf %parallel_loop3A_1009, %parallel_loop3A_1016 : vector<16xf32>
      %parallel_loop3A_1018 = arith.constant 1 : i32
      %parallel_loop3A_1019 = arith.index_cast %parallel_loop3A_1018 : i32 to index
      %parallel_loop3A_1020 = arith.index_cast %parallel_loop3A_1003 : i32 to index
      %parallel_loop3A_1021 = arith.constant 0 : index
      %parallel_loop3A_1022 = tpu.vector_load %arg9[%parallel_loop3A_1019, %parallel_loop3A_1020, %parallel_loop3A_1021] {strides = array<i32>} : memref<2x200x64xf32, #tpu.memory_space<vmem>>, vector<1x1x16xf32>,
      %parallel_loop3A_1023 = vector.shape_cast %parallel_loop3A_1022 : vector<1x1x16xf32> to vector<16xf32>
      %parallel_loop3A_1024 = vector.shape_cast %parallel_loop3A_1017 : vector<16xf32> to vector<1x1x16xf32>
      tpu.vector_store %arg9[%parallel_loop3A_1019, %parallel_loop3A_1020, %parallel_loop3A_1021], %parallel_loop3A_1024 {strides = array<i32>} : memref<2x200x64xf32, #tpu.memory_space<vmem>>, vector<1x1x16xf32>,
      %parallel_loop3A_1025 = arith.constant 1 : i32
      %parallel_loop3A_1026 = arith.index_cast %parallel_loop3A_1025 : i32 to index
      %parallel_loop3A_1027 = arith.index_cast %parallel_loop3A_1003 : i32 to index
      %parallel_loop3A_1028 = arith.constant 16 : index
      %parallel_loop3A_1029 = tpu.vector_load %arg8[%parallel_loop3A_1026, %parallel_loop3A_1027, %parallel_loop3A_1028] {strides = array<i32>} : memref<2x200x128xf32, #tpu.memory_space<vmem>>, vector<1x1x16xf32>,
      %parallel_loop3A_1030 = vector.shape_cast %parallel_loop3A_1029 : vector<1x1x16xf32> to vector<16xf32>
      %parallel_loop3A_1031 = arith.constant 64 : i32
      %parallel_loop3A_1032 = arith.muli %parallel_loop3A_1003, %parallel_loop3A_1031 : i32
      %parallel_loop3A_1033 = arith.constant 16 : i32
      %parallel_loop3A_1034 = arith.addi %parallel_loop3A_1032, %parallel_loop3A_1033 : i32
      %parallel_loop3A_1035 = arith.index_cast %parallel_loop3A_1034 : i32 to index
      %parallel_loop3A_1036 = tpu.vector_load %arg7[%parallel_loop3A_1035] {strides = array<i32>} : memref<12800xf32, #tpu.memory_space<vmem>>, vector<16xf32>,
      %parallel_loop3A_1037 = vector.shape_cast %parallel_loop3A_1036 : vector<16xf32> to vector<16xf32>
      %parallel_loop3A_1038 = arith.addf %parallel_loop3A_1030, %parallel_loop3A_1037 : vector<16xf32>
      %parallel_loop3A_1039 = arith.constant 1 : i32
      %parallel_loop3A_1040 = arith.index_cast %parallel_loop3A_1039 : i32 to index
      %parallel_loop3A_1041 = arith.index_cast %parallel_loop3A_1003 : i32 to index
      %parallel_loop3A_1042 = arith.constant 16 : index
      %parallel_loop3A_1043 = tpu.vector_load %arg9[%parallel_loop3A_1040, %parallel_loop3A_1041, %parallel_loop3A_1042] {strides = array<i32>} : memref<2x200x64xf32, #tpu.memory_space<vmem>>, vector<1x1x16xf32>,
      %parallel_loop3A_1044 = vector.shape_cast %parallel_loop3A_1043 : vector<1x1x16xf32> to vector<16xf32>
      %parallel_loop3A_1045 = vector.shape_cast %parallel_loop3A_1038 : vector<16xf32> to vector<1x1x16xf32>
      tpu.vector_store %arg9[%parallel_loop3A_1040, %parallel_loop3A_1041, %parallel_loop3A_1042], %parallel_loop3A_1045 {strides = array<i32>} : memref<2x200x64xf32, #tpu.memory_space<vmem>>, vector<1x1x16xf32>,
      %parallel_loop3A_1046 = arith.constant 1 : i32
      %parallel_loop3A_1047 = arith.index_cast %parallel_loop3A_1046 : i32 to index
      %parallel_loop3A_1048 = arith.index_cast %parallel_loop3A_1003 : i32 to index
      %parallel_loop3A_1049 = arith.constant 32 : index
      %parallel_loop3A_1050 = tpu.vector_load %arg8[%parallel_loop3A_1047, %parallel_loop3A_1048, %parallel_loop3A_1049] {strides = array<i32>} : memref<2x200x128xf32, #tpu.memory_space<vmem>>, vector<1x1x16xf32>,
      %parallel_loop3A_1051 = vector.shape_cast %parallel_loop3A_1050 : vector<1x1x16xf32> to vector<16xf32>
      %parallel_loop3A_1052 = arith.constant 64 : i32
      %parallel_loop3A_1053 = arith.muli %parallel_loop3A_1003, %parallel_loop3A_1052 : i32
      %parallel_loop3A_1054 = arith.constant 32 : i32
      %parallel_loop3A_1055 = arith.addi %parallel_loop3A_1053, %parallel_loop3A_1054 : i32
      %parallel_loop3A_1056 = arith.index_cast %parallel_loop3A_1055 : i32 to index
      %parallel_loop3A_1057 = tpu.vector_load %arg7[%parallel_loop3A_1056] {strides = array<i32>} : memref<12800xf32, #tpu.memory_space<vmem>>, vector<16xf32>,
      %parallel_loop3A_1058 = vector.shape_cast %parallel_loop3A_1057 : vector<16xf32> to vector<16xf32>
      %parallel_loop3A_1059 = arith.addf %parallel_loop3A_1051, %parallel_loop3A_1058 : vector<16xf32>
      %parallel_loop3A_1060 = arith.constant 1 : i32
      %parallel_loop3A_1061 = arith.index_cast %parallel_loop3A_1060 : i32 to index
      %parallel_loop3A_1062 = arith.index_cast %parallel_loop3A_1003 : i32 to index
      %parallel_loop3A_1063 = arith.constant 32 : index
      %parallel_loop3A_1064 = tpu.vector_load %arg9[%parallel_loop3A_1061, %parallel_loop3A_1062, %parallel_loop3A_1063] {strides = array<i32>} : memref<2x200x64xf32, #tpu.memory_space<vmem>>, vector<1x1x16xf32>,
      %parallel_loop3A_1065 = vector.shape_cast %parallel_loop3A_1064 : vector<1x1x16xf32> to vector<16xf32>
      %parallel_loop3A_1066 = vector.shape_cast %parallel_loop3A_1059 : vector<16xf32> to vector<1x1x16xf32>
      tpu.vector_store %arg9[%parallel_loop3A_1061, %parallel_loop3A_1062, %parallel_loop3A_1063], %parallel_loop3A_1066 {strides = array<i32>} : memref<2x200x64xf32, #tpu.memory_space<vmem>>, vector<1x1x16xf32>,
      %parallel_loop3A_1067 = arith.constant 1 : i32
      %parallel_loop3A_1068 = arith.index_cast %parallel_loop3A_1067 : i32 to index
      %parallel_loop3A_1069 = arith.index_cast %parallel_loop3A_1003 : i32 to index
      %parallel_loop3A_1070 = arith.constant 48 : index
      %parallel_loop3A_1071 = tpu.vector_load %arg8[%parallel_loop3A_1068, %parallel_loop3A_1069, %parallel_loop3A_1070] {strides = array<i32>} : memref<2x200x128xf32, #tpu.memory_space<vmem>>, vector<1x1x16xf32>,
      %parallel_loop3A_1072 = vector.shape_cast %parallel_loop3A_1071 : vector<1x1x16xf32> to vector<16xf32>
      %parallel_loop3A_1073 = arith.constant 64 : i32
      %parallel_loop3A_1074 = arith.muli %parallel_loop3A_1003, %parallel_loop3A_1073 : i32
      %parallel_loop3A_1075 = arith.constant 48 : i32
      %parallel_loop3A_1076 = arith.addi %parallel_loop3A_1074, %parallel_loop3A_1075 : i32
      %parallel_loop3A_1077 = arith.index_cast %parallel_loop3A_1076 : i32 to index
      %parallel_loop3A_1078 = tpu.vector_load %arg7[%parallel_loop3A_1077] {strides = array<i32>} : memref<12800xf32, #tpu.memory_space<vmem>>, vector<16xf32>,
      %parallel_loop3A_1079 = vector.shape_cast %parallel_loop3A_1078 : vector<16xf32> to vector<16xf32>
      %parallel_loop3A_1080 = arith.addf %parallel_loop3A_1072, %parallel_loop3A_1079 : vector<16xf32>
      %parallel_loop3A_1081 = arith.constant 1 : i32
      %parallel_loop3A_1082 = arith.index_cast %parallel_loop3A_1081 : i32 to index
      %parallel_loop3A_1083 = arith.index_cast %parallel_loop3A_1003 : i32 to index
      %parallel_loop3A_1084 = arith.constant 48 : index
      %parallel_loop3A_1085 = tpu.vector_load %arg9[%parallel_loop3A_1082, %parallel_loop3A_1083, %parallel_loop3A_1084] {strides = array<i32>} : memref<2x200x64xf32, #tpu.memory_space<vmem>>, vector<1x1x16xf32>,
      %parallel_loop3A_1086 = vector.shape_cast %parallel_loop3A_1085 : vector<1x1x16xf32> to vector<16xf32>
      %parallel_loop3A_1087 = vector.shape_cast %parallel_loop3A_1080 : vector<16xf32> to vector<1x1x16xf32>
      tpu.vector_store %arg9[%parallel_loop3A_1082, %parallel_loop3A_1083, %parallel_loop3A_1084], %parallel_loop3A_1087 {strides = array<i32>} : memref<2x200x64xf32, #tpu.memory_space<vmem>>, vector<1x1x16xf32>,
    } {sc.loop_unroll_factor = 1 : i64, sc.parallel_access}
    %add3A_849 = arith.constant 127 : i32
    %add3A_850 = arith.addi %mul3A_2, %add3A_849 : i32
    %dma_start3A_851 = arith.constant 1 : i32
    %dma_start3A_852 = arith.constant 1 : i32
    %dma_start3A_853 = arith.constant 0 : i32
    %dma_start3A_854 = arith.constant 0 : i32
    %dma_start3A_855 = tpu.memref_slice %arg9[%dma_start3A_851, %dma_start3A_853, %dma_start3A_854] : memref<2x200x64xf32, #tpu.memory_space<vmem>> -> memref<1x200x64xf32, #tpu.memory_space<vmem>>
    %dma_start3A_856 = tpu.memref_squeeze %dma_start3A_855 : memref<1x200x64xf32, #tpu.memory_space<vmem>> -> memref<200x64xf32, #tpu.memory_space<vmem>>
    %dma_start3A_857 = arith.constant 0 : i32
    %dma_start3A_858 = arith.constant 0 : i32
    %dma_start3A_859 = tpu.memref_slice %arg5[%add3A_850, %dma_start3A_857, %dma_start3A_858] : memref<4096x200x64xf32, #tpu.memory_space<hbm>> -> memref<1x200x64xf32, #tpu.memory_space<hbm>>
    %dma_start3A_860 = tpu.memref_squeeze %dma_start3A_859 : memref<1x200x64xf32, #tpu.memory_space<hbm>> -> memref<200x64xf32, #tpu.memory_space<hbm>>
    %dma_start3A_861 = tpu.memref_slice %arg12[%dma_start3A_852] : memref<2x!tpu.dma_semaphore, #tpu.memory_space<semaphore_mem>> -> memref<1x!tpu.dma_semaphore, #tpu.memory_space<semaphore_mem>>
    %dma_start3A_862 = tpu.memref_squeeze %dma_start3A_861 : memref<1x!tpu.dma_semaphore, #tpu.memory_space<semaphore_mem>> -> memref<!tpu.dma_semaphore, #tpu.memory_space<semaphore_mem>>
    %dma_start3A_863 = arith.constant 0 : i32
    %dma_start3A_864 = arith.constant 0 : i32
    %dma_start3A_865 = tpu.memref_slice %arg5[%add3A_850, %dma_start3A_863, %dma_start3A_864] : memref<4096x200x64xf32, #tpu.memory_space<hbm>> -> memref<1x200x64xf32, #tpu.memory_space<hbm>>
    %dma_start3A_866 = tpu.memref_squeeze %dma_start3A_865 : memref<1x200x64xf32, #tpu.memory_space<hbm>> -> memref<200x64xf32, #tpu.memory_space<hbm>>
    %dma_start3A_867 = arith.constant 0 : i32
    %dma_start3A_868 = arith.constant 0 : i32
    %dma_start3A_869 = tpu.memref_slice %arg9[%dma_start3A_851, %dma_start3A_867, %dma_start3A_868] : memref<2x200x64xf32, #tpu.memory_space<vmem>> -> memref<1x200x64xf32, #tpu.memory_space<vmem>>
    %dma_start3A_870 = tpu.memref_squeeze %dma_start3A_869 : memref<1x200x64xf32, #tpu.memory_space<vmem>> -> memref<200x64xf32, #tpu.memory_space<vmem>>
    tpu.enqueue_dma source(%dma_start3A_870 : memref<200x64xf32, #tpu.memory_space<vmem>>) target(%dma_start3A_866 : memref<200x64xf32, #tpu.memory_space<hbm>>) target_semaphore(%dma_start3A_862 : memref<!tpu.dma_semaphore, #tpu.memory_space<semaphore_mem>>)
    %add3A_871 = arith.constant 126 : i32
    %add3A_872 = arith.addi %mul3A_2, %add3A_871 : i32
    %dma_wait3A_873 = arith.constant 0 : i32
    %dma_wait3A_874 = arith.constant 0 : i32
    %dma_wait3A_875 = arith.constant 0 : i32
    %dma_wait3A_876 = arith.constant 0 : i32
    %dma_wait3A_877 = tpu.memref_slice %arg9[%dma_wait3A_873, %dma_wait3A_875, %dma_wait3A_876] : memref<2x200x64xf32, #tpu.memory_space<vmem>> -> memref<1x200x64xf32, #tpu.memory_space<vmem>>
    %dma_wait3A_878 = tpu.memref_squeeze %dma_wait3A_877 : memref<1x200x64xf32, #tpu.memory_space<vmem>> -> memref<200x64xf32, #tpu.memory_space<vmem>>
    %dma_wait3A_879 = arith.constant 0 : i32
    %dma_wait3A_880 = arith.constant 0 : i32
    %dma_wait3A_881 = tpu.memref_slice %arg5[%add3A_872, %dma_wait3A_879, %dma_wait3A_880] : memref<4096x200x64xf32, #tpu.memory_space<hbm>> -> memref<1x200x64xf32, #tpu.memory_space<hbm>>
    %dma_wait3A_882 = tpu.memref_squeeze %dma_wait3A_881 : memref<1x200x64xf32, #tpu.memory_space<hbm>> -> memref<200x64xf32, #tpu.memory_space<hbm>>
    %dma_wait3A_883 = tpu.memref_slice %arg12[%dma_wait3A_874] : memref<2x!tpu.dma_semaphore, #tpu.memory_space<semaphore_mem>> -> memref<1x!tpu.dma_semaphore, #tpu.memory_space<semaphore_mem>>
    %dma_wait3A_884 = tpu.memref_squeeze %dma_wait3A_883 : memref<1x!tpu.dma_semaphore, #tpu.memory_space<semaphore_mem>> -> memref<!tpu.dma_semaphore, #tpu.memory_space<semaphore_mem>>
    %dma_wait3A_885 = arith.constant 0 : i32
    %dma_wait3A_886 = arith.constant 0 : i32
    %dma_wait3A_887 = tpu.memref_slice %arg5[%add3A_872, %dma_wait3A_885, %dma_wait3A_886] : memref<4096x200x64xf32, #tpu.memory_space<hbm>> -> memref<1x200x64xf32, #tpu.memory_space<hbm>>
    %dma_wait3A_888 = tpu.memref_squeeze %dma_wait3A_887 : memref<1x200x64xf32, #tpu.memory_space<hbm>> -> memref<200x64xf32, #tpu.memory_space<hbm>>
    %dma_wait3A_889 = arith.constant 0 : i32
    %dma_wait3A_890 = arith.constant 0 : i32
    %dma_wait3A_891 = tpu.memref_slice %arg9[%dma_wait3A_873, %dma_wait3A_889, %dma_wait3A_890] : memref<2x200x64xf32, #tpu.memory_space<vmem>> -> memref<1x200x64xf32, #tpu.memory_space<vmem>>
    %dma_wait3A_892 = tpu.memref_squeeze %dma_wait3A_891 : memref<1x200x64xf32, #tpu.memory_space<vmem>> -> memref<200x64xf32, #tpu.memory_space<vmem>>
    tpu.wait_dma2 semaphore(%dma_wait3A_884 : memref<!tpu.dma_semaphore, #tpu.memory_space<semaphore_mem>>) src(%dma_wait3A_892 : memref<200x64xf32, #tpu.memory_space<vmem>>) dst(%dma_wait3A_888 : memref<200x64xf32, #tpu.memory_space<hbm>>)
    %add3A_893 = arith.constant 127 : i32
    %add3A_894 = arith.addi %mul3A_2, %add3A_893 : i32
    %dma_wait3A_895 = arith.constant 1 : i32
    %dma_wait3A_896 = arith.constant 1 : i32
    %dma_wait3A_897 = arith.constant 0 : i32
    %dma_wait3A_898 = arith.constant 0 : i32
    %dma_wait3A_899 = tpu.memref_slice %arg9[%dma_wait3A_895, %dma_wait3A_897, %dma_wait3A_898] : memref<2x200x64xf32, #tpu.memory_space<vmem>> -> memref<1x200x64xf32, #tpu.memory_space<vmem>>
    %dma_wait3A_900 = tpu.memref_squeeze %dma_wait3A_899 : memref<1x200x64xf32, #tpu.memory_space<vmem>> -> memref<200x64xf32, #tpu.memory_space<vmem>>
    %dma_wait3A_901 = arith.constant 0 : i32
    %dma_wait3A_902 = arith.constant 0 : i32
    %dma_wait3A_903 = tpu.memref_slice %arg5[%add3A_894, %dma_wait3A_901, %dma_wait3A_902] : memref<4096x200x64xf32, #tpu.memory_space<hbm>> -> memref<1x200x64xf32, #tpu.memory_space<hbm>>
    %dma_wait3A_904 = tpu.memref_squeeze %dma_wait3A_903 : memref<1x200x64xf32, #tpu.memory_space<hbm>> -> memref<200x64xf32, #tpu.memory_space<hbm>>
    %dma_wait3A_905 = tpu.memref_slice %arg12[%dma_wait3A_896] : memref<2x!tpu.dma_semaphore, #tpu.memory_space<semaphore_mem>> -> memref<1x!tpu.dma_semaphore, #tpu.memory_space<semaphore_mem>>
    %dma_wait3A_906 = tpu.memref_squeeze %dma_wait3A_905 : memref<1x!tpu.dma_semaphore, #tpu.memory_space<semaphore_mem>> -> memref<!tpu.dma_semaphore, #tpu.memory_space<semaphore_mem>>
    %dma_wait3A_907 = arith.constant 0 : i32
    %dma_wait3A_908 = arith.constant 0 : i32
    %dma_wait3A_909 = tpu.memref_slice %arg5[%add3A_894, %dma_wait3A_907, %dma_wait3A_908] : memref<4096x200x64xf32, #tpu.memory_space<hbm>> -> memref<1x200x64xf32, #tpu.memory_space<hbm>>
    %dma_wait3A_910 = tpu.memref_squeeze %dma_wait3A_909 : memref<1x200x64xf32, #tpu.memory_space<hbm>> -> memref<200x64xf32, #tpu.memory_space<hbm>>
    %dma_wait3A_911 = arith.constant 0 : i32
    %dma_wait3A_912 = arith.constant 0 : i32
    %dma_wait3A_913 = tpu.memref_slice %arg9[%dma_wait3A_895, %dma_wait3A_911, %dma_wait3A_912] : memref<2x200x64xf32, #tpu.memory_space<vmem>> -> memref<1x200x64xf32, #tpu.memory_space<vmem>>
    %dma_wait3A_914 = tpu.memref_squeeze %dma_wait3A_913 : memref<1x200x64xf32, #tpu.memory_space<vmem>> -> memref<200x64xf32, #tpu.memory_space<vmem>>
    tpu.wait_dma2 semaphore(%dma_wait3A_906 : memref<!tpu.dma_semaphore, #tpu.memory_space<semaphore_mem>>) src(%dma_wait3A_914 : memref<200x64xf32, #tpu.memory_space<vmem>>) dst(%dma_wait3A_910 : memref<200x64xf32, #tpu.memory_space<hbm>>)
    return
  }
}

</mosaic_0001>

<sc_bundles>
// kernel: _run.3.cloned.1.call-start
scs
__scs_entry_jumppad:
0x0: {  	(pc) =	sbr.rel $0x88, $3  }
0x1: {  	(tag) =	ssettag $0x0;
	lr =	simm.s32 $0x1  }
0x2: {  	[smem:$0x3F9E] =	sst lr;
	_ =	strace $0xD0000000  }
0x3: {  	_ = 	snop  }
0x4: {  	_ = 	snop  }
0x5: {  	_ = 	snop  }
0x6: {  	_ = 	snop  }
0x7: {  	_ = 	snop  }
__scs_overlays_trampoline_lowered:
0x8: {  	[smem:$0x3FAD] =	sst s0  }
0x9: {  	[smem:$0x3FAE] =	sst s1  }
0xa: {  	[smem:$0x3FAF] =	sst s2  }
0xb: {  	[smem:$0x3FB0] =	sst s3  }
0xc: {  	[smem:$0x3FB1] =	sst s4  }
0xd: {  	[smem:$0x3FB2] =	sst s5  }
0xe: {  	[smem:$0x3FB3] =	sst s6  }
0xf: {  	[smem:$0x3FB4] =	sst s7  }
0x10: {  	[smem:$0x3FB5] =	sst s8  }
0x11: {  	[smem:$0x3FB6] =	sst s9;
	s0 =	simm.s32 @!p0 $0x0  }
0x12: {  	s1 =	sld [smem:$0x3F9C];
	s0 =	simm.s32 @p0 $0x1  }
0x13: {  	[smem:$0x3FB7] =	sst s0;
	s0 =	simm.s32 @!p1 $0x0  }
0x14: {  	s2 =	sld [smem:$0x3F9B];
	s0 =	simm.s32 @p1 $0x1  }
0x15: {  	[smem:$0x3FB8] =	sst s0;
	s0 =	simm.s32 @!p2 $0x0  }
0x16: {  	s3 =	sld [smem:$0x3FDB];
	s0 =	simm.s32 @p2 $0x1  }
0x17: {  	s4 =	simm.s32 $0x1BF5;
	[smem:$0x3FBA] =	sst s0  }
0x18: {  	s0 =	sld [smem:$0x3F9D];
	_ =	swait.ge [sflag:s4], $0x0  }
0x19: {  	s7 =	sld [smem:$0x3F9E]  }
0x1a: {  	s8 =	sadd.s32 $0xFFFFE003, lr  }
0x1b: {  	s9 =	sadd.s32 $0xFFFFFEF7, lr;
	s5 =	simm.s32 $0xFFFFFFFF;
	p2 =	slt.u32 s8, $0xFFFFF086  }
0x1c: {  	p1 =	slt.u32 s9, $0xF7A;
	s5 =	simm.s32 @!p2 $0x0  }
0x1d: {  	s5 =	simm.s32 @p1 $0x1;
	p0 =	seq.s32 s7, s2  }
0x1e: {  	s7 =	smul.u32 @!p0 $0xF7A, s2;
	p2 =	seq.s32 @!p0 s5, $0x0  }
0x1f: {  	s9 =	smul.u32 $0xF7A, s1;
	s8 =	simm.s32 @!p0 $0x1BF5;
	p2 =	por !p2, p0  }
0x20: {  	[sflag:s8] =	ssyncset.s32 @!p0 $0xFFFFF086;
	s6 =	sadd.s32 @!p0 s3, s7;
	s7 =	simm.s32 @!p0 $0x108  }
0x21: {  	s3 =	sadd.s32 s3, s9;
	s6 =	sadd.s32 @!p0 $0x88, s6;
	s7 =	simm.s32 @p2 $0x1082  }
0x22: {  	[simem:s7], [sflag:s8] =	dma.local @!p0 [hbm:s6], $0xF7A  }
0x23: {  	s9 =	sor.u32 $0xD0000000, s2;
	s6 =	simm.s32 $0x108;
	_ =	swait.ge @!p0 [sflag:s8], $0x0  }
0x24: {  	s3 =	sadd.s32 $0x88, s3;
	s6 =	simm.s32 @!p1 $0x1082;
	[sflag:s4] =	ssyncset.s32 $0xFFFFF086  }
0x25: {  	[simem:s6], [sflag:s4] =	dma.local [hbm:s3], $0xF7A  }
0x26: {  	[smem:$0x3F9E] =	sst s1;
	(tag) =	ssettag s2;
	_ =	strace s9  }
0x27: {  	s1 =	sld [smem:$0x3FAE]  }
0x28: {  	s2 =	sld [smem:$0x3FAF]  }
0x29: {  	s4 =	sld [smem:$0x3FB1]  }
0x2a: {  	p0 =	seq.s32 s5, $0x0;
	s5 =	sld [smem:$0x3FB2]  }
0x2b: {  	s6 =	sld [smem:$0x3FB3]  }
0x2c: {  	s7 =	sld [smem:$0x3FB4]  }
0x2d: {  	s3 =	simm.s32 $0x108;
	s8 =	sld [smem:$0x3FB5]  }
0x2e: {  	s3 =	simm.s32 @!p0 $0x1082;
	s9 =	sld [smem:$0x3FB6]  }
0x2f: {  	lr =	sadd.s32 s0, s3;
	s0 =	sld [smem:$0x3FAD]  }
0x30: {  	s3 =	sld [smem:$0x3FB0]  }
0x31: {  	[smem:$0x3FB9] =	sst s10  }
0x32: {  	s10 =	sld [smem:$0x3FB7];
	_ =	sdelay $0x3  }
0x33: {  	p0 =	seq.s32 s10, $0x1;
	s10 =	sld [smem:$0x3FB9];
	_ =	sdelay $0x3  }
0x34: {  	[smem:$0x3FB9] =	sst s10  }
0x35: {  	s10 =	sld [smem:$0x3FB8];
	_ =	sdelay $0x3  }
0x36: {  	p1 =	seq.s32 s10, $0x1;
	s10 =	sld [smem:$0x3FB9];
	_ =	sdelay $0x3  }
0x37: {  	[smem:$0x3FB9] =	sst s10  }
0x38: {  	s10 =	sld [smem:$0x3FBA]  }
0x39: {  	_ = 	snop;
	(pc) =	sbr.ind lr, $3  }
0x3a: {  	_ = 	snop  }
0x3b: {  	_ = 	snop  }
0x3c: {  	p2 =	seq.s32 s10, $0x1;
	s10 =	sld [smem:$0x3FB9]  }
0x3d: {  	_ =	shalt  }
0x3e: {  	_ =	shalt  }
0x3f: {  	_ =	shalt  }
0x40: {  	_ =	shalt  }
0x41: {  	_ =	shalt  }
0x42: {  	_ =	shalt  }
0x43: {  	_ =	shalt  }
0x44: {  	_ =	shalt  }
0x45: {  	_ =	shalt  }
0x46: {  	_ =	shalt  }
0x47: {  	_ =	shalt  }
0x48: {  	_ =	shalt  }
0x49: {  	_ =	shalt  }
0x4a: {  	_ =	shalt  }
0x4b: {  	_ =	shalt  }
0x4c: {  	_ =	shalt  }
0x4d: {  	_ =	shalt  }
0x4e: {  	_ =	shalt  }
0x4f: {  	_ =	shalt  }
0x50: {  	_ =	shalt  }
0x51: {  	_ =	shalt  }
0x52: {  	_ =	shalt  }
0x53: {  	_ =	shalt  }
0x54: {  	_ =	shalt  }
0x55: {  	_ =	shalt  }
0x56: {  	_ =	shalt  }
0x57: {  	_ =	shalt  }
0x58: {  	_ =	shalt  }
0x59: {  	_ =	shalt  }
0x5a: {  	_ =	shalt  }
0x5b: {  	_ =	shalt  }
0x5c: {  	_ =	shalt  }
0x5d: {  	_ =	shalt  }
0x5e: {  	_ =	shalt  }
0x5f: {  	_ =	shalt  }
0x60: {  	_ =	shalt  }
0x61: {  	_ =	shalt  }
0x62: {  	_ =	shalt  }
0x63: {  	_ =	shalt  }
0x64: {  	_ =	shalt  }
0x65: {  	_ =	shalt  }
0x66: {  	_ =	shalt  }
0x67: {  	_ =	shalt  }
0x68: {  	_ =	shalt  }
0x69: {  	_ =	shalt  }
0x6a: {  	_ =	shalt  }
0x6b: {  	_ =	shalt  }
0x6c: {  	_ =	shalt  }
0x6d: {  	_ =	shalt  }
0x6e: {  	_ =	shalt  }
0x6f: {  	_ =	shalt  }
0x70: {  	_ =	shalt  }
0x71: {  	_ =	shalt  }
0x72: {  	_ =	shalt  }
0x73: {  	_ =	shalt  }
0x74: {  	_ =	shalt  }
0x75: {  	_ =	shalt  }
0x76: {  	_ =	shalt  }
0x77: {  	_ =	shalt  }
0x78: {  	_ =	shalt  }
0x79: {  	_ =	shalt  }
0x7a: {  	_ =	shalt  }
0x7b: {  	_ =	shalt  }
0x7c: {  	_ =	shalt  }
0x7d: {  	_ =	shalt  }
0x7e: {  	_ =	shalt  }
0x7f: {  	_ =	shalt  }
0x80: {  	_ =	shalt  }
0x81: {  	_ =	shalt  }
0x82: {  	_ =	shalt  }
0x83: {  	_ =	shalt  }
0x84: {  	_ =	shalt  }
0x85: {  	_ =	shalt  }
0x86: {  	_ =	shalt  }
0x87: {  	_ =	shalt  }
.Lfunc_end0:
.L_simem_size_0:
called_computation_lowered:
.L_overlay_start_0:
0x88: {  	s2 =	sld [smem:$0x3FD9]  }
0x89: {  	s3 =	sld [smem:$0x3FFE];
	_ =	sdelay $0x1  }
0x8a: {  	s1 =	srdreg.scid  }
0x8b: {  	s0 =	sand.u32 $0x1, s1  }
0x8c: {  	s17 =	sshll.u32 s0, $0xA;
	s2 =	sadd.s32 s3, s2  }
0x8d: {  	s2 =	sadd.s32 s2, s17  }
0x8e: {  	[smem:$0x3FC5] =	sst s2  }
0x8f: {  	_ = 	snop  }
0x90: {  	s2 =	sld [smem:$0x3FC9]  }
0x91: {  	s18 =	sld [smem:$0x3FC8]  }
0x92: {  	s4 =	sld [smem:$0x3FC7];
	(tm) =	ssettm $0x1  }
0x93: {  	s5 =	sld [smem:$0x3FFB];
	_ =	sdelay $0x3  }
0x94: {  	_ =	strace s5  }
0x95: {  	s5 =	sld [smem:$0x3FFC];
	_ =	sdelay $0x3  }
0x96: {  	_ =	strace s5  }
0x97: {  	s5 =	sld [smem:$0x3FFD];
	_ =	sdelay $0x3  }
0x98: {  	_ =	strace s5  }
0x99: {  	_ =	strace $0x8FFFFFFF  }
0x9a: {  	s19 =	sld [smem:$0x3FDB];
	_ =	sdelay $0x1  }
0x9b: {  	s6 =	simm.s32 $_scs_section_size  }
0x9c: {  	s7 =	simm.s32 $_size__tile_overlayer_lowered;
	s8 =	simm.s32 $_tile_overlayer_lowered  }
0x9d: {  	s22 =	simm.s32 $0x1BFF;
	s21 =	sshll.u32 s8, $0x1;
	s5 =	sadd.s32 s6, s19  }
0x9e: {  	s9 =	simm.s32 $0x0;
	s20 =	sshll.u32 s7, $0x1;
	s7 =	sadd.s32 s21, s5  }
0x9f: {  	[timem:s9], [sflag:s22] =	dma.local [hbm:s7], s20  }
0xa0: {  	_ =	swait.ge [sflag:s22], s20  }
0xa1: {  	s6 =	ssub.s32 $0x0, s20;
	[sflag:s22] =	ssyncset.done $0x0  }
0xa2: {  	[sflag:s22] =	ssyncadd.s32 s6;
	_ =	sdelay $0x1  }
0xa3: {  	s23 =	simm.s32 $0x1B8B  }
0xa4: {  	_ =	swait.ge [sflag:s23], $0x1  }
0xa5: {  	[sflag:s23] =	ssyncset.done $0x0  }
0xa6: {  	s25 =	simm.s32 $0x1B8E;
	s24 =	sld [smem:$0x3FFE];
	[sflag:s23] =	ssyncadd.s32 $0xFFFFFFFF  }
0xa7: {  	s26 =	simm.s32 $execute0_lowered;
	[smem:$0x3FD2] =	sst s25  }
0xa8: {  	s7 =	sshll.u32 s26, $0x1;
	_ =	strace $0x80000046;
	[dreg:$0x1] =	wrdreg $0xFFFFFFFF  }
0xa9: {  	s28 =	simm.s32 $_size_execute0_lowered;
	s5 =	sadd.s32 s5, s7;
	[dreg:$0x0] =	wrdreg $0x0  }
0xaa: {  	s7 =	sshll.u32 s28, $0x1;
	[dreg:$0x2] =	wrdreg s5  }
0xab: {  	[dreg:$0x3] =	wrdreg s7  }
0xac: {  	[dreg:$0x4] =	wrdreg $0xC0  }
0xad: {  	_ =	task [dreg:s9], $0x5FFFF  }
0xae: {  	[dreg:$0x1] =	wrdreg $0xFFFFFFFF  }
0xaf: {  	[dreg:$0x0] =	wrdreg $0x60  }
0xb0: {  	[dreg:$0x2] =	wrdreg s2  }
0xb1: {  	[dreg:$0x3] =	wrdreg s18  }
0xb2: {  	[dreg:$0x4] =	wrdreg s4  }
0xb3: {  	[dreg:$0x5] =	wrdreg s24  }
0xb4: {  	[dreg:$0x6] =	wrdreg $0x9  }
0xb5: {  	_ =	task.clear_ibuf [dreg:s9], $0x7FFFF;
	_ =	strace $0x90000046  }
0xb6: {  	s29 =	simm.s32 $0x9;
	_ =	strace $0x80000048  }
0xb7: {  	_ =	swait.ge [sflag:s29], $0x1  }
0xb8: {  	[sflag:s29] =	ssyncadd.s32 $0xFFFFFFFF  }
0xb9: {  	_ =	strace $0x90000048  }
0xba: {  	_ =	sfence  }
0xbb: {  	s30 =	sld [smem:$0x0];
	_ =	sdelay $0x2  }
0xbc: {  	s31 =	sshll.u32 s1, $0xD;
	s1 =	sshrl.u32 s1, $0x2  }
0xbd: {  	s3 =	sand.u32 $0x4000, s31;
	s1 =	sadd.s32 s1, s30  }
0xbe: {  	s0 =	sor.u32 s3, s0;
	s1 =	sshll.u32 s1, $0x11  }
0xbf: {  	s0 =	sor.u32 s1, s0  }
0xc0: {  	s0 =	sadd.s32 $0x8F2B, s0  }
0xc1: {  	[sflag:s0] =	ssyncadd.remote.s32 $0x1  }
0xc2: {  	_ =	sfence.sel $0xFFFF  }
0xc3: {  	[dreg:$0x0] =	wrdreg $0xFFFFFFFF;
	(pc) =	sbr.abs _section_cstart, $3  }
0xc4: {  	[dreg:$0x1] =	wrdreg $0xFFFFFFFF  }
0xc5: {  	_ =	task.clear_ibuf [dreg:s9], $0x2FFFF;
	_ =	strace $0x9FFFFFFF  }
0xc6: {  	(tm) =	ssettm $0x7FFFFFFF  }
0xc7: {  	_ =	shalt  }
tec
execute0_lowered:
.L_overlay_start_1:
0x0: {  	(tag) =	ssettag $0x1  }
0x1: {  	s0 =	rddreg [dreg:$0x0]  }
0x2: {  	s3 =	rddreg [dreg:$0x2];
	s1 =	srdreg.scid  }
0x3: {  	s4 =	stileid.u32;
	s2 =	rddreg [dreg:$0x3]  }
0x4: {  	s1 =	sand.u32 $0x1, s1;
	s5 =	sshll.u32 s4, $0x1;
	s4 =	simm.s32 $0x0  }
0x5: {  	s6 =	sor.u32 s1, s5;
	[smem:$0x7FF] =	sst s4  }
0x6: {  	s1 =	ssub.s32 $0x2, s1;
	s5 =	sadd.s32 $0x400, s2;
	s20 =	smul.u32 $0x64000, s6  }
0x7: {  	s7 =	smul.u32 $0x6400, s6;
	_ =	strace $0x80000047;
	s8 =	sshrl.u32 s1, $0x1  }
0x8: {  	s9 =	smul.u32 $0x320000, s6;
	s1 =	ssub.s32 s1, s8;
	s2 =	sadd.s32 s5, s20  }
0x9: {  	s7 =	sshrl.u32 s7, $0x3;
	s31 =	smax.u32 s1, $0x1;
	[dreg:$0x6] =	wrdreg s2  }
0xa: {  	s21 =	sshrl.u32 s9, $0x3;
	s2 =	sadd.s32 $0xC80, s2;
	[dreg:$0xf] =	wrdreg s31  }
0xb: {  	s7 =	sadd.s32 s0, s7;
	s22 =	sadd.s32 s5, s21;
	[dreg:$0x7] =	wrdreg s2  }
0xc: {  	s23 =	sadd.s32 $0x30700, s22;
	[dreg:$0x5] =	wrdreg s7  }
0xd: {  	s29 =	simm.s32 $0x2;
	s24 =	sadd.s32 $0x31380, s22;
	[dreg:$0x8] =	wrdreg s23  }
0xe: {  	s19 =	simm.s32 $0x4;
	s25 =	sadd.s32 $0x640, s7;
	[dreg:$0x9] =	wrdreg s24  }
0xf: {  	s6 =	sshll.u32 s6, $0x7;
	s26 =	sadd.s32 $0x32000, s22;
	[dreg:$0xa] =	wrdreg s25  }
0x10: {  	s20 =	simm.s32 $0x80;
	s28 =	sadd.s32 $0x32C80, s22;
	[dreg:$0xb] =	wrdreg s26  }
0x11: {  	s30 =	sadd.s32 $0x62700, s22;
	s0 =	sadd.s32 $0x63380, s22;
	[dreg:$0xc] =	wrdreg s28  }
0x12: {  	s22 =	simm.s32 $0x48;
	s2 =	simm.s32 $0x0;
	[dreg:$0xd] =	wrdreg s30  }
0x13: {  	[dreg:$0xe] =	wrdreg s0;
	s0 =	simm.s32 $0x3;
	s24 =	simm.s32 $0x5  }
.LBB2_1:
0x14: {  	[dreg:$0x10] =	wrdreg s2  }
0x15: {  	s1 =	rddreg [dreg:$0x5];
	s12 =	simm.s32 $0x1  }
0x16: {  	[tilespmem:s4], [sflag:$0x1] =	stream.linear.gather [hbm4b:s1+s4], $0x3200, $0x38;
	[tilespmem:$0x1F400] =	vst v63  }
0x17: {  	_ =	swait.ge [sflag:s12], $0x3200  }
0x18: {  	[sflag:s12] =	ssyncset.done $0x0  }
0x19: {  	[sflag:s12] =	ssyncadd.s32 $0xFFFFCE00  }
0x1a: {  	s7 =	simm.s32 $0x3200;
	s13 =	rddreg [dreg:$0x1]  }
0x1b: {  	[tilespmem:s7], [sflag:$0x1] =	stream.linear.gather [hbm4b:s13+s4], $0x3200, $0x38;
	[tilespmem:$0x1F400] =	vst v63  }
0x1c: {  	_ =	swait.ge [sflag:s12], $0x3200  }
0x1d: {  	[sflag:s12] =	ssyncset.done $0x0  }
0x1e: {  	s14 =	simm.s32 $0x6400;
	[sflag:s12] =	ssyncadd.s32 $0xFFFFCE00  }
0x1f: {  	[tilespmem:s14], [sflag:$0x2] =	stream.indirect.gather [hbm4b:s3+s20], $0x80, s4, s20, $0xb8;
	[tilespmem:$0x1F400] =	vst v63  }
0x20: {  	s15 =	simm.s32 $0xA400  }
0x21: {  	[tilespmem:s15], [sflag:$0x2] =	stream.indirect.gather [hbm4b:s3+s22], $0x80, s20, s22, $0xb8;
	[tilespmem:$0x1F400] =	vst v63  }
0x22: {  	s16 =	simm.s32 $0xC8;
	s17 =	simm.s32 $0xC800  }
0x23: {  	[tilespmem:s17], [sflag:$0x3] =	stream.indirect.gather [hbm4b:s3+s20], $0x80, s16, s20, $0xb8;
	[tilespmem:$0x1F400] =	vst v63  }
0x24: {  	s18 =	simm.s32 $0x148;
	s21 =	simm.s32 $0x10800  }
0x25: {  	[tilespmem:s21], [sflag:$0x3] =	stream.indirect.gather [hbm4b:s3+s22], $0x80, s18, s22, $0xb8;
	[tilespmem:$0x1F400] =	vst v63  }
0x26: {  	_ =	swait.ge [sflag:s29], $0x4000  }
0x27: {  	[sflag:s29] =	ssyncset.done $0x0  }
0x28: {  	[sflag:s29] =	ssyncadd.s32 $0xFFFFC000  }
0x29: {  	_ =	swait.ge [sflag:s29], $0x2400  }
0x2a: {  	[sflag:s29] =	ssyncset.done $0x0  }
0x2b: {  	s23 =	simm.s32 $0x3220;
	[sflag:s29] =	ssyncadd.s32 $0xFFFFDC00  }
0x2c: {  	s25 =	simm.s32 $0x6480;
	v0 =	vld [tilespmem:s23+$0xFFFFFFE0]  }
0x2d: {  	v1 =	vld [tilespmem:s25+$0xFFFFFF80];
	_ =	sdelay $0x4  }
0x2e: {  	v0 =	vadd.f32 v0, v1  }
0x2f: {  	s9 =	simm.s32 $0x12C80  }
0x30: {  	[tilespmem:s9+$0xFFFFFF80] =	vst v0  }
0x31: {  	v0 =	vld [tilespmem:s25+$0xFFFFFF90]  }
0x32: {  	v1 =	vld [tilespmem:s23+$0xFFFFFFF0];
	_ =	sdelay $0x2  }
0x33: {  	s26 =	simm.s32 $0x32A0  }
0x34: {  	s11 =	simm.s32 $0x6580;
	v2 =	vld [tilespmem:s26+$0xFFFFFFE0]  }
0x35: {  	v0 =	vadd.f32 v1, v0;
	v1 =	vld [tilespmem:s11+$0xFFFFFF80];
	_ =	sdelay $0x1  }
0x36: {  	[tilespmem:s9+$0xFFFFFF90] =	vst v0  }
0x37: {  	v0 =	vld [tilespmem:s25+$0xFFFFFFA0]  }
0x38: {  	v3 =	vld [tilespmem:s23+$0x0]  }
0x39: {  	v1 =	vadd.f32 v2, v1  }
0x3a: {  	s10 =	simm.s32 $0x12D80  }
0x3b: {  	[tilespmem:s10+$0xFFFFFF80] =	vst v1  }
0x3c: {  	v1 =	vld [tilespmem:s11+$0xFFFFFF90]  }
0x3d: {  	v0 =	vadd.f32 v3, v0;
	v2 =	vld [tilespmem:s26+$0xFFFFFFF0];
	_ =	sdelay $0x1  }
0x3e: {  	[tilespmem:s9+$0xFFFFFFA0] =	vst v0  }
0x3f: {  	v0 =	vld [tilespmem:s25+$0xFFFFFFB0]  }
0x40: {  	s13 =	simm.s32 $0x6680;
	v3 =	vld [tilespmem:s23+$0x10]  }
0x41: {  	s21 =	simm.s32 $0x3320;
	v4 =	vld [tilespmem:s13+$0xFFFFFF80];
	v1 =	vadd.f32 v2, v1  }
0x42: {  	v2 =	vld [tilespmem:s21+$0xFFFFFFE0]  }
0x43: {  	[tilespmem:s10+$0xFFFFFF90] =	vst v1  }
0x44: {  	v1 =	vld [tilespmem:s11+$0xFFFFFFA0]  }
0x45: {  	v0 =	vadd.f32 v3, v0;
	v3 =	vld [tilespmem:s26+$0x0];
	_ =	sdelay $0x1  }
0x46: {  	[tilespmem:s9+$0xFFFFFFB0] =	vst v0;
	v2 =	vadd.f32 v2, v4  }
0x47: {  	s12 =	simm.s32 $0x12E80;
	v0 =	vld [tilespmem:s25+$0x0]  }
0x48: {  	v4 =	vld [tilespmem:s23+$0x20];
	[tilespmem:s12+$0xFFFFFF80] =	vst v2  }
0x49: {  	v1 =	vadd.f32 v3, v1;
	v2 =	vld [tilespmem:s13+$0xFFFFFF90]  }
0x4a: {  	v3 =	vld [tilespmem:s21+$0xFFFFFFF0]  }
0x4b: {  	[tilespmem:s10+$0xFFFFFFA0] =	vst v1  }
0x4c: {  	v1 =	vld [tilespmem:s11+$0xFFFFFFB0]  }
0x4d: {  	s17 =	simm.s32 $0x33A0;
	v0 =	vadd.f32 v4, v0;
	v5 =	vld [tilespmem:s26+$0x10]  }
0x4e: {  	s14 =	simm.s32 $0x6780;
	v4 =	vld [tilespmem:s17+$0xFFFFFFE0]  }
0x4f: {  	s30 =	simm.s32 $0x40;
	[tilespmem:s9+$0x0] =	vst v0;
	v2 =	vadd.f32 v3, v2;
	v3 =	vld [tilespmem:s14+$0xFFFFFF80]  }
0x50: {  	s8 =	sor.u32 $0x50, s30;
	v0 =	vld [tilespmem:s25+$0x10]  }
0x51: {  	v6 =	vld [tilespmem:s8+$0x3200];
	[tilespmem:s12+$0xFFFFFF90] =	vst v2  }
0x52: {  	v2 =	vld [tilespmem:s13+$0xFFFFFFA0];
	v1 =	vadd.f32 v5, v1  }
0x53: {  	s16 =	simm.s32 $0x6880;
	v5 =	vld [tilespmem:s21+$0x0]  }
0x54: {  	v8 =	vld [tilespmem:s16+$0xFFFFFF80];
	v3 =	vadd.f32 v4, v3;
	[tilespmem:s10+$0xFFFFFFB0] =	vst v1  }
0x55: {  	s15 =	simm.s32 $0x12F80;
	v1 =	vld [tilespmem:s11+$0x0]  }
0x56: {  	v0 =	vadd.f32 v6, v0;
	[tilespmem:s15+$0xFFFFFF80] =	vst v3;
	v3 =	vld [tilespmem:s26+$0x20]  }
0x57: {  	v4 =	vld [tilespmem:s14+$0xFFFFFF90]  }
0x58: {  	s31 =	sor.u32 $0x60, s30;
	[tilespmem:s9+$0x10] =	vst v0;
	v0 =	vadd.f32 v5, v2;
	v5 =	vld [tilespmem:s17+$0xFFFFFFF0]  }
0x59: {  	v2 =	vld [tilespmem:s31+$0x3200]  }
0x5a: {  	[tilespmem:s12+$0xFFFFFFA0] =	vst v0;
	v0 =	vld [tilespmem:s25+$0x20]  }
0x5b: {  	v6 =	vld [tilespmem:s13+$0xFFFFFFB0];
	v1 =	vadd.f32 v3, v1  }
0x5c: {  	s2 =	simm.s32 $0x3420;
	v7 =	vld [tilespmem:s21+$0x10]  }
0x5d: {  	s8 =	simm.s32 $0xC0;
	v3 =	vld [tilespmem:s2+$0xFFFFFFE0];
	[tilespmem:s10+$0x0] =	vst v1;
	v1 =	vadd.f32 v5, v4  }
0x5e: {  	s18 =	sor.u32 $0x50, s8;
	v4 =	vld [tilespmem:s11+$0x10]  }
0x5f: {  	v0 =	vadd.f32 v2, v0;
	v9 =	vld [tilespmem:s18+$0x3200];
	[tilespmem:s15+$0xFFFFFF90] =	vst v1  }
0x60: {  	v2 =	vld [tilespmem:s14+$0xFFFFFFA0]  }
0x61: {  	s1 =	sor.u32 $0x70, s30;
	v1 =	vadd.f32 v7, v6;
	[tilespmem:s9+$0x20] =	vst v0;
	v5 =	vld [tilespmem:s17+$0x0]  }
0x62: {  	v0 =	vld [tilespmem:s1+$0x3200]  }
0x63: {  	v6 =	vadd.f32 v3, v8;
	[tilespmem:s12+$0xFFFFFFB0] =	vst v1;
	v1 =	vld [tilespmem:s25+$0x30]  }
0x64: {  	s7 =	simm.s32 $0x13080;
	v3 =	vld [tilespmem:s13+$0x0];
	v7 =	vadd.f32 v9, v4  }
0x65: {  	s23 =	simm.s32 $0x8;
	s28 =	sor.u32 $0x60, s8;
	s26 =	simm.s32 $0x6980;
	[tilespmem:s7+$0xFFFFFF80] =	vst v6;
	v4 =	vld [tilespmem:s21+$0x20]  }
0x66: {  	s18 =	simm.s32 $0x140;
	s25 =	simm.s32 $0x34A0;
	v6 =	vld [tilespmem:s16+$0xFFFFFF90];
	s21 =	simm.s32 $0x140;
	[tilespmem:s10+$0x10] =	vst v7  }
.LBB2_2:
0x67: {  	s23 =	sadd.s32 $0x2, s23;
	v2 =	vadd.f32 v5, v2;
	v5 =	vld [tilespmem:s28+$0x3200]  }
0x68: {  	p0 =	slt.u32 s23, $0xC6;
	v7 =	vld [tilespmem:s2+$0xFFFFFFF0];
	v0 =	vadd.f32 v0, v1  }
0x69: {  	[tilespmem:s15+$0xFFFFFFA0] =	vst v2;
	v1 =	vld [tilespmem:s11+$0x20]  }
0x6a: {  	v8 =	vld [tilespmem:s14+$0xFFFFFFB0];
	v2 =	vadd.f32 v4, v3;
	[tilespmem:s9+$0x30] =	vst v0;
	s9 =	smov.u32 s10;
	s10 =	smov.u32 s12;
	s12 =	smov.u32 s15  }
0x6b: {  	s15 =	smov.u32 s7;
	v3 =	vld [tilespmem:s25+$0xFFFFFFE0]  }
0x6c: {  	v0 =	vld [tilespmem:s17+$0x10];
	[tilespmem:s10+$0x0] =	vst v2  }
0x6d: {  	v2 =	vadd.f32 v7, v6;
	v4 =	vld [tilespmem:s13+$0x10]  }
0x6e: {  	s1 =	sor.u32 $0x50, s18;
	s21 =	sadd.s32 $0x80, s21;
	s7 =	sadd.s32 $0x100, s7;
	v6 =	vld [tilespmem:s26+$0xFFFFFF80];
	v1 =	vadd.f32 v5, v1  }
0x6f: {  	[tilespmem:s15+$0xFFFFFF90] =	vst v2;
	v7 =	vld [tilespmem:s1+$0x3200]  }
0x70: {  	s1 =	sor.u32 $0x70, s8;
	s8 =	smov.u32 s18;
	s18 =	smov.u32 s21;
	v2 =	vld [tilespmem:s16+$0xFFFFFFA0];
	[tilespmem:s9+$0x20] =	vst v1  }
0x71: {  	v1 =	vadd.f32 v0, v8;
	v0 =	vld [tilespmem:s1+$0x3200]  }
.Ltmp0:
0x72: {  	v5 =	vld [tilespmem:s2+$0x0];
	(pc) =	sbr.rel @p0 .LBB2_2-.Ltmp0, $4  }
0x73: {  	v6 =	vadd.f32 v3, v6;
	[tilespmem:s12+$0xFFFFFFB0] =	vst v1;
	v1 =	vld [tilespmem:s11+$0x30];
	s11 =	smov.u32 s13;
	s13 =	smov.u32 s14;
	s14 =	smov.u32 s16  }
0x74: {  	s16 =	smov.u32 s26;
	v3 =	vld [tilespmem:s13+$0x0];
	v7 =	vadd.f32 v7, v4  }
0x75: {  	[tilespmem:s7+$0xFFFFFF80] =	vst v6;
	v4 =	vld [tilespmem:s17+$0x20];
	s17 =	smov.u32 s2;
	s2 =	smov.u32 s25  }
0x76: {  	s28 =	sor.u32 $0x60, s8;
	s26 =	sadd.s32 $0x100, s26;
	s25 =	sadd.s32 $0x80, s25;
	v6 =	vld [tilespmem:s16+$0xFFFFFF90];
	[tilespmem:s10+$0x10] =	vst v7  }
0x77: {  	v7 =	vld [tilespmem:s2+$0xFFFFFFF0];
	_ =	sdelay $0x4  }
0x78: {  	v6 =	vadd.f32 v7, v6;
	_ =	sdelay $0x1  }
0x79: {  	[tilespmem:s7+$0xFFFFFF90] =	vst v6  }
0x7a: {  	v6 =	vld [tilespmem:s16+$0xFFFFFFA0]  }
0x7b: {  	v7 =	vld [tilespmem:s2+$0x0];
	_ =	sdelay $0x2  }
0x7c: {  	v2 =	vadd.f32 v5, v2;
	_ =	sdelay $0x1  }
0x7d: {  	[tilespmem:s15+$0xFFFFFFA0] =	vst v2;
	v2 =	vadd.f32 v7, v6  }
0x7e: {  	v5 =	vld [tilespmem:s14+$0xFFFFFFB0]  }
0x7f: {  	v6 =	vld [tilespmem:s17+$0x10];
	[tilespmem:s7+$0xFFFFFFA0] =	vst v2  }
0x80: {  	v2 =	vld [tilespmem:s16+$0xFFFFFFB0]  }
0x81: {  	v7 =	vld [tilespmem:s2+$0x10];
	_ =	sdelay $0x2  }
0x82: {  	v5 =	vadd.f32 v6, v5;
	_ =	sdelay $0x1  }
0x83: {  	[tilespmem:s15+$0xFFFFFFB0] =	vst v5;
	v2 =	vadd.f32 v7, v2  }
0x84: {  	v5 =	vld [tilespmem:s14+$0x0]  }
0x85: {  	v6 =	vld [tilespmem:s17+$0x20];
	[tilespmem:s7+$0xFFFFFFB0] =	vst v2  }
0x86: {  	v2 =	vld [tilespmem:s16+$0x0]  }
0x87: {  	v7 =	vld [tilespmem:s2+$0x20]  }
0x88: {  	v3 =	vadd.f32 v4, v3;
	_ =	sdelay $0x1  }
0x89: {  	[tilespmem:s12+$0x0] =	vst v3;
	v3 =	vadd.f32 v6, v5  }
0x8a: {  	s1 =	sor.u32 $0x50, s18;
	v4 =	vld [tilespmem:s13+$0x10]  }
0x8b: {  	s2 =	sadd.s32 $0x80, s21;
	v5 =	vld [tilespmem:s1+$0x3200];
	[tilespmem:s15+$0x0] =	vst v3;
	v2 =	vadd.f32 v7, v2  }
0x8c: {  	s17 =	sor.u32 $0x50, s2;
	v3 =	vld [tilespmem:s14+$0x10]  }
0x8d: {  	s21 =	sadd.s32 $0x80, s2;
	v6 =	vld [tilespmem:s17+$0x3200];
	[tilespmem:s7+$0x0] =	vst v2  }
0x8e: {  	s23 =	sor.u32 $0x50, s21;
	v2 =	vld [tilespmem:s16+$0x10]  }
0x8f: {  	v7 =	vld [tilespmem:s23+$0x3200]  }
0x90: {  	v4 =	vadd.f32 v5, v4  }
0x91: {  	v8 =	vld [tilespmem:s11+$0x20]  }
0x92: {  	s25 =	sor.u32 $0x60, s18;
	v5 =	vld [tilespmem:s28+$0x3200];
	[tilespmem:s12+$0x10] =	vst v4;
	v3 =	vadd.f32 v6, v3  }
0x93: {  	v4 =	vld [tilespmem:s25+$0x3200]  }
0x94: {  	s26 =	sor.u32 $0x60, s2;
	v6 =	vld [tilespmem:s13+$0x20];
	[tilespmem:s15+$0x10] =	vst v3;
	v2 =	vadd.f32 v7, v2  }
0x95: {  	v3 =	vld [tilespmem:s26+$0x3200]  }
0x96: {  	s28 =	sor.u32 $0x60, s21;
	v7 =	vld [tilespmem:s14+$0x20];
	[tilespmem:s7+$0x10] =	vst v2  }
0x97: {  	v2 =	vadd.f32 v5, v8;
	v5 =	vld [tilespmem:s28+$0x3200]  }
0x98: {  	v8 =	vld [tilespmem:s16+$0x20]  }
0x99: {  	s30 =	sor.u32 $0x70, s8;
	[tilespmem:s10+$0x20] =	vst v2;
	v2 =	vadd.f32 v4, v6  }
0x9a: {  	v4 =	vld [tilespmem:s30+$0x3200]  }
0x9b: {  	s31 =	sor.u32 $0x70, s18;
	v6 =	vld [tilespmem:s11+$0x30];
	[tilespmem:s12+$0x20] =	vst v2;
	v2 =	vadd.f32 v3, v7  }
0x9c: {  	v3 =	vld [tilespmem:s31+$0x3200]  }
0x9d: {  	s8 =	sor.u32 $0x70, s2;
	v7 =	vld [tilespmem:s13+$0x30];
	[tilespmem:s15+$0x20] =	vst v2;
	v2 =	vadd.f32 v5, v8  }
0x9e: {  	v5 =	vld [tilespmem:s8+$0x3200]  }
0x9f: {  	s11 =	sor.u32 $0x70, s21;
	v8 =	vld [tilespmem:s14+$0x30];
	[tilespmem:s7+$0x20] =	vst v2  }
0xa0: {  	v2 =	vld [tilespmem:s11+$0x3200]  }
0xa1: {  	v9 =	vld [tilespmem:s16+$0x30]  }
0xa2: {  	v0 =	vadd.f32 v0, v1  }
0xa3: {  	v1 =	vadd.f32 v4, v6  }
0xa4: {  	[tilespmem:s9+$0x30] =	vst v0;
	v0 =	vadd.f32 v3, v7  }
0xa5: {  	[tilespmem:s10+$0x30] =	vst v1;
	v1 =	vadd.f32 v5, v8  }
0xa6: {  	[tilespmem:s12+$0x30] =	vst v0;
	v0 =	vadd.f32 v2, v9  }
0xa7: {  	[tilespmem:s15+$0x30] =	vst v1  }
0xa8: {  	[tilespmem:s7+$0x30] =	vst v0  }
0xa9: {  	s13 =	simm.s32 $0x0;
	s15 =	simm.s32 $0x12C00;
	s14 =	rddreg [dreg:$0x6]  }
0xaa: {  	[hbm4b:s14+s13] =	stream.linear.scatter [tilespmem:s15], [sflag:$0x4], $0x6400, $0x38;
	[tilespmem:$0x1F400] =	vst v63  }
0xab: {  	s17 =	simm.s32 $0x190;
	s16 =	simm.s32 $0x6400  }
0xac: {  	[tilespmem:s16], [sflag:$0x2] =	stream.indirect.gather [hbm4b:s3+s20], $0x80, s17, s20, $0xb8;
	[tilespmem:$0x1F400] =	vst v63  }
0xad: {  	s18 =	simm.s32 $0xA400;
	s21 =	simm.s32 $0x210  }
0xae: {  	[tilespmem:s18], [sflag:$0x2] =	stream.indirect.gather [hbm4b:s3+s22], $0x80, s21, s22, $0xb8;
	[tilespmem:$0x1F400] =	vst v63  }
0xaf: {  	_ =	swait.ge [sflag:s0], $0x4000  }
0xb0: {  	[sflag:s0] =	ssyncset.done $0x0  }
0xb1: {  	[sflag:s0] =	ssyncadd.s32 $0xFFFFC000  }
0xb2: {  	_ =	swait.ge [sflag:s0], $0x2400  }
0xb3: {  	[sflag:s0] =	ssyncset.done $0x0  }
0xb4: {  	s23 =	simm.s32 $0x3220;
	[sflag:s0] =	ssyncadd.s32 $0xFFFFDC00  }
0xb5: {  	s9 =	simm.s32 $0x0;
	v0 =	vld [tilespmem:s23+$0xFFFFFFE0]  }
0xb6: {  	v1 =	vld [tilespmem:s9+$0xC800];
	_ =	sdelay $0x4  }
0xb7: {  	v0 =	vadd.f32 v0, v1;
	_ =	sdelay $0x1  }
0xb8: {  	[tilespmem:s9+$0x19000] =	vst v0;
	v0 =	vld [tilespmem:s9+$0xC810]  }
0xb9: {  	v1 =	vld [tilespmem:s23+$0xFFFFFFF0];
	_ =	sdelay $0x3  }
0xba: {  	s25 =	simm.s32 $0x32A0  }
0xbb: {  	s10 =	simm.s32 $0x100;
	v2 =	vld [tilespmem:s25+$0xFFFFFFE0];
	v0 =	vadd.f32 v1, v0  }
0xbc: {  	v1 =	vld [tilespmem:s10+$0xC800]  }
0xbd: {  	[tilespmem:s9+$0x19010] =	vst v0;
	v0 =	vld [tilespmem:s9+$0xC820]  }
0xbe: {  	v3 =	vld [tilespmem:s23+$0x0];
	_ =	sdelay $0x2  }
0xbf: {  	v1 =	vadd.f32 v2, v1;
	_ =	sdelay $0x1  }
0xc0: {  	[tilespmem:s10+$0x19000] =	vst v1;
	v1 =	vld [tilespmem:s10+$0xC810];
	v0 =	vadd.f32 v3, v0  }
0xc1: {  	v3 =	vld [tilespmem:s25+$0xFFFFFFF0]  }
0xc2: {  	v2 =	vld [tilespmem:s9+$0xC830];
	[tilespmem:s9+$0x19020] =	vst v0  }
0xc3: {  	v0 =	vld [tilespmem:s23+$0x10];
	_ =	sdelay $0x1  }
0xc4: {  	s2 =	simm.s32 $0x3320  }
0xc5: {  	s11 =	simm.s32 $0x200;
	v4 =	vld [tilespmem:s2+$0xFFFFFFE0];
	v1 =	vadd.f32 v3, v1  }
0xc6: {  	v3 =	vld [tilespmem:s11+$0xC800]  }
0xc7: {  	[tilespmem:s10+$0x19010] =	vst v1;
	v1 =	vld [tilespmem:s10+$0xC820];
	v0 =	vadd.f32 v0, v2  }
0xc8: {  	v2 =	vld [tilespmem:s9+$0xC880]  }
0xc9: {  	[tilespmem:s9+$0x19030] =	vst v0;
	v0 =	vld [tilespmem:s25+$0x0]  }
0xca: {  	v5 =	vld [tilespmem:s23+$0x20]  }
0xcb: {  	v3 =	vadd.f32 v4, v3;
	_ =	sdelay $0x1  }
0xcc: {  	v4 =	vld [tilespmem:s10+$0xC830];
	[tilespmem:s11+$0x19000] =	vst v3  }
0xcd: {  	v3 =	vld [tilespmem:s2+$0xFFFFFFF0];
	v0 =	vadd.f32 v0, v1  }
0xce: {  	v1 =	vld [tilespmem:s11+$0xC810];
	v2 =	vadd.f32 v5, v2  }
0xcf: {  	s26 =	simm.s32 $0x40;
	v5 =	vld [tilespmem:s9+$0xC890];
	[tilespmem:s10+$0x19020] =	vst v0  }
0xd0: {  	s28 =	sor.u32 $0x50, s26;
	v0 =	vld [tilespmem:s25+$0x10];
	[tilespmem:s9+$0x19080] =	vst v2  }
0xd1: {  	s8 =	simm.s32 $0x33A0;
	v2 =	vld [tilespmem:s28+$0x3200]  }
0xd2: {  	v6 =	vld [tilespmem:s8+$0xFFFFFFE0]  }
0xd3: {  	v8 =	vld [tilespmem:s9+$0xC8A0]  }
0xd4: {  	v7 =	vld [tilespmem:s10+$0xC880];
	v1 =	vadd.f32 v3, v1  }
0xd5: {  	s7 =	simm.s32 $0x300;
	v3 =	vld [tilespmem:s11+$0xC820];
	v0 =	vadd.f32 v0, v4  }
0xd6: {  	[tilespmem:s11+$0x19010] =	vst v1;
	v1 =	vld [tilespmem:s7+$0xC800];
	v2 =	vadd.f32 v2, v5  }
0xd7: {  	v4 =	vld [tilespmem:s2+$0x0];
	[tilespmem:s10+$0x19030] =	vst v0  }
0xd8: {  	s30 =	sor.u32 $0x60, s26;
	[tilespmem:s9+$0x19090] =	vst v2;
	v2 =	vld [tilespmem:s25+$0x20]  }
0xd9: {  	v63 =	vld [tilespmem:s30+$0x3200]  }
0xda: {  	v0 =	vld [tilespmem:s9+$0xC8B0]  }
0xdb: {  	v5 =	vadd.f32 v6, v1;
	v1 =	vld [tilespmem:s10+$0xC890]  }
0xdc: {  	v4 =	vadd.f32 v4, v3;
	v3 =	vld [tilespmem:s11+$0xC830]  }
0xdd: {  	[tilespmem:s7+$0x19000] =	vst v5;
	v5 =	vld [tilespmem:s7+$0xC810];
	v2 =	vadd.f32 v2, v7  }
0xde: {  	s13 =	simm.s32 $0xC0;
	[tilespmem:s11+$0x19020] =	vst v4;
	v7 =	vld [tilespmem:s8+$0xFFFFFFF0];
	v8 =	vadd.f32 v63, v8  }
0xdf: {  	s31 =	sor.u32 $0x50, s13;
	v6 =	vld [tilespmem:s2+$0x10];
	[tilespmem:s10+$0x19080] =	vst v2  }
0xe0: {  	s1 =	sor.u32 $0x70, s26;
	s12 =	simm.s32 $0xC0;
	v4 =	vld [tilespmem:s31+$0x3200];
	[tilespmem:s9+$0x190A0] =	vst v8  }
0xe1: {  	s14 =	simm.s32 $0xC00;
	s15 =	simm.s32 $0x6;
	s16 =	simm.s32 $0x3420;
	v2 =	vld [tilespmem:s1+$0x3200]  }
.LBB2_4:
0xe2: {  	v8 =	vld [tilespmem:s16+$0xFFFFFFE0]  }
0xe3: {  	v5 =	vadd.f32 v7, v5;
	v9 =	vld [tilespmem:s10+$0xC8A0]  }
0xe4: {  	s14 =	sadd.s32 $0x400, s14;
	v3 =	vadd.f32 v6, v3;
	v6 =	vld [tilespmem:s11+$0xC880]  }
0xe5: {  	s1 =	sshra.s32 s14, $0x2;
	[tilespmem:s7+$0x19010] =	vst v5;
	v5 =	vld [tilespmem:s7+$0xC820];
	v1 =	vadd.f32 v4, v1  }
0xe6: {  	v4 =	vld [tilespmem:s1+$0xC800];
	[tilespmem:s11+$0x19030] =	vst v3;
	v0 =	vadd.f32 v2, v0  }
0xe7: {  	v2 =	vld [tilespmem:s8+$0x0];
	[tilespmem:s10+$0x19090] =	vst v1  }
0xe8: {  	s15 =	sadd.s32 $0x2, s15;
	v7 =	vld [tilespmem:s2+$0x20];
	s2 =	sor.u32 $0x60, s13;
	[tilespmem:s9+$0x190B0] =	vst v0;
	s9 =	smov.u32 s10  }
0xe9: {  	p0 =	slt.u32 s15, $0xC6;
	s10 =	smov.u32 s11;
	s11 =	smov.u32 s7;
	v10 =	vld [tilespmem:s2+$0x3200]  }
0xea: {  	s7 =	smov.u32 s1;
	s2 =	smov.u32 s8;
	s8 =	smov.u32 s16;
	v0 =	vld [tilespmem:s9+$0xC8B0]  }
0xeb: {  	v4 =	vadd.f32 v8, v4;
	v1 =	vld [tilespmem:s10+$0xC890]  }
0xec: {  	v2 =	vadd.f32 v2, v5;
	v3 =	vld [tilespmem:s11+$0xC830]  }
.Ltmp1:
0xed: {  	[tilespmem:s7+$0x19000] =	vst v4;
	v5 =	vld [tilespmem:s7+$0xC810];
	v4 =	vadd.f32 v7, v6;
	(pc) =	sbr.rel @p0 .LBB2_4-.Ltmp1, $4  }
0xee: {  	s13 =	sadd.s32 $0x80, s13;
	v7 =	vld [tilespmem:s16+$0xFFFFFFF0];
	[tilespmem:s11+$0x19020] =	vst v2;
	v2 =	vadd.f32 v10, v9  }
0xef: {  	s1 =	sor.u32 $0x50, s13;
	v6 =	vld [tilespmem:s2+$0x10];
	[tilespmem:s10+$0x19080] =	vst v4  }
0xf0: {  	v4 =	vld [tilespmem:s1+$0x3200];
	[tilespmem:s9+$0x190A0] =	vst v2;
	s1 =	sor.u32 $0x70, s12;
	s12 =	smov.u32 s13  }
0xf1: {  	s16 =	sadd.s32 $0x80, s16;
	v2 =	vld [tilespmem:s1+$0x3200]  }
0xf2: {  	_ = 	snop  }
0xf3: {  	v5 =	vadd.f32 v7, v5;
	_ =	sdelay $0x1  }
0xf4: {  	v48 =	vld [tilespmem:s7+$0xC820];
	[tilespmem:s7+$0x19010] =	vst v5  }
0xf5: {  	v49 =	vld [tilespmem:s8+$0x0];
	_ =	sdelay $0x4  }
0xf6: {  	v5 =	vadd.f32 v49, v48;
	_ =	sdelay $0x1  }
0xf7: {  	v50 =	vld [tilespmem:s7+$0xC830];
	[tilespmem:s7+$0x19020] =	vst v5  }
0xf8: {  	v5 =	vld [tilespmem:s8+$0x10];
	_ =	sdelay $0x3  }
0xf9: {  	v3 =	vadd.f32 v6, v3  }
0xfa: {  	v51 =	vld [tilespmem:s11+$0xC880];
	v5 =	vadd.f32 v5, v50  }
0xfb: {  	v52 =	vld [tilespmem:s7+$0xC880];
	[tilespmem:s11+$0x19030] =	vst v3  }
0xfc: {  	v53 =	vld [tilespmem:s2+$0x20];
	[tilespmem:s7+$0x19030] =	vst v5  }
0xfd: {  	v5 =	vld [tilespmem:s8+$0x20];
	_ =	sdelay $0x3  }
0xfe: {  	v6 =	vadd.f32 v53, v51  }
0xff: {  	v54 =	vld [tilespmem:s11+$0xC890];
	s1 =	sadd.s32 $0x80, s13;
	v3 =	vadd.f32 v5, v52  }
0x100: {  	v55 =	vld [tilespmem:s7+$0xC890];
	s16 =	sor.u32 $0x50, s1;
	s17 =	sadd.s32 $0x80, s1;
	[tilespmem:s11+$0x19080] =	vst v6  }
0x101: {  	s18 =	sor.u32 $0x50, s17;
	v6 =	vld [tilespmem:s16+$0x3200];
	[tilespmem:s7+$0x19080] =	vst v3  }
0x102: {  	v3 =	vld [tilespmem:s18+$0x3200];
	_ =	sdelay $0x2  }
0x103: {  	v56 =	vld [tilespmem:s10+$0xC8A0];
	v1 =	vadd.f32 v4, v1  }
0x104: {  	v57 =	vld [tilespmem:s11+$0xC8A0];
	v6 =	vadd.f32 v6, v54  }
0x105: {  	s21 =	sor.u32 $0x60, s13;
	v58 =	vld [tilespmem:s7+$0xC8A0];
	[tilespmem:s10+$0x19090] =	vst v1;
	v3 =	vadd.f32 v3, v55  }
0x106: {  	s23 =	sor.u32 $0x60, s1;
	v1 =	vld [tilespmem:s21+$0x3200];
	[tilespmem:s11+$0x19090] =	vst v6  }
0x107: {  	s25 =	sor.u32 $0x60, s17;
	v6 =	vld [tilespmem:s23+$0x3200];
	[tilespmem:s7+$0x19090] =	vst v3  }
0x108: {  	v3 =	vld [tilespmem:s25+$0x3200];
	_ =	sdelay $0x2  }
0x109: {  	v59 =	vld [tilespmem:s10+$0xC8B0];
	v1 =	vadd.f32 v1, v56  }
0x10a: {  	v60 =	vld [tilespmem:s11+$0xC8B0];
	v6 =	vadd.f32 v6, v57  }
0x10b: {  	s26 =	sor.u32 $0x70, s12;
	v61 =	vld [tilespmem:s7+$0xC8B0];
	[tilespmem:s10+$0x190A0] =	vst v1;
	v3 =	vadd.f32 v3, v58  }
0x10c: {  	s1 =	sor.u32 $0x70, s1;
	v1 =	vld [tilespmem:s26+$0x3200];
	[tilespmem:s11+$0x190A0] =	vst v6  }
0x10d: {  	s28 =	sor.u32 $0x70, s17;
	v6 =	vld [tilespmem:s1+$0x3200];
	[tilespmem:s7+$0x190A0] =	vst v3  }
0x10e: {  	v3 =	vld [tilespmem:s28+$0x3200];
	_ =	sdelay $0x1  }
0x10f: {  	v0 =	vadd.f32 v2, v0  }
0x110: {  	v1 =	vadd.f32 v1, v59  }
0x111: {  	[tilespmem:s9+$0x190B0] =	vst v0;
	v62 =	vadd.f32 v6, v60  }
0x112: {  	[tilespmem:s10+$0x190B0] =	vst v1;
	v63 =	vadd.f32 v3, v61  }
0x113: {  	[tilespmem:s11+$0x190B0] =	vst v62  }
0x114: {  	[tilespmem:s7+$0x190B0] =	vst v63  }
0x115: {  	s31 =	simm.s32 $0x19000;
	s26 =	simm.s32 $0x1;
	s30 =	rddreg [dreg:$0x7]  }
0x116: {  	[hbm4b:s30+s4] =	stream.linear.scatter [tilespmem:s31], [sflag:$0x5], $0x6400, $0x38;
	[tilespmem:$0x1F400] =	vst v63  }
.LBB2_6:
0x117: {  	s31 =	sshllo.u32 s26, $0x1  }
0x118: {  	s1 =	smul.u32 $0x320, s31;
	_ =	sdelay $0x1  }
0x119: {  	s2 =	simm.s32 $0xC800;
	s1 =	sshra.s32 s1, $0x2  }
0x11a: {  	[tilespmem:s2], [sflag:$0x3] =	stream.indirect.gather [hbm4b:s3+s20], $0x80, s1, s20, $0xb8;
	[tilespmem:$0x1F400] =	vst v63  }
0x11b: {  	s15 =	simm.s32 $0x10800;
	s1 =	sadd.s32 $0x80, s1  }
0x11c: {  	[tilespmem:s15], [sflag:$0x3] =	stream.indirect.gather [hbm4b:s3+s22], $0x80, s1, s22, $0xb8;
	[tilespmem:$0x1F400] =	vst v63  }
0x11d: {  	_ =	swait.ge [sflag:s29], $0x4000  }
0x11e: {  	[sflag:s29] =	ssyncset.done $0x0  }
0x11f: {  	[sflag:s29] =	ssyncadd.s32 $0xFFFFC000  }
0x120: {  	_ =	swait.ge [sflag:s29], $0x2400  }
0x121: {  	[sflag:s29] =	ssyncset.done $0x0  }
0x122: {  	[sflag:s29] =	ssyncadd.s32 $0xFFFFDC00  }
0x123: {  	_ =	swait.ge [sflag:s19], $0x6400  }
0x124: {  	[sflag:s19] =	ssyncset.done $0x0  }
0x125: {  	s16 =	simm.s32 $0x3220;
	[sflag:s19] =	ssyncadd.s32 $0xFFFF9C00  }
0x126: {  	s2 =	simm.s32 $0x6480;
	v0 =	vld [tilespmem:s16+$0xFFFFFFE0]  }
0x127: {  	v1 =	vld [tilespmem:s2+$0xFFFFFF80];
	_ =	sdelay $0x4  }
0x128: {  	v0 =	vadd.f32 v0, v1  }
0x129: {  	s9 =	simm.s32 $0x12C80  }
0x12a: {  	[tilespmem:s9+$0xFFFFFF80] =	vst v0  }
0x12b: {  	v0 =	vld [tilespmem:s2+$0xFFFFFF90]  }
0x12c: {  	v1 =	vld [tilespmem:s16+$0xFFFFFFF0];
	_ =	sdelay $0x2  }
0x12d: {  	s7 =	simm.s32 $0x32A0  }
0x12e: {  	s11 =	simm.s32 $0x6580;
	v2 =	vld [tilespmem:s7+$0xFFFFFFE0]  }
0x12f: {  	v0 =	vadd.f32 v1, v0;
	v1 =	vld [tilespmem:s11+$0xFFFFFF80];
	_ =	sdelay $0x1  }
0x130: {  	[tilespmem:s9+$0xFFFFFF90] =	vst v0  }
0x131: {  	v0 =	vld [tilespmem:s2+$0xFFFFFFA0]  }
0x132: {  	v3 =	vld [tilespmem:s16+$0x0]  }
0x133: {  	v1 =	vadd.f32 v2, v1  }
0x134: {  	s10 =	simm.s32 $0x12D80  }
0x135: {  	[tilespmem:s10+$0xFFFFFF80] =	vst v1  }
0x136: {  	v1 =	vld [tilespmem:s11+$0xFFFFFF90]  }
0x137: {  	v0 =	vadd.f32 v3, v0;
	v2 =	vld [tilespmem:s7+$0xFFFFFFF0];
	_ =	sdelay $0x1  }
0x138: {  	[tilespmem:s9+$0xFFFFFFA0] =	vst v0  }
0x139: {  	v0 =	vld [tilespmem:s2+$0xFFFFFFB0]  }
0x13a: {  	s13 =	simm.s32 $0x6680;
	v3 =	vld [tilespmem:s16+$0x10]  }
0x13b: {  	s23 =	simm.s32 $0x3320;
	v4 =	vld [tilespmem:s13+$0xFFFFFF80];
	v1 =	vadd.f32 v2, v1  }
0x13c: {  	v2 =	vld [tilespmem:s23+$0xFFFFFFE0]  }
0x13d: {  	[tilespmem:s10+$0xFFFFFF90] =	vst v1  }
0x13e: {  	v1 =	vld [tilespmem:s11+$0xFFFFFFA0]  }
0x13f: {  	v0 =	vadd.f32 v3, v0;
	v3 =	vld [tilespmem:s7+$0x0];
	_ =	sdelay $0x1  }
0x140: {  	[tilespmem:s9+$0xFFFFFFB0] =	vst v0;
	v2 =	vadd.f32 v2, v4  }
0x141: {  	s12 =	simm.s32 $0x12E80;
	v0 =	vld [tilespmem:s2+$0x0]  }
0x142: {  	v4 =	vld [tilespmem:s16+$0x20];
	[tilespmem:s12+$0xFFFFFF80] =	vst v2  }
0x143: {  	v1 =	vadd.f32 v3, v1;
	v2 =	vld [tilespmem:s13+$0xFFFFFF90]  }
0x144: {  	v3 =	vld [tilespmem:s23+$0xFFFFFFF0]  }
0x145: {  	[tilespmem:s10+$0xFFFFFFA0] =	vst v1  }
0x146: {  	v1 =	vld [tilespmem:s11+$0xFFFFFFB0]  }
0x147: {  	s18 =	simm.s32 $0x33A0;
	v0 =	vadd.f32 v4, v0;
	v5 =	vld [tilespmem:s7+$0x10]  }
0x148: {  	s15 =	simm.s32 $0x6780;
	v4 =	vld [tilespmem:s18+$0xFFFFFFE0]  }
0x149: {  	s17 =	simm.s32 $0x40;
	[tilespmem:s9+$0x0] =	vst v0;
	v2 =	vadd.f32 v3, v2;
	v3 =	vld [tilespmem:s15+$0xFFFFFF80]  }
0x14a: {  	s8 =	sor.u32 $0x50, s17;
	v0 =	vld [tilespmem:s2+$0x10]  }
0x14b: {  	v6 =	vld [tilespmem:s8+$0x3200];
	[tilespmem:s12+$0xFFFFFF90] =	vst v2  }
0x14c: {  	v2 =	vld [tilespmem:s13+$0xFFFFFFA0];
	v1 =	vadd.f32 v5, v1  }
0x14d: {  	s16 =	simm.s32 $0x6880;
	v5 =	vld [tilespmem:s23+$0x0]  }
0x14e: {  	v8 =	vld [tilespmem:s16+$0xFFFFFF80];
	v3 =	vadd.f32 v4, v3;
	[tilespmem:s10+$0xFFFFFFB0] =	vst v1  }
0x14f: {  	s14 =	simm.s32 $0x12F80;
	v1 =	vld [tilespmem:s11+$0x0]  }
0x150: {  	v0 =	vadd.f32 v6, v0;
	[tilespmem:s14+$0xFFFFFF80] =	vst v3;
	v3 =	vld [tilespmem:s7+$0x20]  }
0x151: {  	v4 =	vld [tilespmem:s15+$0xFFFFFF90]  }
0x152: {  	s21 =	sor.u32 $0x60, s17;
	[tilespmem:s9+$0x10] =	vst v0;
	v0 =	vadd.f32 v5, v2;
	v5 =	vld [tilespmem:s18+$0xFFFFFFF0]  }
0x153: {  	v2 =	vld [tilespmem:s21+$0x3200]  }
0x154: {  	[tilespmem:s12+$0xFFFFFFA0] =	vst v0;
	v0 =	vld [tilespmem:s2+$0x20]  }
0x155: {  	v6 =	vld [tilespmem:s13+$0xFFFFFFB0];
	v1 =	vadd.f32 v3, v1  }
0x156: {  	s21 =	simm.s32 $0x3420;
	v7 =	vld [tilespmem:s23+$0x10]  }
0x157: {  	s8 =	simm.s32 $0xC0;
	v3 =	vld [tilespmem:s21+$0xFFFFFFE0];
	[tilespmem:s10+$0x0] =	vst v1;
	v1 =	vadd.f32 v5, v4  }
0x158: {  	s25 =	sor.u32 $0x50, s8;
	v4 =	vld [tilespmem:s11+$0x10]  }
0x159: {  	v0 =	vadd.f32 v2, v0;
	v9 =	vld [tilespmem:s25+$0x3200];
	[tilespmem:s14+$0xFFFFFF90] =	vst v1  }
0x15a: {  	v2 =	vld [tilespmem:s15+$0xFFFFFFA0]  }
0x15b: {  	s1 =	sor.u32 $0x70, s17;
	v1 =	vadd.f32 v7, v6;
	[tilespmem:s9+$0x20] =	vst v0;
	v5 =	vld [tilespmem:s18+$0x0]  }
0x15c: {  	v0 =	vld [tilespmem:s1+$0x3200]  }
0x15d: {  	v6 =	vadd.f32 v3, v8;
	[tilespmem:s12+$0xFFFFFFB0] =	vst v1;
	v1 =	vld [tilespmem:s2+$0x30]  }
0x15e: {  	s28 =	simm.s32 $0x34A0;
	s7 =	simm.s32 $0x13080;
	v3 =	vld [tilespmem:s13+$0x0];
	v7 =	vadd.f32 v9, v4  }
0x15f: {  	s30 =	simm.s32 $0x6980;
	s17 =	sshll.u32 s26, $0x1;
	s25 =	simm.s32 $0x8;
	[tilespmem:s7+$0xFFFFFF80] =	vst v6;
	v4 =	vld [tilespmem:s23+$0x20]  }
0x160: {  	s2 =	simm.s32 $0x140;
	s1 =	sor.u32 $0x60, s8;
	v6 =	vld [tilespmem:s16+$0xFFFFFF90];
	s23 =	simm.s32 $0x140;
	[tilespmem:s10+$0x10] =	vst v7  }
.LBB2_7:
0x161: {  	s25 =	sadd.s32 $0x2, s25;
	v2 =	vadd.f32 v5, v2;
	v5 =	vld [tilespmem:s1+$0x3200]  }
0x162: {  	p0 =	slt.u32 s25, $0xC6;
	v7 =	vld [tilespmem:s21+$0xFFFFFFF0];
	v0 =	vadd.f32 v0, v1  }
0x163: {  	[tilespmem:s14+$0xFFFFFFA0] =	vst v2;
	v1 =	vld [tilespmem:s11+$0x20]  }
0x164: {  	v8 =	vld [tilespmem:s15+$0xFFFFFFB0];
	v2 =	vadd.f32 v4, v3;
	[tilespmem:s9+$0x30] =	vst v0;
	s9 =	smov.u32 s10;
	s10 =	smov.u32 s12;
	s12 =	smov.u32 s14  }
0x165: {  	s14 =	smov.u32 s7;
	v3 =	vld [tilespmem:s28+$0xFFFFFFE0]  }
0x166: {  	v0 =	vld [tilespmem:s18+$0x10];
	[tilespmem:s10+$0x0] =	vst v2  }
0x167: {  	v2 =	vadd.f32 v7, v6;
	v4 =	vld [tilespmem:s13+$0x10]  }
0x168: {  	s1 =	sor.u32 $0x50, s2;
	s23 =	sadd.s32 $0x80, s23;
	s7 =	sadd.s32 $0x100, s7;
	v6 =	vld [tilespmem:s30+$0xFFFFFF80];
	v1 =	vadd.f32 v5, v1  }
0x169: {  	[tilespmem:s14+$0xFFFFFF90] =	vst v2;
	v7 =	vld [tilespmem:s1+$0x3200]  }
0x16a: {  	s1 =	sor.u32 $0x70, s8;
	s8 =	smov.u32 s2;
	s2 =	smov.u32 s23;
	v2 =	vld [tilespmem:s16+$0xFFFFFFA0];
	[tilespmem:s9+$0x20] =	vst v1  }
0x16b: {  	v1 =	vadd.f32 v0, v8;
	v0 =	vld [tilespmem:s1+$0x3200]  }
.Ltmp2:
0x16c: {  	v5 =	vld [tilespmem:s21+$0x0];
	(pc) =	sbr.rel @p0 .LBB2_7-.Ltmp2, $4  }
0x16d: {  	v6 =	vadd.f32 v3, v6;
	[tilespmem:s12+$0xFFFFFFB0] =	vst v1;
	v1 =	vld [tilespmem:s11+$0x30];
	s11 =	smov.u32 s13;
	s13 =	smov.u32 s15;
	s15 =	smov.u32 s16  }
0x16e: {  	s16 =	smov.u32 s30;
	v3 =	vld [tilespmem:s13+$0x0];
	v7 =	vadd.f32 v7, v4  }
0x16f: {  	[tilespmem:s7+$0xFFFFFF80] =	vst v6;
	v4 =	vld [tilespmem:s18+$0x20];
	s18 =	smov.u32 s21;
	s21 =	smov.u32 s28  }
0x170: {  	s1 =	sor.u32 $0x60, s8;
	s30 =	sadd.s32 $0x100, s30;
	s28 =	sadd.s32 $0x80, s28;
	v6 =	vld [tilespmem:s16+$0xFFFFFF90];
	[tilespmem:s10+$0x10] =	vst v7  }
0x171: {  	v7 =	vld [tilespmem:s21+$0xFFFFFFF0];
	_ =	sdelay $0x4  }
0x172: {  	v6 =	vadd.f32 v7, v6;
	_ =	sdelay $0x1  }
0x173: {  	[tilespmem:s7+$0xFFFFFF90] =	vst v6  }
0x174: {  	v6 =	vld [tilespmem:s16+$0xFFFFFFA0]  }
0x175: {  	v7 =	vld [tilespmem:s21+$0x0];
	_ =	sdelay $0x2  }
0x176: {  	v2 =	vadd.f32 v5, v2;
	_ =	sdelay $0x1  }
0x177: {  	[tilespmem:s14+$0xFFFFFFA0] =	vst v2;
	v2 =	vadd.f32 v7, v6  }
0x178: {  	v5 =	vld [tilespmem:s15+$0xFFFFFFB0]  }
0x179: {  	v6 =	vld [tilespmem:s18+$0x10];
	[tilespmem:s7+$0xFFFFFFA0] =	vst v2  }
0x17a: {  	v2 =	vld [tilespmem:s16+$0xFFFFFFB0]  }
0x17b: {  	v7 =	vld [tilespmem:s21+$0x10];
	_ =	sdelay $0x2  }
0x17c: {  	v5 =	vadd.f32 v6, v5;
	_ =	sdelay $0x1  }
0x17d: {  	[tilespmem:s14+$0xFFFFFFB0] =	vst v5;
	v2 =	vadd.f32 v7, v2  }
0x17e: {  	v5 =	vld [tilespmem:s15+$0x0]  }
0x17f: {  	v6 =	vld [tilespmem:s18+$0x20];
	[tilespmem:s7+$0xFFFFFFB0] =	vst v2  }
0x180: {  	v2 =	vld [tilespmem:s16+$0x0]  }
0x181: {  	v7 =	vld [tilespmem:s21+$0x20]  }
0x182: {  	v3 =	vadd.f32 v4, v3;
	_ =	sdelay $0x1  }
0x183: {  	[tilespmem:s12+$0x0] =	vst v3;
	v3 =	vadd.f32 v6, v5  }
0x184: {  	s30 =	sor.u32 $0x50, s2;
	v4 =	vld [tilespmem:s13+$0x10]  }
0x185: {  	s21 =	sadd.s32 $0x80, s23;
	v5 =	vld [tilespmem:s30+$0x3200];
	[tilespmem:s14+$0x0] =	vst v3;
	v2 =	vadd.f32 v7, v2  }
0x186: {  	s25 =	sor.u32 $0x50, s21;
	s23 =	sadd.s32 $0x80, s21;
	v3 =	vld [tilespmem:s15+$0x10]  }
0x187: {  	s28 =	sor.u32 $0x50, s23;
	v6 =	vld [tilespmem:s25+$0x3200];
	[tilespmem:s7+$0x0] =	vst v2  }
0x188: {  	v2 =	vld [tilespmem:s28+$0x3200]  }
0x189: {  	v7 =	vld [tilespmem:s16+$0x10]  }
0x18a: {  	v4 =	vadd.f32 v5, v4  }
0x18b: {  	v8 =	vld [tilespmem:s11+$0x20]  }
0x18c: {  	s30 =	sor.u32 $0x60, s2;
	v5 =	vld [tilespmem:s1+$0x3200];
	[tilespmem:s12+$0x10] =	vst v4;
	v3 =	vadd.f32 v6, v3  }
0x18d: {  	v4 =	vld [tilespmem:s30+$0x3200]  }
0x18e: {  	s18 =	sor.u32 $0x60, s21;
	v6 =	vld [tilespmem:s13+$0x20];
	[tilespmem:s14+$0x10] =	vst v3;
	v2 =	vadd.f32 v2, v7  }
0x18f: {  	v3 =	vld [tilespmem:s18+$0x3200]  }
0x190: {  	s25 =	sor.u32 $0x60, s23;
	v7 =	vld [tilespmem:s15+$0x20];
	[tilespmem:s7+$0x10] =	vst v2  }
0x191: {  	v5 =	vadd.f32 v5, v8;
	v2 =	vld [tilespmem:s25+$0x3200]  }
0x192: {  	v8 =	vld [tilespmem:s16+$0x20]  }
0x193: {  	s28 =	sor.u32 $0x70, s8;
	[tilespmem:s10+$0x20] =	vst v5;
	v4 =	vadd.f32 v4, v6  }
0x194: {  	v5 =	vld [tilespmem:s28+$0x3200]  }
0x195: {  	s30 =	sor.u32 $0x70, s2;
	v6 =	vld [tilespmem:s11+$0x30];
	[tilespmem:s12+$0x20] =	vst v4;
	v3 =	vadd.f32 v3, v7  }
0x196: {  	v4 =	vld [tilespmem:s30+$0x3200]  }
0x197: {  	s2 =	sor.u32 $0x70, s21;
	v7 =	vld [tilespmem:s13+$0x30];
	[tilespmem:s14+$0x20] =	vst v3;
	v2 =	vadd.f32 v2, v8  }
0x198: {  	v3 =	vld [tilespmem:s2+$0x3200]  }
0x199: {  	s8 =	sor.u32 $0x70, s23;
	v8 =	vld [tilespmem:s15+$0x30];
	[tilespmem:s7+$0x20] =	vst v2  }
0x19a: {  	v2 =	vld [tilespmem:s8+$0x3200]  }
0x19b: {  	v0 =	vadd.f32 v0, v1;
	v9 =	vld [tilespmem:s16+$0x30]  }
0x19c: {  	v1 =	vadd.f32 v5, v6  }
0x19d: {  	[tilespmem:s9+$0x30] =	vst v0  }
0x19e: {  	[tilespmem:s10+$0x30] =	vst v1;
	s10 =	sadd.s32 s6, s17;
	v0 =	vadd.f32 v4, v7  }
0x19f: {  	s1 =	smul.u32 $0xC80, s10;
	v1 =	vadd.f32 v3, v8  }
0x1a0: {  	[tilespmem:s12+$0x30] =	vst v0;
	s12 =	smul.u32 $0x640, s26;
	v0 =	vadd.f32 v2, v9  }
0x1a1: {  	s11 =	simm.s32 $0x0;
	[tilespmem:s14+$0x30] =	vst v1  }
0x1a2: {  	s13 =	simm.s32 $0x12C00;
	s1 =	sadd.s32 s5, s1;
	s14 =	sshra.s32 s12, $0x2;
	[tilespmem:s7+$0x30] =	vst v0  }
0x1a3: {  	[hbm4b:s1+s11] =	stream.linear.scatter [tilespmem:s13], [sflag:$0x4], $0x6400, $0x38;
	[tilespmem:$0x1F400] =	vst v63  }
0x1a4: {  	s16 =	simm.s32 $0x6400;
	s15 =	sadd.s32 $0x190, s14  }
0x1a5: {  	[tilespmem:s16], [sflag:$0x2] =	stream.indirect.gather [hbm4b:s3+s20], $0x80, s15, s20, $0xb8;
	[tilespmem:$0x1F400] =	vst v63  }
0x1a6: {  	s17 =	simm.s32 $0xA400;
	s1 =	sadd.s32 $0x210, s14  }
0x1a7: {  	[tilespmem:s17], [sflag:$0x2] =	stream.indirect.gather [hbm4b:s3+s22], $0x80, s1, s22, $0xb8;
	[tilespmem:$0x1F400] =	vst v63  }
0x1a8: {  	_ =	swait.ge [sflag:s0], $0x4000  }
0x1a9: {  	[sflag:s0] =	ssyncset.done $0x0  }
0x1aa: {  	[sflag:s0] =	ssyncadd.s32 $0xFFFFC000  }
0x1ab: {  	_ =	swait.ge [sflag:s0], $0x2400  }
0x1ac: {  	[sflag:s0] =	ssyncset.done $0x0  }
0x1ad: {  	[sflag:s0] =	ssyncadd.s32 $0xFFFFDC00  }
0x1ae: {  	_ =	swait.ge [sflag:s24], $0x6400  }
0x1af: {  	[sflag:s24] =	ssyncset.done $0x0  }
0x1b0: {  	s18 =	simm.s32 $0x3220;
	[sflag:s24] =	ssyncadd.s32 $0xFFFF9C00  }
0x1b1: {  	s9 =	simm.s32 $0x0;
	v0 =	vld [tilespmem:s18+$0xFFFFFFE0]  }
0x1b2: {  	v1 =	vld [tilespmem:s9+$0xC800];
	_ =	sdelay $0x4  }
0x1b3: {  	v0 =	vadd.f32 v0, v1;
	_ =	sdelay $0x1  }
0x1b4: {  	[tilespmem:s9+$0x19000] =	vst v0;
	v0 =	vld [tilespmem:s9+$0xC810]  }
0x1b5: {  	v1 =	vld [tilespmem:s18+$0xFFFFFFF0];
	_ =	sdelay $0x3  }
0x1b6: {  	s21 =	simm.s32 $0x32A0  }
0x1b7: {  	s10 =	simm.s32 $0x100;
	v2 =	vld [tilespmem:s21+$0xFFFFFFE0];
	v0 =	vadd.f32 v1, v0  }
0x1b8: {  	v1 =	vld [tilespmem:s10+$0xC800]  }
0x1b9: {  	[tilespmem:s9+$0x19010] =	vst v0;
	v0 =	vld [tilespmem:s9+$0xC820]  }
0x1ba: {  	v3 =	vld [tilespmem:s18+$0x0];
	_ =	sdelay $0x2  }
0x1bb: {  	v1 =	vadd.f32 v2, v1;
	_ =	sdelay $0x1  }
0x1bc: {  	[tilespmem:s10+$0x19000] =	vst v1;
	v1 =	vld [tilespmem:s10+$0xC810];
	v0 =	vadd.f32 v3, v0  }
0x1bd: {  	v3 =	vld [tilespmem:s21+$0xFFFFFFF0]  }
0x1be: {  	v2 =	vld [tilespmem:s9+$0xC830];
	[tilespmem:s9+$0x19020] =	vst v0  }
0x1bf: {  	v0 =	vld [tilespmem:s18+$0x10];
	_ =	sdelay $0x1  }
0x1c0: {  	s2 =	simm.s32 $0x3320  }
0x1c1: {  	s11 =	simm.s32 $0x200;
	v4 =	vld [tilespmem:s2+$0xFFFFFFE0];
	v1 =	vadd.f32 v3, v1  }
0x1c2: {  	v3 =	vld [tilespmem:s11+$0xC800]  }
0x1c3: {  	[tilespmem:s10+$0x19010] =	vst v1;
	v1 =	vld [tilespmem:s10+$0xC820];
	v0 =	vadd.f32 v0, v2  }
0x1c4: {  	v2 =	vld [tilespmem:s9+$0xC880]  }
0x1c5: {  	[tilespmem:s9+$0x19030] =	vst v0;
	v0 =	vld [tilespmem:s21+$0x0]  }
0x1c6: {  	v5 =	vld [tilespmem:s18+$0x20]  }
0x1c7: {  	v3 =	vadd.f32 v4, v3;
	_ =	sdelay $0x1  }
0x1c8: {  	v4 =	vld [tilespmem:s10+$0xC830];
	[tilespmem:s11+$0x19000] =	vst v3  }
0x1c9: {  	v3 =	vld [tilespmem:s2+$0xFFFFFFF0];
	v0 =	vadd.f32 v0, v1  }
0x1ca: {  	v1 =	vld [tilespmem:s11+$0xC810];
	v2 =	vadd.f32 v5, v2  }
0x1cb: {  	s23 =	simm.s32 $0x40;
	v5 =	vld [tilespmem:s9+$0xC890];
	[tilespmem:s10+$0x19020] =	vst v0  }
0x1cc: {  	s25 =	sor.u32 $0x50, s23;
	v0 =	vld [tilespmem:s21+$0x10];
	[tilespmem:s9+$0x19080] =	vst v2  }
0x1cd: {  	s8 =	simm.s32 $0x33A0;
	v2 =	vld [tilespmem:s25+$0x3200]  }
0x1ce: {  	v6 =	vld [tilespmem:s8+$0xFFFFFFE0]  }
0x1cf: {  	v8 =	vld [tilespmem:s9+$0xC8A0]  }
0x1d0: {  	v7 =	vld [tilespmem:s10+$0xC880];
	v1 =	vadd.f32 v3, v1  }
0x1d1: {  	s7 =	simm.s32 $0x300;
	v3 =	vld [tilespmem:s11+$0xC820];
	v0 =	vadd.f32 v0, v4  }
0x1d2: {  	[tilespmem:s11+$0x19010] =	vst v1;
	v1 =	vld [tilespmem:s7+$0xC800];
	v2 =	vadd.f32 v2, v5  }
0x1d3: {  	v4 =	vld [tilespmem:s2+$0x0];
	[tilespmem:s10+$0x19030] =	vst v0  }
0x1d4: {  	s28 =	sor.u32 $0x60, s23;
	[tilespmem:s9+$0x19090] =	vst v2;
	v2 =	vld [tilespmem:s21+$0x20]  }
0x1d5: {  	v63 =	vld [tilespmem:s28+$0x3200]  }
0x1d6: {  	v0 =	vld [tilespmem:s9+$0xC8B0]  }
0x1d7: {  	v5 =	vadd.f32 v6, v1;
	v1 =	vld [tilespmem:s10+$0xC890]  }
0x1d8: {  	v4 =	vadd.f32 v4, v3;
	v3 =	vld [tilespmem:s11+$0xC830]  }
0x1d9: {  	[tilespmem:s7+$0x19000] =	vst v5;
	v5 =	vld [tilespmem:s7+$0xC810];
	v2 =	vadd.f32 v2, v7  }
0x1da: {  	s13 =	simm.s32 $0xC0;
	[tilespmem:s11+$0x19020] =	vst v4;
	v7 =	vld [tilespmem:s8+$0xFFFFFFF0];
	v8 =	vadd.f32 v63, v8  }
0x1db: {  	s30 =	sor.u32 $0x50, s13;
	v6 =	vld [tilespmem:s2+$0x10];
	[tilespmem:s10+$0x19080] =	vst v2  }
0x1dc: {  	s12 =	simm.s32 $0xC0;
	s1 =	sor.u32 $0x70, s23;
	v4 =	vld [tilespmem:s30+$0x3200];
	[tilespmem:s9+$0x190A0] =	vst v8  }
0x1dd: {  	s14 =	simm.s32 $0xC00;
	s15 =	simm.s32 $0x6;
	s16 =	simm.s32 $0x3420;
	v2 =	vld [tilespmem:s1+$0x3200]  }
.LBB2_9:
0x1de: {  	v8 =	vld [tilespmem:s16+$0xFFFFFFE0]  }
0x1df: {  	v5 =	vadd.f32 v7, v5;
	v9 =	vld [tilespmem:s10+$0xC8A0]  }
0x1e0: {  	s14 =	sadd.s32 $0x400, s14;
	v3 =	vadd.f32 v6, v3;
	v6 =	vld [tilespmem:s11+$0xC880]  }
0x1e1: {  	s1 =	sshra.s32 s14, $0x2;
	[tilespmem:s7+$0x19010] =	vst v5;
	v5 =	vld [tilespmem:s7+$0xC820];
	v1 =	vadd.f32 v4, v1  }
0x1e2: {  	v4 =	vld [tilespmem:s1+$0xC800];
	[tilespmem:s11+$0x19030] =	vst v3;
	v0 =	vadd.f32 v2, v0  }
0x1e3: {  	v2 =	vld [tilespmem:s8+$0x0];
	[tilespmem:s10+$0x19090] =	vst v1  }
0x1e4: {  	s15 =	sadd.s32 $0x2, s15;
	v7 =	vld [tilespmem:s2+$0x20];
	s2 =	sor.u32 $0x60, s13;
	[tilespmem:s9+$0x190B0] =	vst v0;
	s9 =	smov.u32 s10  }
0x1e5: {  	p0 =	slt.u32 s15, $0xC6;
	s10 =	smov.u32 s11;
	s11 =	smov.u32 s7;
	v10 =	vld [tilespmem:s2+$0x3200]  }
0x1e6: {  	s7 =	smov.u32 s1;
	s2 =	smov.u32 s8;
	s8 =	smov.u32 s16;
	v0 =	vld [tilespmem:s9+$0xC8B0]  }
0x1e7: {  	v4 =	vadd.f32 v8, v4;
	v1 =	vld [tilespmem:s10+$0xC890]  }
0x1e8: {  	v2 =	vadd.f32 v2, v5;
	v3 =	vld [tilespmem:s11+$0xC830]  }
.Ltmp3:
0x1e9: {  	[tilespmem:s7+$0x19000] =	vst v4;
	v5 =	vld [tilespmem:s7+$0xC810];
	v4 =	vadd.f32 v7, v6;
	(pc) =	sbr.rel @p0 .LBB2_9-.Ltmp3, $4  }
0x1ea: {  	s13 =	sadd.s32 $0x80, s13;
	v7 =	vld [tilespmem:s16+$0xFFFFFFF0];
	[tilespmem:s11+$0x19020] =	vst v2;
	v2 =	vadd.f32 v10, v9  }
0x1eb: {  	s1 =	sor.u32 $0x50, s13;
	v6 =	vld [tilespmem:s2+$0x10];
	[tilespmem:s10+$0x19080] =	vst v4  }
0x1ec: {  	v4 =	vld [tilespmem:s1+$0x3200];
	[tilespmem:s9+$0x190A0] =	vst v2;
	s1 =	sor.u32 $0x70, s12;
	s12 =	smov.u32 s13  }
0x1ed: {  	s16 =	sadd.s32 $0x80, s16;
	v2 =	vld [tilespmem:s1+$0x3200]  }
0x1ee: {  	_ = 	snop  }
0x1ef: {  	v5 =	vadd.f32 v7, v5;
	_ =	sdelay $0x1  }
0x1f0: {  	v48 =	vld [tilespmem:s7+$0xC820];
	[tilespmem:s7+$0x19010] =	vst v5  }
0x1f1: {  	v49 =	vld [tilespmem:s8+$0x0];
	_ =	sdelay $0x4  }
0x1f2: {  	v5 =	vadd.f32 v49, v48;
	_ =	sdelay $0x1  }
0x1f3: {  	v50 =	vld [tilespmem:s7+$0xC830];
	[tilespmem:s7+$0x19020] =	vst v5  }
0x1f4: {  	v5 =	vld [tilespmem:s8+$0x10];
	_ =	sdelay $0x3  }
0x1f5: {  	v3 =	vadd.f32 v6, v3  }
0x1f6: {  	v51 =	vld [tilespmem:s11+$0xC880];
	v5 =	vadd.f32 v5, v50  }
0x1f7: {  	v52 =	vld [tilespmem:s7+$0xC880];
	[tilespmem:s11+$0x19030] =	vst v3  }
0x1f8: {  	v53 =	vld [tilespmem:s2+$0x20];
	[tilespmem:s7+$0x19030] =	vst v5  }
0x1f9: {  	v5 =	vld [tilespmem:s8+$0x20];
	_ =	sdelay $0x3  }
0x1fa: {  	v6 =	vadd.f32 v53, v51  }
0x1fb: {  	v54 =	vld [tilespmem:s11+$0xC890];
	s1 =	sadd.s32 $0x80, s13;
	v3 =	vadd.f32 v5, v52  }
0x1fc: {  	v55 =	vld [tilespmem:s7+$0xC890];
	s15 =	sor.u32 $0x50, s1;
	s16 =	sadd.s32 $0x80, s1;
	[tilespmem:s11+$0x19080] =	vst v6  }
0x1fd: {  	s17 =	sor.u32 $0x50, s16;
	v6 =	vld [tilespmem:s15+$0x3200];
	[tilespmem:s7+$0x19080] =	vst v3  }
0x1fe: {  	v3 =	vld [tilespmem:s17+$0x3200];
	_ =	sdelay $0x2  }
0x1ff: {  	v56 =	vld [tilespmem:s10+$0xC8A0];
	v1 =	vadd.f32 v4, v1  }
0x200: {  	v57 =	vld [tilespmem:s11+$0xC8A0];
	v6 =	vadd.f32 v6, v54  }
0x201: {  	s18 =	sor.u32 $0x60, s13;
	v58 =	vld [tilespmem:s7+$0xC8A0];
	[tilespmem:s10+$0x19090] =	vst v1;
	v3 =	vadd.f32 v3, v55  }
0x202: {  	s21 =	sor.u32 $0x60, s1;
	v1 =	vld [tilespmem:s18+$0x3200];
	[tilespmem:s11+$0x19090] =	vst v6  }
0x203: {  	s23 =	sor.u32 $0x60, s16;
	v6 =	vld [tilespmem:s21+$0x3200];
	[tilespmem:s7+$0x19090] =	vst v3  }
0x204: {  	v3 =	vld [tilespmem:s23+$0x3200];
	_ =	sdelay $0x2  }
0x205: {  	v59 =	vld [tilespmem:s10+$0xC8B0];
	v1 =	vadd.f32 v1, v56  }
0x206: {  	v60 =	vld [tilespmem:s11+$0xC8B0];
	v6 =	vadd.f32 v6, v57  }
0x207: {  	s25 =	sor.u32 $0x70, s12;
	v61 =	vld [tilespmem:s7+$0xC8B0];
	[tilespmem:s10+$0x190A0] =	vst v1;
	v3 =	vadd.f32 v3, v58  }
0x208: {  	s1 =	sor.u32 $0x70, s1;
	v1 =	vld [tilespmem:s25+$0x3200];
	[tilespmem:s11+$0x190A0] =	vst v6  }
0x209: {  	s28 =	sor.u32 $0x70, s16;
	v6 =	vld [tilespmem:s1+$0x3200];
	[tilespmem:s7+$0x190A0] =	vst v3  }
0x20a: {  	v3 =	vld [tilespmem:s28+$0x3200];
	_ =	sdelay $0x1  }
0x20b: {  	s26 =	sadd.s32 $0x1, s26;
	v0 =	vadd.f32 v2, v0  }
0x20c: {  	p0 =	sne.s32 s26, $0x1F;
	v1 =	vadd.f32 v1, v59  }
.Ltmp4:
0x20d: {  	s30 =	sadd.s32 s6, s31;
	[tilespmem:s9+$0x190B0] =	vst v0;
	v62 =	vadd.f32 v6, v60;
	(pc) =	sbr.rel @p0 .LBB2_6-.Ltmp4, $4  }
0x20e: {  	[tilespmem:s10+$0x190B0] =	vst v1;
	s1 =	smul.u32 $0xC80, s30;
	v63 =	vadd.f32 v3, v61  }
0x20f: {  	[tilespmem:s11+$0x190B0] =	vst v62  }
0x210: {  	s31 =	simm.s32 $0x19000;
	s1 =	sadd.s32 s5, s1;
	[tilespmem:s7+$0x190B0] =	vst v63  }
0x211: {  	[hbm4b:s1+s4] =	stream.linear.scatter [tilespmem:s31], [sflag:$0x5], $0x6400, $0x38;
	[tilespmem:$0x1F400] =	vst v63  }
0x212: {  	s1 =	simm.s32 $0xC800;
	s2 =	simm.s32 $0x3138  }
0x213: {  	[tilespmem:s1], [sflag:$0x3] =	stream.indirect.gather [hbm4b:s3+s20], $0x80, s2, s20, $0xb8;
	[tilespmem:$0x1F400] =	vst v63  }
0x214: {  	s21 =	simm.s32 $0x10800;
	s23 =	simm.s32 $0x31B8  }
0x215: {  	[tilespmem:s21], [sflag:$0x3] =	stream.indirect.gather [hbm4b:s3+s22], $0x80, s23, s22, $0xb8;
	[tilespmem:$0x1F400] =	vst v63  }
0x216: {  	_ =	swait.ge [sflag:s29], $0x4000  }
0x217: {  	[sflag:s29] =	ssyncset.done $0x0  }
0x218: {  	[sflag:s29] =	ssyncadd.s32 $0xFFFFC000  }
0x219: {  	_ =	swait.ge [sflag:s29], $0x2400  }
0x21a: {  	[sflag:s29] =	ssyncset.done $0x0  }
0x21b: {  	[sflag:s29] =	ssyncadd.s32 $0xFFFFDC00  }
0x21c: {  	_ =	swait.ge [sflag:s19], $0x6400  }
0x21d: {  	[sflag:s19] =	ssyncset.done $0x0  }
0x21e: {  	s25 =	simm.s32 $0x3220;
	[sflag:s19] =	ssyncadd.s32 $0xFFFF9C00  }
0x21f: {  	s26 =	simm.s32 $0x6480;
	v0 =	vld [tilespmem:s25+$0xFFFFFFE0]  }
0x220: {  	v1 =	vld [tilespmem:s26+$0xFFFFFF80];
	_ =	sdelay $0x4  }
0x221: {  	v0 =	vadd.f32 v0, v1  }
0x222: {  	s9 =	simm.s32 $0x12C80  }
0x223: {  	[tilespmem:s9+$0xFFFFFF80] =	vst v0  }
0x224: {  	v0 =	vld [tilespmem:s26+$0xFFFFFF90]  }
0x225: {  	v1 =	vld [tilespmem:s25+$0xFFFFFFF0];
	_ =	sdelay $0x2  }
0x226: {  	s7 =	simm.s32 $0x32A0  }
0x227: {  	s11 =	simm.s32 $0x6580;
	v2 =	vld [tilespmem:s7+$0xFFFFFFE0]  }
0x228: {  	v0 =	vadd.f32 v1, v0;
	v1 =	vld [tilespmem:s11+$0xFFFFFF80];
	_ =	sdelay $0x1  }
0x229: {  	[tilespmem:s9+$0xFFFFFF90] =	vst v0  }
0x22a: {  	v0 =	vld [tilespmem:s26+$0xFFFFFFA0]  }
0x22b: {  	v3 =	vld [tilespmem:s25+$0x0]  }
0x22c: {  	v1 =	vadd.f32 v2, v1  }
0x22d: {  	s10 =	simm.s32 $0x12D80  }
0x22e: {  	[tilespmem:s10+$0xFFFFFF80] =	vst v1  }
0x22f: {  	v1 =	vld [tilespmem:s11+$0xFFFFFF90]  }
0x230: {  	v0 =	vadd.f32 v3, v0;
	v2 =	vld [tilespmem:s7+$0xFFFFFFF0];
	_ =	sdelay $0x1  }
0x231: {  	[tilespmem:s9+$0xFFFFFFA0] =	vst v0  }
0x232: {  	v0 =	vld [tilespmem:s26+$0xFFFFFFB0]  }
0x233: {  	s13 =	simm.s32 $0x6680;
	v3 =	vld [tilespmem:s25+$0x10]  }
0x234: {  	s21 =	simm.s32 $0x3320;
	v4 =	vld [tilespmem:s13+$0xFFFFFF80];
	v1 =	vadd.f32 v2, v1  }
0x235: {  	v2 =	vld [tilespmem:s21+$0xFFFFFFE0]  }
0x236: {  	[tilespmem:s10+$0xFFFFFF90] =	vst v1  }
0x237: {  	v1 =	vld [tilespmem:s11+$0xFFFFFFA0]  }
0x238: {  	v0 =	vadd.f32 v3, v0;
	v3 =	vld [tilespmem:s7+$0x0];
	_ =	sdelay $0x1  }
0x239: {  	[tilespmem:s9+$0xFFFFFFB0] =	vst v0;
	v2 =	vadd.f32 v2, v4  }
0x23a: {  	s12 =	simm.s32 $0x12E80;
	v0 =	vld [tilespmem:s26+$0x0]  }
0x23b: {  	v4 =	vld [tilespmem:s25+$0x20];
	[tilespmem:s12+$0xFFFFFF80] =	vst v2  }
0x23c: {  	v1 =	vadd.f32 v3, v1;
	v2 =	vld [tilespmem:s13+$0xFFFFFF90]  }
0x23d: {  	v3 =	vld [tilespmem:s21+$0xFFFFFFF0]  }
0x23e: {  	[tilespmem:s10+$0xFFFFFFA0] =	vst v1  }
0x23f: {  	v1 =	vld [tilespmem:s11+$0xFFFFFFB0]  }
0x240: {  	s17 =	simm.s32 $0x33A0;
	v0 =	vadd.f32 v4, v0;
	v5 =	vld [tilespmem:s7+$0x10]  }
0x241: {  	s14 =	simm.s32 $0x6780;
	v4 =	vld [tilespmem:s17+$0xFFFFFFE0]  }
0x242: {  	s28 =	simm.s32 $0x40;
	[tilespmem:s9+$0x0] =	vst v0;
	v2 =	vadd.f32 v3, v2;
	v3 =	vld [tilespmem:s14+$0xFFFFFF80]  }
0x243: {  	s8 =	sor.u32 $0x50, s28;
	v0 =	vld [tilespmem:s26+$0x10]  }
0x244: {  	v6 =	vld [tilespmem:s8+$0x3200];
	[tilespmem:s12+$0xFFFFFF90] =	vst v2  }
0x245: {  	v2 =	vld [tilespmem:s13+$0xFFFFFFA0];
	v1 =	vadd.f32 v5, v1  }
0x246: {  	s16 =	simm.s32 $0x6880;
	v5 =	vld [tilespmem:s21+$0x0]  }
0x247: {  	v8 =	vld [tilespmem:s16+$0xFFFFFF80];
	v3 =	vadd.f32 v4, v3;
	[tilespmem:s10+$0xFFFFFFB0] =	vst v1  }
0x248: {  	s15 =	simm.s32 $0x12F80;
	v1 =	vld [tilespmem:s11+$0x0]  }
0x249: {  	v0 =	vadd.f32 v6, v0;
	[tilespmem:s15+$0xFFFFFF80] =	vst v3;
	v3 =	vld [tilespmem:s7+$0x20]  }
0x24a: {  	v4 =	vld [tilespmem:s14+$0xFFFFFF90]  }
0x24b: {  	s30 =	sor.u32 $0x60, s28;
	[tilespmem:s9+$0x10] =	vst v0;
	v0 =	vadd.f32 v5, v2;
	v5 =	vld [tilespmem:s17+$0xFFFFFFF0]  }
0x24c: {  	v2 =	vld [tilespmem:s30+$0x3200]  }
0x24d: {  	[tilespmem:s12+$0xFFFFFFA0] =	vst v0;
	v0 =	vld [tilespmem:s26+$0x20]  }
0x24e: {  	v6 =	vld [tilespmem:s13+$0xFFFFFFB0];
	v1 =	vadd.f32 v3, v1  }
0x24f: {  	s18 =	simm.s32 $0x3420;
	v7 =	vld [tilespmem:s21+$0x10]  }
0x250: {  	s8 =	simm.s32 $0xC0;
	v3 =	vld [tilespmem:s18+$0xFFFFFFE0];
	[tilespmem:s10+$0x0] =	vst v1;
	v1 =	vadd.f32 v5, v4  }
0x251: {  	s31 =	sor.u32 $0x50, s8;
	v4 =	vld [tilespmem:s11+$0x10]  }
0x252: {  	v0 =	vadd.f32 v2, v0;
	v9 =	vld [tilespmem:s31+$0x3200];
	[tilespmem:s15+$0xFFFFFF90] =	vst v1  }
0x253: {  	v2 =	vld [tilespmem:s14+$0xFFFFFFA0]  }
0x254: {  	s1 =	sor.u32 $0x70, s28;
	v1 =	vadd.f32 v7, v6;
	[tilespmem:s9+$0x20] =	vst v0;
	v5 =	vld [tilespmem:s17+$0x0]  }
0x255: {  	v0 =	vld [tilespmem:s1+$0x3200]  }
0x256: {  	v6 =	vadd.f32 v3, v8;
	[tilespmem:s12+$0xFFFFFFB0] =	vst v1;
	v1 =	vld [tilespmem:s26+$0x30]  }
0x257: {  	s7 =	simm.s32 $0x13080;
	v3 =	vld [tilespmem:s13+$0x0];
	v7 =	vadd.f32 v9, v4  }
0x258: {  	s2 =	simm.s32 $0x140;
	s23 =	simm.s32 $0x8;
	s25 =	simm.s32 $0x34A0;
	[tilespmem:s7+$0xFFFFFF80] =	vst v6;
	v4 =	vld [tilespmem:s21+$0x20]  }
0x259: {  	s26 =	simm.s32 $0x6980;
	s1 =	sor.u32 $0x60, s8;
	v6 =	vld [tilespmem:s16+$0xFFFFFF90];
	s21 =	simm.s32 $0x140;
	[tilespmem:s10+$0x10] =	vst v7  }
.LBB2_12:
0x25a: {  	s23 =	sadd.s32 $0x2, s23;
	v2 =	vadd.f32 v5, v2;
	v5 =	vld [tilespmem:s1+$0x3200]  }
0x25b: {  	p0 =	slt.u32 s23, $0xC6;
	v7 =	vld [tilespmem:s18+$0xFFFFFFF0];
	v0 =	vadd.f32 v0, v1  }
0x25c: {  	[tilespmem:s15+$0xFFFFFFA0] =	vst v2;
	v1 =	vld [tilespmem:s11+$0x20]  }
0x25d: {  	v8 =	vld [tilespmem:s14+$0xFFFFFFB0];
	v2 =	vadd.f32 v4, v3;
	[tilespmem:s9+$0x30] =	vst v0;
	s9 =	smov.u32 s10;
	s10 =	smov.u32 s12;
	s12 =	smov.u32 s15  }
0x25e: {  	s15 =	smov.u32 s7;
	v3 =	vld [tilespmem:s25+$0xFFFFFFE0]  }
0x25f: {  	v0 =	vld [tilespmem:s17+$0x10];
	[tilespmem:s10+$0x0] =	vst v2  }
0x260: {  	v2 =	vadd.f32 v7, v6;
	v4 =	vld [tilespmem:s13+$0x10]  }
0x261: {  	s1 =	sor.u32 $0x50, s2;
	s21 =	sadd.s32 $0x80, s21;
	s7 =	sadd.s32 $0x100, s7;
	v6 =	vld [tilespmem:s26+$0xFFFFFF80];
	v1 =	vadd.f32 v5, v1  }
0x262: {  	[tilespmem:s15+$0xFFFFFF90] =	vst v2;
	v7 =	vld [tilespmem:s1+$0x3200]  }
0x263: {  	s1 =	sor.u32 $0x70, s8;
	s8 =	smov.u32 s2;
	s2 =	smov.u32 s21;
	v2 =	vld [tilespmem:s16+$0xFFFFFFA0];
	[tilespmem:s9+$0x20] =	vst v1  }
0x264: {  	v1 =	vadd.f32 v0, v8;
	v0 =	vld [tilespmem:s1+$0x3200]  }
.Ltmp5:
0x265: {  	v5 =	vld [tilespmem:s18+$0x0];
	(pc) =	sbr.rel @p0 .LBB2_12-.Ltmp5, $4  }
0x266: {  	v6 =	vadd.f32 v3, v6;
	[tilespmem:s12+$0xFFFFFFB0] =	vst v1;
	v1 =	vld [tilespmem:s11+$0x30];
	s11 =	smov.u32 s13;
	s13 =	smov.u32 s14;
	s14 =	smov.u32 s16  }
0x267: {  	s16 =	smov.u32 s26;
	v3 =	vld [tilespmem:s13+$0x0];
	v7 =	vadd.f32 v7, v4  }
0x268: {  	[tilespmem:s7+$0xFFFFFF80] =	vst v6;
	v4 =	vld [tilespmem:s17+$0x20];
	s17 =	smov.u32 s18;
	s18 =	smov.u32 s25  }
0x269: {  	s1 =	sor.u32 $0x60, s8;
	s26 =	sadd.s32 $0x100, s26;
	s25 =	sadd.s32 $0x80, s25;
	v6 =	vld [tilespmem:s16+$0xFFFFFF90];
	[tilespmem:s10+$0x10] =	vst v7  }
0x26a: {  	v7 =	vld [tilespmem:s18+$0xFFFFFFF0];
	_ =	sdelay $0x4  }
0x26b: {  	v6 =	vadd.f32 v7, v6;
	_ =	sdelay $0x1  }
0x26c: {  	[tilespmem:s7+$0xFFFFFF90] =	vst v6  }
0x26d: {  	v6 =	vld [tilespmem:s16+$0xFFFFFFA0]  }
0x26e: {  	v7 =	vld [tilespmem:s18+$0x0];
	_ =	sdelay $0x2  }
0x26f: {  	v2 =	vadd.f32 v5, v2;
	_ =	sdelay $0x1  }
0x270: {  	[tilespmem:s15+$0xFFFFFFA0] =	vst v2;
	v2 =	vadd.f32 v7, v6  }
0x271: {  	v5 =	vld [tilespmem:s14+$0xFFFFFFB0]  }
0x272: {  	v6 =	vld [tilespmem:s17+$0x10];
	[tilespmem:s7+$0xFFFFFFA0] =	vst v2  }
0x273: {  	v2 =	vld [tilespmem:s16+$0xFFFFFFB0]  }
0x274: {  	v7 =	vld [tilespmem:s18+$0x10];
	_ =	sdelay $0x2  }
0x275: {  	v5 =	vadd.f32 v6, v5;
	_ =	sdelay $0x1  }
0x276: {  	[tilespmem:s15+$0xFFFFFFB0] =	vst v5;
	v2 =	vadd.f32 v7, v2  }
0x277: {  	v5 =	vld [tilespmem:s14+$0x0]  }
0x278: {  	v6 =	vld [tilespmem:s17+$0x20];
	[tilespmem:s7+$0xFFFFFFB0] =	vst v2  }
0x279: {  	v2 =	vld [tilespmem:s16+$0x0]  }
0x27a: {  	v7 =	vld [tilespmem:s18+$0x20]  }
0x27b: {  	v3 =	vadd.f32 v4, v3;
	_ =	sdelay $0x1  }
0x27c: {  	[tilespmem:s12+$0x0] =	vst v3;
	v3 =	vadd.f32 v6, v5  }
0x27d: {  	v4 =	vld [tilespmem:s13+$0x10];
	s18 =	sor.u32 $0x50, s2  }
0x27e: {  	s23 =	sadd.s32 $0x80, s21;
	v5 =	vld [tilespmem:s18+$0x3200];
	[tilespmem:s15+$0x0] =	vst v3;
	v2 =	vadd.f32 v7, v2  }
0x27f: {  	s25 =	sor.u32 $0x50, s23;
	v3 =	vld [tilespmem:s14+$0x10]  }
0x280: {  	s21 =	sadd.s32 $0x80, s23;
	v6 =	vld [tilespmem:s25+$0x3200];
	[tilespmem:s7+$0x0] =	vst v2  }
0x281: {  	s26 =	sor.u32 $0x50, s21;
	v2 =	vld [tilespmem:s16+$0x10]  }
0x282: {  	v7 =	vld [tilespmem:s26+$0x3200]  }
0x283: {  	v4 =	vadd.f32 v5, v4  }
0x284: {  	v8 =	vld [tilespmem:s11+$0x20]  }
0x285: {  	s28 =	sor.u32 $0x60, s2;
	v5 =	vld [tilespmem:s1+$0x3200];
	[tilespmem:s12+$0x10] =	vst v4;
	v3 =	vadd.f32 v6, v3  }
0x286: {  	v4 =	vld [tilespmem:s28+$0x3200]  }
0x287: {  	s30 =	sor.u32 $0x60, s23;
	v6 =	vld [tilespmem:s13+$0x20];
	[tilespmem:s15+$0x10] =	vst v3;
	v2 =	vadd.f32 v7, v2  }
0x288: {  	v3 =	vld [tilespmem:s30+$0x3200]  }
0x289: {  	s31 =	sor.u32 $0x60, s21;
	v7 =	vld [tilespmem:s14+$0x20];
	[tilespmem:s7+$0x10] =	vst v2  }
0x28a: {  	v2 =	vadd.f32 v5, v8;
	v5 =	vld [tilespmem:s31+$0x3200]  }
0x28b: {  	v8 =	vld [tilespmem:s16+$0x20]  }
0x28c: {  	s8 =	sor.u32 $0x70, s8;
	[tilespmem:s10+$0x20] =	vst v2;
	v2 =	vadd.f32 v4, v6  }
0x28d: {  	v4 =	vld [tilespmem:s8+$0x3200]  }
0x28e: {  	v6 =	vld [tilespmem:s11+$0x30];
	s11 =	sor.u32 $0x70, s2;
	[tilespmem:s12+$0x20] =	vst v2;
	v2 =	vadd.f32 v3, v7  }
0x28f: {  	v3 =	vld [tilespmem:s11+$0x3200]  }
0x290: {  	v7 =	vld [tilespmem:s13+$0x30];
	s13 =	sor.u32 $0x70, s23;
	[tilespmem:s15+$0x20] =	vst v2;
	v2 =	vadd.f32 v5, v8  }
0x291: {  	v5 =	vld [tilespmem:s13+$0x3200]  }
0x292: {  	v8 =	vld [tilespmem:s14+$0x30];
	s14 =	sor.u32 $0x70, s21;
	[tilespmem:s7+$0x20] =	vst v2  }
0x293: {  	v2 =	vld [tilespmem:s14+$0x3200]  }
0x294: {  	v9 =	vld [tilespmem:s16+$0x30]  }
0x295: {  	v0 =	vadd.f32 v0, v1  }
0x296: {  	v1 =	vadd.f32 v4, v6  }
0x297: {  	[tilespmem:s9+$0x30] =	vst v0;
	v0 =	vadd.f32 v3, v7  }
0x298: {  	[tilespmem:s10+$0x30] =	vst v1;
	v1 =	vadd.f32 v5, v8  }
0x299: {  	[tilespmem:s12+$0x30] =	vst v0;
	v0 =	vadd.f32 v2, v9  }
0x29a: {  	[tilespmem:s15+$0x30] =	vst v1  }
0x29b: {  	[tilespmem:s7+$0x30] =	vst v0  }
0x29c: {  	s17 =	simm.s32 $0x0;
	s21 =	simm.s32 $0x12C00;
	s18 =	rddreg [dreg:$0x8]  }
0x29d: {  	[hbm4b:s18+s17] =	stream.linear.scatter [tilespmem:s21], [sflag:$0x4], $0x6400, $0x38;
	[tilespmem:$0x1F400] =	vst v63  }
0x29e: {  	_ =	swait.ge [sflag:s0], $0x4000  }
0x29f: {  	[sflag:s0] =	ssyncset.done $0x0  }
0x2a0: {  	[sflag:s0] =	ssyncadd.s32 $0xFFFFC000  }
0x2a1: {  	_ =	swait.ge [sflag:s0], $0x2400  }
0x2a2: {  	[sflag:s0] =	ssyncset.done $0x0  }
0x2a3: {  	[sflag:s0] =	ssyncadd.s32 $0xFFFFDC00  }
0x2a4: {  	_ =	swait.ge [sflag:s24], $0x6400  }
0x2a5: {  	[sflag:s24] =	ssyncset.done $0x0  }
0x2a6: {  	s23 =	simm.s32 $0x3220;
	[sflag:s24] =	ssyncadd.s32 $0xFFFF9C00  }
0x2a7: {  	s9 =	simm.s32 $0x0;
	v0 =	vld [tilespmem:s23+$0xFFFFFFE0]  }
0x2a8: {  	v1 =	vld [tilespmem:s9+$0xC800];
	_ =	sdelay $0x4  }
0x2a9: {  	v0 =	vadd.f32 v0, v1;
	_ =	sdelay $0x1  }
0x2aa: {  	[tilespmem:s9+$0x19000] =	vst v0;
	v0 =	vld [tilespmem:s9+$0xC810]  }
0x2ab: {  	v1 =	vld [tilespmem:s23+$0xFFFFFFF0];
	_ =	sdelay $0x3  }
0x2ac: {  	s25 =	simm.s32 $0x32A0  }
0x2ad: {  	s10 =	simm.s32 $0x100;
	v2 =	vld [tilespmem:s25+$0xFFFFFFE0];
	v0 =	vadd.f32 v1, v0  }
0x2ae: {  	v1 =	vld [tilespmem:s10+$0xC800]  }
0x2af: {  	[tilespmem:s9+$0x19010] =	vst v0;
	v0 =	vld [tilespmem:s9+$0xC820]  }
0x2b0: {  	v3 =	vld [tilespmem:s23+$0x0];
	_ =	sdelay $0x2  }
0x2b1: {  	v1 =	vadd.f32 v2, v1;
	_ =	sdelay $0x1  }
0x2b2: {  	[tilespmem:s10+$0x19000] =	vst v1;
	v1 =	vld [tilespmem:s10+$0xC810];
	v0 =	vadd.f32 v3, v0  }
0x2b3: {  	v3 =	vld [tilespmem:s25+$0xFFFFFFF0]  }
0x2b4: {  	v2 =	vld [tilespmem:s9+$0xC830];
	[tilespmem:s9+$0x19020] =	vst v0  }
0x2b5: {  	v0 =	vld [tilespmem:s23+$0x10];
	_ =	sdelay $0x1  }
0x2b6: {  	s2 =	simm.s32 $0x3320  }
0x2b7: {  	s11 =	simm.s32 $0x200;
	v4 =	vld [tilespmem:s2+$0xFFFFFFE0];
	v1 =	vadd.f32 v3, v1  }
0x2b8: {  	v3 =	vld [tilespmem:s11+$0xC800]  }
0x2b9: {  	[tilespmem:s10+$0x19010] =	vst v1;
	v1 =	vld [tilespmem:s10+$0xC820];
	v0 =	vadd.f32 v0, v2  }
0x2ba: {  	v2 =	vld [tilespmem:s9+$0xC880]  }
0x2bb: {  	[tilespmem:s9+$0x19030] =	vst v0;
	v0 =	vld [tilespmem:s25+$0x0]  }
0x2bc: {  	v5 =	vld [tilespmem:s23+$0x20]  }
0x2bd: {  	v3 =	vadd.f32 v4, v3;
	_ =	sdelay $0x1  }
0x2be: {  	v4 =	vld [tilespmem:s10+$0xC830];
	[tilespmem:s11+$0x19000] =	vst v3  }
0x2bf: {  	v3 =	vld [tilespmem:s2+$0xFFFFFFF0];
	v0 =	vadd.f32 v0, v1  }
0x2c0: {  	v1 =	vld [tilespmem:s11+$0xC810];
	v2 =	vadd.f32 v5, v2  }
0x2c1: {  	s26 =	simm.s32 $0x40;
	v5 =	vld [tilespmem:s9+$0xC890];
	[tilespmem:s10+$0x19020] =	vst v0  }
0x2c2: {  	s28 =	sor.u32 $0x50, s26;
	v0 =	vld [tilespmem:s25+$0x10];
	[tilespmem:s9+$0x19080] =	vst v2  }
0x2c3: {  	s8 =	simm.s32 $0x33A0;
	v2 =	vld [tilespmem:s28+$0x3200]  }
0x2c4: {  	v6 =	vld [tilespmem:s8+$0xFFFFFFE0]  }
0x2c5: {  	v8 =	vld [tilespmem:s9+$0xC8A0]  }
0x2c6: {  	v7 =	vld [tilespmem:s10+$0xC880];
	v1 =	vadd.f32 v3, v1  }
0x2c7: {  	s7 =	simm.s32 $0x300;
	v3 =	vld [tilespmem:s11+$0xC820];
	v0 =	vadd.f32 v0, v4  }
0x2c8: {  	[tilespmem:s11+$0x19010] =	vst v1;
	v1 =	vld [tilespmem:s7+$0xC800];
	v2 =	vadd.f32 v2, v5  }
0x2c9: {  	v4 =	vld [tilespmem:s2+$0x0];
	[tilespmem:s10+$0x19030] =	vst v0  }
0x2ca: {  	s30 =	sor.u32 $0x60, s26;
	[tilespmem:s9+$0x19090] =	vst v2;
	v2 =	vld [tilespmem:s25+$0x20]  }
0x2cb: {  	v63 =	vld [tilespmem:s30+$0x3200]  }
0x2cc: {  	v0 =	vld [tilespmem:s9+$0xC8B0]  }
0x2cd: {  	v5 =	vadd.f32 v6, v1;
	v1 =	vld [tilespmem:s10+$0xC890]  }
0x2ce: {  	v4 =	vadd.f32 v4, v3;
	v3 =	vld [tilespmem:s11+$0xC830]  }
0x2cf: {  	[tilespmem:s7+$0x19000] =	vst v5;
	v5 =	vld [tilespmem:s7+$0xC810];
	v2 =	vadd.f32 v2, v7  }
0x2d0: {  	s13 =	simm.s32 $0xC0;
	[tilespmem:s11+$0x19020] =	vst v4;
	v7 =	vld [tilespmem:s8+$0xFFFFFFF0];
	v8 =	vadd.f32 v63, v8  }
0x2d1: {  	s31 =	sor.u32 $0x50, s13;
	v6 =	vld [tilespmem:s2+$0x10];
	[tilespmem:s10+$0x19080] =	vst v2  }
0x2d2: {  	s1 =	sor.u32 $0x70, s26;
	s14 =	simm.s32 $0xC00;
	v4 =	vld [tilespmem:s31+$0x3200];
	[tilespmem:s9+$0x190A0] =	vst v8  }
0x2d3: {  	s16 =	simm.s32 $0x3420;
	s12 =	simm.s32 $0xC0;
	s15 =	simm.s32 $0x6;
	v2 =	vld [tilespmem:s1+$0x3200]  }
.LBB2_14:
0x2d4: {  	v8 =	vld [tilespmem:s16+$0xFFFFFFE0]  }
0x2d5: {  	v5 =	vadd.f32 v7, v5;
	v9 =	vld [tilespmem:s10+$0xC8A0]  }
0x2d6: {  	s14 =	sadd.s32 $0x400, s14;
	v3 =	vadd.f32 v6, v3;
	v6 =	vld [tilespmem:s11+$0xC880]  }
0x2d7: {  	s1 =	sshra.s32 s14, $0x2;
	[tilespmem:s7+$0x19010] =	vst v5;
	v5 =	vld [tilespmem:s7+$0xC820];
	v1 =	vadd.f32 v4, v1  }
0x2d8: {  	v4 =	vld [tilespmem:s1+$0xC800];
	[tilespmem:s11+$0x19030] =	vst v3;
	v0 =	vadd.f32 v2, v0  }
0x2d9: {  	v2 =	vld [tilespmem:s8+$0x0];
	[tilespmem:s10+$0x19090] =	vst v1  }
0x2da: {  	s15 =	sadd.s32 $0x2, s15;
	v7 =	vld [tilespmem:s2+$0x20];
	s2 =	sor.u32 $0x60, s13;
	[tilespmem:s9+$0x190B0] =	vst v0;
	s9 =	smov.u32 s10  }
0x2db: {  	p0 =	slt.u32 s15, $0xC6;
	s10 =	smov.u32 s11;
	s11 =	smov.u32 s7;
	v10 =	vld [tilespmem:s2+$0x3200]  }
0x2dc: {  	s7 =	smov.u32 s1;
	s2 =	smov.u32 s8;
	s8 =	smov.u32 s16;
	v0 =	vld [tilespmem:s9+$0xC8B0]  }
0x2dd: {  	v4 =	vadd.f32 v8, v4;
	v1 =	vld [tilespmem:s10+$0xC890]  }
0x2de: {  	v2 =	vadd.f32 v2, v5;
	v3 =	vld [tilespmem:s11+$0xC830]  }
.Ltmp6:
0x2df: {  	[tilespmem:s7+$0x19000] =	vst v4;
	v5 =	vld [tilespmem:s7+$0xC810];
	v4 =	vadd.f32 v7, v6;
	(pc) =	sbr.rel @p0 .LBB2_14-.Ltmp6, $4  }
0x2e0: {  	s13 =	sadd.s32 $0x80, s13;
	v7 =	vld [tilespmem:s16+$0xFFFFFFF0];
	[tilespmem:s11+$0x19020] =	vst v2;
	v2 =	vadd.f32 v10, v9  }
0x2e1: {  	s1 =	sor.u32 $0x50, s13;
	v6 =	vld [tilespmem:s2+$0x10];
	[tilespmem:s10+$0x19080] =	vst v4  }
0x2e2: {  	v4 =	vld [tilespmem:s1+$0x3200];
	[tilespmem:s9+$0x190A0] =	vst v2;
	s1 =	sor.u32 $0x70, s12;
	s12 =	smov.u32 s13  }
0x2e3: {  	s16 =	sadd.s32 $0x80, s16;
	v2 =	vld [tilespmem:s1+$0x3200]  }
0x2e4: {  	_ = 	snop  }
0x2e5: {  	v5 =	vadd.f32 v7, v5;
	_ =	sdelay $0x1  }
0x2e6: {  	[tilespmem:s7+$0x19010] =	vst v5;
	v5 =	vld [tilespmem:s7+$0xC820]  }
0x2e7: {  	v7 =	vld [tilespmem:s8+$0x0];
	_ =	sdelay $0x4  }
0x2e8: {  	v5 =	vadd.f32 v7, v5;
	_ =	sdelay $0x1  }
0x2e9: {  	v7 =	vld [tilespmem:s7+$0xC830];
	[tilespmem:s7+$0x19020] =	vst v5  }
0x2ea: {  	v5 =	vld [tilespmem:s8+$0x10];
	_ =	sdelay $0x3  }
0x2eb: {  	v3 =	vadd.f32 v6, v3  }
0x2ec: {  	v6 =	vld [tilespmem:s11+$0xC880];
	v5 =	vadd.f32 v5, v7  }
0x2ed: {  	[tilespmem:s11+$0x19030] =	vst v3;
	v3 =	vld [tilespmem:s7+$0xC880]  }
0x2ee: {  	v7 =	vld [tilespmem:s2+$0x20];
	[tilespmem:s7+$0x19030] =	vst v5  }
0x2ef: {  	v5 =	vld [tilespmem:s8+$0x20];
	_ =	sdelay $0x3  }
0x2f0: {  	v6 =	vadd.f32 v7, v6  }
0x2f1: {  	s1 =	sadd.s32 $0x80, s13;
	v7 =	vld [tilespmem:s11+$0xC890];
	v3 =	vadd.f32 v5, v3  }
0x2f2: {  	s21 =	sor.u32 $0x50, s1;
	s23 =	sadd.s32 $0x80, s1;
	[tilespmem:s11+$0x19080] =	vst v6;
	v5 =	vld [tilespmem:s7+$0xC890]  }
0x2f3: {  	s25 =	sor.u32 $0x50, s23;
	v6 =	vld [tilespmem:s21+$0x3200];
	[tilespmem:s7+$0x19080] =	vst v3  }
0x2f4: {  	v3 =	vld [tilespmem:s25+$0x3200]  }
0x2f5: {  	v1 =	vadd.f32 v4, v1;
	_ =	sdelay $0x1  }
0x2f6: {  	s26 =	sor.u32 $0x60, s13;
	v4 =	vld [tilespmem:s10+$0xC8A0];
	[tilespmem:s10+$0x19090] =	vst v1  }
0x2f7: {  	v1 =	vld [tilespmem:s26+$0x3200];
	v6 =	vadd.f32 v6, v7  }
0x2f8: {  	v7 =	vld [tilespmem:s11+$0xC8A0];
	v3 =	vadd.f32 v3, v5  }
0x2f9: {  	s28 =	sor.u32 $0x60, s1;
	[tilespmem:s11+$0x19090] =	vst v6;
	v5 =	vld [tilespmem:s7+$0xC8A0]  }
0x2fa: {  	s30 =	sor.u32 $0x60, s23;
	v6 =	vld [tilespmem:s28+$0x3200];
	[tilespmem:s7+$0x19090] =	vst v3  }
0x2fb: {  	v3 =	vld [tilespmem:s30+$0x3200]  }
0x2fc: {  	v1 =	vadd.f32 v1, v4;
	_ =	sdelay $0x1  }
0x2fd: {  	s31 =	sor.u32 $0x70, s12;
	v4 =	vld [tilespmem:s10+$0xC8B0];
	[tilespmem:s10+$0x190A0] =	vst v1  }
0x2fe: {  	v1 =	vld [tilespmem:s31+$0x3200];
	v6 =	vadd.f32 v6, v7  }
0x2ff: {  	v7 =	vld [tilespmem:s11+$0xC8B0];
	v3 =	vadd.f32 v3, v5  }
0x300: {  	s1 =	sor.u32 $0x70, s1;
	[tilespmem:s11+$0x190A0] =	vst v6;
	v5 =	vld [tilespmem:s7+$0xC8B0]  }
0x301: {  	s2 =	sor.u32 $0x70, s23;
	v6 =	vld [tilespmem:s1+$0x3200];
	[tilespmem:s7+$0x190A0] =	vst v3  }
0x302: {  	v3 =	vld [tilespmem:s2+$0x3200];
	_ =	sdelay $0x1  }
0x303: {  	v0 =	vadd.f32 v2, v0  }
0x304: {  	v1 =	vadd.f32 v1, v4  }
0x305: {  	[tilespmem:s9+$0x190B0] =	vst v0;
	v0 =	vadd.f32 v6, v7  }
0x306: {  	[tilespmem:s10+$0x190B0] =	vst v1;
	v1 =	vadd.f32 v3, v5  }
0x307: {  	[tilespmem:s11+$0x190B0] =	vst v0  }
0x308: {  	[tilespmem:s7+$0x190B0] =	vst v1  }
0x309: {  	s9 =	simm.s32 $0x19000;
	s8 =	rddreg [dreg:$0x9]  }
0x30a: {  	[hbm4b:s8+s4] =	stream.linear.scatter [tilespmem:s9], [sflag:$0x5], $0x6400, $0x38;
	[tilespmem:$0x1F400] =	vst v63  }
0x30b: {  	s11 =	simm.s32 $0x1;
	s10 =	rddreg [dreg:$0xa]  }
0x30c: {  	[tilespmem:s4], [sflag:$0x1] =	stream.linear.gather [hbm4b:s10+s4], $0x3200, $0x38;
	[tilespmem:$0x1F400] =	vst v63  }
0x30d: {  	_ =	swait.ge [sflag:s11], $0x3200  }
0x30e: {  	[sflag:s11] =	ssyncset.done $0x0  }
0x30f: {  	s12 =	simm.s32 $0x6400;
	[sflag:s11] =	ssyncadd.s32 $0xFFFFCE00  }
0x310: {  	[tilespmem:s12], [sflag:$0x2] =	stream.indirect.gather [hbm4b:s3+s20], $0x80, s4, s20, $0xb8;
	[tilespmem:$0x1F400] =	vst v63  }
0x311: {  	s13 =	simm.s32 $0xA400  }
0x312: {  	[tilespmem:s13], [sflag:$0x2] =	stream.indirect.gather [hbm4b:s3+s22], $0x80, s20, s22, $0xb8;
	[tilespmem:$0x1F400] =	vst v63  }
0x313: {  	s14 =	simm.s32 $0xC8;
	s15 =	simm.s32 $0xC800  }
0x314: {  	[tilespmem:s15], [sflag:$0x3] =	stream.indirect.gather [hbm4b:s3+s20], $0x80, s14, s20, $0xb8;
	[tilespmem:$0x1F400] =	vst v63  }
0x315: {  	s16 =	simm.s32 $0x148;
	s17 =	simm.s32 $0x10800  }
0x316: {  	[tilespmem:s17], [sflag:$0x3] =	stream.indirect.gather [hbm4b:s3+s22], $0x80, s16, s22, $0xb8;
	[tilespmem:$0x1F400] =	vst v63  }
0x317: {  	_ =	swait.ge [sflag:s29], $0x4000  }
0x318: {  	[sflag:s29] =	ssyncset.done $0x0  }
0x319: {  	[sflag:s29] =	ssyncadd.s32 $0xFFFFC000  }
0x31a: {  	_ =	swait.ge [sflag:s29], $0x2400  }
0x31b: {  	[sflag:s29] =	ssyncset.done $0x0  }
0x31c: {  	[sflag:s29] =	ssyncadd.s32 $0xFFFFDC00  }
0x31d: {  	_ =	swait.ge [sflag:s19], $0x6400  }
0x31e: {  	[sflag:s19] =	ssyncset.done $0x0  }
0x31f: {  	s18 =	simm.s32 $0x3220;
	[sflag:s19] =	ssyncadd.s32 $0xFFFF9C00  }
0x320: {  	s23 =	simm.s32 $0x6480;
	v0 =	vld [tilespmem:s18+$0xFFFFFFE0]  }
0x321: {  	v1 =	vld [tilespmem:s23+$0xFFFFFF80];
	_ =	sdelay $0x4  }
0x322: {  	v0 =	vadd.f32 v0, v1  }
0x323: {  	s9 =	simm.s32 $0x12C80  }
0x324: {  	[tilespmem:s9+$0xFFFFFF80] =	vst v0  }
0x325: {  	v0 =	vld [tilespmem:s23+$0xFFFFFF90]  }
0x326: {  	v1 =	vld [tilespmem:s18+$0xFFFFFFF0];
	_ =	sdelay $0x2  }
0x327: {  	s25 =	simm.s32 $0x32A0  }
0x328: {  	s11 =	simm.s32 $0x6580;
	v2 =	vld [tilespmem:s25+$0xFFFFFFE0]  }
0x329: {  	v0 =	vadd.f32 v1, v0;
	v1 =	vld [tilespmem:s11+$0xFFFFFF80];
	_ =	sdelay $0x1  }
0x32a: {  	[tilespmem:s9+$0xFFFFFF90] =	vst v0  }
0x32b: {  	v0 =	vld [tilespmem:s23+$0xFFFFFFA0]  }
0x32c: {  	v3 =	vld [tilespmem:s18+$0x0]  }
0x32d: {  	v1 =	vadd.f32 v2, v1  }
0x32e: {  	s10 =	simm.s32 $0x12D80  }
0x32f: {  	[tilespmem:s10+$0xFFFFFF80] =	vst v1  }
0x330: {  	v1 =	vld [tilespmem:s11+$0xFFFFFF90]  }
0x331: {  	v0 =	vadd.f32 v3, v0;
	v2 =	vld [tilespmem:s25+$0xFFFFFFF0];
	_ =	sdelay $0x1  }
0x332: {  	[tilespmem:s9+$0xFFFFFFA0] =	vst v0  }
0x333: {  	v0 =	vld [tilespmem:s23+$0xFFFFFFB0]  }
0x334: {  	s13 =	simm.s32 $0x6680;
	v3 =	vld [tilespmem:s18+$0x10]  }
0x335: {  	s21 =	simm.s32 $0x3320;
	v4 =	vld [tilespmem:s13+$0xFFFFFF80];
	v1 =	vadd.f32 v2, v1  }
0x336: {  	v2 =	vld [tilespmem:s21+$0xFFFFFFE0]  }
0x337: {  	[tilespmem:s10+$0xFFFFFF90] =	vst v1  }
0x338: {  	v1 =	vld [tilespmem:s11+$0xFFFFFFA0]  }
0x339: {  	v0 =	vadd.f32 v3, v0;
	v3 =	vld [tilespmem:s25+$0x0];
	_ =	sdelay $0x1  }
0x33a: {  	[tilespmem:s9+$0xFFFFFFB0] =	vst v0;
	v2 =	vadd.f32 v2, v4  }
0x33b: {  	s12 =	simm.s32 $0x12E80;
	v0 =	vld [tilespmem:s23+$0x0]  }
0x33c: {  	v4 =	vld [tilespmem:s18+$0x20];
	[tilespmem:s12+$0xFFFFFF80] =	vst v2  }
0x33d: {  	v1 =	vadd.f32 v3, v1;
	v2 =	vld [tilespmem:s13+$0xFFFFFF90]  }
0x33e: {  	v3 =	vld [tilespmem:s21+$0xFFFFFFF0]  }
0x33f: {  	[tilespmem:s10+$0xFFFFFFA0] =	vst v1  }
0x340: {  	v1 =	vld [tilespmem:s11+$0xFFFFFFB0]  }
0x341: {  	s17 =	simm.s32 $0x33A0;
	v0 =	vadd.f32 v4, v0;
	v5 =	vld [tilespmem:s25+$0x10]  }
0x342: {  	s14 =	simm.s32 $0x6780;
	v4 =	vld [tilespmem:s17+$0xFFFFFFE0]  }
0x343: {  	s26 =	simm.s32 $0x40;
	[tilespmem:s9+$0x0] =	vst v0;
	v2 =	vadd.f32 v3, v2;
	v3 =	vld [tilespmem:s14+$0xFFFFFF80]  }
0x344: {  	s28 =	sor.u32 $0x50, s26;
	v0 =	vld [tilespmem:s23+$0x10]  }
0x345: {  	v6 =	vld [tilespmem:s28+$0x3200];
	[tilespmem:s12+$0xFFFFFF90] =	vst v2  }
0x346: {  	v2 =	vld [tilespmem:s13+$0xFFFFFFA0];
	v1 =	vadd.f32 v5, v1  }
0x347: {  	s16 =	simm.s32 $0x6880;
	v5 =	vld [tilespmem:s21+$0x0]  }
0x348: {  	v8 =	vld [tilespmem:s16+$0xFFFFFF80];
	v3 =	vadd.f32 v4, v3;
	[tilespmem:s10+$0xFFFFFFB0] =	vst v1  }
0x349: {  	s15 =	simm.s32 $0x12F80;
	v1 =	vld [tilespmem:s11+$0x0]  }
0x34a: {  	v0 =	vadd.f32 v6, v0;
	[tilespmem:s15+$0xFFFFFF80] =	vst v3;
	v3 =	vld [tilespmem:s25+$0x20]  }
0x34b: {  	v4 =	vld [tilespmem:s14+$0xFFFFFF90]  }
0x34c: {  	s30 =	sor.u32 $0x60, s26;
	[tilespmem:s9+$0x10] =	vst v0;
	v0 =	vadd.f32 v5, v2;
	v5 =	vld [tilespmem:s17+$0xFFFFFFF0]  }
0x34d: {  	v2 =	vld [tilespmem:s30+$0x3200]  }
0x34e: {  	[tilespmem:s12+$0xFFFFFFA0] =	vst v0;
	v0 =	vld [tilespmem:s23+$0x20]  }
0x34f: {  	v6 =	vld [tilespmem:s13+$0xFFFFFFB0];
	v1 =	vadd.f32 v3, v1  }
0x350: {  	s18 =	simm.s32 $0x3420;
	v7 =	vld [tilespmem:s21+$0x10]  }
0x351: {  	s8 =	simm.s32 $0xC0;
	v3 =	vld [tilespmem:s18+$0xFFFFFFE0];
	[tilespmem:s10+$0x0] =	vst v1;
	v1 =	vadd.f32 v5, v4  }
0x352: {  	s31 =	sor.u32 $0x50, s8;
	v4 =	vld [tilespmem:s11+$0x10]  }
0x353: {  	v0 =	vadd.f32 v2, v0;
	v9 =	vld [tilespmem:s31+$0x3200];
	[tilespmem:s15+$0xFFFFFF90] =	vst v1  }
0x354: {  	v2 =	vld [tilespmem:s14+$0xFFFFFFA0]  }
0x355: {  	s1 =	sor.u32 $0x70, s26;
	v1 =	vadd.f32 v7, v6;
	[tilespmem:s9+$0x20] =	vst v0;
	v5 =	vld [tilespmem:s17+$0x0]  }
0x356: {  	v0 =	vld [tilespmem:s1+$0x3200]  }
0x357: {  	v6 =	vadd.f32 v3, v8;
	[tilespmem:s12+$0xFFFFFFB0] =	vst v1;
	v1 =	vld [tilespmem:s23+$0x30]  }
0x358: {  	s7 =	simm.s32 $0x13080;
	v3 =	vld [tilespmem:s13+$0x0];
	v7 =	vadd.f32 v9, v4  }
0x359: {  	s26 =	simm.s32 $0x6980;
	s2 =	simm.s32 $0x140;
	s25 =	simm.s32 $0x34A0;
	[tilespmem:s7+$0xFFFFFF80] =	vst v6;
	v4 =	vld [tilespmem:s21+$0x20]  }
0x35a: {  	s23 =	simm.s32 $0x8;
	s1 =	sor.u32 $0x60, s8;
	v6 =	vld [tilespmem:s16+$0xFFFFFF90];
	s21 =	simm.s32 $0x140;
	[tilespmem:s10+$0x10] =	vst v7  }
.LBB2_16:
0x35b: {  	s23 =	sadd.s32 $0x2, s23;
	v2 =	vadd.f32 v5, v2;
	v5 =	vld [tilespmem:s1+$0x3200]  }
0x35c: {  	p0 =	slt.u32 s23, $0xC6;
	v7 =	vld [tilespmem:s18+$0xFFFFFFF0];
	v0 =	vadd.f32 v0, v1  }
0x35d: {  	[tilespmem:s15+$0xFFFFFFA0] =	vst v2;
	v1 =	vld [tilespmem:s11+$0x20]  }
0x35e: {  	v8 =	vld [tilespmem:s14+$0xFFFFFFB0];
	v2 =	vadd.f32 v4, v3;
	[tilespmem:s9+$0x30] =	vst v0;
	s9 =	smov.u32 s10;
	s10 =	smov.u32 s12;
	s12 =	smov.u32 s15  }
0x35f: {  	s15 =	smov.u32 s7;
	v3 =	vld [tilespmem:s25+$0xFFFFFFE0]  }
0x360: {  	v0 =	vld [tilespmem:s17+$0x10];
	[tilespmem:s10+$0x0] =	vst v2  }
0x361: {  	v2 =	vadd.f32 v7, v6;
	v4 =	vld [tilespmem:s13+$0x10]  }
0x362: {  	s1 =	sor.u32 $0x50, s2;
	s21 =	sadd.s32 $0x80, s21;
	s7 =	sadd.s32 $0x100, s7;
	v6 =	vld [tilespmem:s26+$0xFFFFFF80];
	v1 =	vadd.f32 v5, v1  }
0x363: {  	[tilespmem:s15+$0xFFFFFF90] =	vst v2;
	v7 =	vld [tilespmem:s1+$0x3200]  }
0x364: {  	s1 =	sor.u32 $0x70, s8;
	s8 =	smov.u32 s2;
	s2 =	smov.u32 s21;
	v2 =	vld [tilespmem:s16+$0xFFFFFFA0];
	[tilespmem:s9+$0x20] =	vst v1  }
0x365: {  	v1 =	vadd.f32 v0, v8;
	v0 =	vld [tilespmem:s1+$0x3200]  }
.Ltmp7:
0x366: {  	v5 =	vld [tilespmem:s18+$0x0];
	(pc) =	sbr.rel @p0 .LBB2_16-.Ltmp7, $4  }
0x367: {  	v6 =	vadd.f32 v3, v6;
	[tilespmem:s12+$0xFFFFFFB0] =	vst v1;
	v1 =	vld [tilespmem:s11+$0x30];
	s11 =	smov.u32 s13;
	s13 =	smov.u32 s14;
	s14 =	smov.u32 s16  }
0x368: {  	s16 =	smov.u32 s26;
	v3 =	vld [tilespmem:s13+$0x0];
	v7 =	vadd.f32 v7, v4  }
0x369: {  	[tilespmem:s7+$0xFFFFFF80] =	vst v6;
	v4 =	vld [tilespmem:s17+$0x20];
	s17 =	smov.u32 s18;
	s18 =	smov.u32 s25  }
0x36a: {  	s1 =	sor.u32 $0x60, s8;
	s26 =	sadd.s32 $0x100, s26;
	s25 =	sadd.s32 $0x80, s25;
	v6 =	vld [tilespmem:s16+$0xFFFFFF90];
	[tilespmem:s10+$0x10] =	vst v7  }
0x36b: {  	v7 =	vld [tilespmem:s18+$0xFFFFFFF0];
	_ =	sdelay $0x4  }
0x36c: {  	v6 =	vadd.f32 v7, v6;
	_ =	sdelay $0x1  }
0x36d: {  	[tilespmem:s7+$0xFFFFFF90] =	vst v6  }
0x36e: {  	v6 =	vld [tilespmem:s16+$0xFFFFFFA0]  }
0x36f: {  	v7 =	vld [tilespmem:s18+$0x0];
	_ =	sdelay $0x2  }
0x370: {  	v2 =	vadd.f32 v5, v2;
	_ =	sdelay $0x1  }
0x371: {  	[tilespmem:s15+$0xFFFFFFA0] =	vst v2;
	v2 =	vadd.f32 v7, v6  }
0x372: {  	v5 =	vld [tilespmem:s14+$0xFFFFFFB0]  }
0x373: {  	v6 =	vld [tilespmem:s17+$0x10];
	[tilespmem:s7+$0xFFFFFFA0] =	vst v2  }
0x374: {  	v2 =	vld [tilespmem:s16+$0xFFFFFFB0]  }
0x375: {  	v7 =	vld [tilespmem:s18+$0x10];
	_ =	sdelay $0x2  }
0x376: {  	v5 =	vadd.f32 v6, v5;
	_ =	sdelay $0x1  }
0x377: {  	[tilespmem:s15+$0xFFFFFFB0] =	vst v5;
	v2 =	vadd.f32 v7, v2  }
0x378: {  	v5 =	vld [tilespmem:s14+$0x0]  }
0x379: {  	v6 =	vld [tilespmem:s17+$0x20];
	[tilespmem:s7+$0xFFFFFFB0] =	vst v2  }
0x37a: {  	v2 =	vld [tilespmem:s16+$0x0]  }
0x37b: {  	v7 =	vld [tilespmem:s18+$0x20]  }
0x37c: {  	v3 =	vadd.f32 v4, v3;
	_ =	sdelay $0x1  }
0x37d: {  	[tilespmem:s12+$0x0] =	vst v3;
	v3 =	vadd.f32 v6, v5  }
0x37e: {  	s31 =	sor.u32 $0x50, s2;
	v4 =	vld [tilespmem:s13+$0x10]  }
0x37f: {  	s18 =	sadd.s32 $0x80, s21;
	v5 =	vld [tilespmem:s31+$0x3200];
	[tilespmem:s15+$0x0] =	vst v3;
	v2 =	vadd.f32 v7, v2  }
0x380: {  	s23 =	sor.u32 $0x50, s18;
	v3 =	vld [tilespmem:s14+$0x10]  }
0x381: {  	s21 =	sadd.s32 $0x80, s18;
	v6 =	vld [tilespmem:s23+$0x3200];
	[tilespmem:s7+$0x0] =	vst v2  }
0x382: {  	s25 =	sor.u32 $0x50, s21;
	v2 =	vld [tilespmem:s16+$0x10]  }
0x383: {  	v7 =	vld [tilespmem:s25+$0x3200]  }
0x384: {  	v4 =	vadd.f32 v5, v4  }
0x385: {  	v8 =	vld [tilespmem:s11+$0x20]  }
0x386: {  	s26 =	sor.u32 $0x60, s2;
	v5 =	vld [tilespmem:s1+$0x3200];
	[tilespmem:s12+$0x10] =	vst v4;
	v3 =	vadd.f32 v6, v3  }
0x387: {  	v4 =	vld [tilespmem:s26+$0x3200]  }
0x388: {  	s28 =	sor.u32 $0x60, s18;
	v6 =	vld [tilespmem:s13+$0x20];
	[tilespmem:s15+$0x10] =	vst v3;
	v2 =	vadd.f32 v7, v2  }
0x389: {  	v3 =	vld [tilespmem:s28+$0x3200]  }
0x38a: {  	s30 =	sor.u32 $0x60, s21;
	v7 =	vld [tilespmem:s14+$0x20];
	[tilespmem:s7+$0x10] =	vst v2  }
0x38b: {  	v2 =	vadd.f32 v5, v8;
	v5 =	vld [tilespmem:s30+$0x3200]  }
0x38c: {  	v8 =	vld [tilespmem:s16+$0x20]  }
0x38d: {  	s31 =	sor.u32 $0x70, s8;
	[tilespmem:s10+$0x20] =	vst v2;
	v2 =	vadd.f32 v4, v6  }
0x38e: {  	v4 =	vld [tilespmem:s31+$0x3200]  }
0x38f: {  	s2 =	sor.u32 $0x70, s2;
	v6 =	vld [tilespmem:s11+$0x30];
	[tilespmem:s12+$0x20] =	vst v2;
	v2 =	vadd.f32 v3, v7  }
0x390: {  	v3 =	vld [tilespmem:s2+$0x3200]  }
0x391: {  	s8 =	sor.u32 $0x70, s18;
	v7 =	vld [tilespmem:s13+$0x30];
	[tilespmem:s15+$0x20] =	vst v2;
	v2 =	vadd.f32 v5, v8  }
0x392: {  	v5 =	vld [tilespmem:s8+$0x3200]  }
0x393: {  	s11 =	sor.u32 $0x70, s21;
	v8 =	vld [tilespmem:s14+$0x30];
	[tilespmem:s7+$0x20] =	vst v2  }
0x394: {  	v2 =	vld [tilespmem:s11+$0x3200]  }
0x395: {  	v9 =	vld [tilespmem:s16+$0x30]  }
0x396: {  	v0 =	vadd.f32 v0, v1  }
0x397: {  	v1 =	vadd.f32 v4, v6  }
0x398: {  	[tilespmem:s9+$0x30] =	vst v0;
	v0 =	vadd.f32 v3, v7  }
0x399: {  	[tilespmem:s10+$0x30] =	vst v1;
	v1 =	vadd.f32 v5, v8  }
0x39a: {  	[tilespmem:s12+$0x30] =	vst v0;
	v0 =	vadd.f32 v2, v9  }
0x39b: {  	[tilespmem:s15+$0x30] =	vst v1  }
0x39c: {  	[tilespmem:s7+$0x30] =	vst v0  }
0x39d: {  	s13 =	simm.s32 $0x0;
	s15 =	simm.s32 $0x12C00;
	s14 =	rddreg [dreg:$0xb]  }
0x39e: {  	[hbm4b:s14+s13] =	stream.linear.scatter [tilespmem:s15], [sflag:$0x4], $0x6400, $0x38;
	[tilespmem:$0x1F400] =	vst v63  }
0x39f: {  	s17 =	simm.s32 $0x190;
	s16 =	simm.s32 $0x6400  }
0x3a0: {  	[tilespmem:s16], [sflag:$0x2] =	stream.indirect.gather [hbm4b:s3+s20], $0x80, s17, s20, $0xb8;
	[tilespmem:$0x1F400] =	vst v63  }
0x3a1: {  	s18 =	simm.s32 $0xA400;
	s21 =	simm.s32 $0x210  }
0x3a2: {  	[tilespmem:s18], [sflag:$0x2] =	stream.indirect.gather [hbm4b:s3+s22], $0x80, s21, s22, $0xb8;
	[tilespmem:$0x1F400] =	vst v63  }
0x3a3: {  	_ =	swait.ge [sflag:s0], $0x4000  }
0x3a4: {  	[sflag:s0] =	ssyncset.done $0x0  }
0x3a5: {  	[sflag:s0] =	ssyncadd.s32 $0xFFFFC000  }
0x3a6: {  	_ =	swait.ge [sflag:s0], $0x2400  }
0x3a7: {  	[sflag:s0] =	ssyncset.done $0x0  }
0x3a8: {  	[sflag:s0] =	ssyncadd.s32 $0xFFFFDC00  }
0x3a9: {  	_ =	swait.ge [sflag:s24], $0x6400  }
0x3aa: {  	[sflag:s24] =	ssyncset.done $0x0  }
0x3ab: {  	s23 =	simm.s32 $0x3220;
	[sflag:s24] =	ssyncadd.s32 $0xFFFF9C00  }
0x3ac: {  	s9 =	simm.s32 $0x0;
	v0 =	vld [tilespmem:s23+$0xFFFFFFE0]  }
0x3ad: {  	v1 =	vld [tilespmem:s9+$0xC800];
	_ =	sdelay $0x4  }
0x3ae: {  	v0 =	vadd.f32 v0, v1;
	_ =	sdelay $0x1  }
0x3af: {  	[tilespmem:s9+$0x19000] =	vst v0;
	v0 =	vld [tilespmem:s9+$0xC810]  }
0x3b0: {  	v1 =	vld [tilespmem:s23+$0xFFFFFFF0];
	_ =	sdelay $0x3  }
0x3b1: {  	s25 =	simm.s32 $0x32A0  }
0x3b2: {  	s10 =	simm.s32 $0x100;
	v2 =	vld [tilespmem:s25+$0xFFFFFFE0];
	v0 =	vadd.f32 v1, v0  }
0x3b3: {  	v1 =	vld [tilespmem:s10+$0xC800]  }
0x3b4: {  	[tilespmem:s9+$0x19010] =	vst v0;
	v0 =	vld [tilespmem:s9+$0xC820]  }
0x3b5: {  	v3 =	vld [tilespmem:s23+$0x0];
	_ =	sdelay $0x2  }
0x3b6: {  	v1 =	vadd.f32 v2, v1;
	_ =	sdelay $0x1  }
0x3b7: {  	[tilespmem:s10+$0x19000] =	vst v1;
	v1 =	vld [tilespmem:s10+$0xC810];
	v0 =	vadd.f32 v3, v0  }
0x3b8: {  	v3 =	vld [tilespmem:s25+$0xFFFFFFF0]  }
0x3b9: {  	v2 =	vld [tilespmem:s9+$0xC830];
	[tilespmem:s9+$0x19020] =	vst v0  }
0x3ba: {  	v0 =	vld [tilespmem:s23+$0x10];
	_ =	sdelay $0x1  }
0x3bb: {  	s2 =	simm.s32 $0x3320  }
0x3bc: {  	s11 =	simm.s32 $0x200;
	v4 =	vld [tilespmem:s2+$0xFFFFFFE0];
	v1 =	vadd.f32 v3, v1  }
0x3bd: {  	v3 =	vld [tilespmem:s11+$0xC800]  }
0x3be: {  	[tilespmem:s10+$0x19010] =	vst v1;
	v1 =	vld [tilespmem:s10+$0xC820];
	v0 =	vadd.f32 v0, v2  }
0x3bf: {  	v2 =	vld [tilespmem:s9+$0xC880]  }
0x3c0: {  	[tilespmem:s9+$0x19030] =	vst v0;
	v0 =	vld [tilespmem:s25+$0x0]  }
0x3c1: {  	v5 =	vld [tilespmem:s23+$0x20]  }
0x3c2: {  	v3 =	vadd.f32 v4, v3;
	_ =	sdelay $0x1  }
0x3c3: {  	v4 =	vld [tilespmem:s10+$0xC830];
	[tilespmem:s11+$0x19000] =	vst v3  }
0x3c4: {  	v3 =	vld [tilespmem:s2+$0xFFFFFFF0];
	v0 =	vadd.f32 v0, v1  }
0x3c5: {  	v1 =	vld [tilespmem:s11+$0xC810];
	v2 =	vadd.f32 v5, v2  }
0x3c6: {  	s26 =	simm.s32 $0x40;
	v5 =	vld [tilespmem:s9+$0xC890];
	[tilespmem:s10+$0x19020] =	vst v0  }
0x3c7: {  	s28 =	sor.u32 $0x50, s26;
	v0 =	vld [tilespmem:s25+$0x10];
	[tilespmem:s9+$0x19080] =	vst v2  }
0x3c8: {  	s8 =	simm.s32 $0x33A0;
	v2 =	vld [tilespmem:s28+$0x3200]  }
0x3c9: {  	v6 =	vld [tilespmem:s8+$0xFFFFFFE0]  }
0x3ca: {  	v8 =	vld [tilespmem:s9+$0xC8A0]  }
0x3cb: {  	v7 =	vld [tilespmem:s10+$0xC880];
	v1 =	vadd.f32 v3, v1  }
0x3cc: {  	s7 =	simm.s32 $0x300;
	v3 =	vld [tilespmem:s11+$0xC820];
	v0 =	vadd.f32 v0, v4  }
0x3cd: {  	[tilespmem:s11+$0x19010] =	vst v1;
	v1 =	vld [tilespmem:s7+$0xC800];
	v2 =	vadd.f32 v2, v5  }
0x3ce: {  	v4 =	vld [tilespmem:s2+$0x0];
	[tilespmem:s10+$0x19030] =	vst v0  }
0x3cf: {  	s30 =	sor.u32 $0x60, s26;
	[tilespmem:s9+$0x19090] =	vst v2;
	v2 =	vld [tilespmem:s25+$0x20]  }
0x3d0: {  	v63 =	vld [tilespmem:s30+$0x3200]  }
0x3d1: {  	v0 =	vld [tilespmem:s9+$0xC8B0]  }
0x3d2: {  	v5 =	vadd.f32 v6, v1;
	v1 =	vld [tilespmem:s10+$0xC890]  }
0x3d3: {  	v4 =	vadd.f32 v4, v3;
	v3 =	vld [tilespmem:s11+$0xC830]  }
0x3d4: {  	[tilespmem:s7+$0x19000] =	vst v5;
	v5 =	vld [tilespmem:s7+$0xC810];
	v2 =	vadd.f32 v2, v7  }
0x3d5: {  	s13 =	simm.s32 $0xC0;
	[tilespmem:s11+$0x19020] =	vst v4;
	v7 =	vld [tilespmem:s8+$0xFFFFFFF0];
	v8 =	vadd.f32 v63, v8  }
0x3d6: {  	s31 =	sor.u32 $0x50, s13;
	v6 =	vld [tilespmem:s2+$0x10];
	[tilespmem:s10+$0x19080] =	vst v2  }
0x3d7: {  	s1 =	sor.u32 $0x70, s26;
	s12 =	simm.s32 $0xC0;
	v4 =	vld [tilespmem:s31+$0x3200];
	[tilespmem:s9+$0x190A0] =	vst v8  }
0x3d8: {  	s14 =	simm.s32 $0xC00;
	s15 =	simm.s32 $0x6;
	s16 =	simm.s32 $0x3420;
	v2 =	vld [tilespmem:s1+$0x3200]  }
.LBB2_18:
0x3d9: {  	v8 =	vld [tilespmem:s16+$0xFFFFFFE0]  }
0x3da: {  	v5 =	vadd.f32 v7, v5;
	v9 =	vld [tilespmem:s10+$0xC8A0]  }
0x3db: {  	s14 =	sadd.s32 $0x400, s14;
	v3 =	vadd.f32 v6, v3;
	v6 =	vld [tilespmem:s11+$0xC880]  }
0x3dc: {  	s1 =	sshra.s32 s14, $0x2;
	[tilespmem:s7+$0x19010] =	vst v5;
	v5 =	vld [tilespmem:s7+$0xC820];
	v1 =	vadd.f32 v4, v1  }
0x3dd: {  	v4 =	vld [tilespmem:s1+$0xC800];
	[tilespmem:s11+$0x19030] =	vst v3;
	v0 =	vadd.f32 v2, v0  }
0x3de: {  	v2 =	vld [tilespmem:s8+$0x0];
	[tilespmem:s10+$0x19090] =	vst v1  }
0x3df: {  	s15 =	sadd.s32 $0x2, s15;
	v7 =	vld [tilespmem:s2+$0x20];
	s2 =	sor.u32 $0x60, s13;
	[tilespmem:s9+$0x190B0] =	vst v0;
	s9 =	smov.u32 s10  }
0x3e0: {  	p0 =	slt.u32 s15, $0xC6;
	s10 =	smov.u32 s11;
	s11 =	smov.u32 s7;
	v10 =	vld [tilespmem:s2+$0x3200]  }
0x3e1: {  	s7 =	smov.u32 s1;
	s2 =	smov.u32 s8;
	s8 =	smov.u32 s16;
	v0 =	vld [tilespmem:s9+$0xC8B0]  }
0x3e2: {  	v4 =	vadd.f32 v8, v4;
	v1 =	vld [tilespmem:s10+$0xC890]  }
0x3e3: {  	v2 =	vadd.f32 v2, v5;
	v3 =	vld [tilespmem:s11+$0xC830]  }
.Ltmp8:
0x3e4: {  	[tilespmem:s7+$0x19000] =	vst v4;
	v5 =	vld [tilespmem:s7+$0xC810];
	v4 =	vadd.f32 v7, v6;
	(pc) =	sbr.rel @p0 .LBB2_18-.Ltmp8, $4  }
0x3e5: {  	s13 =	sadd.s32 $0x80, s13;
	v7 =	vld [tilespmem:s16+$0xFFFFFFF0];
	[tilespmem:s11+$0x19020] =	vst v2;
	v2 =	vadd.f32 v10, v9  }
0x3e6: {  	s1 =	sor.u32 $0x50, s13;
	v6 =	vld [tilespmem:s2+$0x10];
	[tilespmem:s10+$0x19080] =	vst v4  }
0x3e7: {  	v4 =	vld [tilespmem:s1+$0x3200];
	[tilespmem:s9+$0x190A0] =	vst v2;
	s1 =	sor.u32 $0x70, s12;
	s12 =	smov.u32 s13  }
0x3e8: {  	s16 =	sadd.s32 $0x80, s16;
	v2 =	vld [tilespmem:s1+$0x3200]  }
0x3e9: {  	_ = 	snop  }
0x3ea: {  	v5 =	vadd.f32 v7, v5;
	_ =	sdelay $0x1  }
0x3eb: {  	v48 =	vld [tilespmem:s7+$0xC820];
	[tilespmem:s7+$0x19010] =	vst v5  }
0x3ec: {  	v49 =	vld [tilespmem:s8+$0x0];
	_ =	sdelay $0x4  }
0x3ed: {  	v5 =	vadd.f32 v49, v48;
	_ =	sdelay $0x1  }
0x3ee: {  	v50 =	vld [tilespmem:s7+$0xC830];
	[tilespmem:s7+$0x19020] =	vst v5  }
0x3ef: {  	v5 =	vld [tilespmem:s8+$0x10];
	_ =	sdelay $0x3  }
0x3f0: {  	v3 =	vadd.f32 v6, v3  }
0x3f1: {  	v51 =	vld [tilespmem:s11+$0xC880];
	v5 =	vadd.f32 v5, v50  }
0x3f2: {  	v52 =	vld [tilespmem:s7+$0xC880];
	[tilespmem:s11+$0x19030] =	vst v3  }
0x3f3: {  	v53 =	vld [tilespmem:s2+$0x20];
	[tilespmem:s7+$0x19030] =	vst v5  }
0x3f4: {  	v5 =	vld [tilespmem:s8+$0x20];
	_ =	sdelay $0x3  }
0x3f5: {  	v6 =	vadd.f32 v53, v51  }
0x3f6: {  	v54 =	vld [tilespmem:s11+$0xC890];
	s1 =	sadd.s32 $0x80, s13;
	v3 =	vadd.f32 v5, v52  }
0x3f7: {  	v55 =	vld [tilespmem:s7+$0xC890];
	s16 =	sor.u32 $0x50, s1;
	s17 =	sadd.s32 $0x80, s1;
	[tilespmem:s11+$0x19080] =	vst v6  }
0x3f8: {  	s18 =	sor.u32 $0x50, s17;
	v6 =	vld [tilespmem:s16+$0x3200];
	[tilespmem:s7+$0x19080] =	vst v3  }
0x3f9: {  	v3 =	vld [tilespmem:s18+$0x3200];
	_ =	sdelay $0x2  }
0x3fa: {  	v56 =	vld [tilespmem:s10+$0xC8A0];
	v1 =	vadd.f32 v4, v1  }
0x3fb: {  	v57 =	vld [tilespmem:s11+$0xC8A0];
	v6 =	vadd.f32 v6, v54  }
0x3fc: {  	s21 =	sor.u32 $0x60, s13;
	v58 =	vld [tilespmem:s7+$0xC8A0];
	[tilespmem:s10+$0x19090] =	vst v1;
	v3 =	vadd.f32 v3, v55  }
0x3fd: {  	s23 =	sor.u32 $0x60, s1;
	v1 =	vld [tilespmem:s21+$0x3200];
	[tilespmem:s11+$0x19090] =	vst v6  }
0x3fe: {  	s25 =	sor.u32 $0x60, s17;
	v6 =	vld [tilespmem:s23+$0x3200];
	[tilespmem:s7+$0x19090] =	vst v3  }
0x3ff: {  	v3 =	vld [tilespmem:s25+$0x3200];
	_ =	sdelay $0x2  }
0x400: {  	v59 =	vld [tilespmem:s10+$0xC8B0];
	v1 =	vadd.f32 v1, v56  }
0x401: {  	v60 =	vld [tilespmem:s11+$0xC8B0];
	v6 =	vadd.f32 v6, v57  }
0x402: {  	s26 =	sor.u32 $0x70, s12;
	v61 =	vld [tilespmem:s7+$0xC8B0];
	[tilespmem:s10+$0x190A0] =	vst v1;
	v3 =	vadd.f32 v3, v58  }
0x403: {  	s1 =	sor.u32 $0x70, s1;
	v1 =	vld [tilespmem:s26+$0x3200];
	[tilespmem:s11+$0x190A0] =	vst v6  }
0x404: {  	s28 =	sor.u32 $0x70, s17;
	v6 =	vld [tilespmem:s1+$0x3200];
	[tilespmem:s7+$0x190A0] =	vst v3  }
0x405: {  	v3 =	vld [tilespmem:s28+$0x3200];
	_ =	sdelay $0x1  }
0x406: {  	v0 =	vadd.f32 v2, v0  }
0x407: {  	v1 =	vadd.f32 v1, v59  }
0x408: {  	[tilespmem:s9+$0x190B0] =	vst v0;
	v62 =	vadd.f32 v6, v60  }
0x409: {  	[tilespmem:s10+$0x190B0] =	vst v1;
	v63 =	vadd.f32 v3, v61  }
0x40a: {  	[tilespmem:s11+$0x190B0] =	vst v62  }
0x40b: {  	[tilespmem:s7+$0x190B0] =	vst v63  }
0x40c: {  	s31 =	simm.s32 $0x19000;
	s26 =	simm.s32 $0x21;
	s30 =	rddreg [dreg:$0xc]  }
0x40d: {  	[hbm4b:s30+s4] =	stream.linear.scatter [tilespmem:s31], [sflag:$0x5], $0x6400, $0x38;
	[tilespmem:$0x1F400] =	vst v63  }
.LBB2_20:
0x40e: {  	s31 =	sshllo.u32 s26, $0x1  }
0x40f: {  	s1 =	sand.u32 $0x3F, s31  }
0x410: {  	s1 =	smul.u32 $0x320, s1;
	_ =	sdelay $0x1  }
0x411: {  	s2 =	simm.s32 $0xC800;
	s1 =	sshrl.u32 s1, $0x2  }
0x412: {  	[tilespmem:s2], [sflag:$0x3] =	stream.indirect.gather [hbm4b:s3+s20], $0x80, s1, s20, $0xb8;
	[tilespmem:$0x1F400] =	vst v63  }
0x413: {  	s15 =	simm.s32 $0x10800;
	s1 =	sadd.s32 $0x80, s1  }
0x414: {  	[tilespmem:s15], [sflag:$0x3] =	stream.indirect.gather [hbm4b:s3+s22], $0x80, s1, s22, $0xb8;
	[tilespmem:$0x1F400] =	vst v63  }
0x415: {  	_ =	swait.ge [sflag:s29], $0x4000  }
0x416: {  	[sflag:s29] =	ssyncset.done $0x0  }
0x417: {  	[sflag:s29] =	ssyncadd.s32 $0xFFFFC000  }
0x418: {  	_ =	swait.ge [sflag:s29], $0x2400  }
0x419: {  	[sflag:s29] =	ssyncset.done $0x0  }
0x41a: {  	[sflag:s29] =	ssyncadd.s32 $0xFFFFDC00  }
0x41b: {  	_ =	swait.ge [sflag:s19], $0x6400  }
0x41c: {  	[sflag:s19] =	ssyncset.done $0x0  }
0x41d: {  	s16 =	simm.s32 $0x3220;
	[sflag:s19] =	ssyncadd.s32 $0xFFFF9C00  }
0x41e: {  	s2 =	simm.s32 $0x6480;
	v0 =	vld [tilespmem:s16+$0xFFFFFFE0]  }
0x41f: {  	v1 =	vld [tilespmem:s2+$0xFFFFFF80];
	_ =	sdelay $0x4  }
0x420: {  	v0 =	vadd.f32 v0, v1  }
0x421: {  	s9 =	simm.s32 $0x12C80  }
0x422: {  	[tilespmem:s9+$0xFFFFFF80] =	vst v0  }
0x423: {  	v0 =	vld [tilespmem:s2+$0xFFFFFF90]  }
0x424: {  	v1 =	vld [tilespmem:s16+$0xFFFFFFF0];
	_ =	sdelay $0x2  }
0x425: {  	s7 =	simm.s32 $0x32A0  }
0x426: {  	s11 =	simm.s32 $0x6580;
	v2 =	vld [tilespmem:s7+$0xFFFFFFE0]  }
0x427: {  	v0 =	vadd.f32 v1, v0;
	v1 =	vld [tilespmem:s11+$0xFFFFFF80];
	_ =	sdelay $0x1  }
0x428: {  	[tilespmem:s9+$0xFFFFFF90] =	vst v0  }
0x429: {  	v0 =	vld [tilespmem:s2+$0xFFFFFFA0]  }
0x42a: {  	v3 =	vld [tilespmem:s16+$0x0]  }
0x42b: {  	v1 =	vadd.f32 v2, v1  }
0x42c: {  	s10 =	simm.s32 $0x12D80  }
0x42d: {  	[tilespmem:s10+$0xFFFFFF80] =	vst v1  }
0x42e: {  	v1 =	vld [tilespmem:s11+$0xFFFFFF90]  }
0x42f: {  	v0 =	vadd.f32 v3, v0;
	v2 =	vld [tilespmem:s7+$0xFFFFFFF0];
	_ =	sdelay $0x1  }
0x430: {  	[tilespmem:s9+$0xFFFFFFA0] =	vst v0  }
0x431: {  	v0 =	vld [tilespmem:s2+$0xFFFFFFB0]  }
0x432: {  	s13 =	simm.s32 $0x6680;
	v3 =	vld [tilespmem:s16+$0x10]  }
0x433: {  	s23 =	simm.s32 $0x3320;
	v4 =	vld [tilespmem:s13+$0xFFFFFF80];
	v1 =	vadd.f32 v2, v1  }
0x434: {  	v2 =	vld [tilespmem:s23+$0xFFFFFFE0]  }
0x435: {  	[tilespmem:s10+$0xFFFFFF90] =	vst v1  }
0x436: {  	v1 =	vld [tilespmem:s11+$0xFFFFFFA0]  }
0x437: {  	v0 =	vadd.f32 v3, v0;
	v3 =	vld [tilespmem:s7+$0x0];
	_ =	sdelay $0x1  }
0x438: {  	[tilespmem:s9+$0xFFFFFFB0] =	vst v0;
	v2 =	vadd.f32 v2, v4  }
0x439: {  	s12 =	simm.s32 $0x12E80;
	v0 =	vld [tilespmem:s2+$0x0]  }
0x43a: {  	v4 =	vld [tilespmem:s16+$0x20];
	[tilespmem:s12+$0xFFFFFF80] =	vst v2  }
0x43b: {  	v1 =	vadd.f32 v3, v1;
	v2 =	vld [tilespmem:s13+$0xFFFFFF90]  }
0x43c: {  	v3 =	vld [tilespmem:s23+$0xFFFFFFF0]  }
0x43d: {  	[tilespmem:s10+$0xFFFFFFA0] =	vst v1  }
0x43e: {  	v1 =	vld [tilespmem:s11+$0xFFFFFFB0]  }
0x43f: {  	s18 =	simm.s32 $0x33A0;
	v0 =	vadd.f32 v4, v0;
	v5 =	vld [tilespmem:s7+$0x10]  }
0x440: {  	s15 =	simm.s32 $0x6780;
	v4 =	vld [tilespmem:s18+$0xFFFFFFE0]  }
0x441: {  	s17 =	simm.s32 $0x40;
	[tilespmem:s9+$0x0] =	vst v0;
	v2 =	vadd.f32 v3, v2;
	v3 =	vld [tilespmem:s15+$0xFFFFFF80]  }
0x442: {  	s8 =	sor.u32 $0x50, s17;
	v0 =	vld [tilespmem:s2+$0x10]  }
0x443: {  	v6 =	vld [tilespmem:s8+$0x3200];
	[tilespmem:s12+$0xFFFFFF90] =	vst v2  }
0x444: {  	v2 =	vld [tilespmem:s13+$0xFFFFFFA0];
	v1 =	vadd.f32 v5, v1  }
0x445: {  	s16 =	simm.s32 $0x6880;
	v5 =	vld [tilespmem:s23+$0x0]  }
0x446: {  	v8 =	vld [tilespmem:s16+$0xFFFFFF80];
	v3 =	vadd.f32 v4, v3;
	[tilespmem:s10+$0xFFFFFFB0] =	vst v1  }
0x447: {  	s14 =	simm.s32 $0x12F80;
	v1 =	vld [tilespmem:s11+$0x0]  }
0x448: {  	v0 =	vadd.f32 v6, v0;
	[tilespmem:s14+$0xFFFFFF80] =	vst v3;
	v3 =	vld [tilespmem:s7+$0x20]  }
0x449: {  	v4 =	vld [tilespmem:s15+$0xFFFFFF90]  }
0x44a: {  	s21 =	sor.u32 $0x60, s17;
	[tilespmem:s9+$0x10] =	vst v0;
	v0 =	vadd.f32 v5, v2;
	v5 =	vld [tilespmem:s18+$0xFFFFFFF0]  }
0x44b: {  	v2 =	vld [tilespmem:s21+$0x3200]  }
0x44c: {  	[tilespmem:s12+$0xFFFFFFA0] =	vst v0;
	v0 =	vld [tilespmem:s2+$0x20]  }
0x44d: {  	v6 =	vld [tilespmem:s13+$0xFFFFFFB0];
	v1 =	vadd.f32 v3, v1  }
0x44e: {  	s21 =	simm.s32 $0x3420;
	v7 =	vld [tilespmem:s23+$0x10]  }
0x44f: {  	s8 =	simm.s32 $0xC0;
	v3 =	vld [tilespmem:s21+$0xFFFFFFE0];
	[tilespmem:s10+$0x0] =	vst v1;
	v1 =	vadd.f32 v5, v4  }
0x450: {  	s25 =	sor.u32 $0x50, s8;
	v4 =	vld [tilespmem:s11+$0x10]  }
0x451: {  	v0 =	vadd.f32 v2, v0;
	v9 =	vld [tilespmem:s25+$0x3200];
	[tilespmem:s14+$0xFFFFFF90] =	vst v1  }
0x452: {  	v2 =	vld [tilespmem:s15+$0xFFFFFFA0]  }
0x453: {  	s1 =	sor.u32 $0x70, s17;
	v1 =	vadd.f32 v7, v6;
	[tilespmem:s9+$0x20] =	vst v0;
	v5 =	vld [tilespmem:s18+$0x0]  }
0x454: {  	v0 =	vld [tilespmem:s1+$0x3200]  }
0x455: {  	v6 =	vadd.f32 v3, v8;
	[tilespmem:s12+$0xFFFFFFB0] =	vst v1;
	v1 =	vld [tilespmem:s2+$0x30]  }
0x456: {  	s28 =	simm.s32 $0x34A0;
	s17 =	simm.s32 $0x13080;
	v3 =	vld [tilespmem:s13+$0x0];
	v7 =	vadd.f32 v9, v4  }
0x457: {  	s30 =	simm.s32 $0x6980;
	s7 =	sshll.u32 s26, $0x1;
	s25 =	simm.s32 $0x8;
	[tilespmem:s17+$0xFFFFFF80] =	vst v6;
	v4 =	vld [tilespmem:s23+$0x20]  }
0x458: {  	s2 =	simm.s32 $0x140;
	s1 =	sor.u32 $0x60, s8;
	v6 =	vld [tilespmem:s16+$0xFFFFFF90];
	s23 =	simm.s32 $0x140;
	[tilespmem:s10+$0x10] =	vst v7  }
.LBB2_21:
0x459: {  	s25 =	sadd.s32 $0x2, s25;
	v2 =	vadd.f32 v5, v2;
	v5 =	vld [tilespmem:s1+$0x3200]  }
0x45a: {  	p0 =	slt.u32 s25, $0xC6;
	v7 =	vld [tilespmem:s21+$0xFFFFFFF0];
	v0 =	vadd.f32 v0, v1  }
0x45b: {  	[tilespmem:s14+$0xFFFFFFA0] =	vst v2;
	v1 =	vld [tilespmem:s11+$0x20]  }
0x45c: {  	v8 =	vld [tilespmem:s15+$0xFFFFFFB0];
	v2 =	vadd.f32 v4, v3;
	[tilespmem:s9+$0x30] =	vst v0;
	s9 =	smov.u32 s10;
	s10 =	smov.u32 s12;
	s12 =	smov.u32 s14  }
0x45d: {  	s14 =	smov.u32 s17;
	v3 =	vld [tilespmem:s28+$0xFFFFFFE0]  }
0x45e: {  	v0 =	vld [tilespmem:s18+$0x10];
	[tilespmem:s10+$0x0] =	vst v2  }
0x45f: {  	v2 =	vadd.f32 v7, v6;
	v4 =	vld [tilespmem:s13+$0x10]  }
0x460: {  	s1 =	sor.u32 $0x50, s2;
	s23 =	sadd.s32 $0x80, s23;
	s17 =	sadd.s32 $0x100, s17;
	v6 =	vld [tilespmem:s30+$0xFFFFFF80];
	v1 =	vadd.f32 v5, v1  }
0x461: {  	[tilespmem:s14+$0xFFFFFF90] =	vst v2;
	v7 =	vld [tilespmem:s1+$0x3200]  }
0x462: {  	s1 =	sor.u32 $0x70, s8;
	s8 =	smov.u32 s2;
	s2 =	smov.u32 s23;
	v2 =	vld [tilespmem:s16+$0xFFFFFFA0];
	[tilespmem:s9+$0x20] =	vst v1  }
0x463: {  	v1 =	vadd.f32 v0, v8;
	v0 =	vld [tilespmem:s1+$0x3200]  }
.Ltmp9:
0x464: {  	v5 =	vld [tilespmem:s21+$0x0];
	(pc) =	sbr.rel @p0 .LBB2_21-.Ltmp9, $4  }
0x465: {  	v6 =	vadd.f32 v3, v6;
	[tilespmem:s12+$0xFFFFFFB0] =	vst v1;
	v1 =	vld [tilespmem:s11+$0x30];
	s11 =	smov.u32 s13;
	s13 =	smov.u32 s15;
	s15 =	smov.u32 s16  }
0x466: {  	s16 =	smov.u32 s30;
	v3 =	vld [tilespmem:s13+$0x0];
	v7 =	vadd.f32 v7, v4  }
0x467: {  	[tilespmem:s17+$0xFFFFFF80] =	vst v6;
	v4 =	vld [tilespmem:s18+$0x20];
	s18 =	smov.u32 s21;
	s21 =	smov.u32 s28  }
0x468: {  	s1 =	sor.u32 $0x60, s8;
	s30 =	sadd.s32 $0x100, s30;
	s28 =	sadd.s32 $0x80, s28;
	v6 =	vld [tilespmem:s16+$0xFFFFFF90];
	[tilespmem:s10+$0x10] =	vst v7  }
0x469: {  	v7 =	vld [tilespmem:s21+$0xFFFFFFF0];
	_ =	sdelay $0x4  }
0x46a: {  	v6 =	vadd.f32 v7, v6;
	_ =	sdelay $0x1  }
0x46b: {  	[tilespmem:s17+$0xFFFFFF90] =	vst v6  }
0x46c: {  	v6 =	vld [tilespmem:s16+$0xFFFFFFA0]  }
0x46d: {  	v7 =	vld [tilespmem:s21+$0x0];
	_ =	sdelay $0x2  }
0x46e: {  	v2 =	vadd.f32 v5, v2;
	_ =	sdelay $0x1  }
0x46f: {  	[tilespmem:s14+$0xFFFFFFA0] =	vst v2;
	v2 =	vadd.f32 v7, v6  }
0x470: {  	v5 =	vld [tilespmem:s15+$0xFFFFFFB0]  }
0x471: {  	v6 =	vld [tilespmem:s18+$0x10];
	[tilespmem:s17+$0xFFFFFFA0] =	vst v2  }
0x472: {  	v2 =	vld [tilespmem:s16+$0xFFFFFFB0]  }
0x473: {  	v7 =	vld [tilespmem:s21+$0x10];
	_ =	sdelay $0x2  }
0x474: {  	v5 =	vadd.f32 v6, v5;
	_ =	sdelay $0x1  }
0x475: {  	[tilespmem:s14+$0xFFFFFFB0] =	vst v5;
	v2 =	vadd.f32 v7, v2  }
0x476: {  	v5 =	vld [tilespmem:s15+$0x0]  }
0x477: {  	v6 =	vld [tilespmem:s18+$0x20];
	[tilespmem:s17+$0xFFFFFFB0] =	vst v2  }
0x478: {  	v2 =	vld [tilespmem:s16+$0x0]  }
0x479: {  	v7 =	vld [tilespmem:s21+$0x20]  }
0x47a: {  	v3 =	vadd.f32 v4, v3;
	_ =	sdelay $0x1  }
0x47b: {  	[tilespmem:s12+$0x0] =	vst v3;
	v3 =	vadd.f32 v6, v5  }
0x47c: {  	s30 =	sor.u32 $0x50, s2;
	v4 =	vld [tilespmem:s13+$0x10]  }
0x47d: {  	s21 =	sadd.s32 $0x80, s23;
	v5 =	vld [tilespmem:s30+$0x3200];
	[tilespmem:s14+$0x0] =	vst v3;
	v2 =	vadd.f32 v7, v2  }
0x47e: {  	s25 =	sor.u32 $0x50, s21;
	v3 =	vld [tilespmem:s15+$0x10]  }
0x47f: {  	s23 =	sadd.s32 $0x80, s21;
	v6 =	vld [tilespmem:s25+$0x3200];
	[tilespmem:s17+$0x0] =	vst v2  }
0x480: {  	s28 =	sor.u32 $0x50, s23;
	v2 =	vld [tilespmem:s16+$0x10]  }
0x481: {  	v7 =	vld [tilespmem:s28+$0x3200]  }
0x482: {  	v4 =	vadd.f32 v5, v4  }
0x483: {  	v8 =	vld [tilespmem:s11+$0x20]  }
0x484: {  	s30 =	sor.u32 $0x60, s2;
	v5 =	vld [tilespmem:s1+$0x3200];
	[tilespmem:s12+$0x10] =	vst v4;
	v3 =	vadd.f32 v6, v3  }
0x485: {  	v4 =	vld [tilespmem:s30+$0x3200]  }
0x486: {  	s18 =	sor.u32 $0x60, s21;
	v6 =	vld [tilespmem:s13+$0x20];
	[tilespmem:s14+$0x10] =	vst v3;
	v2 =	vadd.f32 v7, v2  }
0x487: {  	v3 =	vld [tilespmem:s18+$0x3200]  }
0x488: {  	s25 =	sor.u32 $0x60, s23;
	v7 =	vld [tilespmem:s15+$0x20];
	[tilespmem:s17+$0x10] =	vst v2  }
0x489: {  	v2 =	vadd.f32 v5, v8;
	v5 =	vld [tilespmem:s25+$0x3200]  }
0x48a: {  	v8 =	vld [tilespmem:s16+$0x20]  }
0x48b: {  	s28 =	sor.u32 $0x70, s8;
	[tilespmem:s10+$0x20] =	vst v2;
	v2 =	vadd.f32 v4, v6  }
0x48c: {  	v4 =	vld [tilespmem:s28+$0x3200]  }
0x48d: {  	s30 =	sor.u32 $0x70, s2;
	v6 =	vld [tilespmem:s11+$0x30];
	[tilespmem:s12+$0x20] =	vst v2;
	v2 =	vadd.f32 v3, v7  }
0x48e: {  	v3 =	vld [tilespmem:s30+$0x3200]  }
0x48f: {  	s2 =	sor.u32 $0x70, s21;
	v7 =	vld [tilespmem:s13+$0x30];
	[tilespmem:s14+$0x20] =	vst v2;
	v2 =	vadd.f32 v5, v8  }
0x490: {  	v5 =	vld [tilespmem:s2+$0x3200]  }
0x491: {  	s8 =	sor.u32 $0x70, s23;
	v8 =	vld [tilespmem:s15+$0x30];
	[tilespmem:s17+$0x20] =	vst v2  }
0x492: {  	v2 =	vld [tilespmem:s8+$0x3200]  }
0x493: {  	v9 =	vld [tilespmem:s16+$0x30]  }
0x494: {  	v0 =	vadd.f32 v0, v1  }
0x495: {  	v1 =	vadd.f32 v4, v6  }
0x496: {  	[tilespmem:s9+$0x30] =	vst v0;
	v0 =	vadd.f32 v3, v7  }
0x497: {  	s11 =	sadd.s32 s6, s7;
	[tilespmem:s10+$0x30] =	vst v1;
	v1 =	vadd.f32 v5, v8  }
0x498: {  	s1 =	smul.u32 $0xC80, s11;
	[tilespmem:s12+$0x30] =	vst v0;
	s12 =	sadd.s32 $0x2, s7;
	v0 =	vadd.f32 v2, v9  }
0x499: {  	s13 =	simm.s32 $0x0;
	s2 =	sand.u32 $0x3E, s12;
	[tilespmem:s14+$0x30] =	vst v1  }
0x49a: {  	s1 =	sadd.s32 s5, s1;
	s2 =	smul.u32 $0x320, s2;
	s14 =	simm.s32 $0x12C00;
	[tilespmem:s17+$0x30] =	vst v0  }
0x49b: {  	[hbm4b:s1+s13] =	stream.linear.scatter [tilespmem:s14], [sflag:$0x4], $0x6400, $0x38;
	[tilespmem:$0x1F400] =	vst v63  }
0x49c: {  	s16 =	simm.s32 $0x6400;
	s15 =	sshrl.u32 s2, $0x2  }
0x49d: {  	[tilespmem:s16], [sflag:$0x2] =	stream.indirect.gather [hbm4b:s3+s20], $0x80, s15, s20, $0xb8;
	[tilespmem:$0x1F400] =	vst v63  }
0x49e: {  	s17 =	simm.s32 $0xA400;
	s1 =	sadd.s32 $0x80, s15  }
0x49f: {  	[tilespmem:s17], [sflag:$0x2] =	stream.indirect.gather [hbm4b:s3+s22], $0x80, s1, s22, $0xb8;
	[tilespmem:$0x1F400] =	vst v63  }
0x4a0: {  	_ =	swait.ge [sflag:s0], $0x4000  }
0x4a1: {  	[sflag:s0] =	ssyncset.done $0x0  }
0x4a2: {  	[sflag:s0] =	ssyncadd.s32 $0xFFFFC000  }
0x4a3: {  	_ =	swait.ge [sflag:s0], $0x2400  }
0x4a4: {  	[sflag:s0] =	ssyncset.done $0x0  }
0x4a5: {  	[sflag:s0] =	ssyncadd.s32 $0xFFFFDC00  }
0x4a6: {  	_ =	swait.ge [sflag:s24], $0x6400  }
0x4a7: {  	[sflag:s24] =	ssyncset.done $0x0  }
0x4a8: {  	s18 =	simm.s32 $0x3220;
	[sflag:s24] =	ssyncadd.s32 $0xFFFF9C00  }
0x4a9: {  	s9 =	simm.s32 $0x0;
	v0 =	vld [tilespmem:s18+$0xFFFFFFE0]  }
0x4aa: {  	v1 =	vld [tilespmem:s9+$0xC800];
	_ =	sdelay $0x4  }
0x4ab: {  	v0 =	vadd.f32 v0, v1;
	_ =	sdelay $0x1  }
0x4ac: {  	[tilespmem:s9+$0x19000] =	vst v0;
	v0 =	vld [tilespmem:s9+$0xC810]  }
0x4ad: {  	v1 =	vld [tilespmem:s18+$0xFFFFFFF0];
	_ =	sdelay $0x3  }
0x4ae: {  	s21 =	simm.s32 $0x32A0  }
0x4af: {  	s10 =	simm.s32 $0x100;
	v2 =	vld [tilespmem:s21+$0xFFFFFFE0];
	v0 =	vadd.f32 v1, v0  }
0x4b0: {  	v1 =	vld [tilespmem:s10+$0xC800]  }
0x4b1: {  	[tilespmem:s9+$0x19010] =	vst v0;
	v0 =	vld [tilespmem:s9+$0xC820]  }
0x4b2: {  	v3 =	vld [tilespmem:s18+$0x0];
	_ =	sdelay $0x2  }
0x4b3: {  	v1 =	vadd.f32 v2, v1;
	_ =	sdelay $0x1  }
0x4b4: {  	[tilespmem:s10+$0x19000] =	vst v1;
	v1 =	vld [tilespmem:s10+$0xC810];
	v0 =	vadd.f32 v3, v0  }
0x4b5: {  	v3 =	vld [tilespmem:s21+$0xFFFFFFF0]  }
0x4b6: {  	v2 =	vld [tilespmem:s9+$0xC830];
	[tilespmem:s9+$0x19020] =	vst v0  }
0x4b7: {  	v0 =	vld [tilespmem:s18+$0x10];
	_ =	sdelay $0x1  }
0x4b8: {  	s2 =	simm.s32 $0x3320  }
0x4b9: {  	s11 =	simm.s32 $0x200;
	v4 =	vld [tilespmem:s2+$0xFFFFFFE0];
	v1 =	vadd.f32 v3, v1  }
0x4ba: {  	v3 =	vld [tilespmem:s11+$0xC800]  }
0x4bb: {  	[tilespmem:s10+$0x19010] =	vst v1;
	v1 =	vld [tilespmem:s10+$0xC820];
	v0 =	vadd.f32 v0, v2  }
0x4bc: {  	v2 =	vld [tilespmem:s9+$0xC880]  }
0x4bd: {  	[tilespmem:s9+$0x19030] =	vst v0;
	v0 =	vld [tilespmem:s21+$0x0]  }
0x4be: {  	v5 =	vld [tilespmem:s18+$0x20]  }
0x4bf: {  	v3 =	vadd.f32 v4, v3;
	_ =	sdelay $0x1  }
0x4c0: {  	v4 =	vld [tilespmem:s10+$0xC830];
	[tilespmem:s11+$0x19000] =	vst v3  }
0x4c1: {  	v3 =	vld [tilespmem:s2+$0xFFFFFFF0];
	v0 =	vadd.f32 v0, v1  }
0x4c2: {  	v1 =	vld [tilespmem:s11+$0xC810];
	v2 =	vadd.f32 v5, v2  }
0x4c3: {  	s23 =	simm.s32 $0x40;
	v5 =	vld [tilespmem:s9+$0xC890];
	[tilespmem:s10+$0x19020] =	vst v0  }
0x4c4: {  	s25 =	sor.u32 $0x50, s23;
	v0 =	vld [tilespmem:s21+$0x10];
	[tilespmem:s9+$0x19080] =	vst v2  }
0x4c5: {  	s8 =	simm.s32 $0x33A0;
	v2 =	vld [tilespmem:s25+$0x3200]  }
0x4c6: {  	v6 =	vld [tilespmem:s8+$0xFFFFFFE0]  }
0x4c7: {  	v8 =	vld [tilespmem:s9+$0xC8A0]  }
0x4c8: {  	v7 =	vld [tilespmem:s10+$0xC880];
	v1 =	vadd.f32 v3, v1  }
0x4c9: {  	s7 =	simm.s32 $0x300;
	v3 =	vld [tilespmem:s11+$0xC820];
	v0 =	vadd.f32 v0, v4  }
0x4ca: {  	[tilespmem:s11+$0x19010] =	vst v1;
	v1 =	vld [tilespmem:s7+$0xC800];
	v2 =	vadd.f32 v2, v5  }
0x4cb: {  	v4 =	vld [tilespmem:s2+$0x0];
	[tilespmem:s10+$0x19030] =	vst v0  }
0x4cc: {  	s28 =	sor.u32 $0x60, s23;
	[tilespmem:s9+$0x19090] =	vst v2;
	v2 =	vld [tilespmem:s21+$0x20]  }
0x4cd: {  	v63 =	vld [tilespmem:s28+$0x3200]  }
0x4ce: {  	v0 =	vld [tilespmem:s9+$0xC8B0]  }
0x4cf: {  	v5 =	vadd.f32 v6, v1;
	v1 =	vld [tilespmem:s10+$0xC890]  }
0x4d0: {  	v4 =	vadd.f32 v4, v3;
	v3 =	vld [tilespmem:s11+$0xC830]  }
0x4d1: {  	[tilespmem:s7+$0x19000] =	vst v5;
	v5 =	vld [tilespmem:s7+$0xC810];
	v2 =	vadd.f32 v2, v7  }
0x4d2: {  	s13 =	simm.s32 $0xC0;
	[tilespmem:s11+$0x19020] =	vst v4;
	v7 =	vld [tilespmem:s8+$0xFFFFFFF0];
	v8 =	vadd.f32 v63, v8  }
0x4d3: {  	s30 =	sor.u32 $0x50, s13;
	v6 =	vld [tilespmem:s2+$0x10];
	[tilespmem:s10+$0x19080] =	vst v2  }
0x4d4: {  	s12 =	simm.s32 $0xC0;
	s1 =	sor.u32 $0x70, s23;
	v4 =	vld [tilespmem:s30+$0x3200];
	[tilespmem:s9+$0x190A0] =	vst v8  }
0x4d5: {  	s14 =	simm.s32 $0xC00;
	s15 =	simm.s32 $0x6;
	s16 =	simm.s32 $0x3420;
	v2 =	vld [tilespmem:s1+$0x3200]  }
.LBB2_23:
0x4d6: {  	v8 =	vld [tilespmem:s16+$0xFFFFFFE0]  }
0x4d7: {  	v5 =	vadd.f32 v7, v5;
	v9 =	vld [tilespmem:s10+$0xC8A0]  }
0x4d8: {  	s14 =	sadd.s32 $0x400, s14;
	v3 =	vadd.f32 v6, v3;
	v6 =	vld [tilespmem:s11+$0xC880]  }
0x4d9: {  	s1 =	sshra.s32 s14, $0x2;
	[tilespmem:s7+$0x19010] =	vst v5;
	v5 =	vld [tilespmem:s7+$0xC820];
	v1 =	vadd.f32 v4, v1  }
0x4da: {  	v4 =	vld [tilespmem:s1+$0xC800];
	[tilespmem:s11+$0x19030] =	vst v3;
	v0 =	vadd.f32 v2, v0  }
0x4db: {  	v2 =	vld [tilespmem:s8+$0x0];
	[tilespmem:s10+$0x19090] =	vst v1  }
0x4dc: {  	s15 =	sadd.s32 $0x2, s15;
	v7 =	vld [tilespmem:s2+$0x20];
	s2 =	sor.u32 $0x60, s13;
	[tilespmem:s9+$0x190B0] =	vst v0;
	s9 =	smov.u32 s10  }
0x4dd: {  	p0 =	slt.u32 s15, $0xC6;
	s10 =	smov.u32 s11;
	s11 =	smov.u32 s7;
	v10 =	vld [tilespmem:s2+$0x3200]  }
0x4de: {  	s7 =	smov.u32 s1;
	s2 =	smov.u32 s8;
	s8 =	smov.u32 s16;
	v0 =	vld [tilespmem:s9+$0xC8B0]  }
0x4df: {  	v4 =	vadd.f32 v8, v4;
	v1 =	vld [tilespmem:s10+$0xC890]  }
0x4e0: {  	v2 =	vadd.f32 v2, v5;
	v3 =	vld [tilespmem:s11+$0xC830]  }
.Ltmp10:
0x4e1: {  	[tilespmem:s7+$0x19000] =	vst v4;
	v5 =	vld [tilespmem:s7+$0xC810];
	v4 =	vadd.f32 v7, v6;
	(pc) =	sbr.rel @p0 .LBB2_23-.Ltmp10, $4  }
0x4e2: {  	s13 =	sadd.s32 $0x80, s13;
	v7 =	vld [tilespmem:s16+$0xFFFFFFF0];
	[tilespmem:s11+$0x19020] =	vst v2;
	v2 =	vadd.f32 v10, v9  }
0x4e3: {  	s1 =	sor.u32 $0x50, s13;
	v6 =	vld [tilespmem:s2+$0x10];
	[tilespmem:s10+$0x19080] =	vst v4  }
0x4e4: {  	v4 =	vld [tilespmem:s1+$0x3200];
	[tilespmem:s9+$0x190A0] =	vst v2;
	s1 =	sor.u32 $0x70, s12;
	s12 =	smov.u32 s13  }
0x4e5: {  	s16 =	sadd.s32 $0x80, s16;
	v2 =	vld [tilespmem:s1+$0x3200]  }
0x4e6: {  	_ = 	snop  }
0x4e7: {  	v5 =	vadd.f32 v7, v5;
	_ =	sdelay $0x1  }
0x4e8: {  	v48 =	vld [tilespmem:s7+$0xC820];
	[tilespmem:s7+$0x19010] =	vst v5  }
0x4e9: {  	v49 =	vld [tilespmem:s8+$0x0];
	_ =	sdelay $0x4  }
0x4ea: {  	v5 =	vadd.f32 v49, v48;
	_ =	sdelay $0x1  }
0x4eb: {  	v50 =	vld [tilespmem:s7+$0xC830];
	[tilespmem:s7+$0x19020] =	vst v5  }
0x4ec: {  	v5 =	vld [tilespmem:s8+$0x10];
	_ =	sdelay $0x3  }
0x4ed: {  	v3 =	vadd.f32 v6, v3  }
0x4ee: {  	v51 =	vld [tilespmem:s11+$0xC880];
	v5 =	vadd.f32 v5, v50  }
0x4ef: {  	v52 =	vld [tilespmem:s7+$0xC880];
	[tilespmem:s11+$0x19030] =	vst v3  }
0x4f0: {  	v53 =	vld [tilespmem:s2+$0x20];
	[tilespmem:s7+$0x19030] =	vst v5  }
0x4f1: {  	v5 =	vld [tilespmem:s8+$0x20];
	_ =	sdelay $0x3  }
0x4f2: {  	v6 =	vadd.f32 v53, v51  }
0x4f3: {  	v54 =	vld [tilespmem:s11+$0xC890];
	s1 =	sadd.s32 $0x80, s13;
	v3 =	vadd.f32 v5, v52  }
0x4f4: {  	v55 =	vld [tilespmem:s7+$0xC890];
	s15 =	sor.u32 $0x50, s1;
	s16 =	sadd.s32 $0x80, s1;
	[tilespmem:s11+$0x19080] =	vst v6  }
0x4f5: {  	s17 =	sor.u32 $0x50, s16;
	v6 =	vld [tilespmem:s15+$0x3200];
	[tilespmem:s7+$0x19080] =	vst v3  }
0x4f6: {  	v3 =	vld [tilespmem:s17+$0x3200];
	_ =	sdelay $0x2  }
0x4f7: {  	v56 =	vld [tilespmem:s10+$0xC8A0];
	v1 =	vadd.f32 v4, v1  }
0x4f8: {  	v57 =	vld [tilespmem:s11+$0xC8A0];
	v6 =	vadd.f32 v6, v54  }
0x4f9: {  	s18 =	sor.u32 $0x60, s13;
	v58 =	vld [tilespmem:s7+$0xC8A0];
	[tilespmem:s10+$0x19090] =	vst v1;
	v3 =	vadd.f32 v3, v55  }
0x4fa: {  	s21 =	sor.u32 $0x60, s1;
	v1 =	vld [tilespmem:s18+$0x3200];
	[tilespmem:s11+$0x19090] =	vst v6  }
0x4fb: {  	s23 =	sor.u32 $0x60, s16;
	v6 =	vld [tilespmem:s21+$0x3200];
	[tilespmem:s7+$0x19090] =	vst v3  }
0x4fc: {  	v3 =	vld [tilespmem:s23+$0x3200];
	_ =	sdelay $0x2  }
0x4fd: {  	v59 =	vld [tilespmem:s10+$0xC8B0];
	v1 =	vadd.f32 v1, v56  }
0x4fe: {  	v60 =	vld [tilespmem:s11+$0xC8B0];
	v6 =	vadd.f32 v6, v57  }
0x4ff: {  	s25 =	sor.u32 $0x70, s12;
	v61 =	vld [tilespmem:s7+$0xC8B0];
	[tilespmem:s10+$0x190A0] =	vst v1;
	v3 =	vadd.f32 v3, v58  }
0x500: {  	s1 =	sor.u32 $0x70, s1;
	v1 =	vld [tilespmem:s25+$0x3200];
	[tilespmem:s11+$0x190A0] =	vst v6  }
0x501: {  	s28 =	sor.u32 $0x70, s16;
	v6 =	vld [tilespmem:s1+$0x3200];
	[tilespmem:s7+$0x190A0] =	vst v3  }
0x502: {  	v3 =	vld [tilespmem:s28+$0x3200];
	_ =	sdelay $0x1  }
0x503: {  	s26 =	sadd.s32 $0x1, s26;
	v0 =	vadd.f32 v2, v0  }
0x504: {  	p0 =	sne.s32 s26, $0x3F;
	v1 =	vadd.f32 v1, v59  }
.Ltmp11:
0x505: {  	s30 =	sadd.s32 s6, s31;
	[tilespmem:s9+$0x190B0] =	vst v0;
	v62 =	vadd.f32 v6, v60;
	(pc) =	sbr.rel @p0 .LBB2_20-.Ltmp11, $4  }
0x506: {  	[tilespmem:s10+$0x190B0] =	vst v1;
	s1 =	smul.u32 $0xC80, s30;
	v63 =	vadd.f32 v3, v61  }
0x507: {  	[tilespmem:s11+$0x190B0] =	vst v62  }
0x508: {  	s31 =	simm.s32 $0x19000;
	s1 =	sadd.s32 s5, s1;
	[tilespmem:s7+$0x190B0] =	vst v63  }
0x509: {  	[hbm4b:s1+s4] =	stream.linear.scatter [tilespmem:s31], [sflag:$0x5], $0x6400, $0x38;
	[tilespmem:$0x1F400] =	vst v63  }
0x50a: {  	s1 =	simm.s32 $0xC800;
	s2 =	simm.s32 $0x3138  }
0x50b: {  	[tilespmem:s1], [sflag:$0x3] =	stream.indirect.gather [hbm4b:s3+s20], $0x80, s2, s20, $0xb8;
	[tilespmem:$0x1F400] =	vst v63  }
0x50c: {  	s21 =	simm.s32 $0x10800;
	s23 =	simm.s32 $0x31B8  }
0x50d: {  	[tilespmem:s21], [sflag:$0x3] =	stream.indirect.gather [hbm4b:s3+s22], $0x80, s23, s22, $0xb8;
	[tilespmem:$0x1F400] =	vst v63  }
0x50e: {  	_ =	swait.ge [sflag:s29], $0x4000  }
0x50f: {  	[sflag:s29] =	ssyncset.done $0x0  }
0x510: {  	[sflag:s29] =	ssyncadd.s32 $0xFFFFC000  }
0x511: {  	_ =	swait.ge [sflag:s29], $0x2400  }
0x512: {  	[sflag:s29] =	ssyncset.done $0x0  }
0x513: {  	[sflag:s29] =	ssyncadd.s32 $0xFFFFDC00  }
0x514: {  	_ =	swait.ge [sflag:s19], $0x6400  }
0x515: {  	[sflag:s19] =	ssyncset.done $0x0  }
0x516: {  	s25 =	simm.s32 $0x3220;
	[sflag:s19] =	ssyncadd.s32 $0xFFFF9C00  }
0x517: {  	s26 =	simm.s32 $0x6480;
	v0 =	vld [tilespmem:s25+$0xFFFFFFE0]  }
0x518: {  	v1 =	vld [tilespmem:s26+$0xFFFFFF80];
	_ =	sdelay $0x4  }
0x519: {  	v0 =	vadd.f32 v0, v1  }
0x51a: {  	s9 =	simm.s32 $0x12C80  }
0x51b: {  	[tilespmem:s9+$0xFFFFFF80] =	vst v0  }
0x51c: {  	v0 =	vld [tilespmem:s26+$0xFFFFFF90]  }
0x51d: {  	v1 =	vld [tilespmem:s25+$0xFFFFFFF0];
	_ =	sdelay $0x2  }
0x51e: {  	s7 =	simm.s32 $0x32A0  }
0x51f: {  	s11 =	simm.s32 $0x6580;
	v2 =	vld [tilespmem:s7+$0xFFFFFFE0]  }
0x520: {  	v0 =	vadd.f32 v1, v0;
	v1 =	vld [tilespmem:s11+$0xFFFFFF80];
	_ =	sdelay $0x1  }
0x521: {  	[tilespmem:s9+$0xFFFFFF90] =	vst v0  }
0x522: {  	v0 =	vld [tilespmem:s26+$0xFFFFFFA0]  }
0x523: {  	v3 =	vld [tilespmem:s25+$0x0]  }
0x524: {  	v1 =	vadd.f32 v2, v1  }
0x525: {  	s10 =	simm.s32 $0x12D80  }
0x526: {  	[tilespmem:s10+$0xFFFFFF80] =	vst v1  }
0x527: {  	v1 =	vld [tilespmem:s11+$0xFFFFFF90]  }
0x528: {  	v0 =	vadd.f32 v3, v0;
	v2 =	vld [tilespmem:s7+$0xFFFFFFF0];
	_ =	sdelay $0x1  }
0x529: {  	[tilespmem:s9+$0xFFFFFFA0] =	vst v0  }
0x52a: {  	v0 =	vld [tilespmem:s26+$0xFFFFFFB0]  }
0x52b: {  	s13 =	simm.s32 $0x6680;
	v3 =	vld [tilespmem:s25+$0x10]  }
0x52c: {  	s21 =	simm.s32 $0x3320;
	v4 =	vld [tilespmem:s13+$0xFFFFFF80];
	v1 =	vadd.f32 v2, v1  }
0x52d: {  	v2 =	vld [tilespmem:s21+$0xFFFFFFE0]  }
0x52e: {  	[tilespmem:s10+$0xFFFFFF90] =	vst v1  }
0x52f: {  	v1 =	vld [tilespmem:s11+$0xFFFFFFA0]  }
0x530: {  	v0 =	vadd.f32 v3, v0;
	v3 =	vld [tilespmem:s7+$0x0];
	_ =	sdelay $0x1  }
0x531: {  	[tilespmem:s9+$0xFFFFFFB0] =	vst v0;
	v2 =	vadd.f32 v2, v4  }
0x532: {  	s12 =	simm.s32 $0x12E80;
	v0 =	vld [tilespmem:s26+$0x0]  }
0x533: {  	v4 =	vld [tilespmem:s25+$0x20];
	[tilespmem:s12+$0xFFFFFF80] =	vst v2  }
0x534: {  	v1 =	vadd.f32 v3, v1;
	v2 =	vld [tilespmem:s13+$0xFFFFFF90]  }
0x535: {  	v3 =	vld [tilespmem:s21+$0xFFFFFFF0]  }
0x536: {  	[tilespmem:s10+$0xFFFFFFA0] =	vst v1  }
0x537: {  	v1 =	vld [tilespmem:s11+$0xFFFFFFB0]  }
0x538: {  	s17 =	simm.s32 $0x33A0;
	v0 =	vadd.f32 v4, v0;
	v5 =	vld [tilespmem:s7+$0x10]  }
0x539: {  	s14 =	simm.s32 $0x6780;
	v4 =	vld [tilespmem:s17+$0xFFFFFFE0]  }
0x53a: {  	s28 =	simm.s32 $0x40;
	[tilespmem:s9+$0x0] =	vst v0;
	v2 =	vadd.f32 v3, v2;
	v3 =	vld [tilespmem:s14+$0xFFFFFF80]  }
0x53b: {  	s8 =	sor.u32 $0x50, s28;
	v0 =	vld [tilespmem:s26+$0x10]  }
0x53c: {  	v6 =	vld [tilespmem:s8+$0x3200];
	[tilespmem:s12+$0xFFFFFF90] =	vst v2  }
0x53d: {  	v2 =	vld [tilespmem:s13+$0xFFFFFFA0];
	v1 =	vadd.f32 v5, v1  }
0x53e: {  	s16 =	simm.s32 $0x6880;
	v5 =	vld [tilespmem:s21+$0x0]  }
0x53f: {  	v8 =	vld [tilespmem:s16+$0xFFFFFF80];
	v3 =	vadd.f32 v4, v3;
	[tilespmem:s10+$0xFFFFFFB0] =	vst v1  }
0x540: {  	s15 =	simm.s32 $0x12F80;
	v1 =	vld [tilespmem:s11+$0x0]  }
0x541: {  	v0 =	vadd.f32 v6, v0;
	[tilespmem:s15+$0xFFFFFF80] =	vst v3;
	v3 =	vld [tilespmem:s7+$0x20]  }
0x542: {  	v4 =	vld [tilespmem:s14+$0xFFFFFF90]  }
0x543: {  	s30 =	sor.u32 $0x60, s28;
	[tilespmem:s9+$0x10] =	vst v0;
	v0 =	vadd.f32 v5, v2;
	v5 =	vld [tilespmem:s17+$0xFFFFFFF0]  }
0x544: {  	v2 =	vld [tilespmem:s30+$0x3200]  }
0x545: {  	[tilespmem:s12+$0xFFFFFFA0] =	vst v0;
	v0 =	vld [tilespmem:s26+$0x20]  }
0x546: {  	v6 =	vld [tilespmem:s13+$0xFFFFFFB0];
	v1 =	vadd.f32 v3, v1  }
0x547: {  	s18 =	simm.s32 $0x3420;
	v7 =	vld [tilespmem:s21+$0x10]  }
0x548: {  	s8 =	simm.s32 $0xC0;
	v3 =	vld [tilespmem:s18+$0xFFFFFFE0];
	[tilespmem:s10+$0x0] =	vst v1;
	v1 =	vadd.f32 v5, v4  }
0x549: {  	s31 =	sor.u32 $0x50, s8;
	v4 =	vld [tilespmem:s11+$0x10]  }
0x54a: {  	v0 =	vadd.f32 v2, v0;
	v9 =	vld [tilespmem:s31+$0x3200];
	[tilespmem:s15+$0xFFFFFF90] =	vst v1  }
0x54b: {  	v2 =	vld [tilespmem:s14+$0xFFFFFFA0]  }
0x54c: {  	s1 =	sor.u32 $0x70, s28;
	v1 =	vadd.f32 v7, v6;
	[tilespmem:s9+$0x20] =	vst v0;
	v5 =	vld [tilespmem:s17+$0x0]  }
0x54d: {  	v0 =	vld [tilespmem:s1+$0x3200]  }
0x54e: {  	v6 =	vadd.f32 v3, v8;
	[tilespmem:s12+$0xFFFFFFB0] =	vst v1;
	v1 =	vld [tilespmem:s26+$0x30]  }
0x54f: {  	s7 =	simm.s32 $0x13080;
	v3 =	vld [tilespmem:s13+$0x0];
	v7 =	vadd.f32 v9, v4  }
0x550: {  	s2 =	simm.s32 $0x140;
	s23 =	simm.s32 $0x8;
	s25 =	simm.s32 $0x34A0;
	[tilespmem:s7+$0xFFFFFF80] =	vst v6;
	v4 =	vld [tilespmem:s21+$0x20]  }
0x551: {  	s26 =	simm.s32 $0x6980;
	s1 =	sor.u32 $0x60, s8;
	v6 =	vld [tilespmem:s16+$0xFFFFFF90];
	s21 =	simm.s32 $0x140;
	[tilespmem:s10+$0x10] =	vst v7  }
.LBB2_26:
0x552: {  	s23 =	sadd.s32 $0x2, s23;
	v2 =	vadd.f32 v5, v2;
	v5 =	vld [tilespmem:s1+$0x3200]  }
0x553: {  	p0 =	slt.u32 s23, $0xC6;
	v7 =	vld [tilespmem:s18+$0xFFFFFFF0];
	v0 =	vadd.f32 v0, v1  }
0x554: {  	[tilespmem:s15+$0xFFFFFFA0] =	vst v2;
	v1 =	vld [tilespmem:s11+$0x20]  }
0x555: {  	v8 =	vld [tilespmem:s14+$0xFFFFFFB0];
	v2 =	vadd.f32 v4, v3;
	[tilespmem:s9+$0x30] =	vst v0;
	s9 =	smov.u32 s10;
	s10 =	smov.u32 s12;
	s12 =	smov.u32 s15  }
0x556: {  	s15 =	smov.u32 s7;
	v3 =	vld [tilespmem:s25+$0xFFFFFFE0]  }
0x557: {  	v0 =	vld [tilespmem:s17+$0x10];
	[tilespmem:s10+$0x0] =	vst v2  }
0x558: {  	v2 =	vadd.f32 v7, v6;
	v4 =	vld [tilespmem:s13+$0x10]  }
0x559: {  	s1 =	sor.u32 $0x50, s2;
	s21 =	sadd.s32 $0x80, s21;
	s7 =	sadd.s32 $0x100, s7;
	v6 =	vld [tilespmem:s26+$0xFFFFFF80];
	v1 =	vadd.f32 v5, v1  }
0x55a: {  	[tilespmem:s15+$0xFFFFFF90] =	vst v2;
	v7 =	vld [tilespmem:s1+$0x3200]  }
0x55b: {  	s1 =	sor.u32 $0x70, s8;
	s8 =	smov.u32 s2;
	s2 =	smov.u32 s21;
	v2 =	vld [tilespmem:s16+$0xFFFFFFA0];
	[tilespmem:s9+$0x20] =	vst v1  }
0x55c: {  	v1 =	vadd.f32 v0, v8;
	v0 =	vld [tilespmem:s1+$0x3200]  }
.Ltmp12:
0x55d: {  	v5 =	vld [tilespmem:s18+$0x0];
	(pc) =	sbr.rel @p0 .LBB2_26-.Ltmp12, $4  }
0x55e: {  	v6 =	vadd.f32 v3, v6;
	[tilespmem:s12+$0xFFFFFFB0] =	vst v1;
	v1 =	vld [tilespmem:s11+$0x30];
	s11 =	smov.u32 s13;
	s13 =	smov.u32 s14;
	s14 =	smov.u32 s16  }
0x55f: {  	s16 =	smov.u32 s26;
	v3 =	vld [tilespmem:s13+$0x0];
	v7 =	vadd.f32 v7, v4  }
0x560: {  	[tilespmem:s7+$0xFFFFFF80] =	vst v6;
	v4 =	vld [tilespmem:s17+$0x20];
	s17 =	smov.u32 s18;
	s18 =	smov.u32 s25  }
0x561: {  	s1 =	sor.u32 $0x60, s8;
	s26 =	sadd.s32 $0x100, s26;
	s25 =	sadd.s32 $0x80, s25;
	v6 =	vld [tilespmem:s16+$0xFFFFFF90];
	[tilespmem:s10+$0x10] =	vst v7  }
0x562: {  	v7 =	vld [tilespmem:s18+$0xFFFFFFF0];
	_ =	sdelay $0x4  }
0x563: {  	v6 =	vadd.f32 v7, v6;
	_ =	sdelay $0x1  }
0x564: {  	[tilespmem:s7+$0xFFFFFF90] =	vst v6  }
0x565: {  	v6 =	vld [tilespmem:s16+$0xFFFFFFA0]  }
0x566: {  	v7 =	vld [tilespmem:s18+$0x0];
	_ =	sdelay $0x2  }
0x567: {  	v2 =	vadd.f32 v5, v2;
	_ =	sdelay $0x1  }
0x568: {  	[tilespmem:s15+$0xFFFFFFA0] =	vst v2;
	v2 =	vadd.f32 v7, v6  }
0x569: {  	v5 =	vld [tilespmem:s14+$0xFFFFFFB0]  }
0x56a: {  	v6 =	vld [tilespmem:s17+$0x10];
	[tilespmem:s7+$0xFFFFFFA0] =	vst v2  }
0x56b: {  	v2 =	vld [tilespmem:s16+$0xFFFFFFB0]  }
0x56c: {  	v7 =	vld [tilespmem:s18+$0x10];
	_ =	sdelay $0x2  }
0x56d: {  	v5 =	vadd.f32 v6, v5;
	_ =	sdelay $0x1  }
0x56e: {  	[tilespmem:s15+$0xFFFFFFB0] =	vst v5;
	v2 =	vadd.f32 v7, v2  }
0x56f: {  	v5 =	vld [tilespmem:s14+$0x0]  }
0x570: {  	v6 =	vld [tilespmem:s17+$0x20];
	[tilespmem:s7+$0xFFFFFFB0] =	vst v2  }
0x571: {  	v2 =	vld [tilespmem:s16+$0x0]  }
0x572: {  	v7 =	vld [tilespmem:s18+$0x20]  }
0x573: {  	v3 =	vadd.f32 v4, v3;
	_ =	sdelay $0x1  }
0x574: {  	[tilespmem:s12+$0x0] =	vst v3;
	v3 =	vadd.f32 v6, v5  }
0x575: {  	v4 =	vld [tilespmem:s13+$0x10];
	s18 =	sor.u32 $0x50, s2  }
0x576: {  	s23 =	sadd.s32 $0x80, s21;
	v5 =	vld [tilespmem:s18+$0x3200];
	[tilespmem:s15+$0x0] =	vst v3;
	v2 =	vadd.f32 v7, v2  }
0x577: {  	s25 =	sor.u32 $0x50, s23;
	v3 =	vld [tilespmem:s14+$0x10]  }
0x578: {  	s21 =	sadd.s32 $0x80, s23;
	v6 =	vld [tilespmem:s25+$0x3200];
	[tilespmem:s7+$0x0] =	vst v2  }
0x579: {  	s26 =	sor.u32 $0x50, s21;
	v2 =	vld [tilespmem:s16+$0x10]  }
0x57a: {  	v7 =	vld [tilespmem:s26+$0x3200]  }
0x57b: {  	v4 =	vadd.f32 v5, v4  }
0x57c: {  	v8 =	vld [tilespmem:s11+$0x20]  }
0x57d: {  	s28 =	sor.u32 $0x60, s2;
	v5 =	vld [tilespmem:s1+$0x3200];
	[tilespmem:s12+$0x10] =	vst v4;
	v3 =	vadd.f32 v6, v3  }
0x57e: {  	v4 =	vld [tilespmem:s28+$0x3200]  }
0x57f: {  	s30 =	sor.u32 $0x60, s23;
	v6 =	vld [tilespmem:s13+$0x20];
	[tilespmem:s15+$0x10] =	vst v3;
	v2 =	vadd.f32 v7, v2  }
0x580: {  	v3 =	vld [tilespmem:s30+$0x3200]  }
0x581: {  	s31 =	sor.u32 $0x60, s21;
	v7 =	vld [tilespmem:s14+$0x20];
	[tilespmem:s7+$0x10] =	vst v2  }
0x582: {  	v2 =	vadd.f32 v5, v8;
	v5 =	vld [tilespmem:s31+$0x3200]  }
0x583: {  	v8 =	vld [tilespmem:s16+$0x20]  }
0x584: {  	s8 =	sor.u32 $0x70, s8;
	[tilespmem:s10+$0x20] =	vst v2;
	v2 =	vadd.f32 v4, v6  }
0x585: {  	v4 =	vld [tilespmem:s8+$0x3200]  }
0x586: {  	v6 =	vld [tilespmem:s11+$0x30];
	s11 =	sor.u32 $0x70, s2;
	[tilespmem:s12+$0x20] =	vst v2;
	v2 =	vadd.f32 v3, v7  }
0x587: {  	v3 =	vld [tilespmem:s11+$0x3200]  }
0x588: {  	v7 =	vld [tilespmem:s13+$0x30];
	s13 =	sor.u32 $0x70, s23;
	[tilespmem:s15+$0x20] =	vst v2;
	v2 =	vadd.f32 v5, v8  }
0x589: {  	v5 =	vld [tilespmem:s13+$0x3200]  }
0x58a: {  	v8 =	vld [tilespmem:s14+$0x30];
	s14 =	sor.u32 $0x70, s21;
	[tilespmem:s7+$0x20] =	vst v2  }
0x58b: {  	v2 =	vld [tilespmem:s14+$0x3200]  }
0x58c: {  	v9 =	vld [tilespmem:s16+$0x30]  }
0x58d: {  	v0 =	vadd.f32 v0, v1  }
0x58e: {  	v1 =	vadd.f32 v4, v6  }
0x58f: {  	[tilespmem:s9+$0x30] =	vst v0;
	v0 =	vadd.f32 v3, v7  }
0x590: {  	[tilespmem:s10+$0x30] =	vst v1;
	v1 =	vadd.f32 v5, v8  }
0x591: {  	[tilespmem:s12+$0x30] =	vst v0;
	v0 =	vadd.f32 v2, v9  }
0x592: {  	[tilespmem:s15+$0x30] =	vst v1  }
0x593: {  	[tilespmem:s7+$0x30] =	vst v0  }
0x594: {  	s17 =	simm.s32 $0x0;
	s21 =	simm.s32 $0x12C00;
	s18 =	rddreg [dreg:$0xd]  }
0x595: {  	[hbm4b:s18+s17] =	stream.linear.scatter [tilespmem:s21], [sflag:$0x4], $0x6400, $0x38;
	[tilespmem:$0x1F400] =	vst v63  }
0x596: {  	_ =	swait.ge [sflag:s0], $0x4000  }
0x597: {  	[sflag:s0] =	ssyncset.done $0x0  }
0x598: {  	[sflag:s0] =	ssyncadd.s32 $0xFFFFC000  }
0x599: {  	_ =	swait.ge [sflag:s0], $0x2400  }
0x59a: {  	[sflag:s0] =	ssyncset.done $0x0  }
0x59b: {  	[sflag:s0] =	ssyncadd.s32 $0xFFFFDC00  }
0x59c: {  	_ =	swait.ge [sflag:s24], $0x6400  }
0x59d: {  	[sflag:s24] =	ssyncset.done $0x0  }
0x59e: {  	s23 =	simm.s32 $0x3220;
	[sflag:s24] =	ssyncadd.s32 $0xFFFF9C00  }
0x59f: {  	s9 =	simm.s32 $0x0;
	v0 =	vld [tilespmem:s23+$0xFFFFFFE0]  }
0x5a0: {  	v1 =	vld [tilespmem:s9+$0xC800];
	_ =	sdelay $0x4  }
0x5a1: {  	v0 =	vadd.f32 v0, v1;
	_ =	sdelay $0x1  }
0x5a2: {  	[tilespmem:s9+$0x19000] =	vst v0;
	v0 =	vld [tilespmem:s9+$0xC810]  }
0x5a3: {  	v1 =	vld [tilespmem:s23+$0xFFFFFFF0];
	_ =	sdelay $0x3  }
0x5a4: {  	s25 =	simm.s32 $0x32A0  }
0x5a5: {  	s10 =	simm.s32 $0x100;
	v2 =	vld [tilespmem:s25+$0xFFFFFFE0];
	v0 =	vadd.f32 v1, v0  }
0x5a6: {  	v1 =	vld [tilespmem:s10+$0xC800]  }
0x5a7: {  	[tilespmem:s9+$0x19010] =	vst v0;
	v0 =	vld [tilespmem:s9+$0xC820]  }
0x5a8: {  	v3 =	vld [tilespmem:s23+$0x0];
	_ =	sdelay $0x2  }
0x5a9: {  	v1 =	vadd.f32 v2, v1;
	_ =	sdelay $0x1  }
0x5aa: {  	[tilespmem:s10+$0x19000] =	vst v1;
	v1 =	vld [tilespmem:s10+$0xC810];
	v0 =	vadd.f32 v3, v0  }
0x5ab: {  	v3 =	vld [tilespmem:s25+$0xFFFFFFF0]  }
0x5ac: {  	v2 =	vld [tilespmem:s9+$0xC830];
	[tilespmem:s9+$0x19020] =	vst v0  }
0x5ad: {  	v0 =	vld [tilespmem:s23+$0x10];
	_ =	sdelay $0x1  }
0x5ae: {  	s2 =	simm.s32 $0x3320  }
0x5af: {  	s11 =	simm.s32 $0x200;
	v4 =	vld [tilespmem:s2+$0xFFFFFFE0];
	v1 =	vadd.f32 v3, v1  }
0x5b0: {  	v3 =	vld [tilespmem:s11+$0xC800]  }
0x5b1: {  	[tilespmem:s10+$0x19010] =	vst v1;
	v1 =	vld [tilespmem:s10+$0xC820];
	v0 =	vadd.f32 v0, v2  }
0x5b2: {  	v2 =	vld [tilespmem:s9+$0xC880]  }
0x5b3: {  	[tilespmem:s9+$0x19030] =	vst v0;
	v0 =	vld [tilespmem:s25+$0x0]  }
0x5b4: {  	v5 =	vld [tilespmem:s23+$0x20]  }
0x5b5: {  	v3 =	vadd.f32 v4, v3;
	_ =	sdelay $0x1  }
0x5b6: {  	v4 =	vld [tilespmem:s10+$0xC830];
	[tilespmem:s11+$0x19000] =	vst v3  }
0x5b7: {  	v3 =	vld [tilespmem:s2+$0xFFFFFFF0];
	v0 =	vadd.f32 v0, v1  }
0x5b8: {  	v1 =	vld [tilespmem:s11+$0xC810];
	v2 =	vadd.f32 v5, v2  }
0x5b9: {  	s26 =	simm.s32 $0x40;
	v5 =	vld [tilespmem:s9+$0xC890];
	[tilespmem:s10+$0x19020] =	vst v0  }
0x5ba: {  	s28 =	sor.u32 $0x50, s26;
	v0 =	vld [tilespmem:s25+$0x10];
	[tilespmem:s9+$0x19080] =	vst v2  }
0x5bb: {  	s8 =	simm.s32 $0x33A0;
	v2 =	vld [tilespmem:s28+$0x3200]  }
0x5bc: {  	v6 =	vld [tilespmem:s8+$0xFFFFFFE0]  }
0x5bd: {  	v8 =	vld [tilespmem:s9+$0xC8A0]  }
0x5be: {  	v7 =	vld [tilespmem:s10+$0xC880];
	v1 =	vadd.f32 v3, v1  }
0x5bf: {  	s7 =	simm.s32 $0x300;
	v3 =	vld [tilespmem:s11+$0xC820];
	v0 =	vadd.f32 v0, v4  }
0x5c0: {  	[tilespmem:s11+$0x19010] =	vst v1;
	v1 =	vld [tilespmem:s7+$0xC800];
	v2 =	vadd.f32 v2, v5  }
0x5c1: {  	v4 =	vld [tilespmem:s2+$0x0];
	[tilespmem:s10+$0x19030] =	vst v0  }
0x5c2: {  	s30 =	sor.u32 $0x60, s26;
	[tilespmem:s9+$0x19090] =	vst v2;
	v2 =	vld [tilespmem:s25+$0x20]  }
0x5c3: {  	v63 =	vld [tilespmem:s30+$0x3200]  }
0x5c4: {  	v0 =	vld [tilespmem:s9+$0xC8B0]  }
0x5c5: {  	v5 =	vadd.f32 v6, v1;
	v1 =	vld [tilespmem:s10+$0xC890]  }
0x5c6: {  	v4 =	vadd.f32 v4, v3;
	v3 =	vld [tilespmem:s11+$0xC830]  }
0x5c7: {  	[tilespmem:s7+$0x19000] =	vst v5;
	v5 =	vld [tilespmem:s7+$0xC810];
	v2 =	vadd.f32 v2, v7  }
0x5c8: {  	s13 =	simm.s32 $0xC0;
	[tilespmem:s11+$0x19020] =	vst v4;
	v7 =	vld [tilespmem:s8+$0xFFFFFFF0];
	v8 =	vadd.f32 v63, v8  }
0x5c9: {  	s31 =	sor.u32 $0x50, s13;
	v6 =	vld [tilespmem:s2+$0x10];
	[tilespmem:s10+$0x19080] =	vst v2  }
0x5ca: {  	s1 =	sor.u32 $0x70, s26;
	s14 =	simm.s32 $0xC00;
	v4 =	vld [tilespmem:s31+$0x3200];
	[tilespmem:s9+$0x190A0] =	vst v8  }
0x5cb: {  	s16 =	simm.s32 $0x3420;
	s12 =	simm.s32 $0xC0;
	s15 =	simm.s32 $0x6;
	v2 =	vld [tilespmem:s1+$0x3200]  }
.LBB2_28:
0x5cc: {  	v8 =	vld [tilespmem:s16+$0xFFFFFFE0]  }
0x5cd: {  	v5 =	vadd.f32 v7, v5;
	v9 =	vld [tilespmem:s10+$0xC8A0]  }
0x5ce: {  	s14 =	sadd.s32 $0x400, s14;
	v3 =	vadd.f32 v6, v3;
	v6 =	vld [tilespmem:s11+$0xC880]  }
0x5cf: {  	s1 =	sshra.s32 s14, $0x2;
	[tilespmem:s7+$0x19010] =	vst v5;
	v5 =	vld [tilespmem:s7+$0xC820];
	v1 =	vadd.f32 v4, v1  }
0x5d0: {  	v4 =	vld [tilespmem:s1+$0xC800];
	[tilespmem:s11+$0x19030] =	vst v3;
	v0 =	vadd.f32 v2, v0  }
0x5d1: {  	v2 =	vld [tilespmem:s8+$0x0];
	[tilespmem:s10+$0x19090] =	vst v1  }
0x5d2: {  	s15 =	sadd.s32 $0x2, s15;
	v7 =	vld [tilespmem:s2+$0x20];
	s2 =	sor.u32 $0x60, s13;
	[tilespmem:s9+$0x190B0] =	vst v0;
	s9 =	smov.u32 s10  }
0x5d3: {  	p0 =	slt.u32 s15, $0xC6;
	s10 =	smov.u32 s11;
	s11 =	smov.u32 s7;
	v10 =	vld [tilespmem:s2+$0x3200]  }
0x5d4: {  	s7 =	smov.u32 s1;
	s2 =	smov.u32 s8;
	s8 =	smov.u32 s16;
	v0 =	vld [tilespmem:s9+$0xC8B0]  }
0x5d5: {  	v4 =	vadd.f32 v8, v4;
	v1 =	vld [tilespmem:s10+$0xC890]  }
0x5d6: {  	v2 =	vadd.f32 v2, v5;
	v3 =	vld [tilespmem:s11+$0xC830]  }
.Ltmp13:
0x5d7: {  	[tilespmem:s7+$0x19000] =	vst v4;
	v5 =	vld [tilespmem:s7+$0xC810];
	v4 =	vadd.f32 v7, v6;
	(pc) =	sbr.rel @p0 .LBB2_28-.Ltmp13, $4  }
0x5d8: {  	s13 =	sadd.s32 $0x80, s13;
	v7 =	vld [tilespmem:s16+$0xFFFFFFF0];
	[tilespmem:s11+$0x19020] =	vst v2;
	v2 =	vadd.f32 v10, v9  }
0x5d9: {  	s1 =	sor.u32 $0x50, s13;
	v6 =	vld [tilespmem:s2+$0x10];
	[tilespmem:s10+$0x19080] =	vst v4  }
0x5da: {  	v4 =	vld [tilespmem:s1+$0x3200];
	[tilespmem:s9+$0x190A0] =	vst v2;
	s1 =	sor.u32 $0x70, s12;
	s12 =	smov.u32 s13  }
0x5db: {  	s16 =	sadd.s32 $0x80, s16;
	v2 =	vld [tilespmem:s1+$0x3200]  }
0x5dc: {  	_ = 	snop  }
0x5dd: {  	v5 =	vadd.f32 v7, v5;
	_ =	sdelay $0x1  }
0x5de: {  	v48 =	vld [tilespmem:s7+$0xC820];
	[tilespmem:s7+$0x19010] =	vst v5  }
0x5df: {  	v49 =	vld [tilespmem:s8+$0x0];
	_ =	sdelay $0x4  }
0x5e0: {  	v5 =	vadd.f32 v49, v48;
	_ =	sdelay $0x1  }
0x5e1: {  	v50 =	vld [tilespmem:s7+$0xC830];
	[tilespmem:s7+$0x19020] =	vst v5  }
0x5e2: {  	v5 =	vld [tilespmem:s8+$0x10];
	_ =	sdelay $0x3  }
0x5e3: {  	v3 =	vadd.f32 v6, v3  }
0x5e4: {  	v51 =	vld [tilespmem:s11+$0xC880];
	v5 =	vadd.f32 v5, v50  }
0x5e5: {  	v52 =	vld [tilespmem:s7+$0xC880];
	[tilespmem:s11+$0x19030] =	vst v3  }
0x5e6: {  	v53 =	vld [tilespmem:s2+$0x20];
	[tilespmem:s7+$0x19030] =	vst v5  }
0x5e7: {  	v5 =	vld [tilespmem:s8+$0x20];
	_ =	sdelay $0x3  }
0x5e8: {  	v6 =	vadd.f32 v53, v51  }
0x5e9: {  	v54 =	vld [tilespmem:s11+$0xC890];
	s1 =	sadd.s32 $0x80, s13;
	v3 =	vadd.f32 v5, v52  }
0x5ea: {  	v55 =	vld [tilespmem:s7+$0xC890];
	s14 =	sor.u32 $0x50, s1;
	s15 =	sadd.s32 $0x80, s1;
	[tilespmem:s11+$0x19080] =	vst v6  }
0x5eb: {  	s16 =	sor.u32 $0x50, s15;
	v6 =	vld [tilespmem:s14+$0x3200];
	[tilespmem:s7+$0x19080] =	vst v3  }
0x5ec: {  	v3 =	vld [tilespmem:s16+$0x3200];
	_ =	sdelay $0x2  }
0x5ed: {  	v56 =	vld [tilespmem:s10+$0xC8A0];
	v1 =	vadd.f32 v4, v1  }
0x5ee: {  	v57 =	vld [tilespmem:s11+$0xC8A0];
	v6 =	vadd.f32 v6, v54  }
0x5ef: {  	s17 =	sor.u32 $0x60, s13;
	v58 =	vld [tilespmem:s7+$0xC8A0];
	[tilespmem:s10+$0x19090] =	vst v1;
	v3 =	vadd.f32 v3, v55  }
0x5f0: {  	s18 =	sor.u32 $0x60, s1;
	v1 =	vld [tilespmem:s17+$0x3200];
	[tilespmem:s11+$0x19090] =	vst v6  }
0x5f1: {  	s21 =	sor.u32 $0x60, s15;
	v6 =	vld [tilespmem:s18+$0x3200];
	[tilespmem:s7+$0x19090] =	vst v3  }
0x5f2: {  	v3 =	vld [tilespmem:s21+$0x3200];
	_ =	sdelay $0x2  }
0x5f3: {  	v59 =	vld [tilespmem:s10+$0xC8B0];
	v1 =	vadd.f32 v1, v56  }
0x5f4: {  	v60 =	vld [tilespmem:s11+$0xC8B0];
	v6 =	vadd.f32 v6, v57  }
0x5f5: {  	s23 =	sor.u32 $0x70, s12;
	v61 =	vld [tilespmem:s7+$0xC8B0];
	[tilespmem:s10+$0x190A0] =	vst v1;
	v3 =	vadd.f32 v3, v58  }
0x5f6: {  	s1 =	sor.u32 $0x70, s1;
	v1 =	vld [tilespmem:s23+$0x3200];
	[tilespmem:s11+$0x190A0] =	vst v6  }
0x5f7: {  	s25 =	sor.u32 $0x70, s15;
	v6 =	vld [tilespmem:s1+$0x3200];
	[tilespmem:s7+$0x190A0] =	vst v3  }
0x5f8: {  	v3 =	vld [tilespmem:s25+$0x3200];
	_ =	sdelay $0x1  }
0x5f9: {  	v0 =	vadd.f32 v2, v0  }
0x5fa: {  	v1 =	vadd.f32 v1, v59  }
0x5fb: {  	[tilespmem:s9+$0x190B0] =	vst v0;
	v62 =	vadd.f32 v6, v60  }
0x5fc: {  	[tilespmem:s10+$0x190B0] =	vst v1;
	v63 =	vadd.f32 v3, v61  }
0x5fd: {  	[tilespmem:s11+$0x190B0] =	vst v62  }
0x5fe: {  	[tilespmem:s7+$0x190B0] =	vst v63  }
0x5ff: {  	s28 =	simm.s32 $0x19000;
	s26 =	rddreg [dreg:$0xe]  }
0x600: {  	[hbm4b:s26+s4] =	stream.linear.scatter [tilespmem:s28], [sflag:$0x5], $0x6400, $0x38;
	[tilespmem:$0x1F400] =	vst v63  }
0x601: {  	_ =	swait.ge [sflag:s19], $0x6400  }
0x602: {  	[sflag:s19] =	ssyncset.done $0x0  }
0x603: {  	[sflag:s19] =	ssyncadd.s32 $0xFFFF9C00  }
0x604: {  	_ =	swait.ge [sflag:s24], $0x6400  }
0x605: {  	s30 =	rddreg [dreg:$0x10]  }
0x606: {  	s31 =	rddreg [dreg:$0xf];
	s2 =	sadd.s32 $0x1, s30  }
0x607: {  	p0 =	sne.s32 s2, s31  }
.Ltmp14:
0x608: {  	_ = 	snop;
	(pc) =	sbr.rel @p0 .LBB2_1-.Ltmp14, $3  }
0x609: {  	_ =	sdelay $0x1  }
0x60a: {  	[sflag:s24] =	ssyncset.done $0x0  }
0x60b: {  	[sflag:s24] =	ssyncadd.s32 $0xFFFF9C00  }
0x60c: {  	_ =	sfence.sel $0x180000  }
0x60d: {  	[bflag:$0x0] =	sbarrier.arrive $0xFFFF  }
0x60e: {  	_ =	strace $0x90000047  }
0x60f: {  	s0 =	stileid.u32;
	[bflag:$0x2] =	sbarrier.arrive $0xFFFF  }
0x610: {  	p0 =	sne.s32 s0, $0x0;
	s0 =	rddreg [dreg:$0x4]  }
0x611: {  	s0 =	sadd.s32 @!p0 $0x100000, s0  }
0x612: {  	[sflag:s0] =	ssyncadd.tile.s32 @!p0 $0x1;
	_ =	shalt  }
.Lfunc_end2:
_tile_overlayer_lowered:
.L_overlay_start_2:
0x613: {  	(tag) =	ssettag $0x2  }
0x614: {  	s0 =	rddreg [dreg:$0x0];
	s2 =	stileid.u32  }
0x615: {  	s1 =	rddreg [dreg:$0x1];
	p0 =	sne.s32 s2, $0x0  }
0x616: {  	s3 =	rddreg [dreg:$0x2];
	[bflag:$0x3] =	sbarrier.arrive $0xFFFF;
	s2 =	simm.s32 @!p0 $0x1C06  }
0x617: {  	[timem:s3], [sflag:s2] =	dma.local @!p0 [hbm:s0], s1  }
0x618: {  	s0 =	simm.s32 @!p0 $0x6  }
0x619: {  	_ =	swait.ge @!p0 [sflag:s0], s1  }
0x61a: {  	s1 =	ssub.s32 @!p0 $0x0, s1;
	[sflag:s0] =	ssyncset.done @!p0 $0x0  }
0x61b: {  	[sflag:s0] =	ssyncadd.s32 @!p0 s1  }
0x61c: {  	[bflag:$0x3] =	sbarrier.arrive $0xFFFF  }
0x61d: {  	_ =	shalt  }

</sc_bundles>
